<compile_context>
chip_gen: v7x
topology: tpu7x:2x2x1
jax: 0.10.2.dev20260603
libtpu: 0.0.44.dev20260713+nightly
codegen_flags: <defaults>
</compile_context>

<pallas_src>
import functools

import jax
import jax.numpy as jnp
from jax import lax
from jax.experimental import pallas as pl
from jax.experimental.pallas import tpu as pltpu
from jax.experimental.pallas import tpu_sc as plsc

K = 16
NBIN = 17
L = 32
P = 384 * 384
BS = 4
EXT = L + 2
NW = 32
PBTC = 9216
NTC = 8
P_TC = NTC * PBTC
PPW = (P - P_TC) // NW
NCHUNK = 3
CH = PPW // NCHUNK
NGRP = CH // 16
ROWS = EXT * NBIN


def _sc_stage1(pred_hbm, t_hbm, ig_hbm, out_hbm, pbuf, tbuf, igbuf, acc,
               psem, tsem, isem):
    wid = lax.axis_index("s") * 2 + lax.axis_index("c")
    lane = lax.broadcasted_iota(jnp.int32, (16,), 0)
    nchunks = BS * NCHUNK

    @plsc.parallel_loop(0, BS * ROWS, unroll=8)
    def _zero(i):
        acc[pl.ds(i * 16, 16)] = jnp.zeros((16,), jnp.float32)

    def _start(chunk, buf):
        img = chunk // NCHUNK
        base = P_TC + wid * PPW + (chunk % NCHUNK) * CH
        pltpu.make_async_copy(
            pred_hbm.at[img, :, pl.ds(base, CH)], pbuf.at[buf],
            psem.at[buf]).start()
        pltpu.make_async_copy(
            t_hbm.at[img, pl.ds(base, CH)], tbuf.at[buf],
            tsem.at[buf]).start()
        pltpu.make_async_copy(
            ig_hbm.at[img, pl.ds(base, CH)], igbuf.at[buf],
            isem.at[buf]).start()

    def _wait(buf):
        pltpu.make_async_copy(
            pred_hbm.at[0, :, pl.ds(0, CH)], pbuf.at[buf],
            psem.at[buf]).wait()
        pltpu.make_async_copy(
            t_hbm.at[0, pl.ds(0, CH)], tbuf.at[buf], tsem.at[buf]).wait()
        pltpu.make_async_copy(
            ig_hbm.at[0, pl.ds(0, CH)], igbuf.at[buf], isem.at[buf]).wait()

    def _compute(chunk, buf):
        img = chunk // NCHUNK
        img_base = img * (ROWS * 16)

        @plsc.parallel_loop(0, NGRP, unroll=4)
        def _group(g):
            o = g * 16
            t = tbuf[buf, pl.ds(o, 16)]
            ig = igbuf[buf, pl.ds(o, 16)]
            t_eff = jnp.where(ig == 0, t, 0)
            pv = [pbuf[buf, c, pl.ds(o, 16)] for c in range(L)]
            sq = [v * v for v in pv]
            while len(sq) > 1:
                sq = [sq[2 * i] + sq[2 * i + 1] for i in range(len(sq) // 2)]
            n2 = sq[0]
            xi = lax.bitcast_convert_type(n2, jnp.int32)
            yi = jnp.int32(0x5F3759DF) - (xi >> 1)
            y = lax.bitcast_convert_type(yi, jnp.float32)
            for _ in range(2):
                y = y * (1.5 - 0.5 * n2 * y * y)
            inv = y - 1e-6 * (y * y)
            psq = n2 * inv * inv
            bvec = img_base + t_eff * 16 + lane
            for c in range(L):
                plsc.addupdate_scatter(
                    acc, [bvec + (c * NBIN * 16)], pv[c] * inv)
            plsc.addupdate_scatter(
                acc, [bvec + (L * NBIN * 16)], jnp.ones((16,), jnp.float32))
            plsc.addupdate_scatter(
                acc, [bvec + ((L + 1) * NBIN * 16)], psq)

    _start(0, 0)

    def _pair(i, carry):
        for b in range(2):
            cur = 2 * i + b
            nxt = cur + 1

            @pl.when(nxt < nchunks)
            def _prefetch():
                _start(nxt, 1 - b)

            _wait(b)
            _compute(cur, b)
        return carry

    lax.fori_loop(0, nchunks // 2, _pair, 0)
    pltpu.sync_copy(acc, out_hbm.at[wid])


def _tc_partial(pred_ref, t_ref, ig_ref, out_ref):
    j = pl.program_id(1)

    @pl.when(j == 0)
    def _init():
        out_ref[...] = jnp.zeros_like(out_ref)

    p = pred_ref[0]
    t = t_ref[0, 0]
    ig = ig_ref[0, 0]

    n2 = jnp.sum(p * p, axis=0, keepdims=True)
    inv = 1.0 / (jnp.sqrt(n2) + 1e-6)
    pn = p * inv
    psq = n2 * (inv * inv)
    ones = jnp.ones((1, PBTC), jnp.float32)
    ext = jnp.concatenate([pn, ones, psq], axis=0)
    ids = lax.broadcasted_iota(jnp.int32, (K, PBTC), 0) + 1
    mf = ((t == ids) & (ig == 0)).astype(jnp.float32)
    out_ref[0] += lax.dot_general(
        mf, ext, (((1,), (1,)), ((), ())),
        preferred_element_type=jnp.float32)


def _tc_stage2(part_ref, tcp_ref, out_ref):
    i = pl.program_id(0)

    @pl.when(i == 0)
    def _init():
        out_ref[...] = jnp.zeros_like(out_ref)

    x = part_ref[0]
    cols = [jnp.sum(x[c * NBIN + 1:c * NBIN + 1 + K, :], axis=1,
                    keepdims=True) for c in range(EXT)]
    acc = jnp.concatenate(cols, axis=1) + tcp_ref[0]
    sums = acc[:, :L]
    cnt = acc[:, L:L + 1]
    sq = acc[:, L + 1:L + 2]
    present = cnt > 0.0
    pm = present.astype(jnp.float32)
    nf = jnp.sum(pm)
    cnt_safe = jnp.maximum(cnt, 1.0)
    ssum = jnp.sum(sums * sums, axis=1, keepdims=True)
    mse = (sq - ssum / cnt_safe) / (L * cnt_safe)
    pull_sum = jnp.sum(jnp.where(present, mse, 0.0))
    s_col = jnp.sum(sums, axis=1, keepdims=True) / cnt_safe
    onehot_cnt = (lax.broadcasted_iota(jnp.int32, (1, EXT), 1) == L
                  ).astype(jnp.float32)
    cnt_row = lax.dot_general(
        onehot_cnt, acc, (((1,), (1,)), ((), ())),
        preferred_element_type=jnp.float32)
    ones_row = jnp.ones((1, L), jnp.float32)
    s_row = lax.dot_general(
        ones_row, sums / cnt_safe, (((1,), (1,)), ((), ())),
        preferred_element_type=jnp.float32)
    pm_row = (cnt_row > 0.0).astype(jnp.float32)
    ds = s_row - s_col
    push_raw = jnp.sum(pm * pm_row * jnp.exp(-(ds * ds)))
    eps = 1e-6
    pull = jnp.where(nf > 0.0, pull_sum / (nf + eps), 0.0)
    push = jnp.where(nf > 1.0, push_raw / ((nf - 1.0) * nf + eps), 0.0)
    out_ref[...] += jnp.reshape(pull + 0.1 * push, (1, 1))


@jax.jit
def kernel(pred, target, ignore_position):
    predr = pred.reshape(BS, L, P)
    tr = target.reshape(BS, P).astype(jnp.int32)
    igr = ignore_position.reshape(BS, P).astype(jnp.int32)

    mesh = plsc.VectorSubcoreMesh(core_axis_name="c", subcore_axis_name="s")
    stage1 = functools.partial(
        pl.kernel,
        mesh=mesh,
        out_type=jax.ShapeDtypeStruct((NW, BS * ROWS * 16), jnp.float32),
        scratch_types=[
            pltpu.VMEM((2, L, CH), jnp.float32),
            pltpu.VMEM((2, CH), jnp.int32),
            pltpu.VMEM((2, CH), jnp.int32),
            pltpu.VMEM((BS * ROWS * 16,), jnp.float32),
            pltpu.SemaphoreType.DMA((2,)),
            pltpu.SemaphoreType.DMA((2,)),
            pltpu.SemaphoreType.DMA((2,)),
        ],
        compiler_params=pltpu.CompilerParams(needs_layout_passes=False),
    )(_sc_stage1)
    partials = stage1(predr, tr, igr)

    tr4 = tr.reshape(BS, P // PBTC, 1, PBTC)
    igr4 = igr.reshape(BS, P // PBTC, 1, PBTC)
    tc_part = pl.pallas_call(
        _tc_partial,
        grid=(BS, NTC),
        in_specs=[
            pl.BlockSpec((1, L, PBTC), lambda b, j: (b, 0, j)),
            pl.BlockSpec((1, 1, 1, PBTC), lambda b, j: (b, j, 0, 0)),
            pl.BlockSpec((1, 1, 1, PBTC), lambda b, j: (b, j, 0, 0)),
        ],
        out_specs=pl.BlockSpec((1, K, EXT), lambda b, j: (b, 0, 0)),
        out_shape=jax.ShapeDtypeStruct((BS, K, EXT), jnp.float32),
        compiler_params=pltpu.CompilerParams(
            dimension_semantics=("arbitrary", "arbitrary")),
    )(predr, tr4, igr4)

    part = (partials.reshape(NW, BS, ROWS, 16)
            .transpose(1, 2, 0, 3).reshape(BS, ROWS, NW * 16))
    out = pl.pallas_call(
        _tc_stage2,
        grid=(BS,),
        in_specs=[
            pl.BlockSpec((1, ROWS, NW * 16), lambda i: (i, 0, 0)),
            pl.BlockSpec((1, K, EXT), lambda i: (i, 0, 0)),
        ],
        out_specs=pl.BlockSpec((1, 1), lambda i: (0, 0)),
        out_shape=jax.ShapeDtypeStruct((1, 1), jnp.float32),
        compiler_params=pltpu.CompilerParams(
            dimension_semantics=("arbitrary",)),
    )(part, tc_part)
    return out[0, 0]

# --- scband reference (transcript-rebuilt; emitter-appended) ---
"""Pipeline reference for scband-aeloss-62173946577361 (READ-ONLY COPY).

The authoritative reference and input builder live on the scoring server;
editing this copy changes nothing except your own understanding.
"""

import jax, jax.numpy as jnp
import numpy as np

LOSS_WEIGHT = 1.0
PUSH_LOSS_FACTOR = 0.1
MIN_PIX = 0
NUM_IDS = 16  # instance ids 1..16; 0 is background


def setup_inputs(seed: int = 0) -> dict:
    key = jax.random.key(seed)
    k1, k2, k3 = jax.random.split(key, 3)
    pred = jax.random.normal(k1, (4, 32, 384, 384), dtype=jnp.float32)
    target = jax.random.randint(k2, (4, 1, 384, 384), 0, 17).astype(jnp.int64)
    ignore_position = jax.random.randint(k3, (4, 1, 384, 384), 0, 2).astype(jnp.int64)
    return {"pred": pred, "target": target, "ignore_position": ignore_position}


def _ae_loss_per_image(p, t, ig):
    # p: [L, P] normalized embeddings, t: [P] instance ids, ig: [P] ignore mask
    L = p.shape[0]
    valid = (ig == 0) & (t != 0)
    ids = jnp.arange(1, NUM_IDS + 1, dtype=t.dtype)
    masks = (t[None, :] == ids[:, None]) & valid[None, :]  # [K, P]
    mf = masks.astype(p.dtype)
    cnt = mf.sum(axis=1)  # [K]
    present = cnt > MIN_PIX
    cnt_safe = jnp.maximum(cnt, 1.0)
    sums = mf @ p.T  # [K, L] segment sums of embeddings per instance
    tags = sums / cnt_safe[:, None]  # [K, L] per-instance mean embedding
    sq = mf @ (p ** 2).sum(axis=0)  # [K] sum of ||p||^2 over instance pixels
    # sum over masked pixels and dims of (p - tag)^2, then mean over L*cnt elements
    mse = (sq - 2.0 * (sums * tags).sum(axis=1) + cnt * (tags ** 2).sum(axis=1)) / (L * cnt_safe)
    pm = present.astype(p.dtype)
    Nf = pm.sum()
    pull_sum = (jnp.where(present, mse, 0.0)).sum()
    ds = (tags[None, :, :] - tags[:, None, :]).sum(axis=-1)  # [K, K]
    push_raw = (pm[None, :] * pm[:, None] * jnp.exp(-(ds ** 2))).sum()
    eps = 1e-06
    pull = jnp.where(Nf > 0, pull_sum / (Nf + eps), 0.0)
    push = jnp.where(Nf > 1, push_raw / ((Nf - 1.0) * Nf + eps), 0.0)
    return pull, push


def reference(pred, target, ignore_position):
    dimension_norm = jnp.sqrt((pred ** 2).sum(axis=1, keepdims=True))
    predn = pred / (dimension_norm + 1e-06)
    bs = pred.shape[0]
    L = pred.shape[1]
    pull_loss = 0.0
    push_loss = 0.0
    for i in range(bs):
        p = predn[i].reshape(L, -1)
        t = target[i].reshape(-1)
        ig = ignore_position[i].reshape(-1)
        _pull, _push = _ae_loss_per_image(p, t, ig)
        pull_loss = pull_loss + _pull * LOSS_WEIGHT
        push_loss = push_loss + _push * LOSS_WEIGHT * PUSH_LOSS_FACTOR
    total_loss = pull_loss + push_loss
    return total_loss

if __name__ == "__main__":
    import jax
    _d = setup_inputs()
    print(jax.jit(kernel)(*tuple(_d.values())))

</pallas_src>

<mosaic_0001>
#map = affine_map<(d0, d1) -> (0, 0, 0)>
#map1 = affine_map<(d0, d1) -> (0, 0)>
module attributes {stable_mosaic.version = 14 : i64} {
  func.func @_sc_stage1(%arg0: i32, %arg1: i32, %arg2: memref<4x32x147456xf32, #tpu.memory_space<hbm>>, %arg3: memref<4x147456xi32, #tpu.memory_space<hbm>>, %arg4: memref<4x147456xi32, #tpu.memory_space<hbm>>, %arg5: memref<32x36992xf32, #tpu.memory_space<hbm>>, %arg6: memref<2x32x768xf32, #tpu.memory_space<vmem>>, %arg7: memref<2x768xi32, #tpu.memory_space<vmem>>, %arg8: memref<2x768xi32, #tpu.memory_space<vmem>>, %arg9: memref<36992xf32, #tpu.memory_space<vmem>>, %arg10: memref<2x!tpu.dma_semaphore, #tpu.memory_space<semaphore_mem>>, %arg11: memref<2x!tpu.dma_semaphore, #tpu.memory_space<semaphore_mem>>, %arg12: memref<2x!tpu.dma_semaphore, #tpu.memory_space<semaphore_mem>>) attributes {dimension_semantics = [#tpu.dimension_semantics<core_parallel>, #tpu.dimension_semantics<subcore_parallel>], iteration_bounds = array<i64: 2, 16>, scalar_prefetch = 0 : i64, scratch_operands = 7 : i64, tpu.core_type = #tpu.core_type<sc_vector_subcore>, window_params = [{transform_indices = #map}, {transform_indices = #map1}, {transform_indices = #map1}, {transform_indices = #map1}]} {
    %mul3A = arith.constant 2 : i32
    %mul3A_0 = arith.muli %arg1, %mul3A : i32
    %add3A = arith.addi %mul3A_0, %arg0 : i32
    %iota3A = tpu.iota {dimensions = array<i32: 0>} : vector<16xi32>
    %parallel_loop3A = arith.constant 0 : i32
    %parallel_loop3A_1 = arith.constant 2312 : i32
    %parallel_loop3A_2 = arith.constant 1 : i32
    scf.for %parallel_loop3A_62 = %parallel_loop3A to %parallel_loop3A_1 step %parallel_loop3A_2  : i32 {
      %parallel_loop3A_63 = arith.constant 0.000000e+00 : f32
      %parallel_loop3A_64 = vector.broadcast %parallel_loop3A_63 : f32 to vector<16xf32>
      %parallel_loop3A_65 = arith.constant 16 : i32
      %parallel_loop3A_66 = arith.muli %parallel_loop3A_62, %parallel_loop3A_65 : i32
      %parallel_loop3A_67 = arith.index_cast %parallel_loop3A_66 : i32 to index
      %parallel_loop3A_68 = tpu.vector_load %arg9[%parallel_loop3A_67] {strides = array<i32>} : memref<36992xf32, #tpu.memory_space<vmem>>, vector<16xf32>,
      tpu.vector_store %arg9[%parallel_loop3A_67], %parallel_loop3A_64 {strides = array<i32>} : memref<36992xf32, #tpu.memory_space<vmem>>, vector<16xf32>,
    } {sc.loop_unroll_factor = 8 : i64, sc.parallel_access}
    %mul3A_3 = arith.constant 2304 : i32
    %mul3A_4 = arith.muli %add3A, %mul3A_3 : i32
    %add3A_5 = arith.constant 73728 : i32
    %add3A_6 = arith.addi %add3A_5, %mul3A_4 : i32
    %add3A_7 = arith.constant 0 : i32
    %add3A_8 = arith.addi %add3A_6, %add3A_7 : i32
    %dma_start3A = arith.constant 0 : i32
    %dma_start3A_9 = arith.constant 0 : i32
    %dma_start3A_10 = arith.constant 0 : i32
    %dma_start3A_11 = arith.constant 0 : i32
    %dma_start3A_12 = arith.constant 0 : i32
    %dma_start3A_13 = tpu.memref_slice %arg6[%dma_start3A_9, %dma_start3A_11, %dma_start3A_12] : memref<2x32x768xf32, #tpu.memory_space<vmem>> -> memref<1x32x768xf32, #tpu.memory_space<vmem>>
    %dma_start3A_14 = tpu.memref_squeeze %dma_start3A_13 : memref<1x32x768xf32, #tpu.memory_space<vmem>> -> memref<32x768xf32, #tpu.memory_space<vmem>>
    %dma_start3A_15 = arith.constant 0 : i32
    %dma_start3A_16 = tpu.memref_slice %arg2[%dma_start3A, %dma_start3A_15, %add3A_8] : memref<4x32x147456xf32, #tpu.memory_space<hbm>> -> memref<1x32x768xf32, #tpu.memory_space<hbm>>
    %dma_start3A_17 = tpu.memref_squeeze %dma_start3A_16 : memref<1x32x768xf32, #tpu.memory_space<hbm>> -> memref<32x768xf32, #tpu.memory_space<hbm>>
    %dma_start3A_18 = tpu.memref_slice %arg10[%dma_start3A_10] : memref<2x!tpu.dma_semaphore, #tpu.memory_space<semaphore_mem>> -> memref<1x!tpu.dma_semaphore, #tpu.memory_space<semaphore_mem>>
    %dma_start3A_19 = tpu.memref_squeeze %dma_start3A_18 : memref<1x!tpu.dma_semaphore, #tpu.memory_space<semaphore_mem>> -> memref<!tpu.dma_semaphore, #tpu.memory_space<semaphore_mem>>
    %dma_start3A_20 = arith.constant 0 : i32
    %dma_start3A_21 = arith.constant 0 : i32
    %dma_start3A_22 = tpu.memref_slice %arg6[%dma_start3A_9, %dma_start3A_20, %dma_start3A_21] : memref<2x32x768xf32, #tpu.memory_space<vmem>> -> memref<1x32x768xf32, #tpu.memory_space<vmem>>
    %dma_start3A_23 = tpu.memref_squeeze %dma_start3A_22 : memref<1x32x768xf32, #tpu.memory_space<vmem>> -> memref<32x768xf32, #tpu.memory_space<vmem>>
    %dma_start3A_24 = arith.constant 0 : i32
    %dma_start3A_25 = tpu.memref_slice %arg2[%dma_start3A, %dma_start3A_24, %add3A_8] : memref<4x32x147456xf32, #tpu.memory_space<hbm>> -> memref<1x32x768xf32, #tpu.memory_space<hbm>>
    %dma_start3A_26 = tpu.memref_squeeze %dma_start3A_25 : memref<1x32x768xf32, #tpu.memory_space<hbm>> -> memref<32x768xf32, #tpu.memory_space<hbm>>
    tpu.enqueue_dma source(%dma_start3A_26 : memref<32x768xf32, #tpu.memory_space<hbm>>) target(%dma_start3A_23 : memref<32x768xf32, #tpu.memory_space<vmem>>) target_semaphore(%dma_start3A_19 : memref<!tpu.dma_semaphore, #tpu.memory_space<semaphore_mem>>)
    %dma_start3A_27 = arith.constant 0 : i32
    %dma_start3A_28 = arith.constant 0 : i32
    %dma_start3A_29 = arith.constant 0 : i32
    %dma_start3A_30 = arith.constant 0 : i32
    %dma_start3A_31 = tpu.memref_slice %arg7[%dma_start3A_28, %dma_start3A_30] : memref<2x768xi32, #tpu.memory_space<vmem>> -> memref<1x768xi32, #tpu.memory_space<vmem>>
    %dma_start3A_32 = tpu.memref_squeeze %dma_start3A_31 : memref<1x768xi32, #tpu.memory_space<vmem>> -> memref<768xi32, #tpu.memory_space<vmem>>
    %dma_start3A_33 = tpu.memref_slice %arg3[%dma_start3A_27, %add3A_8] : memref<4x147456xi32, #tpu.memory_space<hbm>> -> memref<1x768xi32, #tpu.memory_space<hbm>>
    %dma_start3A_34 = tpu.memref_squeeze %dma_start3A_33 : memref<1x768xi32, #tpu.memory_space<hbm>> -> memref<768xi32, #tpu.memory_space<hbm>>
    %dma_start3A_35 = tpu.memref_slice %arg11[%dma_start3A_29] : memref<2x!tpu.dma_semaphore, #tpu.memory_space<semaphore_mem>> -> memref<1x!tpu.dma_semaphore, #tpu.memory_space<semaphore_mem>>
    %dma_start3A_36 = tpu.memref_squeeze %dma_start3A_35 : memref<1x!tpu.dma_semaphore, #tpu.memory_space<semaphore_mem>> -> memref<!tpu.dma_semaphore, #tpu.memory_space<semaphore_mem>>
    %dma_start3A_37 = arith.constant 0 : i32
    %dma_start3A_38 = tpu.memref_slice %arg7[%dma_start3A_28, %dma_start3A_37] : memref<2x768xi32, #tpu.memory_space<vmem>> -> memref<1x768xi32, #tpu.memory_space<vmem>>
    %dma_start3A_39 = tpu.memref_squeeze %dma_start3A_38 : memref<1x768xi32, #tpu.memory_space<vmem>> -> memref<768xi32, #tpu.memory_space<vmem>>
    %dma_start3A_40 = tpu.memref_slice %arg3[%dma_start3A_27, %add3A_8] : memref<4x147456xi32, #tpu.memory_space<hbm>> -> memref<1x768xi32, #tpu.memory_space<hbm>>
    %dma_start3A_41 = tpu.memref_squeeze %dma_start3A_40 : memref<1x768xi32, #tpu.memory_space<hbm>> -> memref<768xi32, #tpu.memory_space<hbm>>
    tpu.enqueue_dma source(%dma_start3A_41 : memref<768xi32, #tpu.memory_space<hbm>>) target(%dma_start3A_39 : memref<768xi32, #tpu.memory_space<vmem>>) target_semaphore(%dma_start3A_36 : memref<!tpu.dma_semaphore, #tpu.memory_space<semaphore_mem>>)
    %dma_start3A_42 = arith.constant 0 : i32
    %dma_start3A_43 = arith.constant 0 : i32
    %dma_start3A_44 = arith.constant 0 : i32
    %dma_start3A_45 = arith.constant 0 : i32
    %dma_start3A_46 = tpu.memref_slice %arg8[%dma_start3A_43, %dma_start3A_45] : memref<2x768xi32, #tpu.memory_space<vmem>> -> memref<1x768xi32, #tpu.memory_space<vmem>>
    %dma_start3A_47 = tpu.memref_squeeze %dma_start3A_46 : memref<1x768xi32, #tpu.memory_space<vmem>> -> memref<768xi32, #tpu.memory_space<vmem>>
    %dma_start3A_48 = tpu.memref_slice %arg4[%dma_start3A_42, %add3A_8] : memref<4x147456xi32, #tpu.memory_space<hbm>> -> memref<1x768xi32, #tpu.memory_space<hbm>>
    %dma_start3A_49 = tpu.memref_squeeze %dma_start3A_48 : memref<1x768xi32, #tpu.memory_space<hbm>> -> memref<768xi32, #tpu.memory_space<hbm>>
    %dma_start3A_50 = tpu.memref_slice %arg12[%dma_start3A_44] : memref<2x!tpu.dma_semaphore, #tpu.memory_space<semaphore_mem>> -> memref<1x!tpu.dma_semaphore, #tpu.memory_space<semaphore_mem>>
    %dma_start3A_51 = tpu.memref_squeeze %dma_start3A_50 : memref<1x!tpu.dma_semaphore, #tpu.memory_space<semaphore_mem>> -> memref<!tpu.dma_semaphore, #tpu.memory_space<semaphore_mem>>
    %dma_start3A_52 = arith.constant 0 : i32
    %dma_start3A_53 = tpu.memref_slice %arg8[%dma_start3A_43, %dma_start3A_52] : memref<2x768xi32, #tpu.memory_space<vmem>> -> memref<1x768xi32, #tpu.memory_space<vmem>>
    %dma_start3A_54 = tpu.memref_squeeze %dma_start3A_53 : memref<1x768xi32, #tpu.memory_space<vmem>> -> memref<768xi32, #tpu.memory_space<vmem>>
    %dma_start3A_55 = tpu.memref_slice %arg4[%dma_start3A_42, %add3A_8] : memref<4x147456xi32, #tpu.memory_space<hbm>> -> memref<1x768xi32, #tpu.memory_space<hbm>>
    %dma_start3A_56 = tpu.memref_squeeze %dma_start3A_55 : memref<1x768xi32, #tpu.memory_space<hbm>> -> memref<768xi32, #tpu.memory_space<hbm>>
    tpu.enqueue_dma source(%dma_start3A_56 : memref<768xi32, #tpu.memory_space<hbm>>) target(%dma_start3A_54 : memref<768xi32, #tpu.memory_space<vmem>>) target_semaphore(%dma_start3A_51 : memref<!tpu.dma_semaphore, #tpu.memory_space<semaphore_mem>>)
    %scan3A = arith.constant 0 : i32
    %scan3A_57 = arith.constant 0 : i32
    %scan3A_58 = arith.constant 6 : i32
    %scan3A_59 = arith.addi %scan3A_57, %scan3A_58 : i32
    %scan3A_60 = arith.constant 1 : i32
    scf.for %scan3A_62 = %scan3A_57 to %scan3A_59 step %scan3A_60  : i32 {
      %mul3A_63 = arith.constant 2 : i32
      %mul3A_64 = arith.muli %mul3A_63, %scan3A_62 : i32
      %add3A_65 = arith.constant 0 : i32
      %add3A_66 = arith.addi %mul3A_64, %add3A_65 : i32
      %add3A_67 = arith.constant 1 : i32
      %add3A_68 = arith.addi %add3A_66, %add3A_67 : i32
      %lt3A = arith.constant 12 : i32
      %lt3A_69 = arith.cmpi slt, %add3A_68, %lt3A : i32
      %convert_element_type3A = arith.extui %lt3A_69 : i1 to i32
      %cond3A = arith.constant 0 : i32
      %cond3A_70 = arith.cmpi ne, %convert_element_type3A, %cond3A : i32
      scf.if %cond3A_70 {
        %jit3A_241 = arith.constant 3 : i32
        %div3A_242 = arith.divsi %add3A_68, %jit3A_241 : i32
        %sign3A_243 = arith.constant 0 : i32
        %sign3A_244 = arith.cmpi sgt, %add3A_68, %sign3A_243 : i32
        %sign3A_245 = arith.extui %sign3A_244 : i1 to i32
        %sign3A_246 = arith.constant 0 : i32
        %sign3A_247 = arith.cmpi slt, %add3A_68, %sign3A_246 : i32
        %sign3A_248 = arith.extui %sign3A_247 : i1 to i32
        %sign3A_249 = arith.subi %sign3A_245, %sign3A_248 : i32
        %sign3A_250 = arith.constant 0 : i32
        %sign3A_251 = arith.cmpi sgt, %jit3A_241, %sign3A_250 : i32
        %sign3A_252 = arith.extui %sign3A_251 : i1 to i32
        %sign3A_253 = arith.constant 0 : i32
        %sign3A_254 = arith.cmpi slt, %jit3A_241, %sign3A_253 : i32
        %sign3A_255 = arith.extui %sign3A_254 : i1 to i32
        %sign3A_256 = arith.subi %sign3A_252, %sign3A_255 : i32
        %ne3A_257 = arith.cmpi ne, %sign3A_249, %sign3A_256 : i32
        %rem3A_258 = arith.remsi %add3A_68, %jit3A_241 : i32
        %ne3A_259 = arith.constant 0 : i32
        %ne3A_260 = arith.cmpi ne, %rem3A_258, %ne3A_259 : i32
        %and3A_261 = arith.andi %ne3A_257, %ne3A_260 : i1
        %sub3A_262 = arith.constant 1 : i32
        %sub3A_263 = arith.subi %div3A_242, %sub3A_262 : i32
        %select_n3A_264 = arith.select %and3A_261, %sub3A_263, %div3A_242 : i32
        %mul3A_265 = arith.constant 2304 : i32
        %mul3A_266 = arith.muli %add3A, %mul3A_265 : i32
        %add3A_267 = arith.constant 73728 : i32
        %add3A_268 = arith.addi %add3A_267, %mul3A_266 : i32
        %jit3A_269 = arith.constant 3 : i32
        %eq3A = arith.constant 0 : i32
        %eq3A_270 = arith.cmpi eq, %jit3A_269, %eq3A : i32
        %jit3A_271 = arith.constant 1 : i32
        %select_n3A_272 = arith.select %eq3A_270, %jit3A_271, %jit3A_269 : i32
        %rem3A_273 = arith.remsi %add3A_68, %select_n3A_272 : i32
        %ne3A_274 = arith.constant 0 : i32
        %ne3A_275 = arith.cmpi ne, %rem3A_273, %ne3A_274 : i32
        %lt3A_276 = arith.constant 0 : i32
        %lt3A_277 = arith.cmpi slt, %rem3A_273, %lt3A_276 : i32
        %lt3A_278 = arith.constant 0 : i32
        %lt3A_279 = arith.cmpi slt, %select_n3A_272, %lt3A_278 : i32
        %ne3A_280 = arith.xori %lt3A_277, %lt3A_279 : i1
        %and3A_281 = arith.andi %ne3A_280, %ne3A_275 : i1
        %add3A_282 = arith.addi %rem3A_273, %select_n3A_272 : i32
        %select_n3A_283 = arith.select %and3A_281, %add3A_282, %rem3A_273 : i32
        %mul3A_284 = arith.constant 768 : i32
        %mul3A_285 = arith.muli %select_n3A_283, %mul3A_284 : i32
        %add3A_286 = arith.addi %add3A_268, %mul3A_285 : i32
        %dma_start3A_287 = arith.constant 1 : i32
        %dma_start3A_288 = arith.constant 1 : i32
        %dma_start3A_289 = arith.constant 0 : i32
        %dma_start3A_290 = arith.constant 0 : i32
        %dma_start3A_291 = tpu.memref_slice %arg6[%dma_start3A_287, %dma_start3A_289, %dma_start3A_290] : memref<2x32x768xf32, #tpu.memory_space<vmem>> -> memref<1x32x768xf32, #tpu.memory_space<vmem>>
        %dma_start3A_292 = tpu.memref_squeeze %dma_start3A_291 : memref<1x32x768xf32, #tpu.memory_space<vmem>> -> memref<32x768xf32, #tpu.memory_space<vmem>>
        %dma_start3A_293 = arith.constant 0 : i32
        %dma_start3A_294 = tpu.memref_slice %arg2[%select_n3A_264, %dma_start3A_293, %add3A_286] : memref<4x32x147456xf32, #tpu.memory_space<hbm>> -> memref<1x32x768xf32, #tpu.memory_space<hbm>>
        %dma_start3A_295 = tpu.memref_squeeze %dma_start3A_294 : memref<1x32x768xf32, #tpu.memory_space<hbm>> -> memref<32x768xf32, #tpu.memory_space<hbm>>
        %dma_start3A_296 = tpu.memref_slice %arg10[%dma_start3A_288] : memref<2x!tpu.dma_semaphore, #tpu.memory_space<semaphore_mem>> -> memref<1x!tpu.dma_semaphore, #tpu.memory_space<semaphore_mem>>
        %dma_start3A_297 = tpu.memref_squeeze %dma_start3A_296 : memref<1x!tpu.dma_semaphore, #tpu.memory_space<semaphore_mem>> -> memref<!tpu.dma_semaphore, #tpu.memory_space<semaphore_mem>>
        %dma_start3A_298 = arith.constant 0 : i32
        %dma_start3A_299 = arith.constant 0 : i32
        %dma_start3A_300 = tpu.memref_slice %arg6[%dma_start3A_287, %dma_start3A_298, %dma_start3A_299] : memref<2x32x768xf32, #tpu.memory_space<vmem>> -> memref<1x32x768xf32, #tpu.memory_space<vmem>>
        %dma_start3A_301 = tpu.memref_squeeze %dma_start3A_300 : memref<1x32x768xf32, #tpu.memory_space<vmem>> -> memref<32x768xf32, #tpu.memory_space<vmem>>
        %dma_start3A_302 = arith.constant 0 : i32
        %dma_start3A_303 = tpu.memref_slice %arg2[%select_n3A_264, %dma_start3A_302, %add3A_286] : memref<4x32x147456xf32, #tpu.memory_space<hbm>> -> memref<1x32x768xf32, #tpu.memory_space<hbm>>
        %dma_start3A_304 = tpu.memref_squeeze %dma_start3A_303 : memref<1x32x768xf32, #tpu.memory_space<hbm>> -> memref<32x768xf32, #tpu.memory_space<hbm>>
        tpu.enqueue_dma source(%dma_start3A_304 : memref<32x768xf32, #tpu.memory_space<hbm>>) target(%dma_start3A_301 : memref<32x768xf32, #tpu.memory_space<vmem>>) target_semaphore(%dma_start3A_297 : memref<!tpu.dma_semaphore, #tpu.memory_space<semaphore_mem>>)
        %dma_start3A_305 = arith.constant 1 : i32
        %dma_start3A_306 = arith.constant 1 : i32
        %dma_start3A_307 = arith.constant 0 : i32
        %dma_start3A_308 = tpu.memref_slice %arg7[%dma_start3A_305, %dma_start3A_307] : memref<2x768xi32, #tpu.memory_space<vmem>> -> memref<1x768xi32, #tpu.memory_space<vmem>>
        %dma_start3A_309 = tpu.memref_squeeze %dma_start3A_308 : memref<1x768xi32, #tpu.memory_space<vmem>> -> memref<768xi32, #tpu.memory_space<vmem>>
        %dma_start3A_310 = tpu.memref_slice %arg3[%select_n3A_264, %add3A_286] : memref<4x147456xi32, #tpu.memory_space<hbm>> -> memref<1x768xi32, #tpu.memory_space<hbm>>
        %dma_start3A_311 = tpu.memref_squeeze %dma_start3A_310 : memref<1x768xi32, #tpu.memory_space<hbm>> -> memref<768xi32, #tpu.memory_space<hbm>>
        %dma_start3A_312 = tpu.memref_slice %arg11[%dma_start3A_306] : memref<2x!tpu.dma_semaphore, #tpu.memory_space<semaphore_mem>> -> memref<1x!tpu.dma_semaphore, #tpu.memory_space<semaphore_mem>>
        %dma_start3A_313 = tpu.memref_squeeze %dma_start3A_312 : memref<1x!tpu.dma_semaphore, #tpu.memory_space<semaphore_mem>> -> memref<!tpu.dma_semaphore, #tpu.memory_space<semaphore_mem>>
        %dma_start3A_314 = arith.constant 0 : i32
        %dma_start3A_315 = tpu.memref_slice %arg7[%dma_start3A_305, %dma_start3A_314] : memref<2x768xi32, #tpu.memory_space<vmem>> -> memref<1x768xi32, #tpu.memory_space<vmem>>
        %dma_start3A_316 = tpu.memref_squeeze %dma_start3A_315 : memref<1x768xi32, #tpu.memory_space<vmem>> -> memref<768xi32, #tpu.memory_space<vmem>>
        %dma_start3A_317 = tpu.memref_slice %arg3[%select_n3A_264, %add3A_286] : memref<4x147456xi32, #tpu.memory_space<hbm>> -> memref<1x768xi32, #tpu.memory_space<hbm>>
        %dma_start3A_318 = tpu.memref_squeeze %dma_start3A_317 : memref<1x768xi32, #tpu.memory_space<hbm>> -> memref<768xi32, #tpu.memory_space<hbm>>
        tpu.enqueue_dma source(%dma_start3A_318 : memref<768xi32, #tpu.memory_space<hbm>>) target(%dma_start3A_316 : memref<768xi32, #tpu.memory_space<vmem>>) target_semaphore(%dma_start3A_313 : memref<!tpu.dma_semaphore, #tpu.memory_space<semaphore_mem>>)
        %dma_start3A_319 = arith.constant 1 : i32
        %dma_start3A_320 = arith.constant 1 : i32
        %dma_start3A_321 = arith.constant 0 : i32
        %dma_start3A_322 = tpu.memref_slice %arg8[%dma_start3A_319, %dma_start3A_321] : memref<2x768xi32, #tpu.memory_space<vmem>> -> memref<1x768xi32, #tpu.memory_space<vmem>>
        %dma_start3A_323 = tpu.memref_squeeze %dma_start3A_322 : memref<1x768xi32, #tpu.memory_space<vmem>> -> memref<768xi32, #tpu.memory_space<vmem>>
        %dma_start3A_324 = tpu.memref_slice %arg4[%select_n3A_264, %add3A_286] : memref<4x147456xi32, #tpu.memory_space<hbm>> -> memref<1x768xi32, #tpu.memory_space<hbm>>
        %dma_start3A_325 = tpu.memref_squeeze %dma_start3A_324 : memref<1x768xi32, #tpu.memory_space<hbm>> -> memref<768xi32, #tpu.memory_space<hbm>>
        %dma_start3A_326 = tpu.memref_slice %arg12[%dma_start3A_320] : memref<2x!tpu.dma_semaphore, #tpu.memory_space<semaphore_mem>> -> memref<1x!tpu.dma_semaphore, #tpu.memory_space<semaphore_mem>>
        %dma_start3A_327 = tpu.memref_squeeze %dma_start3A_326 : memref<1x!tpu.dma_semaphore, #tpu.memory_space<semaphore_mem>> -> memref<!tpu.dma_semaphore, #tpu.memory_space<semaphore_mem>>
        %dma_start3A_328 = arith.constant 0 : i32
        %dma_start3A_329 = tpu.memref_slice %arg8[%dma_start3A_319, %dma_start3A_328] : memref<2x768xi32, #tpu.memory_space<vmem>> -> memref<1x768xi32, #tpu.memory_space<vmem>>
        %dma_start3A_330 = tpu.memref_squeeze %dma_start3A_329 : memref<1x768xi32, #tpu.memory_space<vmem>> -> memref<768xi32, #tpu.memory_space<vmem>>
        %dma_start3A_331 = tpu.memref_slice %arg4[%select_n3A_264, %add3A_286] : memref<4x147456xi32, #tpu.memory_space<hbm>> -> memref<1x768xi32, #tpu.memory_space<hbm>>
        %dma_start3A_332 = tpu.memref_squeeze %dma_start3A_331 : memref<1x768xi32, #tpu.memory_space<hbm>> -> memref<768xi32, #tpu.memory_space<hbm>>
        tpu.enqueue_dma source(%dma_start3A_332 : memref<768xi32, #tpu.memory_space<hbm>>) target(%dma_start3A_330 : memref<768xi32, #tpu.memory_space<vmem>>) target_semaphore(%dma_start3A_327 : memref<!tpu.dma_semaphore, #tpu.memory_space<semaphore_mem>>)
      } else {
      }
      %dma_wait3A = arith.constant 0 : i32
      %dma_wait3A_71 = arith.constant 0 : i32
      %dma_wait3A_72 = arith.constant 0 : i32
      %dma_wait3A_73 = arith.constant 0 : i32
      %dma_wait3A_74 = arith.constant 0 : i32
      %dma_wait3A_75 = tpu.memref_slice %arg6[%dma_wait3A_71, %dma_wait3A_73, %dma_wait3A_74] : memref<2x32x768xf32, #tpu.memory_space<vmem>> -> memref<1x32x768xf32, #tpu.memory_space<vmem>>
      %dma_wait3A_76 = tpu.memref_squeeze %dma_wait3A_75 : memref<1x32x768xf32, #tpu.memory_space<vmem>> -> memref<32x768xf32, #tpu.memory_space<vmem>>
      %dma_wait3A_77 = arith.constant 0 : i32
      %dma_wait3A_78 = arith.constant 0 : i32
      %dma_wait3A_79 = tpu.memref_slice %arg2[%dma_wait3A, %dma_wait3A_77, %dma_wait3A_78] : memref<4x32x147456xf32, #tpu.memory_space<hbm>> -> memref<1x32x768xf32, #tpu.memory_space<hbm>>
      %dma_wait3A_80 = tpu.memref_squeeze %dma_wait3A_79 : memref<1x32x768xf32, #tpu.memory_space<hbm>> -> memref<32x768xf32, #tpu.memory_space<hbm>>
      %dma_wait3A_81 = tpu.memref_slice %arg10[%dma_wait3A_72] : memref<2x!tpu.dma_semaphore, #tpu.memory_space<semaphore_mem>> -> memref<1x!tpu.dma_semaphore, #tpu.memory_space<semaphore_mem>>
      %dma_wait3A_82 = tpu.memref_squeeze %dma_wait3A_81 : memref<1x!tpu.dma_semaphore, #tpu.memory_space<semaphore_mem>> -> memref<!tpu.dma_semaphore, #tpu.memory_space<semaphore_mem>>
      %dma_wait3A_83 = arith.constant 0 : i32
      %dma_wait3A_84 = arith.constant 0 : i32
      %dma_wait3A_85 = tpu.memref_slice %arg6[%dma_wait3A_71, %dma_wait3A_83, %dma_wait3A_84] : memref<2x32x768xf32, #tpu.memory_space<vmem>> -> memref<1x32x768xf32, #tpu.memory_space<vmem>>
      %dma_wait3A_86 = tpu.memref_squeeze %dma_wait3A_85 : memref<1x32x768xf32, #tpu.memory_space<vmem>> -> memref<32x768xf32, #tpu.memory_space<vmem>>
      %dma_wait3A_87 = arith.constant 0 : i32
      %dma_wait3A_88 = arith.constant 0 : i32
      %dma_wait3A_89 = tpu.memref_slice %arg2[%dma_wait3A, %dma_wait3A_87, %dma_wait3A_88] : memref<4x32x147456xf32, #tpu.memory_space<hbm>> -> memref<1x32x768xf32, #tpu.memory_space<hbm>>
      %dma_wait3A_90 = tpu.memref_squeeze %dma_wait3A_89 : memref<1x32x768xf32, #tpu.memory_space<hbm>> -> memref<32x768xf32, #tpu.memory_space<hbm>>
      tpu.wait_dma2 semaphore(%dma_wait3A_82 : memref<!tpu.dma_semaphore, #tpu.memory_space<semaphore_mem>>) src(%dma_wait3A_90 : memref<32x768xf32, #tpu.memory_space<hbm>>) dst(%dma_wait3A_86 : memref<32x768xf32, #tpu.memory_space<vmem>>)
      %dma_wait3A_91 = arith.constant 0 : i32
      %dma_wait3A_92 = arith.constant 0 : i32
      %dma_wait3A_93 = arith.constant 0 : i32
      %dma_wait3A_94 = arith.constant 0 : i32
      %dma_wait3A_95 = tpu.memref_slice %arg7[%dma_wait3A_92, %dma_wait3A_94] : memref<2x768xi32, #tpu.memory_space<vmem>> -> memref<1x768xi32, #tpu.memory_space<vmem>>
      %dma_wait3A_96 = tpu.memref_squeeze %dma_wait3A_95 : memref<1x768xi32, #tpu.memory_space<vmem>> -> memref<768xi32, #tpu.memory_space<vmem>>
      %dma_wait3A_97 = arith.constant 0 : i32
      %dma_wait3A_98 = tpu.memref_slice %arg3[%dma_wait3A_91, %dma_wait3A_97] : memref<4x147456xi32, #tpu.memory_space<hbm>> -> memref<1x768xi32, #tpu.memory_space<hbm>>
      %dma_wait3A_99 = tpu.memref_squeeze %dma_wait3A_98 : memref<1x768xi32, #tpu.memory_space<hbm>> -> memref<768xi32, #tpu.memory_space<hbm>>
      %dma_wait3A_100 = tpu.memref_slice %arg11[%dma_wait3A_93] : memref<2x!tpu.dma_semaphore, #tpu.memory_space<semaphore_mem>> -> memref<1x!tpu.dma_semaphore, #tpu.memory_space<semaphore_mem>>
      %dma_wait3A_101 = tpu.memref_squeeze %dma_wait3A_100 : memref<1x!tpu.dma_semaphore, #tpu.memory_space<semaphore_mem>> -> memref<!tpu.dma_semaphore, #tpu.memory_space<semaphore_mem>>
      %dma_wait3A_102 = arith.constant 0 : i32
      %dma_wait3A_103 = tpu.memref_slice %arg7[%dma_wait3A_92, %dma_wait3A_102] : memref<2x768xi32, #tpu.memory_space<vmem>> -> memref<1x768xi32, #tpu.memory_space<vmem>>
      %dma_wait3A_104 = tpu.memref_squeeze %dma_wait3A_103 : memref<1x768xi32, #tpu.memory_space<vmem>> -> memref<768xi32, #tpu.memory_space<vmem>>
      %dma_wait3A_105 = arith.constant 0 : i32
      %dma_wait3A_106 = tpu.memref_slice %arg3[%dma_wait3A_91, %dma_wait3A_105] : memref<4x147456xi32, #tpu.memory_space<hbm>> -> memref<1x768xi32, #tpu.memory_space<hbm>>
      %dma_wait3A_107 = tpu.memref_squeeze %dma_wait3A_106 : memref<1x768xi32, #tpu.memory_space<hbm>> -> memref<768xi32, #tpu.memory_space<hbm>>
      tpu.wait_dma2 semaphore(%dma_wait3A_101 : memref<!tpu.dma_semaphore, #tpu.memory_space<semaphore_mem>>) src(%dma_wait3A_107 : memref<768xi32, #tpu.memory_space<hbm>>) dst(%dma_wait3A_104 : memref<768xi32, #tpu.memory_space<vmem>>)
      %dma_wait3A_108 = arith.constant 0 : i32
      %dma_wait3A_109 = arith.constant 0 : i32
      %dma_wait3A_110 = arith.constant 0 : i32
      %dma_wait3A_111 = arith.constant 0 : i32
      %dma_wait3A_112 = tpu.memref_slice %arg8[%dma_wait3A_109, %dma_wait3A_111] : memref<2x768xi32, #tpu.memory_space<vmem>> -> memref<1x768xi32, #tpu.memory_space<vmem>>
      %dma_wait3A_113 = tpu.memref_squeeze %dma_wait3A_112 : memref<1x768xi32, #tpu.memory_space<vmem>> -> memref<768xi32, #tpu.memory_space<vmem>>
      %dma_wait3A_114 = arith.constant 0 : i32
      %dma_wait3A_115 = tpu.memref_slice %arg4[%dma_wait3A_108, %dma_wait3A_114] : memref<4x147456xi32, #tpu.memory_space<hbm>> -> memref<1x768xi32, #tpu.memory_space<hbm>>
      %dma_wait3A_116 = tpu.memref_squeeze %dma_wait3A_115 : memref<1x768xi32, #tpu.memory_space<hbm>> -> memref<768xi32, #tpu.memory_space<hbm>>
      %dma_wait3A_117 = tpu.memref_slice %arg12[%dma_wait3A_110] : memref<2x!tpu.dma_semaphore, #tpu.memory_space<semaphore_mem>> -> memref<1x!tpu.dma_semaphore, #tpu.memory_space<semaphore_mem>>
      %dma_wait3A_118 = tpu.memref_squeeze %dma_wait3A_117 : memref<1x!tpu.dma_semaphore, #tpu.memory_space<semaphore_mem>> -> memref<!tpu.dma_semaphore, #tpu.memory_space<semaphore_mem>>
      %dma_wait3A_119 = arith.constant 0 : i32
      %dma_wait3A_120 = tpu.memref_slice %arg8[%dma_wait3A_109, %dma_wait3A_119] : memref<2x768xi32, #tpu.memory_space<vmem>> -> memref<1x768xi32, #tpu.memory_space<vmem>>
      %dma_wait3A_121 = tpu.memref_squeeze %dma_wait3A_120 : memref<1x768xi32, #tpu.memory_space<vmem>> -> memref<768xi32, #tpu.memory_space<vmem>>
      %dma_wait3A_122 = arith.constant 0 : i32
      %dma_wait3A_123 = tpu.memref_slice %arg4[%dma_wait3A_108, %dma_wait3A_122] : memref<4x147456xi32, #tpu.memory_space<hbm>> -> memref<1x768xi32, #tpu.memory_space<hbm>>
      %dma_wait3A_124 = tpu.memref_squeeze %dma_wait3A_123 : memref<1x768xi32, #tpu.memory_space<hbm>> -> memref<768xi32, #tpu.memory_space<hbm>>
      tpu.wait_dma2 semaphore(%dma_wait3A_118 : memref<!tpu.dma_semaphore, #tpu.memory_space<semaphore_mem>>) src(%dma_wait3A_124 : memref<768xi32, #tpu.memory_space<hbm>>) dst(%dma_wait3A_121 : memref<768xi32, #tpu.memory_space<vmem>>)
      %jit3A = arith.constant 3 : i32
      %div3A = arith.divsi %add3A_66, %jit3A : i32
      %sign3A = arith.constant 0 : i32
      %sign3A_125 = arith.cmpi sgt, %add3A_66, %sign3A : i32
      %sign3A_126 = arith.extui %sign3A_125 : i1 to i32
      %sign3A_127 = arith.constant 0 : i32
      %sign3A_128 = arith.cmpi slt, %add3A_66, %sign3A_127 : i32
      %sign3A_129 = arith.extui %sign3A_128 : i1 to i32
      %sign3A_130 = arith.subi %sign3A_126, %sign3A_129 : i32
      %sign3A_131 = arith.constant 0 : i32
      %sign3A_132 = arith.cmpi sgt, %jit3A, %sign3A_131 : i32
      %sign3A_133 = arith.extui %sign3A_132 : i1 to i32
      %sign3A_134 = arith.constant 0 : i32
      %sign3A_135 = arith.cmpi slt, %jit3A, %sign3A_134 : i32
      %sign3A_136 = arith.extui %sign3A_135 : i1 to i32
      %sign3A_137 = arith.subi %sign3A_133, %sign3A_136 : i32
      %ne3A = arith.cmpi ne, %sign3A_130, %sign3A_137 : i32
      %rem3A = arith.remsi %add3A_66, %jit3A : i32
      %ne3A_138 = arith.constant 0 : i32
      %ne3A_139 = arith.cmpi ne, %rem3A, %ne3A_138 : i32
      %and3A = arith.andi %ne3A, %ne3A_139 : i1
      %sub3A = arith.constant 1 : i32
      %sub3A_140 = arith.subi %div3A, %sub3A : i32
      %select_n3A = arith.select %and3A, %sub3A_140, %div3A : i32
      %mul3A_141 = arith.constant 9248 : i32
      %mul3A_142 = arith.muli %select_n3A, %mul3A_141 : i32
      %parallel_loop3A_143 = arith.constant 0 : i32
      %parallel_loop3A_144 = arith.constant 48 : i32
      %parallel_loop3A_145 = arith.constant 1 : i32
      scf.for %parallel_loop3A_241 = %parallel_loop3A_143 to %parallel_loop3A_144 step %parallel_loop3A_145  : i32 {
        %parallel_loop3A_242 = arith.constant 16 : i32
        %parallel_loop3A_243 = arith.muli %parallel_loop3A_241, %parallel_loop3A_242 : i32
        %parallel_loop3A_244 = arith.constant 0 : i32
        %parallel_loop3A_245 = arith.index_cast %parallel_loop3A_244 : i32 to index
        %parallel_loop3A_246 = arith.index_cast %parallel_loop3A_243 : i32 to index
        %parallel_loop3A_247 = tpu.vector_load %arg7[%parallel_loop3A_245, %parallel_loop3A_246] {strides = array<i32>} : memref<2x768xi32, #tpu.memory_space<vmem>>, vector<16xi32>,
        %parallel_loop3A_248 = arith.constant 0 : i32
        %parallel_loop3A_249 = arith.index_cast %parallel_loop3A_248 : i32 to index
        %parallel_loop3A_250 = arith.index_cast %parallel_loop3A_243 : i32 to index
        %parallel_loop3A_251 = tpu.vector_load %arg8[%parallel_loop3A_249, %parallel_loop3A_250] {strides = array<i32>} : memref<2x768xi32, #tpu.memory_space<vmem>>, vector<16xi32>,
        %parallel_loop3A_252 = arith.constant 0 : i32
        %parallel_loop3A_253 = vector.broadcast %parallel_loop3A_252 : i32 to vector<16xi32>
        %parallel_loop3A_254 = arith.cmpi eq, %parallel_loop3A_251, %parallel_loop3A_253 : vector<16xi32>
        %parallel_loop3A_255 = arith.constant 0 : i32
        %parallel_loop3A_256 = vector.broadcast %parallel_loop3A_255 : i32 to vector<16xi32>
        %parallel_loop3A_257 = arith.select %parallel_loop3A_254, %parallel_loop3A_247, %parallel_loop3A_256 : vector<16xi1>, vector<16xi32>
        %parallel_loop3A_258 = arith.constant 0 : i32
        %parallel_loop3A_259 = arith.constant 0 : i32
        %parallel_loop3A_260 = arith.index_cast %parallel_loop3A_258 : i32 to index
        %parallel_loop3A_261 = arith.index_cast %parallel_loop3A_259 : i32 to index
        %parallel_loop3A_262 = arith.index_cast %parallel_loop3A_243 : i32 to index
        %parallel_loop3A_263 = tpu.vector_load %arg6[%parallel_loop3A_260, %parallel_loop3A_261, %parallel_loop3A_262] {strides = array<i32>} : memref<2x32x768xf32, #tpu.memory_space<vmem>>, vector<16xf32>,
        %parallel_loop3A_264 = arith.constant 0 : i32
        %parallel_loop3A_265 = arith.constant 1 : i32
        %parallel_loop3A_266 = arith.index_cast %parallel_loop3A_264 : i32 to index
        %parallel_loop3A_267 = arith.index_cast %parallel_loop3A_265 : i32 to index
        %parallel_loop3A_268 = arith.index_cast %parallel_loop3A_243 : i32 to index
        %parallel_loop3A_269 = tpu.vector_load %arg6[%parallel_loop3A_266, %parallel_loop3A_267, %parallel_loop3A_268] {strides = array<i32>} : memref<2x32x768xf32, #tpu.memory_space<vmem>>, vector<16xf32>,
        %parallel_loop3A_270 = arith.constant 0 : i32
        %parallel_loop3A_271 = arith.constant 2 : i32
        %parallel_loop3A_272 = arith.index_cast %parallel_loop3A_270 : i32 to index
        %parallel_loop3A_273 = arith.index_cast %parallel_loop3A_271 : i32 to index
        %parallel_loop3A_274 = arith.index_cast %parallel_loop3A_243 : i32 to index
        %parallel_loop3A_275 = tpu.vector_load %arg6[%parallel_loop3A_272, %parallel_loop3A_273, %parallel_loop3A_274] {strides = array<i32>} : memref<2x32x768xf32, #tpu.memory_space<vmem>>, vector<16xf32>,
        %parallel_loop3A_276 = arith.constant 0 : i32
        %parallel_loop3A_277 = arith.constant 3 : i32
        %parallel_loop3A_278 = arith.index_cast %parallel_loop3A_276 : i32 to index
        %parallel_loop3A_279 = arith.index_cast %parallel_loop3A_277 : i32 to index
        %parallel_loop3A_280 = arith.index_cast %parallel_loop3A_243 : i32 to index
        %parallel_loop3A_281 = tpu.vector_load %arg6[%parallel_loop3A_278, %parallel_loop3A_279, %parallel_loop3A_280] {strides = array<i32>} : memref<2x32x768xf32, #tpu.memory_space<vmem>>, vector<16xf32>,
        %parallel_loop3A_282 = arith.constant 0 : i32
        %parallel_loop3A_283 = arith.constant 4 : i32
        %parallel_loop3A_284 = arith.index_cast %parallel_loop3A_282 : i32 to index
        %parallel_loop3A_285 = arith.index_cast %parallel_loop3A_283 : i32 to index
        %parallel_loop3A_286 = arith.index_cast %parallel_loop3A_243 : i32 to index
        %parallel_loop3A_287 = tpu.vector_load %arg6[%parallel_loop3A_284, %parallel_loop3A_285, %parallel_loop3A_286] {strides = array<i32>} : memref<2x32x768xf32, #tpu.memory_space<vmem>>, vector<16xf32>,
        %parallel_loop3A_288 = arith.constant 0 : i32
        %parallel_loop3A_289 = arith.constant 5 : i32
        %parallel_loop3A_290 = arith.index_cast %parallel_loop3A_288 : i32 to index
        %parallel_loop3A_291 = arith.index_cast %parallel_loop3A_289 : i32 to index
        %parallel_loop3A_292 = arith.index_cast %parallel_loop3A_243 : i32 to index
        %parallel_loop3A_293 = tpu.vector_load %arg6[%parallel_loop3A_290, %parallel_loop3A_291, %parallel_loop3A_292] {strides = array<i32>} : memref<2x32x768xf32, #tpu.memory_space<vmem>>, vector<16xf32>,
        %parallel_loop3A_294 = arith.constant 0 : i32
        %parallel_loop3A_295 = arith.constant 6 : i32
        %parallel_loop3A_296 = arith.index_cast %parallel_loop3A_294 : i32 to index
        %parallel_loop3A_297 = arith.index_cast %parallel_loop3A_295 : i32 to index
        %parallel_loop3A_298 = arith.index_cast %parallel_loop3A_243 : i32 to index
        %parallel_loop3A_299 = tpu.vector_load %arg6[%parallel_loop3A_296, %parallel_loop3A_297, %parallel_loop3A_298] {strides = array<i32>} : memref<2x32x768xf32, #tpu.memory_space<vmem>>, vector<16xf32>,
        %parallel_loop3A_300 = arith.constant 0 : i32
        %parallel_loop3A_301 = arith.constant 7 : i32
        %parallel_loop3A_302 = arith.index_cast %parallel_loop3A_300 : i32 to index
        %parallel_loop3A_303 = arith.index_cast %parallel_loop3A_301 : i32 to index
        %parallel_loop3A_304 = arith.index_cast %parallel_loop3A_243 : i32 to index
        %parallel_loop3A_305 = tpu.vector_load %arg6[%parallel_loop3A_302, %parallel_loop3A_303, %parallel_loop3A_304] {strides = array<i32>} : memref<2x32x768xf32, #tpu.memory_space<vmem>>, vector<16xf32>,
        %parallel_loop3A_306 = arith.constant 0 : i32
        %parallel_loop3A_307 = arith.constant 8 : i32
        %parallel_loop3A_308 = arith.index_cast %parallel_loop3A_306 : i32 to index
        %parallel_loop3A_309 = arith.index_cast %parallel_loop3A_307 : i32 to index
        %parallel_loop3A_310 = arith.index_cast %parallel_loop3A_243 : i32 to index
        %parallel_loop3A_311 = tpu.vector_load %arg6[%parallel_loop3A_308, %parallel_loop3A_309, %parallel_loop3A_310] {strides = array<i32>} : memref<2x32x768xf32, #tpu.memory_space<vmem>>, vector<16xf32>,
        %parallel_loop3A_312 = arith.constant 0 : i32
        %parallel_loop3A_313 = arith.constant 9 : i32
        %parallel_loop3A_314 = arith.index_cast %parallel_loop3A_312 : i32 to index
        %parallel_loop3A_315 = arith.index_cast %parallel_loop3A_313 : i32 to index
        %parallel_loop3A_316 = arith.index_cast %parallel_loop3A_243 : i32 to index
        %parallel_loop3A_317 = tpu.vector_load %arg6[%parallel_loop3A_314, %parallel_loop3A_315, %parallel_loop3A_316] {strides = array<i32>} : memref<2x32x768xf32, #tpu.memory_space<vmem>>, vector<16xf32>,
        %parallel_loop3A_318 = arith.constant 0 : i32
        %parallel_loop3A_319 = arith.constant 10 : i32
        %parallel_loop3A_320 = arith.index_cast %parallel_loop3A_318 : i32 to index
        %parallel_loop3A_321 = arith.index_cast %parallel_loop3A_319 : i32 to index
        %parallel_loop3A_322 = arith.index_cast %parallel_loop3A_243 : i32 to index
        %parallel_loop3A_323 = tpu.vector_load %arg6[%parallel_loop3A_320, %parallel_loop3A_321, %parallel_loop3A_322] {strides = array<i32>} : memref<2x32x768xf32, #tpu.memory_space<vmem>>, vector<16xf32>,
        %parallel_loop3A_324 = arith.constant 0 : i32
        %parallel_loop3A_325 = arith.constant 11 : i32
        %parallel_loop3A_326 = arith.index_cast %parallel_loop3A_324 : i32 to index
        %parallel_loop3A_327 = arith.index_cast %parallel_loop3A_325 : i32 to index
        %parallel_loop3A_328 = arith.index_cast %parallel_loop3A_243 : i32 to index
        %parallel_loop3A_329 = tpu.vector_load %arg6[%parallel_loop3A_326, %parallel_loop3A_327, %parallel_loop3A_328] {strides = array<i32>} : memref<2x32x768xf32, #tpu.memory_space<vmem>>, vector<16xf32>,
        %parallel_loop3A_330 = arith.constant 0 : i32
        %parallel_loop3A_331 = arith.constant 12 : i32
        %parallel_loop3A_332 = arith.index_cast %parallel_loop3A_330 : i32 to index
        %parallel_loop3A_333 = arith.index_cast %parallel_loop3A_331 : i32 to index
        %parallel_loop3A_334 = arith.index_cast %parallel_loop3A_243 : i32 to index
        %parallel_loop3A_335 = tpu.vector_load %arg6[%parallel_loop3A_332, %parallel_loop3A_333, %parallel_loop3A_334] {strides = array<i32>} : memref<2x32x768xf32, #tpu.memory_space<vmem>>, vector<16xf32>,
        %parallel_loop3A_336 = arith.constant 0 : i32
        %parallel_loop3A_337 = arith.constant 13 : i32
        %parallel_loop3A_338 = arith.index_cast %parallel_loop3A_336 : i32 to index
        %parallel_loop3A_339 = arith.index_cast %parallel_loop3A_337 : i32 to index
        %parallel_loop3A_340 = arith.index_cast %parallel_loop3A_243 : i32 to index
        %parallel_loop3A_341 = tpu.vector_load %arg6[%parallel_loop3A_338, %parallel_loop3A_339, %parallel_loop3A_340] {strides = array<i32>} : memref<2x32x768xf32, #tpu.memory_space<vmem>>, vector<16xf32>,
        %parallel_loop3A_342 = arith.constant 0 : i32
        %parallel_loop3A_343 = arith.constant 14 : i32
        %parallel_loop3A_344 = arith.index_cast %parallel_loop3A_342 : i32 to index
        %parallel_loop3A_345 = arith.index_cast %parallel_loop3A_343 : i32 to index
        %parallel_loop3A_346 = arith.index_cast %parallel_loop3A_243 : i32 to index
        %parallel_loop3A_347 = tpu.vector_load %arg6[%parallel_loop3A_344, %parallel_loop3A_345, %parallel_loop3A_346] {strides = array<i32>} : memref<2x32x768xf32, #tpu.memory_space<vmem>>, vector<16xf32>,
        %parallel_loop3A_348 = arith.constant 0 : i32
        %parallel_loop3A_349 = arith.constant 15 : i32
        %parallel_loop3A_350 = arith.index_cast %parallel_loop3A_348 : i32 to index
        %parallel_loop3A_351 = arith.index_cast %parallel_loop3A_349 : i32 to index
        %parallel_loop3A_352 = arith.index_cast %parallel_loop3A_243 : i32 to index
        %parallel_loop3A_353 = tpu.vector_load %arg6[%parallel_loop3A_350, %parallel_loop3A_351, %parallel_loop3A_352] {strides = array<i32>} : memref<2x32x768xf32, #tpu.memory_space<vmem>>, vector<16xf32>,
        %parallel_loop3A_354 = arith.constant 0 : i32
        %parallel_loop3A_355 = arith.constant 16 : i32
        %parallel_loop3A_356 = arith.index_cast %parallel_loop3A_354 : i32 to index
        %parallel_loop3A_357 = arith.index_cast %parallel_loop3A_355 : i32 to index
        %parallel_loop3A_358 = arith.index_cast %parallel_loop3A_243 : i32 to index
        %parallel_loop3A_359 = tpu.vector_load %arg6[%parallel_loop3A_356, %parallel_loop3A_357, %parallel_loop3A_358] {strides = array<i32>} : memref<2x32x768xf32, #tpu.memory_space<vmem>>, vector<16xf32>,
        %parallel_loop3A_360 = arith.constant 0 : i32
        %parallel_loop3A_361 = arith.constant 17 : i32
        %parallel_loop3A_362 = arith.index_cast %parallel_loop3A_360 : i32 to index
        %parallel_loop3A_363 = arith.index_cast %parallel_loop3A_361 : i32 to index
        %parallel_loop3A_364 = arith.index_cast %parallel_loop3A_243 : i32 to index
        %parallel_loop3A_365 = tpu.vector_load %arg6[%parallel_loop3A_362, %parallel_loop3A_363, %parallel_loop3A_364] {strides = array<i32>} : memref<2x32x768xf32, #tpu.memory_space<vmem>>, vector<16xf32>,
        %parallel_loop3A_366 = arith.constant 0 : i32
        %parallel_loop3A_367 = arith.constant 18 : i32
        %parallel_loop3A_368 = arith.index_cast %parallel_loop3A_366 : i32 to index
        %parallel_loop3A_369 = arith.index_cast %parallel_loop3A_367 : i32 to index
        %parallel_loop3A_370 = arith.index_cast %parallel_loop3A_243 : i32 to index
        %parallel_loop3A_371 = tpu.vector_load %arg6[%parallel_loop3A_368, %parallel_loop3A_369, %parallel_loop3A_370] {strides = array<i32>} : memref<2x32x768xf32, #tpu.memory_space<vmem>>, vector<16xf32>,
        %parallel_loop3A_372 = arith.constant 0 : i32
        %parallel_loop3A_373 = arith.constant 19 : i32
        %parallel_loop3A_374 = arith.index_cast %parallel_loop3A_372 : i32 to index
        %parallel_loop3A_375 = arith.index_cast %parallel_loop3A_373 : i32 to index
        %parallel_loop3A_376 = arith.index_cast %parallel_loop3A_243 : i32 to index
        %parallel_loop3A_377 = tpu.vector_load %arg6[%parallel_loop3A_374, %parallel_loop3A_375, %parallel_loop3A_376] {strides = array<i32>} : memref<2x32x768xf32, #tpu.memory_space<vmem>>, vector<16xf32>,
        %parallel_loop3A_378 = arith.constant 0 : i32
        %parallel_loop3A_379 = arith.constant 20 : i32
        %parallel_loop3A_380 = arith.index_cast %parallel_loop3A_378 : i32 to index
        %parallel_loop3A_381 = arith.index_cast %parallel_loop3A_379 : i32 to index
        %parallel_loop3A_382 = arith.index_cast %parallel_loop3A_243 : i32 to index
        %parallel_loop3A_383 = tpu.vector_load %arg6[%parallel_loop3A_380, %parallel_loop3A_381, %parallel_loop3A_382] {strides = array<i32>} : memref<2x32x768xf32, #tpu.memory_space<vmem>>, vector<16xf32>,
        %parallel_loop3A_384 = arith.constant 0 : i32
        %parallel_loop3A_385 = arith.constant 21 : i32
        %parallel_loop3A_386 = arith.index_cast %parallel_loop3A_384 : i32 to index
        %parallel_loop3A_387 = arith.index_cast %parallel_loop3A_385 : i32 to index
        %parallel_loop3A_388 = arith.index_cast %parallel_loop3A_243 : i32 to index
        %parallel_loop3A_389 = tpu.vector_load %arg6[%parallel_loop3A_386, %parallel_loop3A_387, %parallel_loop3A_388] {strides = array<i32>} : memref<2x32x768xf32, #tpu.memory_space<vmem>>, vector<16xf32>,
        %parallel_loop3A_390 = arith.constant 0 : i32
        %parallel_loop3A_391 = arith.constant 22 : i32
        %parallel_loop3A_392 = arith.index_cast %parallel_loop3A_390 : i32 to index
        %parallel_loop3A_393 = arith.index_cast %parallel_loop3A_391 : i32 to index
        %parallel_loop3A_394 = arith.index_cast %parallel_loop3A_243 : i32 to index
        %parallel_loop3A_395 = tpu.vector_load %arg6[%parallel_loop3A_392, %parallel_loop3A_393, %parallel_loop3A_394] {strides = array<i32>} : memref<2x32x768xf32, #tpu.memory_space<vmem>>, vector<16xf32>,
        %parallel_loop3A_396 = arith.constant 0 : i32
        %parallel_loop3A_397 = arith.constant 23 : i32
        %parallel_loop3A_398 = arith.index_cast %parallel_loop3A_396 : i32 to index
        %parallel_loop3A_399 = arith.index_cast %parallel_loop3A_397 : i32 to index
        %parallel_loop3A_400 = arith.index_cast %parallel_loop3A_243 : i32 to index
        %parallel_loop3A_401 = tpu.vector_load %arg6[%parallel_loop3A_398, %parallel_loop3A_399, %parallel_loop3A_400] {strides = array<i32>} : memref<2x32x768xf32, #tpu.memory_space<vmem>>, vector<16xf32>,
        %parallel_loop3A_402 = arith.constant 0 : i32
        %parallel_loop3A_403 = arith.constant 24 : i32
        %parallel_loop3A_404 = arith.index_cast %parallel_loop3A_402 : i32 to index
        %parallel_loop3A_405 = arith.index_cast %parallel_loop3A_403 : i32 to index
        %parallel_loop3A_406 = arith.index_cast %parallel_loop3A_243 : i32 to index
        %parallel_loop3A_407 = tpu.vector_load %arg6[%parallel_loop3A_404, %parallel_loop3A_405, %parallel_loop3A_406] {strides = array<i32>} : memref<2x32x768xf32, #tpu.memory_space<vmem>>, vector<16xf32>,
        %parallel_loop3A_408 = arith.constant 0 : i32
        %parallel_loop3A_409 = arith.constant 25 : i32
        %parallel_loop3A_410 = arith.index_cast %parallel_loop3A_408 : i32 to index
        %parallel_loop3A_411 = arith.index_cast %parallel_loop3A_409 : i32 to index
        %parallel_loop3A_412 = arith.index_cast %parallel_loop3A_243 : i32 to index
        %parallel_loop3A_413 = tpu.vector_load %arg6[%parallel_loop3A_410, %parallel_loop3A_411, %parallel_loop3A_412] {strides = array<i32>} : memref<2x32x768xf32, #tpu.memory_space<vmem>>, vector<16xf32>,
        %parallel_loop3A_414 = arith.constant 0 : i32
        %parallel_loop3A_415 = arith.constant 26 : i32
        %parallel_loop3A_416 = arith.index_cast %parallel_loop3A_414 : i32 to index
        %parallel_loop3A_417 = arith.index_cast %parallel_loop3A_415 : i32 to index
        %parallel_loop3A_418 = arith.index_cast %parallel_loop3A_243 : i32 to index
        %parallel_loop3A_419 = tpu.vector_load %arg6[%parallel_loop3A_416, %parallel_loop3A_417, %parallel_loop3A_418] {strides = array<i32>} : memref<2x32x768xf32, #tpu.memory_space<vmem>>, vector<16xf32>,
        %parallel_loop3A_420 = arith.constant 0 : i32
        %parallel_loop3A_421 = arith.constant 27 : i32
        %parallel_loop3A_422 = arith.index_cast %parallel_loop3A_420 : i32 to index
        %parallel_loop3A_423 = arith.index_cast %parallel_loop3A_421 : i32 to index
        %parallel_loop3A_424 = arith.index_cast %parallel_loop3A_243 : i32 to index
        %parallel_loop3A_425 = tpu.vector_load %arg6[%parallel_loop3A_422, %parallel_loop3A_423, %parallel_loop3A_424] {strides = array<i32>} : memref<2x32x768xf32, #tpu.memory_space<vmem>>, vector<16xf32>,
        %parallel_loop3A_426 = arith.constant 0 : i32
        %parallel_loop3A_427 = arith.constant 28 : i32
        %parallel_loop3A_428 = arith.index_cast %parallel_loop3A_426 : i32 to index
        %parallel_loop3A_429 = arith.index_cast %parallel_loop3A_427 : i32 to index
        %parallel_loop3A_430 = arith.index_cast %parallel_loop3A_243 : i32 to index
        %parallel_loop3A_431 = tpu.vector_load %arg6[%parallel_loop3A_428, %parallel_loop3A_429, %parallel_loop3A_430] {strides = array<i32>} : memref<2x32x768xf32, #tpu.memory_space<vmem>>, vector<16xf32>,
        %parallel_loop3A_432 = arith.constant 0 : i32
        %parallel_loop3A_433 = arith.constant 29 : i32
        %parallel_loop3A_434 = arith.index_cast %parallel_loop3A_432 : i32 to index
        %parallel_loop3A_435 = arith.index_cast %parallel_loop3A_433 : i32 to index
        %parallel_loop3A_436 = arith.index_cast %parallel_loop3A_243 : i32 to index
        %parallel_loop3A_437 = tpu.vector_load %arg6[%parallel_loop3A_434, %parallel_loop3A_435, %parallel_loop3A_436] {strides = array<i32>} : memref<2x32x768xf32, #tpu.memory_space<vmem>>, vector<16xf32>,
        %parallel_loop3A_438 = arith.constant 0 : i32
        %parallel_loop3A_439 = arith.constant 30 : i32
        %parallel_loop3A_440 = arith.index_cast %parallel_loop3A_438 : i32 to index
        %parallel_loop3A_441 = arith.index_cast %parallel_loop3A_439 : i32 to index
        %parallel_loop3A_442 = arith.index_cast %parallel_loop3A_243 : i32 to index
        %parallel_loop3A_443 = tpu.vector_load %arg6[%parallel_loop3A_440, %parallel_loop3A_441, %parallel_loop3A_442] {strides = array<i32>} : memref<2x32x768xf32, #tpu.memory_space<vmem>>, vector<16xf32>,
        %parallel_loop3A_444 = arith.constant 0 : i32
        %parallel_loop3A_445 = arith.constant 31 : i32
        %parallel_loop3A_446 = arith.index_cast %parallel_loop3A_444 : i32 to index
        %parallel_loop3A_447 = arith.index_cast %parallel_loop3A_445 : i32 to index
        %parallel_loop3A_448 = arith.index_cast %parallel_loop3A_243 : i32 to index
        %parallel_loop3A_449 = tpu.vector_load %arg6[%parallel_loop3A_446, %parallel_loop3A_447, %parallel_loop3A_448] {strides = array<i32>} : memref<2x32x768xf32, #tpu.memory_space<vmem>>, vector<16xf32>,
        %parallel_loop3A_450 = arith.mulf %parallel_loop3A_263, %parallel_loop3A_263 : vector<16xf32>
        %parallel_loop3A_451 = arith.mulf %parallel_loop3A_269, %parallel_loop3A_269 : vector<16xf32>
        %parallel_loop3A_452 = arith.mulf %parallel_loop3A_275, %parallel_loop3A_275 : vector<16xf32>
        %parallel_loop3A_453 = arith.mulf %parallel_loop3A_281, %parallel_loop3A_281 : vector<16xf32>
        %parallel_loop3A_454 = arith.mulf %parallel_loop3A_287, %parallel_loop3A_287 : vector<16xf32>
        %parallel_loop3A_455 = arith.mulf %parallel_loop3A_293, %parallel_loop3A_293 : vector<16xf32>
        %parallel_loop3A_456 = arith.mulf %parallel_loop3A_299, %parallel_loop3A_299 : vector<16xf32>
        %parallel_loop3A_457 = arith.mulf %parallel_loop3A_305, %parallel_loop3A_305 : vector<16xf32>
        %parallel_loop3A_458 = arith.mulf %parallel_loop3A_311, %parallel_loop3A_311 : vector<16xf32>
        %parallel_loop3A_459 = arith.mulf %parallel_loop3A_317, %parallel_loop3A_317 : vector<16xf32>
        %parallel_loop3A_460 = arith.mulf %parallel_loop3A_323, %parallel_loop3A_323 : vector<16xf32>
        %parallel_loop3A_461 = arith.mulf %parallel_loop3A_329, %parallel_loop3A_329 : vector<16xf32>
        %parallel_loop3A_462 = arith.mulf %parallel_loop3A_335, %parallel_loop3A_335 : vector<16xf32>
        %parallel_loop3A_463 = arith.mulf %parallel_loop3A_341, %parallel_loop3A_341 : vector<16xf32>
        %parallel_loop3A_464 = arith.mulf %parallel_loop3A_347, %parallel_loop3A_347 : vector<16xf32>
        %parallel_loop3A_465 = arith.mulf %parallel_loop3A_353, %parallel_loop3A_353 : vector<16xf32>
        %parallel_loop3A_466 = arith.mulf %parallel_loop3A_359, %parallel_loop3A_359 : vector<16xf32>
        %parallel_loop3A_467 = arith.mulf %parallel_loop3A_365, %parallel_loop3A_365 : vector<16xf32>
        %parallel_loop3A_468 = arith.mulf %parallel_loop3A_371, %parallel_loop3A_371 : vector<16xf32>
        %parallel_loop3A_469 = arith.mulf %parallel_loop3A_377, %parallel_loop3A_377 : vector<16xf32>
        %parallel_loop3A_470 = arith.mulf %parallel_loop3A_383, %parallel_loop3A_383 : vector<16xf32>
        %parallel_loop3A_471 = arith.mulf %parallel_loop3A_389, %parallel_loop3A_389 : vector<16xf32>
        %parallel_loop3A_472 = arith.mulf %parallel_loop3A_395, %parallel_loop3A_395 : vector<16xf32>
        %parallel_loop3A_473 = arith.mulf %parallel_loop3A_401, %parallel_loop3A_401 : vector<16xf32>
        %parallel_loop3A_474 = arith.mulf %parallel_loop3A_407, %parallel_loop3A_407 : vector<16xf32>
        %parallel_loop3A_475 = arith.mulf %parallel_loop3A_413, %parallel_loop3A_413 : vector<16xf32>
        %parallel_loop3A_476 = arith.mulf %parallel_loop3A_419, %parallel_loop3A_419 : vector<16xf32>
        %parallel_loop3A_477 = arith.mulf %parallel_loop3A_425, %parallel_loop3A_425 : vector<16xf32>
        %parallel_loop3A_478 = arith.mulf %parallel_loop3A_431, %parallel_loop3A_431 : vector<16xf32>
        %parallel_loop3A_479 = arith.mulf %parallel_loop3A_437, %parallel_loop3A_437 : vector<16xf32>
        %parallel_loop3A_480 = arith.mulf %parallel_loop3A_443, %parallel_loop3A_443 : vector<16xf32>
        %parallel_loop3A_481 = arith.mulf %parallel_loop3A_449, %parallel_loop3A_449 : vector<16xf32>
        %parallel_loop3A_482 = arith.addf %parallel_loop3A_450, %parallel_loop3A_451 : vector<16xf32>
        %parallel_loop3A_483 = arith.addf %parallel_loop3A_452, %parallel_loop3A_453 : vector<16xf32>
        %parallel_loop3A_484 = arith.addf %parallel_loop3A_454, %parallel_loop3A_455 : vector<16xf32>
        %parallel_loop3A_485 = arith.addf %parallel_loop3A_456, %parallel_loop3A_457 : vector<16xf32>
        %parallel_loop3A_486 = arith.addf %parallel_loop3A_458, %parallel_loop3A_459 : vector<16xf32>
        %parallel_loop3A_487 = arith.addf %parallel_loop3A_460, %parallel_loop3A_461 : vector<16xf32>
        %parallel_loop3A_488 = arith.addf %parallel_loop3A_462, %parallel_loop3A_463 : vector<16xf32>
        %parallel_loop3A_489 = arith.addf %parallel_loop3A_464, %parallel_loop3A_465 : vector<16xf32>
        %parallel_loop3A_490 = arith.addf %parallel_loop3A_466, %parallel_loop3A_467 : vector<16xf32>
        %parallel_loop3A_491 = arith.addf %parallel_loop3A_468, %parallel_loop3A_469 : vector<16xf32>
        %parallel_loop3A_492 = arith.addf %parallel_loop3A_470, %parallel_loop3A_471 : vector<16xf32>
        %parallel_loop3A_493 = arith.addf %parallel_loop3A_472, %parallel_loop3A_473 : vector<16xf32>
        %parallel_loop3A_494 = arith.addf %parallel_loop3A_474, %parallel_loop3A_475 : vector<16xf32>
        %parallel_loop3A_495 = arith.addf %parallel_loop3A_476, %parallel_loop3A_477 : vector<16xf32>
        %parallel_loop3A_496 = arith.addf %parallel_loop3A_478, %parallel_loop3A_479 : vector<16xf32>
        %parallel_loop3A_497 = arith.addf %parallel_loop3A_480, %parallel_loop3A_481 : vector<16xf32>
        %parallel_loop3A_498 = arith.addf %parallel_loop3A_482, %parallel_loop3A_483 : vector<16xf32>
        %parallel_loop3A_499 = arith.addf %parallel_loop3A_484, %parallel_loop3A_485 : vector<16xf32>
        %parallel_loop3A_500 = arith.addf %parallel_loop3A_486, %parallel_loop3A_487 : vector<16xf32>
        %parallel_loop3A_501 = arith.addf %parallel_loop3A_488, %parallel_loop3A_489 : vector<16xf32>
        %parallel_loop3A_502 = arith.addf %parallel_loop3A_490, %parallel_loop3A_491 : vector<16xf32>
        %parallel_loop3A_503 = arith.addf %parallel_loop3A_492, %parallel_loop3A_493 : vector<16xf32>
        %parallel_loop3A_504 = arith.addf %parallel_loop3A_494, %parallel_loop3A_495 : vector<16xf32>
        %parallel_loop3A_505 = arith.addf %parallel_loop3A_496, %parallel_loop3A_497 : vector<16xf32>
        %parallel_loop3A_506 = arith.addf %parallel_loop3A_498, %parallel_loop3A_499 : vector<16xf32>
        %parallel_loop3A_507 = arith.addf %parallel_loop3A_500, %parallel_loop3A_501 : vector<16xf32>
        %parallel_loop3A_508 = arith.addf %parallel_loop3A_502, %parallel_loop3A_503 : vector<16xf32>
        %parallel_loop3A_509 = arith.addf %parallel_loop3A_504, %parallel_loop3A_505 : vector<16xf32>
        %parallel_loop3A_510 = arith.addf %parallel_loop3A_506, %parallel_loop3A_507 : vector<16xf32>
        %parallel_loop3A_511 = arith.addf %parallel_loop3A_508, %parallel_loop3A_509 : vector<16xf32>
        %parallel_loop3A_512 = arith.addf %parallel_loop3A_510, %parallel_loop3A_511 : vector<16xf32>
        %parallel_loop3A_513 = tpu.bitcast %parallel_loop3A_512 : vector<16xf32> -> vector<16xi32>
        %parallel_loop3A_514 = arith.constant 1 : i32
        %parallel_loop3A_515 = vector.broadcast %parallel_loop3A_514 : i32 to vector<16xi32>
        %parallel_loop3A_516 = arith.shrsi %parallel_loop3A_513, %parallel_loop3A_515 : vector<16xi32>
        %parallel_loop3A_517 = arith.constant 1597463007 : i32
        %parallel_loop3A_518 = vector.broadcast %parallel_loop3A_517 : i32 to vector<16xi32>
        %parallel_loop3A_519 = arith.subi %parallel_loop3A_518, %parallel_loop3A_516 : vector<16xi32>
        %parallel_loop3A_520 = tpu.bitcast %parallel_loop3A_519 : vector<16xi32> -> vector<16xf32>
        %parallel_loop3A_521 = arith.constant 5.000000e-01 : f32
        %parallel_loop3A_522 = vector.broadcast %parallel_loop3A_521 : f32 to vector<16xf32>
        %parallel_loop3A_523 = arith.mulf %parallel_loop3A_522, %parallel_loop3A_512 : vector<16xf32>
        %parallel_loop3A_524 = arith.mulf %parallel_loop3A_523, %parallel_loop3A_520 : vector<16xf32>
        %parallel_loop3A_525 = arith.mulf %parallel_loop3A_524, %parallel_loop3A_520 : vector<16xf32>
        %parallel_loop3A_526 = arith.constant 1.500000e+00 : f32
        %parallel_loop3A_527 = vector.broadcast %parallel_loop3A_526 : f32 to vector<16xf32>
        %parallel_loop3A_528 = arith.subf %parallel_loop3A_527, %parallel_loop3A_525 : vector<16xf32>
        %parallel_loop3A_529 = arith.mulf %parallel_loop3A_520, %parallel_loop3A_528 : vector<16xf32>
        %parallel_loop3A_530 = arith.constant 5.000000e-01 : f32
        %parallel_loop3A_531 = vector.broadcast %parallel_loop3A_530 : f32 to vector<16xf32>
        %parallel_loop3A_532 = arith.mulf %parallel_loop3A_531, %parallel_loop3A_512 : vector<16xf32>
        %parallel_loop3A_533 = arith.mulf %parallel_loop3A_532, %parallel_loop3A_529 : vector<16xf32>
        %parallel_loop3A_534 = arith.mulf %parallel_loop3A_533, %parallel_loop3A_529 : vector<16xf32>
        %parallel_loop3A_535 = arith.constant 1.500000e+00 : f32
        %parallel_loop3A_536 = vector.broadcast %parallel_loop3A_535 : f32 to vector<16xf32>
        %parallel_loop3A_537 = arith.subf %parallel_loop3A_536, %parallel_loop3A_534 : vector<16xf32>
        %parallel_loop3A_538 = arith.mulf %parallel_loop3A_529, %parallel_loop3A_537 : vector<16xf32>
        %parallel_loop3A_539 = arith.mulf %parallel_loop3A_538, %parallel_loop3A_538 : vector<16xf32>
        %parallel_loop3A_540 = arith.constant 9.99999997E-7 : f32
        %parallel_loop3A_541 = vector.broadcast %parallel_loop3A_540 : f32 to vector<16xf32>
        %parallel_loop3A_542 = arith.mulf %parallel_loop3A_541, %parallel_loop3A_539 : vector<16xf32>
        %parallel_loop3A_543 = arith.subf %parallel_loop3A_538, %parallel_loop3A_542 : vector<16xf32>
        %parallel_loop3A_544 = arith.mulf %parallel_loop3A_512, %parallel_loop3A_543 : vector<16xf32>
        %parallel_loop3A_545 = arith.mulf %parallel_loop3A_544, %parallel_loop3A_543 : vector<16xf32>
        %parallel_loop3A_546 = arith.constant 16 : i32
        %parallel_loop3A_547 = vector.broadcast %parallel_loop3A_546 : i32 to vector<16xi32>
        %parallel_loop3A_548 = arith.muli %parallel_loop3A_257, %parallel_loop3A_547 : vector<16xi32>
        %parallel_loop3A_549 = vector.broadcast %mul3A_142 : i32 to vector<16xi32>
        %parallel_loop3A_550 = arith.addi %parallel_loop3A_549, %parallel_loop3A_548 : vector<16xi32>
        %parallel_loop3A_551 = arith.addi %parallel_loop3A_550, %iota3A : vector<16xi32>
        %parallel_loop3A_552 = arith.constant 0 : i32
        %parallel_loop3A_553 = vector.broadcast %parallel_loop3A_552 : i32 to vector<16xi32>
        %parallel_loop3A_554 = arith.addi %parallel_loop3A_551, %parallel_loop3A_553 : vector<16xi32>
        %parallel_loop3A_555 = arith.mulf %parallel_loop3A_263, %parallel_loop3A_543 : vector<16xf32>
        tpu.vector_store_idx %arg9[%parallel_loop3A_554], %parallel_loop3A_555 {add = true} : memref<36992xf32, #tpu.memory_space<vmem>>[vector<16xi32>], vector<16xf32>,
        %parallel_loop3A_556 = arith.constant 272 : i32
        %parallel_loop3A_557 = vector.broadcast %parallel_loop3A_556 : i32 to vector<16xi32>
        %parallel_loop3A_558 = arith.addi %parallel_loop3A_551, %parallel_loop3A_557 : vector<16xi32>
        %parallel_loop3A_559 = arith.mulf %parallel_loop3A_269, %parallel_loop3A_543 : vector<16xf32>
        tpu.vector_store_idx %arg9[%parallel_loop3A_558], %parallel_loop3A_559 {add = true} : memref<36992xf32, #tpu.memory_space<vmem>>[vector<16xi32>], vector<16xf32>,
        %parallel_loop3A_560 = arith.constant 544 : i32
        %parallel_loop3A_561 = vector.broadcast %parallel_loop3A_560 : i32 to vector<16xi32>
        %parallel_loop3A_562 = arith.addi %parallel_loop3A_551, %parallel_loop3A_561 : vector<16xi32>
        %parallel_loop3A_563 = arith.mulf %parallel_loop3A_275, %parallel_loop3A_543 : vector<16xf32>
        tpu.vector_store_idx %arg9[%parallel_loop3A_562], %parallel_loop3A_563 {add = true} : memref<36992xf32, #tpu.memory_space<vmem>>[vector<16xi32>], vector<16xf32>,
        %parallel_loop3A_564 = arith.constant 816 : i32
        %parallel_loop3A_565 = vector.broadcast %parallel_loop3A_564 : i32 to vector<16xi32>
        %parallel_loop3A_566 = arith.addi %parallel_loop3A_551, %parallel_loop3A_565 : vector<16xi32>
        %parallel_loop3A_567 = arith.mulf %parallel_loop3A_281, %parallel_loop3A_543 : vector<16xf32>
        tpu.vector_store_idx %arg9[%parallel_loop3A_566], %parallel_loop3A_567 {add = true} : memref<36992xf32, #tpu.memory_space<vmem>>[vector<16xi32>], vector<16xf32>,
        %parallel_loop3A_568 = arith.constant 1088 : i32
        %parallel_loop3A_569 = vector.broadcast %parallel_loop3A_568 : i32 to vector<16xi32>
        %parallel_loop3A_570 = arith.addi %parallel_loop3A_551, %parallel_loop3A_569 : vector<16xi32>
        %parallel_loop3A_571 = arith.mulf %parallel_loop3A_287, %parallel_loop3A_543 : vector<16xf32>
        tpu.vector_store_idx %arg9[%parallel_loop3A_570], %parallel_loop3A_571 {add = true} : memref<36992xf32, #tpu.memory_space<vmem>>[vector<16xi32>], vector<16xf32>,
        %parallel_loop3A_572 = arith.constant 1360 : i32
        %parallel_loop3A_573 = vector.broadcast %parallel_loop3A_572 : i32 to vector<16xi32>
        %parallel_loop3A_574 = arith.addi %parallel_loop3A_551, %parallel_loop3A_573 : vector<16xi32>
        %parallel_loop3A_575 = arith.mulf %parallel_loop3A_293, %parallel_loop3A_543 : vector<16xf32>
        tpu.vector_store_idx %arg9[%parallel_loop3A_574], %parallel_loop3A_575 {add = true} : memref<36992xf32, #tpu.memory_space<vmem>>[vector<16xi32>], vector<16xf32>,
        %parallel_loop3A_576 = arith.constant 1632 : i32
        %parallel_loop3A_577 = vector.broadcast %parallel_loop3A_576 : i32 to vector<16xi32>
        %parallel_loop3A_578 = arith.addi %parallel_loop3A_551, %parallel_loop3A_577 : vector<16xi32>
        %parallel_loop3A_579 = arith.mulf %parallel_loop3A_299, %parallel_loop3A_543 : vector<16xf32>
        tpu.vector_store_idx %arg9[%parallel_loop3A_578], %parallel_loop3A_579 {add = true} : memref<36992xf32, #tpu.memory_space<vmem>>[vector<16xi32>], vector<16xf32>,
        %parallel_loop3A_580 = arith.constant 1904 : i32
        %parallel_loop3A_581 = vector.broadcast %parallel_loop3A_580 : i32 to vector<16xi32>
        %parallel_loop3A_582 = arith.addi %parallel_loop3A_551, %parallel_loop3A_581 : vector<16xi32>
        %parallel_loop3A_583 = arith.mulf %parallel_loop3A_305, %parallel_loop3A_543 : vector<16xf32>
        tpu.vector_store_idx %arg9[%parallel_loop3A_582], %parallel_loop3A_583 {add = true} : memref<36992xf32, #tpu.memory_space<vmem>>[vector<16xi32>], vector<16xf32>,
        %parallel_loop3A_584 = arith.constant 2176 : i32
        %parallel_loop3A_585 = vector.broadcast %parallel_loop3A_584 : i32 to vector<16xi32>
        %parallel_loop3A_586 = arith.addi %parallel_loop3A_551, %parallel_loop3A_585 : vector<16xi32>
        %parallel_loop3A_587 = arith.mulf %parallel_loop3A_311, %parallel_loop3A_543 : vector<16xf32>
        tpu.vector_store_idx %arg9[%parallel_loop3A_586], %parallel_loop3A_587 {add = true} : memref<36992xf32, #tpu.memory_space<vmem>>[vector<16xi32>], vector<16xf32>,
        %parallel_loop3A_588 = arith.constant 2448 : i32
        %parallel_loop3A_589 = vector.broadcast %parallel_loop3A_588 : i32 to vector<16xi32>
        %parallel_loop3A_590 = arith.addi %parallel_loop3A_551, %parallel_loop3A_589 : vector<16xi32>
        %parallel_loop3A_591 = arith.mulf %parallel_loop3A_317, %parallel_loop3A_543 : vector<16xf32>
        tpu.vector_store_idx %arg9[%parallel_loop3A_590], %parallel_loop3A_591 {add = true} : memref<36992xf32, #tpu.memory_space<vmem>>[vector<16xi32>], vector<16xf32>,
        %parallel_loop3A_592 = arith.constant 2720 : i32
        %parallel_loop3A_593 = vector.broadcast %parallel_loop3A_592 : i32 to vector<16xi32>
        %parallel_loop3A_594 = arith.addi %parallel_loop3A_551, %parallel_loop3A_593 : vector<16xi32>
        %parallel_loop3A_595 = arith.mulf %parallel_loop3A_323, %parallel_loop3A_543 : vector<16xf32>
        tpu.vector_store_idx %arg9[%parallel_loop3A_594], %parallel_loop3A_595 {add = true} : memref<36992xf32, #tpu.memory_space<vmem>>[vector<16xi32>], vector<16xf32>,
        %parallel_loop3A_596 = arith.constant 2992 : i32
        %parallel_loop3A_597 = vector.broadcast %parallel_loop3A_596 : i32 to vector<16xi32>
        %parallel_loop3A_598 = arith.addi %parallel_loop3A_551, %parallel_loop3A_597 : vector<16xi32>
        %parallel_loop3A_599 = arith.mulf %parallel_loop3A_329, %parallel_loop3A_543 : vector<16xf32>
        tpu.vector_store_idx %arg9[%parallel_loop3A_598], %parallel_loop3A_599 {add = true} : memref<36992xf32, #tpu.memory_space<vmem>>[vector<16xi32>], vector<16xf32>,
        %parallel_loop3A_600 = arith.constant 3264 : i32
        %parallel_loop3A_601 = vector.broadcast %parallel_loop3A_600 : i32 to vector<16xi32>
        %parallel_loop3A_602 = arith.addi %parallel_loop3A_551, %parallel_loop3A_601 : vector<16xi32>
        %parallel_loop3A_603 = arith.mulf %parallel_loop3A_335, %parallel_loop3A_543 : vector<16xf32>
        tpu.vector_store_idx %arg9[%parallel_loop3A_602], %parallel_loop3A_603 {add = true} : memref<36992xf32, #tpu.memory_space<vmem>>[vector<16xi32>], vector<16xf32>,
        %parallel_loop3A_604 = arith.constant 3536 : i32
        %parallel_loop3A_605 = vector.broadcast %parallel_loop3A_604 : i32 to vector<16xi32>
        %parallel_loop3A_606 = arith.addi %parallel_loop3A_551, %parallel_loop3A_605 : vector<16xi32>
        %parallel_loop3A_607 = arith.mulf %parallel_loop3A_341, %parallel_loop3A_543 : vector<16xf32>
        tpu.vector_store_idx %arg9[%parallel_loop3A_606], %parallel_loop3A_607 {add = true} : memref<36992xf32, #tpu.memory_space<vmem>>[vector<16xi32>], vector<16xf32>,
        %parallel_loop3A_608 = arith.constant 3808 : i32
        %parallel_loop3A_609 = vector.broadcast %parallel_loop3A_608 : i32 to vector<16xi32>
        %parallel_loop3A_610 = arith.addi %parallel_loop3A_551, %parallel_loop3A_609 : vector<16xi32>
        %parallel_loop3A_611 = arith.mulf %parallel_loop3A_347, %parallel_loop3A_543 : vector<16xf32>
        tpu.vector_store_idx %arg9[%parallel_loop3A_610], %parallel_loop3A_611 {add = true} : memref<36992xf32, #tpu.memory_space<vmem>>[vector<16xi32>], vector<16xf32>,
        %parallel_loop3A_612 = arith.constant 4080 : i32
        %parallel_loop3A_613 = vector.broadcast %parallel_loop3A_612 : i32 to vector<16xi32>
        %parallel_loop3A_614 = arith.addi %parallel_loop3A_551, %parallel_loop3A_613 : vector<16xi32>
        %parallel_loop3A_615 = arith.mulf %parallel_loop3A_353, %parallel_loop3A_543 : vector<16xf32>
        tpu.vector_store_idx %arg9[%parallel_loop3A_614], %parallel_loop3A_615 {add = true} : memref<36992xf32, #tpu.memory_space<vmem>>[vector<16xi32>], vector<16xf32>,
        %parallel_loop3A_616 = arith.constant 4352 : i32
        %parallel_loop3A_617 = vector.broadcast %parallel_loop3A_616 : i32 to vector<16xi32>
        %parallel_loop3A_618 = arith.addi %parallel_loop3A_551, %parallel_loop3A_617 : vector<16xi32>
        %parallel_loop3A_619 = arith.mulf %parallel_loop3A_359, %parallel_loop3A_543 : vector<16xf32>
        tpu.vector_store_idx %arg9[%parallel_loop3A_618], %parallel_loop3A_619 {add = true} : memref<36992xf32, #tpu.memory_space<vmem>>[vector<16xi32>], vector<16xf32>,
        %parallel_loop3A_620 = arith.constant 4624 : i32
        %parallel_loop3A_621 = vector.broadcast %parallel_loop3A_620 : i32 to vector<16xi32>
        %parallel_loop3A_622 = arith.addi %parallel_loop3A_551, %parallel_loop3A_621 : vector<16xi32>
        %parallel_loop3A_623 = arith.mulf %parallel_loop3A_365, %parallel_loop3A_543 : vector<16xf32>
        tpu.vector_store_idx %arg9[%parallel_loop3A_622], %parallel_loop3A_623 {add = true} : memref<36992xf32, #tpu.memory_space<vmem>>[vector<16xi32>], vector<16xf32>,
        %parallel_loop3A_624 = arith.constant 4896 : i32
        %parallel_loop3A_625 = vector.broadcast %parallel_loop3A_624 : i32 to vector<16xi32>
        %parallel_loop3A_626 = arith.addi %parallel_loop3A_551, %parallel_loop3A_625 : vector<16xi32>
        %parallel_loop3A_627 = arith.mulf %parallel_loop3A_371, %parallel_loop3A_543 : vector<16xf32>
        tpu.vector_store_idx %arg9[%parallel_loop3A_626], %parallel_loop3A_627 {add = true} : memref<36992xf32, #tpu.memory_space<vmem>>[vector<16xi32>], vector<16xf32>,
        %parallel_loop3A_628 = arith.constant 5168 : i32
        %parallel_loop3A_629 = vector.broadcast %parallel_loop3A_628 : i32 to vector<16xi32>
        %parallel_loop3A_630 = arith.addi %parallel_loop3A_551, %parallel_loop3A_629 : vector<16xi32>
        %parallel_loop3A_631 = arith.mulf %parallel_loop3A_377, %parallel_loop3A_543 : vector<16xf32>
        tpu.vector_store_idx %arg9[%parallel_loop3A_630], %parallel_loop3A_631 {add = true} : memref<36992xf32, #tpu.memory_space<vmem>>[vector<16xi32>], vector<16xf32>,
        %parallel_loop3A_632 = arith.constant 5440 : i32
        %parallel_loop3A_633 = vector.broadcast %parallel_loop3A_632 : i32 to vector<16xi32>
        %parallel_loop3A_634 = arith.addi %parallel_loop3A_551, %parallel_loop3A_633 : vector<16xi32>
        %parallel_loop3A_635 = arith.mulf %parallel_loop3A_383, %parallel_loop3A_543 : vector<16xf32>
        tpu.vector_store_idx %arg9[%parallel_loop3A_634], %parallel_loop3A_635 {add = true} : memref<36992xf32, #tpu.memory_space<vmem>>[vector<16xi32>], vector<16xf32>,
        %parallel_loop3A_636 = arith.constant 5712 : i32
        %parallel_loop3A_637 = vector.broadcast %parallel_loop3A_636 : i32 to vector<16xi32>
        %parallel_loop3A_638 = arith.addi %parallel_loop3A_551, %parallel_loop3A_637 : vector<16xi32>
        %parallel_loop3A_639 = arith.mulf %parallel_loop3A_389, %parallel_loop3A_543 : vector<16xf32>
        tpu.vector_store_idx %arg9[%parallel_loop3A_638], %parallel_loop3A_639 {add = true} : memref<36992xf32, #tpu.memory_space<vmem>>[vector<16xi32>], vector<16xf32>,
        %parallel_loop3A_640 = arith.constant 5984 : i32
        %parallel_loop3A_641 = vector.broadcast %parallel_loop3A_640 : i32 to vector<16xi32>
        %parallel_loop3A_642 = arith.addi %parallel_loop3A_551, %parallel_loop3A_641 : vector<16xi32>
        %parallel_loop3A_643 = arith.mulf %parallel_loop3A_395, %parallel_loop3A_543 : vector<16xf32>
        tpu.vector_store_idx %arg9[%parallel_loop3A_642], %parallel_loop3A_643 {add = true} : memref<36992xf32, #tpu.memory_space<vmem>>[vector<16xi32>], vector<16xf32>,
        %parallel_loop3A_644 = arith.constant 6256 : i32
        %parallel_loop3A_645 = vector.broadcast %parallel_loop3A_644 : i32 to vector<16xi32>
        %parallel_loop3A_646 = arith.addi %parallel_loop3A_551, %parallel_loop3A_645 : vector<16xi32>
        %parallel_loop3A_647 = arith.mulf %parallel_loop3A_401, %parallel_loop3A_543 : vector<16xf32>
        tpu.vector_store_idx %arg9[%parallel_loop3A_646], %parallel_loop3A_647 {add = true} : memref<36992xf32, #tpu.memory_space<vmem>>[vector<16xi32>], vector<16xf32>,
        %parallel_loop3A_648 = arith.constant 6528 : i32
        %parallel_loop3A_649 = vector.broadcast %parallel_loop3A_648 : i32 to vector<16xi32>
        %parallel_loop3A_650 = arith.addi %parallel_loop3A_551, %parallel_loop3A_649 : vector<16xi32>
        %parallel_loop3A_651 = arith.mulf %parallel_loop3A_407, %parallel_loop3A_543 : vector<16xf32>
        tpu.vector_store_idx %arg9[%parallel_loop3A_650], %parallel_loop3A_651 {add = true} : memref<36992xf32, #tpu.memory_space<vmem>>[vector<16xi32>], vector<16xf32>,
        %parallel_loop3A_652 = arith.constant 6800 : i32
        %parallel_loop3A_653 = vector.broadcast %parallel_loop3A_652 : i32 to vector<16xi32>
        %parallel_loop3A_654 = arith.addi %parallel_loop3A_551, %parallel_loop3A_653 : vector<16xi32>
        %parallel_loop3A_655 = arith.mulf %parallel_loop3A_413, %parallel_loop3A_543 : vector<16xf32>
        tpu.vector_store_idx %arg9[%parallel_loop3A_654], %parallel_loop3A_655 {add = true} : memref<36992xf32, #tpu.memory_space<vmem>>[vector<16xi32>], vector<16xf32>,
        %parallel_loop3A_656 = arith.constant 7072 : i32
        %parallel_loop3A_657 = vector.broadcast %parallel_loop3A_656 : i32 to vector<16xi32>
        %parallel_loop3A_658 = arith.addi %parallel_loop3A_551, %parallel_loop3A_657 : vector<16xi32>
        %parallel_loop3A_659 = arith.mulf %parallel_loop3A_419, %parallel_loop3A_543 : vector<16xf32>
        tpu.vector_store_idx %arg9[%parallel_loop3A_658], %parallel_loop3A_659 {add = true} : memref<36992xf32, #tpu.memory_space<vmem>>[vector<16xi32>], vector<16xf32>,
        %parallel_loop3A_660 = arith.constant 7344 : i32
        %parallel_loop3A_661 = vector.broadcast %parallel_loop3A_660 : i32 to vector<16xi32>
        %parallel_loop3A_662 = arith.addi %parallel_loop3A_551, %parallel_loop3A_661 : vector<16xi32>
        %parallel_loop3A_663 = arith.mulf %parallel_loop3A_425, %parallel_loop3A_543 : vector<16xf32>
        tpu.vector_store_idx %arg9[%parallel_loop3A_662], %parallel_loop3A_663 {add = true} : memref<36992xf32, #tpu.memory_space<vmem>>[vector<16xi32>], vector<16xf32>,
        %parallel_loop3A_664 = arith.constant 7616 : i32
        %parallel_loop3A_665 = vector.broadcast %parallel_loop3A_664 : i32 to vector<16xi32>
        %parallel_loop3A_666 = arith.addi %parallel_loop3A_551, %parallel_loop3A_665 : vector<16xi32>
        %parallel_loop3A_667 = arith.mulf %parallel_loop3A_431, %parallel_loop3A_543 : vector<16xf32>
        tpu.vector_store_idx %arg9[%parallel_loop3A_666], %parallel_loop3A_667 {add = true} : memref<36992xf32, #tpu.memory_space<vmem>>[vector<16xi32>], vector<16xf32>,
        %parallel_loop3A_668 = arith.constant 7888 : i32
        %parallel_loop3A_669 = vector.broadcast %parallel_loop3A_668 : i32 to vector<16xi32>
        %parallel_loop3A_670 = arith.addi %parallel_loop3A_551, %parallel_loop3A_669 : vector<16xi32>
        %parallel_loop3A_671 = arith.mulf %parallel_loop3A_437, %parallel_loop3A_543 : vector<16xf32>
        tpu.vector_store_idx %arg9[%parallel_loop3A_670], %parallel_loop3A_671 {add = true} : memref<36992xf32, #tpu.memory_space<vmem>>[vector<16xi32>], vector<16xf32>,
        %parallel_loop3A_672 = arith.constant 8160 : i32
        %parallel_loop3A_673 = vector.broadcast %parallel_loop3A_672 : i32 to vector<16xi32>
        %parallel_loop3A_674 = arith.addi %parallel_loop3A_551, %parallel_loop3A_673 : vector<16xi32>
        %parallel_loop3A_675 = arith.mulf %parallel_loop3A_443, %parallel_loop3A_543 : vector<16xf32>
        tpu.vector_store_idx %arg9[%parallel_loop3A_674], %parallel_loop3A_675 {add = true} : memref<36992xf32, #tpu.memory_space<vmem>>[vector<16xi32>], vector<16xf32>,
        %parallel_loop3A_676 = arith.constant 8432 : i32
        %parallel_loop3A_677 = vector.broadcast %parallel_loop3A_676 : i32 to vector<16xi32>
        %parallel_loop3A_678 = arith.addi %parallel_loop3A_551, %parallel_loop3A_677 : vector<16xi32>
        %parallel_loop3A_679 = arith.mulf %parallel_loop3A_449, %parallel_loop3A_543 : vector<16xf32>
        tpu.vector_store_idx %arg9[%parallel_loop3A_678], %parallel_loop3A_679 {add = true} : memref<36992xf32, #tpu.memory_space<vmem>>[vector<16xi32>], vector<16xf32>,
        %parallel_loop3A_680 = arith.constant 8704 : i32
        %parallel_loop3A_681 = vector.broadcast %parallel_loop3A_680 : i32 to vector<16xi32>
        %parallel_loop3A_682 = arith.addi %parallel_loop3A_551, %parallel_loop3A_681 : vector<16xi32>
        %parallel_loop3A_683 = arith.constant 1.000000e+00 : f32
        %parallel_loop3A_684 = vector.broadcast %parallel_loop3A_683 : f32 to vector<16xf32>
        tpu.vector_store_idx %arg9[%parallel_loop3A_682], %parallel_loop3A_684 {add = true} : memref<36992xf32, #tpu.memory_space<vmem>>[vector<16xi32>], vector<16xf32>,
        %parallel_loop3A_685 = arith.constant 8976 : i32
        %parallel_loop3A_686 = vector.broadcast %parallel_loop3A_685 : i32 to vector<16xi32>
        %parallel_loop3A_687 = arith.addi %parallel_loop3A_551, %parallel_loop3A_686 : vector<16xi32>
        tpu.vector_store_idx %arg9[%parallel_loop3A_687], %parallel_loop3A_545 {add = true} : memref<36992xf32, #tpu.memory_space<vmem>>[vector<16xi32>], vector<16xf32>,
      } {sc.loop_unroll_factor = 4 : i64, sc.parallel_access}
      %mul3A_146 = arith.constant 2 : i32
      %mul3A_147 = arith.muli %mul3A_146, %scan3A_62 : i32
      %add3A_148 = arith.constant 1 : i32
      %add3A_149 = arith.addi %mul3A_147, %add3A_148 : i32
      %add3A_150 = arith.constant 1 : i32
      %add3A_151 = arith.addi %add3A_149, %add3A_150 : i32
      %lt3A_152 = arith.constant 12 : i32
      %lt3A_153 = arith.cmpi slt, %add3A_151, %lt3A_152 : i32
      %convert_element_type3A_154 = arith.extui %lt3A_153 : i1 to i32
      %cond3A_155 = arith.constant 0 : i32
      %cond3A_156 = arith.cmpi ne, %convert_element_type3A_154, %cond3A_155 : i32
      scf.if %cond3A_156 {
        %jit3A_241 = arith.constant 3 : i32
        %div3A_242 = arith.divsi %add3A_151, %jit3A_241 : i32
        %sign3A_243 = arith.constant 0 : i32
        %sign3A_244 = arith.cmpi sgt, %add3A_151, %sign3A_243 : i32
        %sign3A_245 = arith.extui %sign3A_244 : i1 to i32
        %sign3A_246 = arith.constant 0 : i32
        %sign3A_247 = arith.cmpi slt, %add3A_151, %sign3A_246 : i32
        %sign3A_248 = arith.extui %sign3A_247 : i1 to i32
        %sign3A_249 = arith.subi %sign3A_245, %sign3A_248 : i32
        %sign3A_250 = arith.constant 0 : i32
        %sign3A_251 = arith.cmpi sgt, %jit3A_241, %sign3A_250 : i32
        %sign3A_252 = arith.extui %sign3A_251 : i1 to i32
        %sign3A_253 = arith.constant 0 : i32
        %sign3A_254 = arith.cmpi slt, %jit3A_241, %sign3A_253 : i32
        %sign3A_255 = arith.extui %sign3A_254 : i1 to i32
        %sign3A_256 = arith.subi %sign3A_252, %sign3A_255 : i32
        %ne3A_257 = arith.cmpi ne, %sign3A_249, %sign3A_256 : i32
        %rem3A_258 = arith.remsi %add3A_151, %jit3A_241 : i32
        %ne3A_259 = arith.constant 0 : i32
        %ne3A_260 = arith.cmpi ne, %rem3A_258, %ne3A_259 : i32
        %and3A_261 = arith.andi %ne3A_257, %ne3A_260 : i1
        %sub3A_262 = arith.constant 1 : i32
        %sub3A_263 = arith.subi %div3A_242, %sub3A_262 : i32
        %select_n3A_264 = arith.select %and3A_261, %sub3A_263, %div3A_242 : i32
        %mul3A_265 = arith.constant 2304 : i32
        %mul3A_266 = arith.muli %add3A, %mul3A_265 : i32
        %add3A_267 = arith.constant 73728 : i32
        %add3A_268 = arith.addi %add3A_267, %mul3A_266 : i32
        %jit3A_269 = arith.constant 3 : i32
        %eq3A = arith.constant 0 : i32
        %eq3A_270 = arith.cmpi eq, %jit3A_269, %eq3A : i32
        %jit3A_271 = arith.constant 1 : i32
        %select_n3A_272 = arith.select %eq3A_270, %jit3A_271, %jit3A_269 : i32
        %rem3A_273 = arith.remsi %add3A_151, %select_n3A_272 : i32
        %ne3A_274 = arith.constant 0 : i32
        %ne3A_275 = arith.cmpi ne, %rem3A_273, %ne3A_274 : i32
        %lt3A_276 = arith.constant 0 : i32
        %lt3A_277 = arith.cmpi slt, %rem3A_273, %lt3A_276 : i32
        %lt3A_278 = arith.constant 0 : i32
        %lt3A_279 = arith.cmpi slt, %select_n3A_272, %lt3A_278 : i32
        %ne3A_280 = arith.xori %lt3A_277, %lt3A_279 : i1
        %and3A_281 = arith.andi %ne3A_280, %ne3A_275 : i1
        %add3A_282 = arith.addi %rem3A_273, %select_n3A_272 : i32
        %select_n3A_283 = arith.select %and3A_281, %add3A_282, %rem3A_273 : i32
        %mul3A_284 = arith.constant 768 : i32
        %mul3A_285 = arith.muli %select_n3A_283, %mul3A_284 : i32
        %add3A_286 = arith.addi %add3A_268, %mul3A_285 : i32
        %dma_start3A_287 = arith.constant 0 : i32
        %dma_start3A_288 = arith.constant 0 : i32
        %dma_start3A_289 = arith.constant 0 : i32
        %dma_start3A_290 = arith.constant 0 : i32
        %dma_start3A_291 = tpu.memref_slice %arg6[%dma_start3A_287, %dma_start3A_289, %dma_start3A_290] : memref<2x32x768xf32, #tpu.memory_space<vmem>> -> memref<1x32x768xf32, #tpu.memory_space<vmem>>
        %dma_start3A_292 = tpu.memref_squeeze %dma_start3A_291 : memref<1x32x768xf32, #tpu.memory_space<vmem>> -> memref<32x768xf32, #tpu.memory_space<vmem>>
        %dma_start3A_293 = arith.constant 0 : i32
        %dma_start3A_294 = tpu.memref_slice %arg2[%select_n3A_264, %dma_start3A_293, %add3A_286] : memref<4x32x147456xf32, #tpu.memory_space<hbm>> -> memref<1x32x768xf32, #tpu.memory_space<hbm>>
        %dma_start3A_295 = tpu.memref_squeeze %dma_start3A_294 : memref<1x32x768xf32, #tpu.memory_space<hbm>> -> memref<32x768xf32, #tpu.memory_space<hbm>>
        %dma_start3A_296 = tpu.memref_slice %arg10[%dma_start3A_288] : memref<2x!tpu.dma_semaphore, #tpu.memory_space<semaphore_mem>> -> memref<1x!tpu.dma_semaphore, #tpu.memory_space<semaphore_mem>>
        %dma_start3A_297 = tpu.memref_squeeze %dma_start3A_296 : memref<1x!tpu.dma_semaphore, #tpu.memory_space<semaphore_mem>> -> memref<!tpu.dma_semaphore, #tpu.memory_space<semaphore_mem>>
        %dma_start3A_298 = arith.constant 0 : i32
        %dma_start3A_299 = arith.constant 0 : i32
        %dma_start3A_300 = tpu.memref_slice %arg6[%dma_start3A_287, %dma_start3A_298, %dma_start3A_299] : memref<2x32x768xf32, #tpu.memory_space<vmem>> -> memref<1x32x768xf32, #tpu.memory_space<vmem>>
        %dma_start3A_301 = tpu.memref_squeeze %dma_start3A_300 : memref<1x32x768xf32, #tpu.memory_space<vmem>> -> memref<32x768xf32, #tpu.memory_space<vmem>>
        %dma_start3A_302 = arith.constant 0 : i32
        %dma_start3A_303 = tpu.memref_slice %arg2[%select_n3A_264, %dma_start3A_302, %add3A_286] : memref<4x32x147456xf32, #tpu.memory_space<hbm>> -> memref<1x32x768xf32, #tpu.memory_space<hbm>>
        %dma_start3A_304 = tpu.memref_squeeze %dma_start3A_303 : memref<1x32x768xf32, #tpu.memory_space<hbm>> -> memref<32x768xf32, #tpu.memory_space<hbm>>
        tpu.enqueue_dma source(%dma_start3A_304 : memref<32x768xf32, #tpu.memory_space<hbm>>) target(%dma_start3A_301 : memref<32x768xf32, #tpu.memory_space<vmem>>) target_semaphore(%dma_start3A_297 : memref<!tpu.dma_semaphore, #tpu.memory_space<semaphore_mem>>)
        %dma_start3A_305 = arith.constant 0 : i32
        %dma_start3A_306 = arith.constant 0 : i32
        %dma_start3A_307 = arith.constant 0 : i32
        %dma_start3A_308 = tpu.memref_slice %arg7[%dma_start3A_305, %dma_start3A_307] : memref<2x768xi32, #tpu.memory_space<vmem>> -> memref<1x768xi32, #tpu.memory_space<vmem>>
        %dma_start3A_309 = tpu.memref_squeeze %dma_start3A_308 : memref<1x768xi32, #tpu.memory_space<vmem>> -> memref<768xi32, #tpu.memory_space<vmem>>
        %dma_start3A_310 = tpu.memref_slice %arg3[%select_n3A_264, %add3A_286] : memref<4x147456xi32, #tpu.memory_space<hbm>> -> memref<1x768xi32, #tpu.memory_space<hbm>>
        %dma_start3A_311 = tpu.memref_squeeze %dma_start3A_310 : memref<1x768xi32, #tpu.memory_space<hbm>> -> memref<768xi32, #tpu.memory_space<hbm>>
        %dma_start3A_312 = tpu.memref_slice %arg11[%dma_start3A_306] : memref<2x!tpu.dma_semaphore, #tpu.memory_space<semaphore_mem>> -> memref<1x!tpu.dma_semaphore, #tpu.memory_space<semaphore_mem>>
        %dma_start3A_313 = tpu.memref_squeeze %dma_start3A_312 : memref<1x!tpu.dma_semaphore, #tpu.memory_space<semaphore_mem>> -> memref<!tpu.dma_semaphore, #tpu.memory_space<semaphore_mem>>
        %dma_start3A_314 = arith.constant 0 : i32
        %dma_start3A_315 = tpu.memref_slice %arg7[%dma_start3A_305, %dma_start3A_314] : memref<2x768xi32, #tpu.memory_space<vmem>> -> memref<1x768xi32, #tpu.memory_space<vmem>>
        %dma_start3A_316 = tpu.memref_squeeze %dma_start3A_315 : memref<1x768xi32, #tpu.memory_space<vmem>> -> memref<768xi32, #tpu.memory_space<vmem>>
        %dma_start3A_317 = tpu.memref_slice %arg3[%select_n3A_264, %add3A_286] : memref<4x147456xi32, #tpu.memory_space<hbm>> -> memref<1x768xi32, #tpu.memory_space<hbm>>
        %dma_start3A_318 = tpu.memref_squeeze %dma_start3A_317 : memref<1x768xi32, #tpu.memory_space<hbm>> -> memref<768xi32, #tpu.memory_space<hbm>>
        tpu.enqueue_dma source(%dma_start3A_318 : memref<768xi32, #tpu.memory_space<hbm>>) target(%dma_start3A_316 : memref<768xi32, #tpu.memory_space<vmem>>) target_semaphore(%dma_start3A_313 : memref<!tpu.dma_semaphore, #tpu.memory_space<semaphore_mem>>)
        %dma_start3A_319 = arith.constant 0 : i32
        %dma_start3A_320 = arith.constant 0 : i32
        %dma_start3A_321 = arith.constant 0 : i32
        %dma_start3A_322 = tpu.memref_slice %arg8[%dma_start3A_319, %dma_start3A_321] : memref<2x768xi32, #tpu.memory_space<vmem>> -> memref<1x768xi32, #tpu.memory_space<vmem>>
        %dma_start3A_323 = tpu.memref_squeeze %dma_start3A_322 : memref<1x768xi32, #tpu.memory_space<vmem>> -> memref<768xi32, #tpu.memory_space<vmem>>
        %dma_start3A_324 = tpu.memref_slice %arg4[%select_n3A_264, %add3A_286] : memref<4x147456xi32, #tpu.memory_space<hbm>> -> memref<1x768xi32, #tpu.memory_space<hbm>>
        %dma_start3A_325 = tpu.memref_squeeze %dma_start3A_324 : memref<1x768xi32, #tpu.memory_space<hbm>> -> memref<768xi32, #tpu.memory_space<hbm>>
        %dma_start3A_326 = tpu.memref_slice %arg12[%dma_start3A_320] : memref<2x!tpu.dma_semaphore, #tpu.memory_space<semaphore_mem>> -> memref<1x!tpu.dma_semaphore, #tpu.memory_space<semaphore_mem>>
        %dma_start3A_327 = tpu.memref_squeeze %dma_start3A_326 : memref<1x!tpu.dma_semaphore, #tpu.memory_space<semaphore_mem>> -> memref<!tpu.dma_semaphore, #tpu.memory_space<semaphore_mem>>
        %dma_start3A_328 = arith.constant 0 : i32
        %dma_start3A_329 = tpu.memref_slice %arg8[%dma_start3A_319, %dma_start3A_328] : memref<2x768xi32, #tpu.memory_space<vmem>> -> memref<1x768xi32, #tpu.memory_space<vmem>>
        %dma_start3A_330 = tpu.memref_squeeze %dma_start3A_329 : memref<1x768xi32, #tpu.memory_space<vmem>> -> memref<768xi32, #tpu.memory_space<vmem>>
        %dma_start3A_331 = tpu.memref_slice %arg4[%select_n3A_264, %add3A_286] : memref<4x147456xi32, #tpu.memory_space<hbm>> -> memref<1x768xi32, #tpu.memory_space<hbm>>
        %dma_start3A_332 = tpu.memref_squeeze %dma_start3A_331 : memref<1x768xi32, #tpu.memory_space<hbm>> -> memref<768xi32, #tpu.memory_space<hbm>>
        tpu.enqueue_dma source(%dma_start3A_332 : memref<768xi32, #tpu.memory_space<hbm>>) target(%dma_start3A_330 : memref<768xi32, #tpu.memory_space<vmem>>) target_semaphore(%dma_start3A_327 : memref<!tpu.dma_semaphore, #tpu.memory_space<semaphore_mem>>)
      } else {
      }
      %dma_wait3A_157 = arith.constant 0 : i32
      %dma_wait3A_158 = arith.constant 1 : i32
      %dma_wait3A_159 = arith.constant 1 : i32
      %dma_wait3A_160 = arith.constant 0 : i32
      %dma_wait3A_161 = arith.constant 0 : i32
      %dma_wait3A_162 = tpu.memref_slice %arg6[%dma_wait3A_158, %dma_wait3A_160, %dma_wait3A_161] : memref<2x32x768xf32, #tpu.memory_space<vmem>> -> memref<1x32x768xf32, #tpu.memory_space<vmem>>
      %dma_wait3A_163 = tpu.memref_squeeze %dma_wait3A_162 : memref<1x32x768xf32, #tpu.memory_space<vmem>> -> memref<32x768xf32, #tpu.memory_space<vmem>>
      %dma_wait3A_164 = arith.constant 0 : i32
      %dma_wait3A_165 = arith.constant 0 : i32
      %dma_wait3A_166 = tpu.memref_slice %arg2[%dma_wait3A_157, %dma_wait3A_164, %dma_wait3A_165] : memref<4x32x147456xf32, #tpu.memory_space<hbm>> -> memref<1x32x768xf32, #tpu.memory_space<hbm>>
      %dma_wait3A_167 = tpu.memref_squeeze %dma_wait3A_166 : memref<1x32x768xf32, #tpu.memory_space<hbm>> -> memref<32x768xf32, #tpu.memory_space<hbm>>
      %dma_wait3A_168 = tpu.memref_slice %arg10[%dma_wait3A_159] : memref<2x!tpu.dma_semaphore, #tpu.memory_space<semaphore_mem>> -> memref<1x!tpu.dma_semaphore, #tpu.memory_space<semaphore_mem>>
      %dma_wait3A_169 = tpu.memref_squeeze %dma_wait3A_168 : memref<1x!tpu.dma_semaphore, #tpu.memory_space<semaphore_mem>> -> memref<!tpu.dma_semaphore, #tpu.memory_space<semaphore_mem>>
      %dma_wait3A_170 = arith.constant 0 : i32
      %dma_wait3A_171 = arith.constant 0 : i32
      %dma_wait3A_172 = tpu.memref_slice %arg6[%dma_wait3A_158, %dma_wait3A_170, %dma_wait3A_171] : memref<2x32x768xf32, #tpu.memory_space<vmem>> -> memref<1x32x768xf32, #tpu.memory_space<vmem>>
      %dma_wait3A_173 = tpu.memref_squeeze %dma_wait3A_172 : memref<1x32x768xf32, #tpu.memory_space<vmem>> -> memref<32x768xf32, #tpu.memory_space<vmem>>
      %dma_wait3A_174 = arith.constant 0 : i32
      %dma_wait3A_175 = arith.constant 0 : i32
      %dma_wait3A_176 = tpu.memref_slice %arg2[%dma_wait3A_157, %dma_wait3A_174, %dma_wait3A_175] : memref<4x32x147456xf32, #tpu.memory_space<hbm>> -> memref<1x32x768xf32, #tpu.memory_space<hbm>>
      %dma_wait3A_177 = tpu.memref_squeeze %dma_wait3A_176 : memref<1x32x768xf32, #tpu.memory_space<hbm>> -> memref<32x768xf32, #tpu.memory_space<hbm>>
      tpu.wait_dma2 semaphore(%dma_wait3A_169 : memref<!tpu.dma_semaphore, #tpu.memory_space<semaphore_mem>>) src(%dma_wait3A_177 : memref<32x768xf32, #tpu.memory_space<hbm>>) dst(%dma_wait3A_173 : memref<32x768xf32, #tpu.memory_space<vmem>>)
      %dma_wait3A_178 = arith.constant 0 : i32
      %dma_wait3A_179 = arith.constant 1 : i32
      %dma_wait3A_180 = arith.constant 1 : i32
      %dma_wait3A_181 = arith.constant 0 : i32
      %dma_wait3A_182 = tpu.memref_slice %arg7[%dma_wait3A_179, %dma_wait3A_181] : memref<2x768xi32, #tpu.memory_space<vmem>> -> memref<1x768xi32, #tpu.memory_space<vmem>>
      %dma_wait3A_183 = tpu.memref_squeeze %dma_wait3A_182 : memref<1x768xi32, #tpu.memory_space<vmem>> -> memref<768xi32, #tpu.memory_space<vmem>>
      %dma_wait3A_184 = arith.constant 0 : i32
      %dma_wait3A_185 = tpu.memref_slice %arg3[%dma_wait3A_178, %dma_wait3A_184] : memref<4x147456xi32, #tpu.memory_space<hbm>> -> memref<1x768xi32, #tpu.memory_space<hbm>>
      %dma_wait3A_186 = tpu.memref_squeeze %dma_wait3A_185 : memref<1x768xi32, #tpu.memory_space<hbm>> -> memref<768xi32, #tpu.memory_space<hbm>>
      %dma_wait3A_187 = tpu.memref_slice %arg11[%dma_wait3A_180] : memref<2x!tpu.dma_semaphore, #tpu.memory_space<semaphore_mem>> -> memref<1x!tpu.dma_semaphore, #tpu.memory_space<semaphore_mem>>
      %dma_wait3A_188 = tpu.memref_squeeze %dma_wait3A_187 : memref<1x!tpu.dma_semaphore, #tpu.memory_space<semaphore_mem>> -> memref<!tpu.dma_semaphore, #tpu.memory_space<semaphore_mem>>
      %dma_wait3A_189 = arith.constant 0 : i32
      %dma_wait3A_190 = tpu.memref_slice %arg7[%dma_wait3A_179, %dma_wait3A_189] : memref<2x768xi32, #tpu.memory_space<vmem>> -> memref<1x768xi32, #tpu.memory_space<vmem>>
      %dma_wait3A_191 = tpu.memref_squeeze %dma_wait3A_190 : memref<1x768xi32, #tpu.memory_space<vmem>> -> memref<768xi32, #tpu.memory_space<vmem>>
      %dma_wait3A_192 = arith.constant 0 : i32
      %dma_wait3A_193 = tpu.memref_slice %arg3[%dma_wait3A_178, %dma_wait3A_192] : memref<4x147456xi32, #tpu.memory_space<hbm>> -> memref<1x768xi32, #tpu.memory_space<hbm>>
      %dma_wait3A_194 = tpu.memref_squeeze %dma_wait3A_193 : memref<1x768xi32, #tpu.memory_space<hbm>> -> memref<768xi32, #tpu.memory_space<hbm>>
      tpu.wait_dma2 semaphore(%dma_wait3A_188 : memref<!tpu.dma_semaphore, #tpu.memory_space<semaphore_mem>>) src(%dma_wait3A_194 : memref<768xi32, #tpu.memory_space<hbm>>) dst(%dma_wait3A_191 : memref<768xi32, #tpu.memory_space<vmem>>)
      %dma_wait3A_195 = arith.constant 0 : i32
      %dma_wait3A_196 = arith.constant 1 : i32
      %dma_wait3A_197 = arith.constant 1 : i32
      %dma_wait3A_198 = arith.constant 0 : i32
      %dma_wait3A_199 = tpu.memref_slice %arg8[%dma_wait3A_196, %dma_wait3A_198] : memref<2x768xi32, #tpu.memory_space<vmem>> -> memref<1x768xi32, #tpu.memory_space<vmem>>
      %dma_wait3A_200 = tpu.memref_squeeze %dma_wait3A_199 : memref<1x768xi32, #tpu.memory_space<vmem>> -> memref<768xi32, #tpu.memory_space<vmem>>
      %dma_wait3A_201 = arith.constant 0 : i32
      %dma_wait3A_202 = tpu.memref_slice %arg4[%dma_wait3A_195, %dma_wait3A_201] : memref<4x147456xi32, #tpu.memory_space<hbm>> -> memref<1x768xi32, #tpu.memory_space<hbm>>
      %dma_wait3A_203 = tpu.memref_squeeze %dma_wait3A_202 : memref<1x768xi32, #tpu.memory_space<hbm>> -> memref<768xi32, #tpu.memory_space<hbm>>
      %dma_wait3A_204 = tpu.memref_slice %arg12[%dma_wait3A_197] : memref<2x!tpu.dma_semaphore, #tpu.memory_space<semaphore_mem>> -> memref<1x!tpu.dma_semaphore, #tpu.memory_space<semaphore_mem>>
      %dma_wait3A_205 = tpu.memref_squeeze %dma_wait3A_204 : memref<1x!tpu.dma_semaphore, #tpu.memory_space<semaphore_mem>> -> memref<!tpu.dma_semaphore, #tpu.memory_space<semaphore_mem>>
      %dma_wait3A_206 = arith.constant 0 : i32
      %dma_wait3A_207 = tpu.memref_slice %arg8[%dma_wait3A_196, %dma_wait3A_206] : memref<2x768xi32, #tpu.memory_space<vmem>> -> memref<1x768xi32, #tpu.memory_space<vmem>>
      %dma_wait3A_208 = tpu.memref_squeeze %dma_wait3A_207 : memref<1x768xi32, #tpu.memory_space<vmem>> -> memref<768xi32, #tpu.memory_space<vmem>>
      %dma_wait3A_209 = arith.constant 0 : i32
      %dma_wait3A_210 = tpu.memref_slice %arg4[%dma_wait3A_195, %dma_wait3A_209] : memref<4x147456xi32, #tpu.memory_space<hbm>> -> memref<1x768xi32, #tpu.memory_space<hbm>>
      %dma_wait3A_211 = tpu.memref_squeeze %dma_wait3A_210 : memref<1x768xi32, #tpu.memory_space<hbm>> -> memref<768xi32, #tpu.memory_space<hbm>>
      tpu.wait_dma2 semaphore(%dma_wait3A_205 : memref<!tpu.dma_semaphore, #tpu.memory_space<semaphore_mem>>) src(%dma_wait3A_211 : memref<768xi32, #tpu.memory_space<hbm>>) dst(%dma_wait3A_208 : memref<768xi32, #tpu.memory_space<vmem>>)
      %jit3A_212 = arith.constant 3 : i32
      %div3A_213 = arith.divsi %add3A_149, %jit3A_212 : i32
      %sign3A_214 = arith.constant 0 : i32
      %sign3A_215 = arith.cmpi sgt, %add3A_149, %sign3A_214 : i32
      %sign3A_216 = arith.extui %sign3A_215 : i1 to i32
      %sign3A_217 = arith.constant 0 : i32
      %sign3A_218 = arith.cmpi slt, %add3A_149, %sign3A_217 : i32
      %sign3A_219 = arith.extui %sign3A_218 : i1 to i32
      %sign3A_220 = arith.subi %sign3A_216, %sign3A_219 : i32
      %sign3A_221 = arith.constant 0 : i32
      %sign3A_222 = arith.cmpi sgt, %jit3A_212, %sign3A_221 : i32
      %sign3A_223 = arith.extui %sign3A_222 : i1 to i32
      %sign3A_224 = arith.constant 0 : i32
      %sign3A_225 = arith.cmpi slt, %jit3A_212, %sign3A_224 : i32
      %sign3A_226 = arith.extui %sign3A_225 : i1 to i32
      %sign3A_227 = arith.subi %sign3A_223, %sign3A_226 : i32
      %ne3A_228 = arith.cmpi ne, %sign3A_220, %sign3A_227 : i32
      %rem3A_229 = arith.remsi %add3A_149, %jit3A_212 : i32
      %ne3A_230 = arith.constant 0 : i32
      %ne3A_231 = arith.cmpi ne, %rem3A_229, %ne3A_230 : i32
      %and3A_232 = arith.andi %ne3A_228, %ne3A_231 : i1
      %sub3A_233 = arith.constant 1 : i32
      %sub3A_234 = arith.subi %div3A_213, %sub3A_233 : i32
      %select_n3A_235 = arith.select %and3A_232, %sub3A_234, %div3A_213 : i32
      %mul3A_236 = arith.constant 9248 : i32
      %mul3A_237 = arith.muli %select_n3A_235, %mul3A_236 : i32
      %parallel_loop3A_238 = arith.constant 0 : i32
      %parallel_loop3A_239 = arith.constant 48 : i32
      %parallel_loop3A_240 = arith.constant 1 : i32
      scf.for %parallel_loop3A_241 = %parallel_loop3A_238 to %parallel_loop3A_239 step %parallel_loop3A_240  : i32 {
        %parallel_loop3A_242 = arith.constant 16 : i32
        %parallel_loop3A_243 = arith.muli %parallel_loop3A_241, %parallel_loop3A_242 : i32
        %parallel_loop3A_244 = arith.constant 1 : i32
        %parallel_loop3A_245 = arith.index_cast %parallel_loop3A_244 : i32 to index
        %parallel_loop3A_246 = arith.index_cast %parallel_loop3A_243 : i32 to index
        %parallel_loop3A_247 = tpu.vector_load %arg7[%parallel_loop3A_245, %parallel_loop3A_246] {strides = array<i32>} : memref<2x768xi32, #tpu.memory_space<vmem>>, vector<16xi32>,
        %parallel_loop3A_248 = arith.constant 1 : i32
        %parallel_loop3A_249 = arith.index_cast %parallel_loop3A_248 : i32 to index
        %parallel_loop3A_250 = arith.index_cast %parallel_loop3A_243 : i32 to index
        %parallel_loop3A_251 = tpu.vector_load %arg8[%parallel_loop3A_249, %parallel_loop3A_250] {strides = array<i32>} : memref<2x768xi32, #tpu.memory_space<vmem>>, vector<16xi32>,
        %parallel_loop3A_252 = arith.constant 0 : i32
        %parallel_loop3A_253 = vector.broadcast %parallel_loop3A_252 : i32 to vector<16xi32>
        %parallel_loop3A_254 = arith.cmpi eq, %parallel_loop3A_251, %parallel_loop3A_253 : vector<16xi32>
        %parallel_loop3A_255 = arith.constant 0 : i32
        %parallel_loop3A_256 = vector.broadcast %parallel_loop3A_255 : i32 to vector<16xi32>
        %parallel_loop3A_257 = arith.select %parallel_loop3A_254, %parallel_loop3A_247, %parallel_loop3A_256 : vector<16xi1>, vector<16xi32>
        %parallel_loop3A_258 = arith.constant 1 : i32
        %parallel_loop3A_259 = arith.constant 0 : i32
        %parallel_loop3A_260 = arith.index_cast %parallel_loop3A_258 : i32 to index
        %parallel_loop3A_261 = arith.index_cast %parallel_loop3A_259 : i32 to index
        %parallel_loop3A_262 = arith.index_cast %parallel_loop3A_243 : i32 to index
        %parallel_loop3A_263 = tpu.vector_load %arg6[%parallel_loop3A_260, %parallel_loop3A_261, %parallel_loop3A_262] {strides = array<i32>} : memref<2x32x768xf32, #tpu.memory_space<vmem>>, vector<16xf32>,
        %parallel_loop3A_264 = arith.constant 1 : i32
        %parallel_loop3A_265 = arith.constant 1 : i32
        %parallel_loop3A_266 = arith.index_cast %parallel_loop3A_264 : i32 to index
        %parallel_loop3A_267 = arith.index_cast %parallel_loop3A_265 : i32 to index
        %parallel_loop3A_268 = arith.index_cast %parallel_loop3A_243 : i32 to index
        %parallel_loop3A_269 = tpu.vector_load %arg6[%parallel_loop3A_266, %parallel_loop3A_267, %parallel_loop3A_268] {strides = array<i32>} : memref<2x32x768xf32, #tpu.memory_space<vmem>>, vector<16xf32>,
        %parallel_loop3A_270 = arith.constant 1 : i32
        %parallel_loop3A_271 = arith.constant 2 : i32
        %parallel_loop3A_272 = arith.index_cast %parallel_loop3A_270 : i32 to index
        %parallel_loop3A_273 = arith.index_cast %parallel_loop3A_271 : i32 to index
        %parallel_loop3A_274 = arith.index_cast %parallel_loop3A_243 : i32 to index
        %parallel_loop3A_275 = tpu.vector_load %arg6[%parallel_loop3A_272, %parallel_loop3A_273, %parallel_loop3A_274] {strides = array<i32>} : memref<2x32x768xf32, #tpu.memory_space<vmem>>, vector<16xf32>,
        %parallel_loop3A_276 = arith.constant 1 : i32
        %parallel_loop3A_277 = arith.constant 3 : i32
        %parallel_loop3A_278 = arith.index_cast %parallel_loop3A_276 : i32 to index
        %parallel_loop3A_279 = arith.index_cast %parallel_loop3A_277 : i32 to index
        %parallel_loop3A_280 = arith.index_cast %parallel_loop3A_243 : i32 to index
        %parallel_loop3A_281 = tpu.vector_load %arg6[%parallel_loop3A_278, %parallel_loop3A_279, %parallel_loop3A_280] {strides = array<i32>} : memref<2x32x768xf32, #tpu.memory_space<vmem>>, vector<16xf32>,
        %parallel_loop3A_282 = arith.constant 1 : i32
        %parallel_loop3A_283 = arith.constant 4 : i32
        %parallel_loop3A_284 = arith.index_cast %parallel_loop3A_282 : i32 to index
        %parallel_loop3A_285 = arith.index_cast %parallel_loop3A_283 : i32 to index
        %parallel_loop3A_286 = arith.index_cast %parallel_loop3A_243 : i32 to index
        %parallel_loop3A_287 = tpu.vector_load %arg6[%parallel_loop3A_284, %parallel_loop3A_285, %parallel_loop3A_286] {strides = array<i32>} : memref<2x32x768xf32, #tpu.memory_space<vmem>>, vector<16xf32>,
        %parallel_loop3A_288 = arith.constant 1 : i32
        %parallel_loop3A_289 = arith.constant 5 : i32
        %parallel_loop3A_290 = arith.index_cast %parallel_loop3A_288 : i32 to index
        %parallel_loop3A_291 = arith.index_cast %parallel_loop3A_289 : i32 to index
        %parallel_loop3A_292 = arith.index_cast %parallel_loop3A_243 : i32 to index
        %parallel_loop3A_293 = tpu.vector_load %arg6[%parallel_loop3A_290, %parallel_loop3A_291, %parallel_loop3A_292] {strides = array<i32>} : memref<2x32x768xf32, #tpu.memory_space<vmem>>, vector<16xf32>,
        %parallel_loop3A_294 = arith.constant 1 : i32
        %parallel_loop3A_295 = arith.constant 6 : i32
        %parallel_loop3A_296 = arith.index_cast %parallel_loop3A_294 : i32 to index
        %parallel_loop3A_297 = arith.index_cast %parallel_loop3A_295 : i32 to index
        %parallel_loop3A_298 = arith.index_cast %parallel_loop3A_243 : i32 to index
        %parallel_loop3A_299 = tpu.vector_load %arg6[%parallel_loop3A_296, %parallel_loop3A_297, %parallel_loop3A_298] {strides = array<i32>} : memref<2x32x768xf32, #tpu.memory_space<vmem>>, vector<16xf32>,
        %parallel_loop3A_300 = arith.constant 1 : i32
        %parallel_loop3A_301 = arith.constant 7 : i32
        %parallel_loop3A_302 = arith.index_cast %parallel_loop3A_300 : i32 to index
        %parallel_loop3A_303 = arith.index_cast %parallel_loop3A_301 : i32 to index
        %parallel_loop3A_304 = arith.index_cast %parallel_loop3A_243 : i32 to index
        %parallel_loop3A_305 = tpu.vector_load %arg6[%parallel_loop3A_302, %parallel_loop3A_303, %parallel_loop3A_304] {strides = array<i32>} : memref<2x32x768xf32, #tpu.memory_space<vmem>>, vector<16xf32>,
        %parallel_loop3A_306 = arith.constant 1 : i32
        %parallel_loop3A_307 = arith.constant 8 : i32
        %parallel_loop3A_308 = arith.index_cast %parallel_loop3A_306 : i32 to index
        %parallel_loop3A_309 = arith.index_cast %parallel_loop3A_307 : i32 to index
        %parallel_loop3A_310 = arith.index_cast %parallel_loop3A_243 : i32 to index
        %parallel_loop3A_311 = tpu.vector_load %arg6[%parallel_loop3A_308, %parallel_loop3A_309, %parallel_loop3A_310] {strides = array<i32>} : memref<2x32x768xf32, #tpu.memory_space<vmem>>, vector<16xf32>,
        %parallel_loop3A_312 = arith.constant 1 : i32
        %parallel_loop3A_313 = arith.constant 9 : i32
        %parallel_loop3A_314 = arith.index_cast %parallel_loop3A_312 : i32 to index
        %parallel_loop3A_315 = arith.index_cast %parallel_loop3A_313 : i32 to index
        %parallel_loop3A_316 = arith.index_cast %parallel_loop3A_243 : i32 to index
        %parallel_loop3A_317 = tpu.vector_load %arg6[%parallel_loop3A_314, %parallel_loop3A_315, %parallel_loop3A_316] {strides = array<i32>} : memref<2x32x768xf32, #tpu.memory_space<vmem>>, vector<16xf32>,
        %parallel_loop3A_318 = arith.constant 1 : i32
        %parallel_loop3A_319 = arith.constant 10 : i32
        %parallel_loop3A_320 = arith.index_cast %parallel_loop3A_318 : i32 to index
        %parallel_loop3A_321 = arith.index_cast %parallel_loop3A_319 : i32 to index
        %parallel_loop3A_322 = arith.index_cast %parallel_loop3A_243 : i32 to index
        %parallel_loop3A_323 = tpu.vector_load %arg6[%parallel_loop3A_320, %parallel_loop3A_321, %parallel_loop3A_322] {strides = array<i32>} : memref<2x32x768xf32, #tpu.memory_space<vmem>>, vector<16xf32>,
        %parallel_loop3A_324 = arith.constant 1 : i32
        %parallel_loop3A_325 = arith.constant 11 : i32
        %parallel_loop3A_326 = arith.index_cast %parallel_loop3A_324 : i32 to index
        %parallel_loop3A_327 = arith.index_cast %parallel_loop3A_325 : i32 to index
        %parallel_loop3A_328 = arith.index_cast %parallel_loop3A_243 : i32 to index
        %parallel_loop3A_329 = tpu.vector_load %arg6[%parallel_loop3A_326, %parallel_loop3A_327, %parallel_loop3A_328] {strides = array<i32>} : memref<2x32x768xf32, #tpu.memory_space<vmem>>, vector<16xf32>,
        %parallel_loop3A_330 = arith.constant 1 : i32
        %parallel_loop3A_331 = arith.constant 12 : i32
        %parallel_loop3A_332 = arith.index_cast %parallel_loop3A_330 : i32 to index
        %parallel_loop3A_333 = arith.index_cast %parallel_loop3A_331 : i32 to index
        %parallel_loop3A_334 = arith.index_cast %parallel_loop3A_243 : i32 to index
        %parallel_loop3A_335 = tpu.vector_load %arg6[%parallel_loop3A_332, %parallel_loop3A_333, %parallel_loop3A_334] {strides = array<i32>} : memref<2x32x768xf32, #tpu.memory_space<vmem>>, vector<16xf32>,
        %parallel_loop3A_336 = arith.constant 1 : i32
        %parallel_loop3A_337 = arith.constant 13 : i32
        %parallel_loop3A_338 = arith.index_cast %parallel_loop3A_336 : i32 to index
        %parallel_loop3A_339 = arith.index_cast %parallel_loop3A_337 : i32 to index
        %parallel_loop3A_340 = arith.index_cast %parallel_loop3A_243 : i32 to index
        %parallel_loop3A_341 = tpu.vector_load %arg6[%parallel_loop3A_338, %parallel_loop3A_339, %parallel_loop3A_340] {strides = array<i32>} : memref<2x32x768xf32, #tpu.memory_space<vmem>>, vector<16xf32>,
        %parallel_loop3A_342 = arith.constant 1 : i32
        %parallel_loop3A_343 = arith.constant 14 : i32
        %parallel_loop3A_344 = arith.index_cast %parallel_loop3A_342 : i32 to index
        %parallel_loop3A_345 = arith.index_cast %parallel_loop3A_343 : i32 to index
        %parallel_loop3A_346 = arith.index_cast %parallel_loop3A_243 : i32 to index
        %parallel_loop3A_347 = tpu.vector_load %arg6[%parallel_loop3A_344, %parallel_loop3A_345, %parallel_loop3A_346] {strides = array<i32>} : memref<2x32x768xf32, #tpu.memory_space<vmem>>, vector<16xf32>,
        %parallel_loop3A_348 = arith.constant 1 : i32
        %parallel_loop3A_349 = arith.constant 15 : i32
        %parallel_loop3A_350 = arith.index_cast %parallel_loop3A_348 : i32 to index
        %parallel_loop3A_351 = arith.index_cast %parallel_loop3A_349 : i32 to index
        %parallel_loop3A_352 = arith.index_cast %parallel_loop3A_243 : i32 to index
        %parallel_loop3A_353 = tpu.vector_load %arg6[%parallel_loop3A_350, %parallel_loop3A_351, %parallel_loop3A_352] {strides = array<i32>} : memref<2x32x768xf32, #tpu.memory_space<vmem>>, vector<16xf32>,
        %parallel_loop3A_354 = arith.constant 1 : i32
        %parallel_loop3A_355 = arith.constant 16 : i32
        %parallel_loop3A_356 = arith.index_cast %parallel_loop3A_354 : i32 to index
        %parallel_loop3A_357 = arith.index_cast %parallel_loop3A_355 : i32 to index
        %parallel_loop3A_358 = arith.index_cast %parallel_loop3A_243 : i32 to index
        %parallel_loop3A_359 = tpu.vector_load %arg6[%parallel_loop3A_356, %parallel_loop3A_357, %parallel_loop3A_358] {strides = array<i32>} : memref<2x32x768xf32, #tpu.memory_space<vmem>>, vector<16xf32>,
        %parallel_loop3A_360 = arith.constant 1 : i32
        %parallel_loop3A_361 = arith.constant 17 : i32
        %parallel_loop3A_362 = arith.index_cast %parallel_loop3A_360 : i32 to index
        %parallel_loop3A_363 = arith.index_cast %parallel_loop3A_361 : i32 to index
        %parallel_loop3A_364 = arith.index_cast %parallel_loop3A_243 : i32 to index
        %parallel_loop3A_365 = tpu.vector_load %arg6[%parallel_loop3A_362, %parallel_loop3A_363, %parallel_loop3A_364] {strides = array<i32>} : memref<2x32x768xf32, #tpu.memory_space<vmem>>, vector<16xf32>,
        %parallel_loop3A_366 = arith.constant 1 : i32
        %parallel_loop3A_367 = arith.constant 18 : i32
        %parallel_loop3A_368 = arith.index_cast %parallel_loop3A_366 : i32 to index
        %parallel_loop3A_369 = arith.index_cast %parallel_loop3A_367 : i32 to index
        %parallel_loop3A_370 = arith.index_cast %parallel_loop3A_243 : i32 to index
        %parallel_loop3A_371 = tpu.vector_load %arg6[%parallel_loop3A_368, %parallel_loop3A_369, %parallel_loop3A_370] {strides = array<i32>} : memref<2x32x768xf32, #tpu.memory_space<vmem>>, vector<16xf32>,
        %parallel_loop3A_372 = arith.constant 1 : i32
        %parallel_loop3A_373 = arith.constant 19 : i32
        %parallel_loop3A_374 = arith.index_cast %parallel_loop3A_372 : i32 to index
        %parallel_loop3A_375 = arith.index_cast %parallel_loop3A_373 : i32 to index
        %parallel_loop3A_376 = arith.index_cast %parallel_loop3A_243 : i32 to index
        %parallel_loop3A_377 = tpu.vector_load %arg6[%parallel_loop3A_374, %parallel_loop3A_375, %parallel_loop3A_376] {strides = array<i32>} : memref<2x32x768xf32, #tpu.memory_space<vmem>>, vector<16xf32>,
        %parallel_loop3A_378 = arith.constant 1 : i32
        %parallel_loop3A_379 = arith.constant 20 : i32
        %parallel_loop3A_380 = arith.index_cast %parallel_loop3A_378 : i32 to index
        %parallel_loop3A_381 = arith.index_cast %parallel_loop3A_379 : i32 to index
        %parallel_loop3A_382 = arith.index_cast %parallel_loop3A_243 : i32 to index
        %parallel_loop3A_383 = tpu.vector_load %arg6[%parallel_loop3A_380, %parallel_loop3A_381, %parallel_loop3A_382] {strides = array<i32>} : memref<2x32x768xf32, #tpu.memory_space<vmem>>, vector<16xf32>,
        %parallel_loop3A_384 = arith.constant 1 : i32
        %parallel_loop3A_385 = arith.constant 21 : i32
        %parallel_loop3A_386 = arith.index_cast %parallel_loop3A_384 : i32 to index
        %parallel_loop3A_387 = arith.index_cast %parallel_loop3A_385 : i32 to index
        %parallel_loop3A_388 = arith.index_cast %parallel_loop3A_243 : i32 to index
        %parallel_loop3A_389 = tpu.vector_load %arg6[%parallel_loop3A_386, %parallel_loop3A_387, %parallel_loop3A_388] {strides = array<i32>} : memref<2x32x768xf32, #tpu.memory_space<vmem>>, vector<16xf32>,
        %parallel_loop3A_390 = arith.constant 1 : i32
        %parallel_loop3A_391 = arith.constant 22 : i32
        %parallel_loop3A_392 = arith.index_cast %parallel_loop3A_390 : i32 to index
        %parallel_loop3A_393 = arith.index_cast %parallel_loop3A_391 : i32 to index
        %parallel_loop3A_394 = arith.index_cast %parallel_loop3A_243 : i32 to index
        %parallel_loop3A_395 = tpu.vector_load %arg6[%parallel_loop3A_392, %parallel_loop3A_393, %parallel_loop3A_394] {strides = array<i32>} : memref<2x32x768xf32, #tpu.memory_space<vmem>>, vector<16xf32>,
        %parallel_loop3A_396 = arith.constant 1 : i32
        %parallel_loop3A_397 = arith.constant 23 : i32
        %parallel_loop3A_398 = arith.index_cast %parallel_loop3A_396 : i32 to index
        %parallel_loop3A_399 = arith.index_cast %parallel_loop3A_397 : i32 to index
        %parallel_loop3A_400 = arith.index_cast %parallel_loop3A_243 : i32 to index
        %parallel_loop3A_401 = tpu.vector_load %arg6[%parallel_loop3A_398, %parallel_loop3A_399, %parallel_loop3A_400] {strides = array<i32>} : memref<2x32x768xf32, #tpu.memory_space<vmem>>, vector<16xf32>,
        %parallel_loop3A_402 = arith.constant 1 : i32
        %parallel_loop3A_403 = arith.constant 24 : i32
        %parallel_loop3A_404 = arith.index_cast %parallel_loop3A_402 : i32 to index
        %parallel_loop3A_405 = arith.index_cast %parallel_loop3A_403 : i32 to index
        %parallel_loop3A_406 = arith.index_cast %parallel_loop3A_243 : i32 to index
        %parallel_loop3A_407 = tpu.vector_load %arg6[%parallel_loop3A_404, %parallel_loop3A_405, %parallel_loop3A_406] {strides = array<i32>} : memref<2x32x768xf32, #tpu.memory_space<vmem>>, vector<16xf32>,
        %parallel_loop3A_408 = arith.constant 1 : i32
        %parallel_loop3A_409 = arith.constant 25 : i32
        %parallel_loop3A_410 = arith.index_cast %parallel_loop3A_408 : i32 to index
        %parallel_loop3A_411 = arith.index_cast %parallel_loop3A_409 : i32 to index
        %parallel_loop3A_412 = arith.index_cast %parallel_loop3A_243 : i32 to index
        %parallel_loop3A_413 = tpu.vector_load %arg6[%parallel_loop3A_410, %parallel_loop3A_411, %parallel_loop3A_412] {strides = array<i32>} : memref<2x32x768xf32, #tpu.memory_space<vmem>>, vector<16xf32>,
        %parallel_loop3A_414 = arith.constant 1 : i32
        %parallel_loop3A_415 = arith.constant 26 : i32
        %parallel_loop3A_416 = arith.index_cast %parallel_loop3A_414 : i32 to index
        %parallel_loop3A_417 = arith.index_cast %parallel_loop3A_415 : i32 to index
        %parallel_loop3A_418 = arith.index_cast %parallel_loop3A_243 : i32 to index
        %parallel_loop3A_419 = tpu.vector_load %arg6[%parallel_loop3A_416, %parallel_loop3A_417, %parallel_loop3A_418] {strides = array<i32>} : memref<2x32x768xf32, #tpu.memory_space<vmem>>, vector<16xf32>,
        %parallel_loop3A_420 = arith.constant 1 : i32
        %parallel_loop3A_421 = arith.constant 27 : i32
        %parallel_loop3A_422 = arith.index_cast %parallel_loop3A_420 : i32 to index
        %parallel_loop3A_423 = arith.index_cast %parallel_loop3A_421 : i32 to index
        %parallel_loop3A_424 = arith.index_cast %parallel_loop3A_243 : i32 to index
        %parallel_loop3A_425 = tpu.vector_load %arg6[%parallel_loop3A_422, %parallel_loop3A_423, %parallel_loop3A_424] {strides = array<i32>} : memref<2x32x768xf32, #tpu.memory_space<vmem>>, vector<16xf32>,
        %parallel_loop3A_426 = arith.constant 1 : i32
        %parallel_loop3A_427 = arith.constant 28 : i32
        %parallel_loop3A_428 = arith.index_cast %parallel_loop3A_426 : i32 to index
        %parallel_loop3A_429 = arith.index_cast %parallel_loop3A_427 : i32 to index
        %parallel_loop3A_430 = arith.index_cast %parallel_loop3A_243 : i32 to index
        %parallel_loop3A_431 = tpu.vector_load %arg6[%parallel_loop3A_428, %parallel_loop3A_429, %parallel_loop3A_430] {strides = array<i32>} : memref<2x32x768xf32, #tpu.memory_space<vmem>>, vector<16xf32>,
        %parallel_loop3A_432 = arith.constant 1 : i32
        %parallel_loop3A_433 = arith.constant 29 : i32
        %parallel_loop3A_434 = arith.index_cast %parallel_loop3A_432 : i32 to index
        %parallel_loop3A_435 = arith.index_cast %parallel_loop3A_433 : i32 to index
        %parallel_loop3A_436 = arith.index_cast %parallel_loop3A_243 : i32 to index
        %parallel_loop3A_437 = tpu.vector_load %arg6[%parallel_loop3A_434, %parallel_loop3A_435, %parallel_loop3A_436] {strides = array<i32>} : memref<2x32x768xf32, #tpu.memory_space<vmem>>, vector<16xf32>,
        %parallel_loop3A_438 = arith.constant 1 : i32
        %parallel_loop3A_439 = arith.constant 30 : i32
        %parallel_loop3A_440 = arith.index_cast %parallel_loop3A_438 : i32 to index
        %parallel_loop3A_441 = arith.index_cast %parallel_loop3A_439 : i32 to index
        %parallel_loop3A_442 = arith.index_cast %parallel_loop3A_243 : i32 to index
        %parallel_loop3A_443 = tpu.vector_load %arg6[%parallel_loop3A_440, %parallel_loop3A_441, %parallel_loop3A_442] {strides = array<i32>} : memref<2x32x768xf32, #tpu.memory_space<vmem>>, vector<16xf32>,
        %parallel_loop3A_444 = arith.constant 1 : i32
        %parallel_loop3A_445 = arith.constant 31 : i32
        %parallel_loop3A_446 = arith.index_cast %parallel_loop3A_444 : i32 to index
        %parallel_loop3A_447 = arith.index_cast %parallel_loop3A_445 : i32 to index
        %parallel_loop3A_448 = arith.index_cast %parallel_loop3A_243 : i32 to index
        %parallel_loop3A_449 = tpu.vector_load %arg6[%parallel_loop3A_446, %parallel_loop3A_447, %parallel_loop3A_448] {strides = array<i32>} : memref<2x32x768xf32, #tpu.memory_space<vmem>>, vector<16xf32>,
        %parallel_loop3A_450 = arith.mulf %parallel_loop3A_263, %parallel_loop3A_263 : vector<16xf32>
        %parallel_loop3A_451 = arith.mulf %parallel_loop3A_269, %parallel_loop3A_269 : vector<16xf32>
        %parallel_loop3A_452 = arith.mulf %parallel_loop3A_275, %parallel_loop3A_275 : vector<16xf32>
        %parallel_loop3A_453 = arith.mulf %parallel_loop3A_281, %parallel_loop3A_281 : vector<16xf32>
        %parallel_loop3A_454 = arith.mulf %parallel_loop3A_287, %parallel_loop3A_287 : vector<16xf32>
        %parallel_loop3A_455 = arith.mulf %parallel_loop3A_293, %parallel_loop3A_293 : vector<16xf32>
        %parallel_loop3A_456 = arith.mulf %parallel_loop3A_299, %parallel_loop3A_299 : vector<16xf32>
        %parallel_loop3A_457 = arith.mulf %parallel_loop3A_305, %parallel_loop3A_305 : vector<16xf32>
        %parallel_loop3A_458 = arith.mulf %parallel_loop3A_311, %parallel_loop3A_311 : vector<16xf32>
        %parallel_loop3A_459 = arith.mulf %parallel_loop3A_317, %parallel_loop3A_317 : vector<16xf32>
        %parallel_loop3A_460 = arith.mulf %parallel_loop3A_323, %parallel_loop3A_323 : vector<16xf32>
        %parallel_loop3A_461 = arith.mulf %parallel_loop3A_329, %parallel_loop3A_329 : vector<16xf32>
        %parallel_loop3A_462 = arith.mulf %parallel_loop3A_335, %parallel_loop3A_335 : vector<16xf32>
        %parallel_loop3A_463 = arith.mulf %parallel_loop3A_341, %parallel_loop3A_341 : vector<16xf32>
        %parallel_loop3A_464 = arith.mulf %parallel_loop3A_347, %parallel_loop3A_347 : vector<16xf32>
        %parallel_loop3A_465 = arith.mulf %parallel_loop3A_353, %parallel_loop3A_353 : vector<16xf32>
        %parallel_loop3A_466 = arith.mulf %parallel_loop3A_359, %parallel_loop3A_359 : vector<16xf32>
        %parallel_loop3A_467 = arith.mulf %parallel_loop3A_365, %parallel_loop3A_365 : vector<16xf32>
        %parallel_loop3A_468 = arith.mulf %parallel_loop3A_371, %parallel_loop3A_371 : vector<16xf32>
        %parallel_loop3A_469 = arith.mulf %parallel_loop3A_377, %parallel_loop3A_377 : vector<16xf32>
        %parallel_loop3A_470 = arith.mulf %parallel_loop3A_383, %parallel_loop3A_383 : vector<16xf32>
        %parallel_loop3A_471 = arith.mulf %parallel_loop3A_389, %parallel_loop3A_389 : vector<16xf32>
        %parallel_loop3A_472 = arith.mulf %parallel_loop3A_395, %parallel_loop3A_395 : vector<16xf32>
        %parallel_loop3A_473 = arith.mulf %parallel_loop3A_401, %parallel_loop3A_401 : vector<16xf32>
        %parallel_loop3A_474 = arith.mulf %parallel_loop3A_407, %parallel_loop3A_407 : vector<16xf32>
        %parallel_loop3A_475 = arith.mulf %parallel_loop3A_413, %parallel_loop3A_413 : vector<16xf32>
        %parallel_loop3A_476 = arith.mulf %parallel_loop3A_419, %parallel_loop3A_419 : vector<16xf32>
        %parallel_loop3A_477 = arith.mulf %parallel_loop3A_425, %parallel_loop3A_425 : vector<16xf32>
        %parallel_loop3A_478 = arith.mulf %parallel_loop3A_431, %parallel_loop3A_431 : vector<16xf32>
        %parallel_loop3A_479 = arith.mulf %parallel_loop3A_437, %parallel_loop3A_437 : vector<16xf32>
        %parallel_loop3A_480 = arith.mulf %parallel_loop3A_443, %parallel_loop3A_443 : vector<16xf32>
        %parallel_loop3A_481 = arith.mulf %parallel_loop3A_449, %parallel_loop3A_449 : vector<16xf32>
        %parallel_loop3A_482 = arith.addf %parallel_loop3A_450, %parallel_loop3A_451 : vector<16xf32>
        %parallel_loop3A_483 = arith.addf %parallel_loop3A_452, %parallel_loop3A_453 : vector<16xf32>
        %parallel_loop3A_484 = arith.addf %parallel_loop3A_454, %parallel_loop3A_455 : vector<16xf32>
        %parallel_loop3A_485 = arith.addf %parallel_loop3A_456, %parallel_loop3A_457 : vector<16xf32>
        %parallel_loop3A_486 = arith.addf %parallel_loop3A_458, %parallel_loop3A_459 : vector<16xf32>
        %parallel_loop3A_487 = arith.addf %parallel_loop3A_460, %parallel_loop3A_461 : vector<16xf32>
        %parallel_loop3A_488 = arith.addf %parallel_loop3A_462, %parallel_loop3A_463 : vector<16xf32>
        %parallel_loop3A_489 = arith.addf %parallel_loop3A_464, %parallel_loop3A_465 : vector<16xf32>
        %parallel_loop3A_490 = arith.addf %parallel_loop3A_466, %parallel_loop3A_467 : vector<16xf32>
        %parallel_loop3A_491 = arith.addf %parallel_loop3A_468, %parallel_loop3A_469 : vector<16xf32>
        %parallel_loop3A_492 = arith.addf %parallel_loop3A_470, %parallel_loop3A_471 : vector<16xf32>
        %parallel_loop3A_493 = arith.addf %parallel_loop3A_472, %parallel_loop3A_473 : vector<16xf32>
        %parallel_loop3A_494 = arith.addf %parallel_loop3A_474, %parallel_loop3A_475 : vector<16xf32>
        %parallel_loop3A_495 = arith.addf %parallel_loop3A_476, %parallel_loop3A_477 : vector<16xf32>
        %parallel_loop3A_496 = arith.addf %parallel_loop3A_478, %parallel_loop3A_479 : vector<16xf32>
        %parallel_loop3A_497 = arith.addf %parallel_loop3A_480, %parallel_loop3A_481 : vector<16xf32>
        %parallel_loop3A_498 = arith.addf %parallel_loop3A_482, %parallel_loop3A_483 : vector<16xf32>
        %parallel_loop3A_499 = arith.addf %parallel_loop3A_484, %parallel_loop3A_485 : vector<16xf32>
        %parallel_loop3A_500 = arith.addf %parallel_loop3A_486, %parallel_loop3A_487 : vector<16xf32>
        %parallel_loop3A_501 = arith.addf %parallel_loop3A_488, %parallel_loop3A_489 : vector<16xf32>
        %parallel_loop3A_502 = arith.addf %parallel_loop3A_490, %parallel_loop3A_491 : vector<16xf32>
        %parallel_loop3A_503 = arith.addf %parallel_loop3A_492, %parallel_loop3A_493 : vector<16xf32>
        %parallel_loop3A_504 = arith.addf %parallel_loop3A_494, %parallel_loop3A_495 : vector<16xf32>
        %parallel_loop3A_505 = arith.addf %parallel_loop3A_496, %parallel_loop3A_497 : vector<16xf32>
        %parallel_loop3A_506 = arith.addf %parallel_loop3A_498, %parallel_loop3A_499 : vector<16xf32>
        %parallel_loop3A_507 = arith.addf %parallel_loop3A_500, %parallel_loop3A_501 : vector<16xf32>
        %parallel_loop3A_508 = arith.addf %parallel_loop3A_502, %parallel_loop3A_503 : vector<16xf32>
        %parallel_loop3A_509 = arith.addf %parallel_loop3A_504, %parallel_loop3A_505 : vector<16xf32>
        %parallel_loop3A_510 = arith.addf %parallel_loop3A_506, %parallel_loop3A_507 : vector<16xf32>
        %parallel_loop3A_511 = arith.addf %parallel_loop3A_508, %parallel_loop3A_509 : vector<16xf32>
        %parallel_loop3A_512 = arith.addf %parallel_loop3A_510, %parallel_loop3A_511 : vector<16xf32>
        %parallel_loop3A_513 = tpu.bitcast %parallel_loop3A_512 : vector<16xf32> -> vector<16xi32>
        %parallel_loop3A_514 = arith.constant 1 : i32
        %parallel_loop3A_515 = vector.broadcast %parallel_loop3A_514 : i32 to vector<16xi32>
        %parallel_loop3A_516 = arith.shrsi %parallel_loop3A_513, %parallel_loop3A_515 : vector<16xi32>
        %parallel_loop3A_517 = arith.constant 1597463007 : i32
        %parallel_loop3A_518 = vector.broadcast %parallel_loop3A_517 : i32 to vector<16xi32>
        %parallel_loop3A_519 = arith.subi %parallel_loop3A_518, %parallel_loop3A_516 : vector<16xi32>
        %parallel_loop3A_520 = tpu.bitcast %parallel_loop3A_519 : vector<16xi32> -> vector<16xf32>
        %parallel_loop3A_521 = arith.constant 5.000000e-01 : f32
        %parallel_loop3A_522 = vector.broadcast %parallel_loop3A_521 : f32 to vector<16xf32>
        %parallel_loop3A_523 = arith.mulf %parallel_loop3A_522, %parallel_loop3A_512 : vector<16xf32>
        %parallel_loop3A_524 = arith.mulf %parallel_loop3A_523, %parallel_loop3A_520 : vector<16xf32>
        %parallel_loop3A_525 = arith.mulf %parallel_loop3A_524, %parallel_loop3A_520 : vector<16xf32>
        %parallel_loop3A_526 = arith.constant 1.500000e+00 : f32
        %parallel_loop3A_527 = vector.broadcast %parallel_loop3A_526 : f32 to vector<16xf32>
        %parallel_loop3A_528 = arith.subf %parallel_loop3A_527, %parallel_loop3A_525 : vector<16xf32>
        %parallel_loop3A_529 = arith.mulf %parallel_loop3A_520, %parallel_loop3A_528 : vector<16xf32>
        %parallel_loop3A_530 = arith.constant 5.000000e-01 : f32
        %parallel_loop3A_531 = vector.broadcast %parallel_loop3A_530 : f32 to vector<16xf32>
        %parallel_loop3A_532 = arith.mulf %parallel_loop3A_531, %parallel_loop3A_512 : vector<16xf32>
        %parallel_loop3A_533 = arith.mulf %parallel_loop3A_532, %parallel_loop3A_529 : vector<16xf32>
        %parallel_loop3A_534 = arith.mulf %parallel_loop3A_533, %parallel_loop3A_529 : vector<16xf32>
        %parallel_loop3A_535 = arith.constant 1.500000e+00 : f32
        %parallel_loop3A_536 = vector.broadcast %parallel_loop3A_535 : f32 to vector<16xf32>
        %parallel_loop3A_537 = arith.subf %parallel_loop3A_536, %parallel_loop3A_534 : vector<16xf32>
        %parallel_loop3A_538 = arith.mulf %parallel_loop3A_529, %parallel_loop3A_537 : vector<16xf32>
        %parallel_loop3A_539 = arith.mulf %parallel_loop3A_538, %parallel_loop3A_538 : vector<16xf32>
        %parallel_loop3A_540 = arith.constant 9.99999997E-7 : f32
        %parallel_loop3A_541 = vector.broadcast %parallel_loop3A_540 : f32 to vector<16xf32>
        %parallel_loop3A_542 = arith.mulf %parallel_loop3A_541, %parallel_loop3A_539 : vector<16xf32>
        %parallel_loop3A_543 = arith.subf %parallel_loop3A_538, %parallel_loop3A_542 : vector<16xf32>
        %parallel_loop3A_544 = arith.mulf %parallel_loop3A_512, %parallel_loop3A_543 : vector<16xf32>
        %parallel_loop3A_545 = arith.mulf %parallel_loop3A_544, %parallel_loop3A_543 : vector<16xf32>
        %parallel_loop3A_546 = arith.constant 16 : i32
        %parallel_loop3A_547 = vector.broadcast %parallel_loop3A_546 : i32 to vector<16xi32>
        %parallel_loop3A_548 = arith.muli %parallel_loop3A_257, %parallel_loop3A_547 : vector<16xi32>
        %parallel_loop3A_549 = vector.broadcast %mul3A_237 : i32 to vector<16xi32>
        %parallel_loop3A_550 = arith.addi %parallel_loop3A_549, %parallel_loop3A_548 : vector<16xi32>
        %parallel_loop3A_551 = arith.addi %parallel_loop3A_550, %iota3A : vector<16xi32>
        %parallel_loop3A_552 = arith.constant 0 : i32
        %parallel_loop3A_553 = vector.broadcast %parallel_loop3A_552 : i32 to vector<16xi32>
        %parallel_loop3A_554 = arith.addi %parallel_loop3A_551, %parallel_loop3A_553 : vector<16xi32>
        %parallel_loop3A_555 = arith.mulf %parallel_loop3A_263, %parallel_loop3A_543 : vector<16xf32>
        tpu.vector_store_idx %arg9[%parallel_loop3A_554], %parallel_loop3A_555 {add = true} : memref<36992xf32, #tpu.memory_space<vmem>>[vector<16xi32>], vector<16xf32>,
        %parallel_loop3A_556 = arith.constant 272 : i32
        %parallel_loop3A_557 = vector.broadcast %parallel_loop3A_556 : i32 to vector<16xi32>
        %parallel_loop3A_558 = arith.addi %parallel_loop3A_551, %parallel_loop3A_557 : vector<16xi32>
        %parallel_loop3A_559 = arith.mulf %parallel_loop3A_269, %parallel_loop3A_543 : vector<16xf32>
        tpu.vector_store_idx %arg9[%parallel_loop3A_558], %parallel_loop3A_559 {add = true} : memref<36992xf32, #tpu.memory_space<vmem>>[vector<16xi32>], vector<16xf32>,
        %parallel_loop3A_560 = arith.constant 544 : i32
        %parallel_loop3A_561 = vector.broadcast %parallel_loop3A_560 : i32 to vector<16xi32>
        %parallel_loop3A_562 = arith.addi %parallel_loop3A_551, %parallel_loop3A_561 : vector<16xi32>
        %parallel_loop3A_563 = arith.mulf %parallel_loop3A_275, %parallel_loop3A_543 : vector<16xf32>
        tpu.vector_store_idx %arg9[%parallel_loop3A_562], %parallel_loop3A_563 {add = true} : memref<36992xf32, #tpu.memory_space<vmem>>[vector<16xi32>], vector<16xf32>,
        %parallel_loop3A_564 = arith.constant 816 : i32
        %parallel_loop3A_565 = vector.broadcast %parallel_loop3A_564 : i32 to vector<16xi32>
        %parallel_loop3A_566 = arith.addi %parallel_loop3A_551, %parallel_loop3A_565 : vector<16xi32>
        %parallel_loop3A_567 = arith.mulf %parallel_loop3A_281, %parallel_loop3A_543 : vector<16xf32>
        tpu.vector_store_idx %arg9[%parallel_loop3A_566], %parallel_loop3A_567 {add = true} : memref<36992xf32, #tpu.memory_space<vmem>>[vector<16xi32>], vector<16xf32>,
        %parallel_loop3A_568 = arith.constant 1088 : i32
        %parallel_loop3A_569 = vector.broadcast %parallel_loop3A_568 : i32 to vector<16xi32>
        %parallel_loop3A_570 = arith.addi %parallel_loop3A_551, %parallel_loop3A_569 : vector<16xi32>
        %parallel_loop3A_571 = arith.mulf %parallel_loop3A_287, %parallel_loop3A_543 : vector<16xf32>
        tpu.vector_store_idx %arg9[%parallel_loop3A_570], %parallel_loop3A_571 {add = true} : memref<36992xf32, #tpu.memory_space<vmem>>[vector<16xi32>], vector<16xf32>,
        %parallel_loop3A_572 = arith.constant 1360 : i32
        %parallel_loop3A_573 = vector.broadcast %parallel_loop3A_572 : i32 to vector<16xi32>
        %parallel_loop3A_574 = arith.addi %parallel_loop3A_551, %parallel_loop3A_573 : vector<16xi32>
        %parallel_loop3A_575 = arith.mulf %parallel_loop3A_293, %parallel_loop3A_543 : vector<16xf32>
        tpu.vector_store_idx %arg9[%parallel_loop3A_574], %parallel_loop3A_575 {add = true} : memref<36992xf32, #tpu.memory_space<vmem>>[vector<16xi32>], vector<16xf32>,
        %parallel_loop3A_576 = arith.constant 1632 : i32
        %parallel_loop3A_577 = vector.broadcast %parallel_loop3A_576 : i32 to vector<16xi32>
        %parallel_loop3A_578 = arith.addi %parallel_loop3A_551, %parallel_loop3A_577 : vector<16xi32>
        %parallel_loop3A_579 = arith.mulf %parallel_loop3A_299, %parallel_loop3A_543 : vector<16xf32>
        tpu.vector_store_idx %arg9[%parallel_loop3A_578], %parallel_loop3A_579 {add = true} : memref<36992xf32, #tpu.memory_space<vmem>>[vector<16xi32>], vector<16xf32>,
        %parallel_loop3A_580 = arith.constant 1904 : i32
        %parallel_loop3A_581 = vector.broadcast %parallel_loop3A_580 : i32 to vector<16xi32>
        %parallel_loop3A_582 = arith.addi %parallel_loop3A_551, %parallel_loop3A_581 : vector<16xi32>
        %parallel_loop3A_583 = arith.mulf %parallel_loop3A_305, %parallel_loop3A_543 : vector<16xf32>
        tpu.vector_store_idx %arg9[%parallel_loop3A_582], %parallel_loop3A_583 {add = true} : memref<36992xf32, #tpu.memory_space<vmem>>[vector<16xi32>], vector<16xf32>,
        %parallel_loop3A_584 = arith.constant 2176 : i32
        %parallel_loop3A_585 = vector.broadcast %parallel_loop3A_584 : i32 to vector<16xi32>
        %parallel_loop3A_586 = arith.addi %parallel_loop3A_551, %parallel_loop3A_585 : vector<16xi32>
        %parallel_loop3A_587 = arith.mulf %parallel_loop3A_311, %parallel_loop3A_543 : vector<16xf32>
        tpu.vector_store_idx %arg9[%parallel_loop3A_586], %parallel_loop3A_587 {add = true} : memref<36992xf32, #tpu.memory_space<vmem>>[vector<16xi32>], vector<16xf32>,
        %parallel_loop3A_588 = arith.constant 2448 : i32
        %parallel_loop3A_589 = vector.broadcast %parallel_loop3A_588 : i32 to vector<16xi32>
        %parallel_loop3A_590 = arith.addi %parallel_loop3A_551, %parallel_loop3A_589 : vector<16xi32>
        %parallel_loop3A_591 = arith.mulf %parallel_loop3A_317, %parallel_loop3A_543 : vector<16xf32>
        tpu.vector_store_idx %arg9[%parallel_loop3A_590], %parallel_loop3A_591 {add = true} : memref<36992xf32, #tpu.memory_space<vmem>>[vector<16xi32>], vector<16xf32>,
        %parallel_loop3A_592 = arith.constant 2720 : i32
        %parallel_loop3A_593 = vector.broadcast %parallel_loop3A_592 : i32 to vector<16xi32>
        %parallel_loop3A_594 = arith.addi %parallel_loop3A_551, %parallel_loop3A_593 : vector<16xi32>
        %parallel_loop3A_595 = arith.mulf %parallel_loop3A_323, %parallel_loop3A_543 : vector<16xf32>
        tpu.vector_store_idx %arg9[%parallel_loop3A_594], %parallel_loop3A_595 {add = true} : memref<36992xf32, #tpu.memory_space<vmem>>[vector<16xi32>], vector<16xf32>,
        %parallel_loop3A_596 = arith.constant 2992 : i32
        %parallel_loop3A_597 = vector.broadcast %parallel_loop3A_596 : i32 to vector<16xi32>
        %parallel_loop3A_598 = arith.addi %parallel_loop3A_551, %parallel_loop3A_597 : vector<16xi32>
        %parallel_loop3A_599 = arith.mulf %parallel_loop3A_329, %parallel_loop3A_543 : vector<16xf32>
        tpu.vector_store_idx %arg9[%parallel_loop3A_598], %parallel_loop3A_599 {add = true} : memref<36992xf32, #tpu.memory_space<vmem>>[vector<16xi32>], vector<16xf32>,
        %parallel_loop3A_600 = arith.constant 3264 : i32
        %parallel_loop3A_601 = vector.broadcast %parallel_loop3A_600 : i32 to vector<16xi32>
        %parallel_loop3A_602 = arith.addi %parallel_loop3A_551, %parallel_loop3A_601 : vector<16xi32>
        %parallel_loop3A_603 = arith.mulf %parallel_loop3A_335, %parallel_loop3A_543 : vector<16xf32>
        tpu.vector_store_idx %arg9[%parallel_loop3A_602], %parallel_loop3A_603 {add = true} : memref<36992xf32, #tpu.memory_space<vmem>>[vector<16xi32>], vector<16xf32>,
        %parallel_loop3A_604 = arith.constant 3536 : i32
        %parallel_loop3A_605 = vector.broadcast %parallel_loop3A_604 : i32 to vector<16xi32>
        %parallel_loop3A_606 = arith.addi %parallel_loop3A_551, %parallel_loop3A_605 : vector<16xi32>
        %parallel_loop3A_607 = arith.mulf %parallel_loop3A_341, %parallel_loop3A_543 : vector<16xf32>
        tpu.vector_store_idx %arg9[%parallel_loop3A_606], %parallel_loop3A_607 {add = true} : memref<36992xf32, #tpu.memory_space<vmem>>[vector<16xi32>], vector<16xf32>,
        %parallel_loop3A_608 = arith.constant 3808 : i32
        %parallel_loop3A_609 = vector.broadcast %parallel_loop3A_608 : i32 to vector<16xi32>
        %parallel_loop3A_610 = arith.addi %parallel_loop3A_551, %parallel_loop3A_609 : vector<16xi32>
        %parallel_loop3A_611 = arith.mulf %parallel_loop3A_347, %parallel_loop3A_543 : vector<16xf32>
        tpu.vector_store_idx %arg9[%parallel_loop3A_610], %parallel_loop3A_611 {add = true} : memref<36992xf32, #tpu.memory_space<vmem>>[vector<16xi32>], vector<16xf32>,
        %parallel_loop3A_612 = arith.constant 4080 : i32
        %parallel_loop3A_613 = vector.broadcast %parallel_loop3A_612 : i32 to vector<16xi32>
        %parallel_loop3A_614 = arith.addi %parallel_loop3A_551, %parallel_loop3A_613 : vector<16xi32>
        %parallel_loop3A_615 = arith.mulf %parallel_loop3A_353, %parallel_loop3A_543 : vector<16xf32>
        tpu.vector_store_idx %arg9[%parallel_loop3A_614], %parallel_loop3A_615 {add = true} : memref<36992xf32, #tpu.memory_space<vmem>>[vector<16xi32>], vector<16xf32>,
        %parallel_loop3A_616 = arith.constant 4352 : i32
        %parallel_loop3A_617 = vector.broadcast %parallel_loop3A_616 : i32 to vector<16xi32>
        %parallel_loop3A_618 = arith.addi %parallel_loop3A_551, %parallel_loop3A_617 : vector<16xi32>
        %parallel_loop3A_619 = arith.mulf %parallel_loop3A_359, %parallel_loop3A_543 : vector<16xf32>
        tpu.vector_store_idx %arg9[%parallel_loop3A_618], %parallel_loop3A_619 {add = true} : memref<36992xf32, #tpu.memory_space<vmem>>[vector<16xi32>], vector<16xf32>,
        %parallel_loop3A_620 = arith.constant 4624 : i32
        %parallel_loop3A_621 = vector.broadcast %parallel_loop3A_620 : i32 to vector<16xi32>
        %parallel_loop3A_622 = arith.addi %parallel_loop3A_551, %parallel_loop3A_621 : vector<16xi32>
        %parallel_loop3A_623 = arith.mulf %parallel_loop3A_365, %parallel_loop3A_543 : vector<16xf32>
        tpu.vector_store_idx %arg9[%parallel_loop3A_622], %parallel_loop3A_623 {add = true} : memref<36992xf32, #tpu.memory_space<vmem>>[vector<16xi32>], vector<16xf32>,
        %parallel_loop3A_624 = arith.constant 4896 : i32
        %parallel_loop3A_625 = vector.broadcast %parallel_loop3A_624 : i32 to vector<16xi32>
        %parallel_loop3A_626 = arith.addi %parallel_loop3A_551, %parallel_loop3A_625 : vector<16xi32>
        %parallel_loop3A_627 = arith.mulf %parallel_loop3A_371, %parallel_loop3A_543 : vector<16xf32>
        tpu.vector_store_idx %arg9[%parallel_loop3A_626], %parallel_loop3A_627 {add = true} : memref<36992xf32, #tpu.memory_space<vmem>>[vector<16xi32>], vector<16xf32>,
        %parallel_loop3A_628 = arith.constant 5168 : i32
        %parallel_loop3A_629 = vector.broadcast %parallel_loop3A_628 : i32 to vector<16xi32>
        %parallel_loop3A_630 = arith.addi %parallel_loop3A_551, %parallel_loop3A_629 : vector<16xi32>
        %parallel_loop3A_631 = arith.mulf %parallel_loop3A_377, %parallel_loop3A_543 : vector<16xf32>
        tpu.vector_store_idx %arg9[%parallel_loop3A_630], %parallel_loop3A_631 {add = true} : memref<36992xf32, #tpu.memory_space<vmem>>[vector<16xi32>], vector<16xf32>,
        %parallel_loop3A_632 = arith.constant 5440 : i32
        %parallel_loop3A_633 = vector.broadcast %parallel_loop3A_632 : i32 to vector<16xi32>
        %parallel_loop3A_634 = arith.addi %parallel_loop3A_551, %parallel_loop3A_633 : vector<16xi32>
        %parallel_loop3A_635 = arith.mulf %parallel_loop3A_383, %parallel_loop3A_543 : vector<16xf32>
        tpu.vector_store_idx %arg9[%parallel_loop3A_634], %parallel_loop3A_635 {add = true} : memref<36992xf32, #tpu.memory_space<vmem>>[vector<16xi32>], vector<16xf32>,
        %parallel_loop3A_636 = arith.constant 5712 : i32
        %parallel_loop3A_637 = vector.broadcast %parallel_loop3A_636 : i32 to vector<16xi32>
        %parallel_loop3A_638 = arith.addi %parallel_loop3A_551, %parallel_loop3A_637 : vector<16xi32>
        %parallel_loop3A_639 = arith.mulf %parallel_loop3A_389, %parallel_loop3A_543 : vector<16xf32>
        tpu.vector_store_idx %arg9[%parallel_loop3A_638], %parallel_loop3A_639 {add = true} : memref<36992xf32, #tpu.memory_space<vmem>>[vector<16xi32>], vector<16xf32>,
        %parallel_loop3A_640 = arith.constant 5984 : i32
        %parallel_loop3A_641 = vector.broadcast %parallel_loop3A_640 : i32 to vector<16xi32>
        %parallel_loop3A_642 = arith.addi %parallel_loop3A_551, %parallel_loop3A_641 : vector<16xi32>
        %parallel_loop3A_643 = arith.mulf %parallel_loop3A_395, %parallel_loop3A_543 : vector<16xf32>
        tpu.vector_store_idx %arg9[%parallel_loop3A_642], %parallel_loop3A_643 {add = true} : memref<36992xf32, #tpu.memory_space<vmem>>[vector<16xi32>], vector<16xf32>,
        %parallel_loop3A_644 = arith.constant 6256 : i32
        %parallel_loop3A_645 = vector.broadcast %parallel_loop3A_644 : i32 to vector<16xi32>
        %parallel_loop3A_646 = arith.addi %parallel_loop3A_551, %parallel_loop3A_645 : vector<16xi32>
        %parallel_loop3A_647 = arith.mulf %parallel_loop3A_401, %parallel_loop3A_543 : vector<16xf32>
        tpu.vector_store_idx %arg9[%parallel_loop3A_646], %parallel_loop3A_647 {add = true} : memref<36992xf32, #tpu.memory_space<vmem>>[vector<16xi32>], vector<16xf32>,
        %parallel_loop3A_648 = arith.constant 6528 : i32
        %parallel_loop3A_649 = vector.broadcast %parallel_loop3A_648 : i32 to vector<16xi32>
        %parallel_loop3A_650 = arith.addi %parallel_loop3A_551, %parallel_loop3A_649 : vector<16xi32>
        %parallel_loop3A_651 = arith.mulf %parallel_loop3A_407, %parallel_loop3A_543 : vector<16xf32>
        tpu.vector_store_idx %arg9[%parallel_loop3A_650], %parallel_loop3A_651 {add = true} : memref<36992xf32, #tpu.memory_space<vmem>>[vector<16xi32>], vector<16xf32>,
        %parallel_loop3A_652 = arith.constant 6800 : i32
        %parallel_loop3A_653 = vector.broadcast %parallel_loop3A_652 : i32 to vector<16xi32>
        %parallel_loop3A_654 = arith.addi %parallel_loop3A_551, %parallel_loop3A_653 : vector<16xi32>
        %parallel_loop3A_655 = arith.mulf %parallel_loop3A_413, %parallel_loop3A_543 : vector<16xf32>
        tpu.vector_store_idx %arg9[%parallel_loop3A_654], %parallel_loop3A_655 {add = true} : memref<36992xf32, #tpu.memory_space<vmem>>[vector<16xi32>], vector<16xf32>,
        %parallel_loop3A_656 = arith.constant 7072 : i32
        %parallel_loop3A_657 = vector.broadcast %parallel_loop3A_656 : i32 to vector<16xi32>
        %parallel_loop3A_658 = arith.addi %parallel_loop3A_551, %parallel_loop3A_657 : vector<16xi32>
        %parallel_loop3A_659 = arith.mulf %parallel_loop3A_419, %parallel_loop3A_543 : vector<16xf32>
        tpu.vector_store_idx %arg9[%parallel_loop3A_658], %parallel_loop3A_659 {add = true} : memref<36992xf32, #tpu.memory_space<vmem>>[vector<16xi32>], vector<16xf32>,
        %parallel_loop3A_660 = arith.constant 7344 : i32
        %parallel_loop3A_661 = vector.broadcast %parallel_loop3A_660 : i32 to vector<16xi32>
        %parallel_loop3A_662 = arith.addi %parallel_loop3A_551, %parallel_loop3A_661 : vector<16xi32>
        %parallel_loop3A_663 = arith.mulf %parallel_loop3A_425, %parallel_loop3A_543 : vector<16xf32>
        tpu.vector_store_idx %arg9[%parallel_loop3A_662], %parallel_loop3A_663 {add = true} : memref<36992xf32, #tpu.memory_space<vmem>>[vector<16xi32>], vector<16xf32>,
        %parallel_loop3A_664 = arith.constant 7616 : i32
        %parallel_loop3A_665 = vector.broadcast %parallel_loop3A_664 : i32 to vector<16xi32>
        %parallel_loop3A_666 = arith.addi %parallel_loop3A_551, %parallel_loop3A_665 : vector<16xi32>
        %parallel_loop3A_667 = arith.mulf %parallel_loop3A_431, %parallel_loop3A_543 : vector<16xf32>
        tpu.vector_store_idx %arg9[%parallel_loop3A_666], %parallel_loop3A_667 {add = true} : memref<36992xf32, #tpu.memory_space<vmem>>[vector<16xi32>], vector<16xf32>,
        %parallel_loop3A_668 = arith.constant 7888 : i32
        %parallel_loop3A_669 = vector.broadcast %parallel_loop3A_668 : i32 to vector<16xi32>
        %parallel_loop3A_670 = arith.addi %parallel_loop3A_551, %parallel_loop3A_669 : vector<16xi32>
        %parallel_loop3A_671 = arith.mulf %parallel_loop3A_437, %parallel_loop3A_543 : vector<16xf32>
        tpu.vector_store_idx %arg9[%parallel_loop3A_670], %parallel_loop3A_671 {add = true} : memref<36992xf32, #tpu.memory_space<vmem>>[vector<16xi32>], vector<16xf32>,
        %parallel_loop3A_672 = arith.constant 8160 : i32
        %parallel_loop3A_673 = vector.broadcast %parallel_loop3A_672 : i32 to vector<16xi32>
        %parallel_loop3A_674 = arith.addi %parallel_loop3A_551, %parallel_loop3A_673 : vector<16xi32>
        %parallel_loop3A_675 = arith.mulf %parallel_loop3A_443, %parallel_loop3A_543 : vector<16xf32>
        tpu.vector_store_idx %arg9[%parallel_loop3A_674], %parallel_loop3A_675 {add = true} : memref<36992xf32, #tpu.memory_space<vmem>>[vector<16xi32>], vector<16xf32>,
        %parallel_loop3A_676 = arith.constant 8432 : i32
        %parallel_loop3A_677 = vector.broadcast %parallel_loop3A_676 : i32 to vector<16xi32>
        %parallel_loop3A_678 = arith.addi %parallel_loop3A_551, %parallel_loop3A_677 : vector<16xi32>
        %parallel_loop3A_679 = arith.mulf %parallel_loop3A_449, %parallel_loop3A_543 : vector<16xf32>
        tpu.vector_store_idx %arg9[%parallel_loop3A_678], %parallel_loop3A_679 {add = true} : memref<36992xf32, #tpu.memory_space<vmem>>[vector<16xi32>], vector<16xf32>,
        %parallel_loop3A_680 = arith.constant 8704 : i32
        %parallel_loop3A_681 = vector.broadcast %parallel_loop3A_680 : i32 to vector<16xi32>
        %parallel_loop3A_682 = arith.addi %parallel_loop3A_551, %parallel_loop3A_681 : vector<16xi32>
        %parallel_loop3A_683 = arith.constant 1.000000e+00 : f32
        %parallel_loop3A_684 = vector.broadcast %parallel_loop3A_683 : f32 to vector<16xf32>
        tpu.vector_store_idx %arg9[%parallel_loop3A_682], %parallel_loop3A_684 {add = true} : memref<36992xf32, #tpu.memory_space<vmem>>[vector<16xi32>], vector<16xf32>,
        %parallel_loop3A_685 = arith.constant 8976 : i32
        %parallel_loop3A_686 = vector.broadcast %parallel_loop3A_685 : i32 to vector<16xi32>
        %parallel_loop3A_687 = arith.addi %parallel_loop3A_551, %parallel_loop3A_686 : vector<16xi32>
        tpu.vector_store_idx %arg9[%parallel_loop3A_687], %parallel_loop3A_545 {add = true} : memref<36992xf32, #tpu.memory_space<vmem>>[vector<16xi32>], vector<16xf32>,
      } {sc.loop_unroll_factor = 4 : i64, sc.parallel_access}
    }
    %scan3A_61 = arith.constant 6 : i32
    "tpu.region"() ({
      %run_scoped3A = tpu.sem_alloc : memref<!tpu.dma_semaphore, #tpu.memory_space<semaphore_mem>>
      %dma_start3A_62 = arith.constant 0 : i32
      %dma_start3A_63 = tpu.memref_slice %arg5[%add3A, %dma_start3A_62] : memref<32x36992xf32, #tpu.memory_space<hbm>> -> memref<1x36992xf32, #tpu.memory_space<hbm>>
      %dma_start3A_64 = tpu.memref_squeeze %dma_start3A_63 : memref<1x36992xf32, #tpu.memory_space<hbm>> -> memref<36992xf32, #tpu.memory_space<hbm>>
      %dma_start3A_65 = arith.constant 0 : i32
      %dma_start3A_66 = tpu.memref_slice %arg5[%add3A, %dma_start3A_65] : memref<32x36992xf32, #tpu.memory_space<hbm>> -> memref<1x36992xf32, #tpu.memory_space<hbm>>
      %dma_start3A_67 = tpu.memref_squeeze %dma_start3A_66 : memref<1x36992xf32, #tpu.memory_space<hbm>> -> memref<36992xf32, #tpu.memory_space<hbm>>
      tpu.enqueue_dma source(%arg9 : memref<36992xf32, #tpu.memory_space<vmem>>) target(%dma_start3A_67 : memref<36992xf32, #tpu.memory_space<hbm>>) target_semaphore(%run_scoped3A : memref<!tpu.dma_semaphore, #tpu.memory_space<semaphore_mem>>)
      %dma_wait3A = arith.constant 0 : i32
      %dma_wait3A_68 = tpu.memref_slice %arg5[%add3A, %dma_wait3A] : memref<32x36992xf32, #tpu.memory_space<hbm>> -> memref<1x36992xf32, #tpu.memory_space<hbm>>
      %dma_wait3A_69 = tpu.memref_squeeze %dma_wait3A_68 : memref<1x36992xf32, #tpu.memory_space<hbm>> -> memref<36992xf32, #tpu.memory_space<hbm>>
      %dma_wait3A_70 = arith.constant 0 : i32
      %dma_wait3A_71 = tpu.memref_slice %arg5[%add3A, %dma_wait3A_70] : memref<32x36992xf32, #tpu.memory_space<hbm>> -> memref<1x36992xf32, #tpu.memory_space<hbm>>
      %dma_wait3A_72 = tpu.memref_squeeze %dma_wait3A_71 : memref<1x36992xf32, #tpu.memory_space<hbm>> -> memref<36992xf32, #tpu.memory_space<hbm>>
      tpu.wait_dma2 semaphore(%run_scoped3A : memref<!tpu.dma_semaphore, #tpu.memory_space<semaphore_mem>>) src(%arg9 : memref<36992xf32, #tpu.memory_space<vmem>>) dst(%dma_wait3A_72 : memref<36992xf32, #tpu.memory_space<hbm>>)
      tpu.yield
    }) : () -> ()
    return
  }
}

module attributes {stable_mosaic.version = 14 : i64} {
  func.func @_tc_partial(%arg0: i32, %arg1: i32, %arg2: memref<1x32x9216xf32, #tpu.memory_space<vmem>>, %arg3: memref<1x1x1x9216xi32, #tpu.memory_space<vmem>>, %arg4: memref<1x1x1x9216xi32, #tpu.memory_space<vmem>>, %arg5: memref<1x16x34xf32, #tpu.memory_space<vmem>>) attributes {dimension_semantics = [#tpu.dimension_semantics<arbitrary>, #tpu.dimension_semantics<arbitrary>], iteration_bounds = array<i64: 4, 8>, scalar_prefetch = 0 : i64, scratch_operands = 0 : i64, tpu.core_type = #tpu.core_type<tc>, window_params = [{transform_indices = @transform_0, window_bounds = array<i64: 1, 32, 9216>}, {transform_indices = @transform_1, window_bounds = array<i64: 1, 1, 1, 9216>}, {transform_indices = @transform_2, window_bounds = array<i64: 1, 1, 1, 9216>}, {transform_indices = @transform_3, window_bounds = array<i64: 1, 16, 34>}]} {
    %eq3A = arith.constant 0 : i32
    %eq3A_0 = arith.cmpi eq, %arg1, %eq3A : i32
    %convert_element_type3A = arith.extui %eq3A_0 : i1 to i32
    %cond3A = arith.constant 0 : i32
    %cond3A_1 = arith.cmpi ne, %convert_element_type3A, %cond3A : i32
    scf.if %cond3A_1 {
      %broadcast_in_dim3A_52 = arith.constant 0.000000e+00 : f32
      %broadcast_in_dim3A_53 = vector.broadcast %broadcast_in_dim3A_52 : f32 to vector<1x16x34xf32>
      %swap3A_54 = arith.constant 0 : index
      %swap3A_55 = arith.constant 0 : index
      %swap3A_56 = arith.constant 0 : index
      %swap3A_57 = vector.load %arg5[%swap3A_54, %swap3A_55, %swap3A_56] : memref<1x16x34xf32, #tpu.memory_space<vmem>>, vector<1x16x34xf32>
      tpu.vector_store %arg5[%swap3A_54, %swap3A_55, %swap3A_56], %broadcast_in_dim3A_53 {strides = array<i32>} : memref<1x16x34xf32, #tpu.memory_space<vmem>>, vector<1x16x34xf32>,
    } else {
    }
    %get3A = arith.constant 0 : index
    %get3A_2 = arith.constant 0 : index
    %get3A_3 = arith.constant 0 : index
    %get3A_4 = vector.load %arg2[%get3A, %get3A_2, %get3A_3] : memref<1x32x9216xf32, #tpu.memory_space<vmem>>, vector<1x32x9216xf32>
    %get3A_5 = vector.shape_cast %get3A_4 : vector<1x32x9216xf32> to vector<32x9216xf32>
    %get3A_6 = arith.constant 0 : index
    %get3A_7 = arith.constant 0 : index
    %get3A_8 = arith.constant 0 : index
    %get3A_9 = arith.constant 0 : index
    %get3A_10 = vector.load %arg3[%get3A_6, %get3A_7, %get3A_8, %get3A_9] : memref<1x1x1x9216xi32, #tpu.memory_space<vmem>>, vector<1x1x1x9216xi32>
    %get3A_11 = vector.shape_cast %get3A_10 : vector<1x1x1x9216xi32> to vector<1x9216xi32>
    %get3A_12 = arith.constant 0 : index
    %get3A_13 = arith.constant 0 : index
    %get3A_14 = arith.constant 0 : index
    %get3A_15 = arith.constant 0 : index
    %get3A_16 = vector.load %arg4[%get3A_12, %get3A_13, %get3A_14, %get3A_15] : memref<1x1x1x9216xi32, #tpu.memory_space<vmem>>, vector<1x1x1x9216xi32>
    %get3A_17 = vector.shape_cast %get3A_16 : vector<1x1x1x9216xi32> to vector<1x9216xi32>
    %mul3A = arith.mulf %get3A_5, %get3A_5 : vector<32x9216xf32>
    %reduce_sum3A = arith.constant dense<0.000000e+00> : vector<9216xf32>
    %reduce_sum3A_18 = vector.multi_reduction <add>, %mul3A, %reduce_sum3A [0] : vector<32x9216xf32> to vector<9216xf32>
    %broadcast_in_dim3A = vector.shape_cast %reduce_sum3A_18 : vector<9216xf32> to vector<1x9216xf32>
    %sqrt3A = math.sqrt %broadcast_in_dim3A : vector<1x9216xf32>
    %add3A = arith.constant 9.99999997E-7 : f32
    %add3A_19 = vector.broadcast %add3A : f32 to vector<1x9216xf32>
    %add3A_20 = arith.addf %sqrt3A, %add3A_19 : vector<1x9216xf32>
    %div3A = arith.constant 1.000000e+00 : f32
    %div3A_21 = vector.broadcast %div3A : f32 to vector<1x9216xf32>
    %div3A_22 = arith.divf %div3A_21, %add3A_20 : vector<1x9216xf32>
    %mul3A_23 = vector.broadcast %div3A_22 : vector<1x9216xf32> to vector<32x9216xf32>
    %mul3A_24 = arith.mulf %get3A_5, %mul3A_23 : vector<32x9216xf32>
    %mul3A_25 = arith.mulf %div3A_22, %div3A_22 : vector<1x9216xf32>
    %mul3A_26 = arith.mulf %broadcast_in_dim3A, %mul3A_25 : vector<1x9216xf32>
    %broadcast_in_dim3A_27 = arith.constant 1.000000e+00 : f32
    %broadcast_in_dim3A_28 = vector.broadcast %broadcast_in_dim3A_27 : f32 to vector<1x9216xf32>
    %concatenate3A = tpu.concatenate %mul3A_24, %broadcast_in_dim3A_28, %mul3A_26 in 0 : vector<32x9216xf32>, vector<1x9216xf32>, vector<1x9216xf32> -> vector<34x9216xf32>
    %iota3A = tpu.iota {dimensions = array<i32: 0>} : vector<16x9216xi32>
    %add3A_29 = arith.constant 1 : i32
    %add3A_30 = vector.broadcast %add3A_29 : i32 to vector<16x9216xi32>
    %add3A_31 = arith.addi %iota3A, %add3A_30 : vector<16x9216xi32>
    %eq3A_32 = vector.broadcast %get3A_11 : vector<1x9216xi32> to vector<16x9216xi32>
    %eq3A_33 = arith.cmpi eq, %eq3A_32, %add3A_31 : vector<16x9216xi32>
    %eq3A_34 = arith.constant 0 : i32
    %eq3A_35 = vector.broadcast %eq3A_34 : i32 to vector<1x9216xi32>
    %eq3A_36 = arith.cmpi eq, %get3A_17, %eq3A_35 : vector<1x9216xi32>
    %and3A = vector.broadcast %eq3A_36 : vector<1x9216xi1> to vector<16x9216xi1>
    %and3A_37 = arith.andi %eq3A_33, %and3A : vector<16x9216xi1>
    %convert_element_type3A_38 = arith.extui %and3A_37 : vector<16x9216xi1> to vector<16x9216xi32>
    %convert_element_type3A_39 = arith.sitofp %convert_element_type3A_38 : vector<16x9216xi32> to vector<16x9216xf32>
    %get3A_40 = arith.constant 0 : index
    %get3A_41 = arith.constant 0 : index
    %get3A_42 = arith.constant 0 : index
    %get3A_43 = vector.load %arg5[%get3A_40, %get3A_41, %get3A_42] : memref<1x16x34xf32, #tpu.memory_space<vmem>>, vector<1x16x34xf32>
    %get3A_44 = vector.shape_cast %get3A_43 : vector<1x16x34xf32> to vector<16x34xf32>
    %dot_general3A = arith.constant dense<0.000000e+00> : vector<16x34xf32>
    %dot_general3A_45 = tpu.matmul %convert_element_type3A_39, %concatenate3A, %dot_general3A {dimension_numbers = #tpu.dot_dimension_numbers<[1], [1], [0], [0], [0, 0, 1, 0], [], []>, transpose_lhs_hint = false} : vector<16x9216xf32>, vector<34x9216xf32>, vector<16x34xf32> -> vector<16x34xf32>
    %add3A_46 = arith.addf %get3A_44, %dot_general3A_45 : vector<16x34xf32>
    %swap3A = arith.constant 0 : index
    %swap3A_47 = arith.constant 0 : index
    %swap3A_48 = arith.constant 0 : index
    %swap3A_49 = vector.load %arg5[%swap3A, %swap3A_47, %swap3A_48] : memref<1x16x34xf32, #tpu.memory_space<vmem>>, vector<1x16x34xf32>
    %swap3A_50 = vector.shape_cast %swap3A_49 : vector<1x16x34xf32> to vector<16x34xf32>
    %swap3A_51 = vector.shape_cast %add3A_46 : vector<16x34xf32> to vector<1x16x34xf32>
    tpu.vector_store %arg5[%swap3A, %swap3A_47, %swap3A_48], %swap3A_51 {strides = array<i32>} : memref<1x16x34xf32, #tpu.memory_space<vmem>>, vector<1x16x34xf32>,
    return
  }
  func.func @transform_0(%arg0: i32, %arg1: i32) -> (i32, i32, i32) {
    %c0_i32 = arith.constant 0 : i32
    %c0_i32_0 = arith.constant 0 : i32
    return %arg0, %c0_i32, %arg1 : i32, i32, i32
  }
  func.func @transform_1(%arg0: i32, %arg1: i32) -> (i32, i32, i32, i32) {
    %c0_i32 = arith.constant 0 : i32
    %c0_i32_0 = arith.constant 0 : i32
    %c0_i32_1 = arith.constant 0 : i32
    return %arg0, %arg1, %c0_i32, %c0_i32_0 : i32, i32, i32, i32
  }
  func.func @transform_2(%arg0: i32, %arg1: i32) -> (i32, i32, i32, i32) {
    %c0_i32 = arith.constant 0 : i32
    %c0_i32_0 = arith.constant 0 : i32
    %c0_i32_1 = arith.constant 0 : i32
    return %arg0, %arg1, %c0_i32, %c0_i32_0 : i32, i32, i32, i32
  }
  func.func @transform_3(%arg0: i32, %arg1: i32) -> (i32, i32, i32) {
    %c0_i32 = arith.constant 0 : i32
    %c0_i32_0 = arith.constant 0 : i32
    %c0_i32_1 = arith.constant 0 : i32
    return %arg0, %c0_i32, %c0_i32_0 : i32, i32, i32
  }
}

module attributes {stable_mosaic.version = 14 : i64} {
  func.func @_tc_stage2(%arg0: i32, %arg1: memref<1x578x512xf32, #tpu.memory_space<vmem>>, %arg2: memref<1x16x34xf32, #tpu.memory_space<vmem>>, %arg3: memref<1x1xf32, #tpu.memory_space<vmem>>) attributes {dimension_semantics = [#tpu.dimension_semantics<arbitrary>], iteration_bounds = array<i64: 4>, scalar_prefetch = 0 : i64, scratch_operands = 0 : i64, tpu.core_type = #tpu.core_type<tc>, window_params = [{transform_indices = @transform_0, window_bounds = array<i64: 1, 578, 512>}, {transform_indices = @transform_1, window_bounds = array<i64: 1, 16, 34>}, {pipeline_mode = #tpu.pipeline_mode<synchronous>, transform_indices = @transform_2, window_bounds = array<i64: 1, 1>}]} {
    %eq3A = arith.constant 0 : i32
    %eq3A_0 = arith.cmpi eq, %arg0, %eq3A : i32
    %convert_element_type3A = arith.extui %eq3A_0 : i1 to i32
    %cond3A = arith.constant 0 : i32
    %cond3A_1 = arith.cmpi ne, %convert_element_type3A, %cond3A : i32
    scf.if %cond3A_1 {
      %broadcast_in_dim3A_233 = arith.constant 0.000000e+00 : f32
      %broadcast_in_dim3A_234 = vector.broadcast %broadcast_in_dim3A_233 : f32 to vector<1x1xf32>
      %swap3A_235 = arith.constant 0 : index
      %swap3A_236 = arith.constant 0 : index
      %swap3A_237 = vector.load %arg3[%swap3A_235, %swap3A_236] : memref<1x1xf32, #tpu.memory_space<vmem>>, vector<1x1xf32>
      tpu.vector_store %arg3[%swap3A_235, %swap3A_236], %broadcast_in_dim3A_234 {strides = array<i32>} : memref<1x1xf32, #tpu.memory_space<vmem>>, vector<1x1xf32>,
    } else {
    }
    %get3A = arith.constant 0 : index
    %get3A_2 = arith.constant 0 : index
    %get3A_3 = arith.constant 0 : index
    %get3A_4 = vector.load %arg1[%get3A, %get3A_2, %get3A_3] : memref<1x578x512xf32, #tpu.memory_space<vmem>>, vector<1x578x512xf32>
    %get3A_5 = vector.shape_cast %get3A_4 : vector<1x578x512xf32> to vector<578x512xf32>
    %slice3A = vector.extract_strided_slice %get3A_5 {offsets = [1, 0], sizes = [16, 512], strides = [1, 1]} : vector<578x512xf32> to vector<16x512xf32>
    %reduce_sum3A = arith.constant dense<0.000000e+00> : vector<16xf32>
    %reduce_sum3A_6 = vector.multi_reduction <add>, %slice3A, %reduce_sum3A [1] : vector<16x512xf32> to vector<16xf32>
    %broadcast_in_dim3A = vector.shape_cast %reduce_sum3A_6 : vector<16xf32> to vector<16x1xf32>
    %slice3A_7 = vector.extract_strided_slice %get3A_5 {offsets = [18, 0], sizes = [16, 512], strides = [1, 1]} : vector<578x512xf32> to vector<16x512xf32>
    %reduce_sum3A_8 = arith.constant dense<0.000000e+00> : vector<16xf32>
    %reduce_sum3A_9 = vector.multi_reduction <add>, %slice3A_7, %reduce_sum3A_8 [1] : vector<16x512xf32> to vector<16xf32>
    %broadcast_in_dim3A_10 = vector.shape_cast %reduce_sum3A_9 : vector<16xf32> to vector<16x1xf32>
    %slice3A_11 = vector.extract_strided_slice %get3A_5 {offsets = [35, 0], sizes = [16, 512], strides = [1, 1]} : vector<578x512xf32> to vector<16x512xf32>
    %reduce_sum3A_12 = arith.constant dense<0.000000e+00> : vector<16xf32>
    %reduce_sum3A_13 = vector.multi_reduction <add>, %slice3A_11, %reduce_sum3A_12 [1] : vector<16x512xf32> to vector<16xf32>
    %broadcast_in_dim3A_14 = vector.shape_cast %reduce_sum3A_13 : vector<16xf32> to vector<16x1xf32>
    %slice3A_15 = vector.extract_strided_slice %get3A_5 {offsets = [52, 0], sizes = [16, 512], strides = [1, 1]} : vector<578x512xf32> to vector<16x512xf32>
    %reduce_sum3A_16 = arith.constant dense<0.000000e+00> : vector<16xf32>
    %reduce_sum3A_17 = vector.multi_reduction <add>, %slice3A_15, %reduce_sum3A_16 [1] : vector<16x512xf32> to vector<16xf32>
    %broadcast_in_dim3A_18 = vector.shape_cast %reduce_sum3A_17 : vector<16xf32> to vector<16x1xf32>
    %slice3A_19 = vector.extract_strided_slice %get3A_5 {offsets = [69, 0], sizes = [16, 512], strides = [1, 1]} : vector<578x512xf32> to vector<16x512xf32>
    %reduce_sum3A_20 = arith.constant dense<0.000000e+00> : vector<16xf32>
    %reduce_sum3A_21 = vector.multi_reduction <add>, %slice3A_19, %reduce_sum3A_20 [1] : vector<16x512xf32> to vector<16xf32>
    %broadcast_in_dim3A_22 = vector.shape_cast %reduce_sum3A_21 : vector<16xf32> to vector<16x1xf32>
    %slice3A_23 = vector.extract_strided_slice %get3A_5 {offsets = [86, 0], sizes = [16, 512], strides = [1, 1]} : vector<578x512xf32> to vector<16x512xf32>
    %reduce_sum3A_24 = arith.constant dense<0.000000e+00> : vector<16xf32>
    %reduce_sum3A_25 = vector.multi_reduction <add>, %slice3A_23, %reduce_sum3A_24 [1] : vector<16x512xf32> to vector<16xf32>
    %broadcast_in_dim3A_26 = vector.shape_cast %reduce_sum3A_25 : vector<16xf32> to vector<16x1xf32>
    %slice3A_27 = vector.extract_strided_slice %get3A_5 {offsets = [103, 0], sizes = [16, 512], strides = [1, 1]} : vector<578x512xf32> to vector<16x512xf32>
    %reduce_sum3A_28 = arith.constant dense<0.000000e+00> : vector<16xf32>
    %reduce_sum3A_29 = vector.multi_reduction <add>, %slice3A_27, %reduce_sum3A_28 [1] : vector<16x512xf32> to vector<16xf32>
    %broadcast_in_dim3A_30 = vector.shape_cast %reduce_sum3A_29 : vector<16xf32> to vector<16x1xf32>
    %slice3A_31 = vector.extract_strided_slice %get3A_5 {offsets = [120, 0], sizes = [16, 512], strides = [1, 1]} : vector<578x512xf32> to vector<16x512xf32>
    %reduce_sum3A_32 = arith.constant dense<0.000000e+00> : vector<16xf32>
    %reduce_sum3A_33 = vector.multi_reduction <add>, %slice3A_31, %reduce_sum3A_32 [1] : vector<16x512xf32> to vector<16xf32>
    %broadcast_in_dim3A_34 = vector.shape_cast %reduce_sum3A_33 : vector<16xf32> to vector<16x1xf32>
    %slice3A_35 = vector.extract_strided_slice %get3A_5 {offsets = [137, 0], sizes = [16, 512], strides = [1, 1]} : vector<578x512xf32> to vector<16x512xf32>
    %reduce_sum3A_36 = arith.constant dense<0.000000e+00> : vector<16xf32>
    %reduce_sum3A_37 = vector.multi_reduction <add>, %slice3A_35, %reduce_sum3A_36 [1] : vector<16x512xf32> to vector<16xf32>
    %broadcast_in_dim3A_38 = vector.shape_cast %reduce_sum3A_37 : vector<16xf32> to vector<16x1xf32>
    %slice3A_39 = vector.extract_strided_slice %get3A_5 {offsets = [154, 0], sizes = [16, 512], strides = [1, 1]} : vector<578x512xf32> to vector<16x512xf32>
    %reduce_sum3A_40 = arith.constant dense<0.000000e+00> : vector<16xf32>
    %reduce_sum3A_41 = vector.multi_reduction <add>, %slice3A_39, %reduce_sum3A_40 [1] : vector<16x512xf32> to vector<16xf32>
    %broadcast_in_dim3A_42 = vector.shape_cast %reduce_sum3A_41 : vector<16xf32> to vector<16x1xf32>
    %slice3A_43 = vector.extract_strided_slice %get3A_5 {offsets = [171, 0], sizes = [16, 512], strides = [1, 1]} : vector<578x512xf32> to vector<16x512xf32>
    %reduce_sum3A_44 = arith.constant dense<0.000000e+00> : vector<16xf32>
    %reduce_sum3A_45 = vector.multi_reduction <add>, %slice3A_43, %reduce_sum3A_44 [1] : vector<16x512xf32> to vector<16xf32>
    %broadcast_in_dim3A_46 = vector.shape_cast %reduce_sum3A_45 : vector<16xf32> to vector<16x1xf32>
    %slice3A_47 = vector.extract_strided_slice %get3A_5 {offsets = [188, 0], sizes = [16, 512], strides = [1, 1]} : vector<578x512xf32> to vector<16x512xf32>
    %reduce_sum3A_48 = arith.constant dense<0.000000e+00> : vector<16xf32>
    %reduce_sum3A_49 = vector.multi_reduction <add>, %slice3A_47, %reduce_sum3A_48 [1] : vector<16x512xf32> to vector<16xf32>
    %broadcast_in_dim3A_50 = vector.shape_cast %reduce_sum3A_49 : vector<16xf32> to vector<16x1xf32>
    %slice3A_51 = vector.extract_strided_slice %get3A_5 {offsets = [205, 0], sizes = [16, 512], strides = [1, 1]} : vector<578x512xf32> to vector<16x512xf32>
    %reduce_sum3A_52 = arith.constant dense<0.000000e+00> : vector<16xf32>
    %reduce_sum3A_53 = vector.multi_reduction <add>, %slice3A_51, %reduce_sum3A_52 [1] : vector<16x512xf32> to vector<16xf32>
    %broadcast_in_dim3A_54 = vector.shape_cast %reduce_sum3A_53 : vector<16xf32> to vector<16x1xf32>
    %slice3A_55 = vector.extract_strided_slice %get3A_5 {offsets = [222, 0], sizes = [16, 512], strides = [1, 1]} : vector<578x512xf32> to vector<16x512xf32>
    %reduce_sum3A_56 = arith.constant dense<0.000000e+00> : vector<16xf32>
    %reduce_sum3A_57 = vector.multi_reduction <add>, %slice3A_55, %reduce_sum3A_56 [1] : vector<16x512xf32> to vector<16xf32>
    %broadcast_in_dim3A_58 = vector.shape_cast %reduce_sum3A_57 : vector<16xf32> to vector<16x1xf32>
    %slice3A_59 = vector.extract_strided_slice %get3A_5 {offsets = [239, 0], sizes = [16, 512], strides = [1, 1]} : vector<578x512xf32> to vector<16x512xf32>
    %reduce_sum3A_60 = arith.constant dense<0.000000e+00> : vector<16xf32>
    %reduce_sum3A_61 = vector.multi_reduction <add>, %slice3A_59, %reduce_sum3A_60 [1] : vector<16x512xf32> to vector<16xf32>
    %broadcast_in_dim3A_62 = vector.shape_cast %reduce_sum3A_61 : vector<16xf32> to vector<16x1xf32>
    %slice3A_63 = vector.extract_strided_slice %get3A_5 {offsets = [256, 0], sizes = [16, 512], strides = [1, 1]} : vector<578x512xf32> to vector<16x512xf32>
    %reduce_sum3A_64 = arith.constant dense<0.000000e+00> : vector<16xf32>
    %reduce_sum3A_65 = vector.multi_reduction <add>, %slice3A_63, %reduce_sum3A_64 [1] : vector<16x512xf32> to vector<16xf32>
    %broadcast_in_dim3A_66 = vector.shape_cast %reduce_sum3A_65 : vector<16xf32> to vector<16x1xf32>
    %slice3A_67 = vector.extract_strided_slice %get3A_5 {offsets = [273, 0], sizes = [16, 512], strides = [1, 1]} : vector<578x512xf32> to vector<16x512xf32>
    %reduce_sum3A_68 = arith.constant dense<0.000000e+00> : vector<16xf32>
    %reduce_sum3A_69 = vector.multi_reduction <add>, %slice3A_67, %reduce_sum3A_68 [1] : vector<16x512xf32> to vector<16xf32>
    %broadcast_in_dim3A_70 = vector.shape_cast %reduce_sum3A_69 : vector<16xf32> to vector<16x1xf32>
    %slice3A_71 = vector.extract_strided_slice %get3A_5 {offsets = [290, 0], sizes = [16, 512], strides = [1, 1]} : vector<578x512xf32> to vector<16x512xf32>
    %reduce_sum3A_72 = arith.constant dense<0.000000e+00> : vector<16xf32>
    %reduce_sum3A_73 = vector.multi_reduction <add>, %slice3A_71, %reduce_sum3A_72 [1] : vector<16x512xf32> to vector<16xf32>
    %broadcast_in_dim3A_74 = vector.shape_cast %reduce_sum3A_73 : vector<16xf32> to vector<16x1xf32>
    %slice3A_75 = vector.extract_strided_slice %get3A_5 {offsets = [307, 0], sizes = [16, 512], strides = [1, 1]} : vector<578x512xf32> to vector<16x512xf32>
    %reduce_sum3A_76 = arith.constant dense<0.000000e+00> : vector<16xf32>
    %reduce_sum3A_77 = vector.multi_reduction <add>, %slice3A_75, %reduce_sum3A_76 [1] : vector<16x512xf32> to vector<16xf32>
    %broadcast_in_dim3A_78 = vector.shape_cast %reduce_sum3A_77 : vector<16xf32> to vector<16x1xf32>
    %slice3A_79 = vector.extract_strided_slice %get3A_5 {offsets = [324, 0], sizes = [16, 512], strides = [1, 1]} : vector<578x512xf32> to vector<16x512xf32>
    %reduce_sum3A_80 = arith.constant dense<0.000000e+00> : vector<16xf32>
    %reduce_sum3A_81 = vector.multi_reduction <add>, %slice3A_79, %reduce_sum3A_80 [1] : vector<16x512xf32> to vector<16xf32>
    %broadcast_in_dim3A_82 = vector.shape_cast %reduce_sum3A_81 : vector<16xf32> to vector<16x1xf32>
    %slice3A_83 = vector.extract_strided_slice %get3A_5 {offsets = [341, 0], sizes = [16, 512], strides = [1, 1]} : vector<578x512xf32> to vector<16x512xf32>
    %reduce_sum3A_84 = arith.constant dense<0.000000e+00> : vector<16xf32>
    %reduce_sum3A_85 = vector.multi_reduction <add>, %slice3A_83, %reduce_sum3A_84 [1] : vector<16x512xf32> to vector<16xf32>
    %broadcast_in_dim3A_86 = vector.shape_cast %reduce_sum3A_85 : vector<16xf32> to vector<16x1xf32>
    %slice3A_87 = vector.extract_strided_slice %get3A_5 {offsets = [358, 0], sizes = [16, 512], strides = [1, 1]} : vector<578x512xf32> to vector<16x512xf32>
    %reduce_sum3A_88 = arith.constant dense<0.000000e+00> : vector<16xf32>
    %reduce_sum3A_89 = vector.multi_reduction <add>, %slice3A_87, %reduce_sum3A_88 [1] : vector<16x512xf32> to vector<16xf32>
    %broadcast_in_dim3A_90 = vector.shape_cast %reduce_sum3A_89 : vector<16xf32> to vector<16x1xf32>
    %slice3A_91 = vector.extract_strided_slice %get3A_5 {offsets = [375, 0], sizes = [16, 512], strides = [1, 1]} : vector<578x512xf32> to vector<16x512xf32>
    %reduce_sum3A_92 = arith.constant dense<0.000000e+00> : vector<16xf32>
    %reduce_sum3A_93 = vector.multi_reduction <add>, %slice3A_91, %reduce_sum3A_92 [1] : vector<16x512xf32> to vector<16xf32>
    %broadcast_in_dim3A_94 = vector.shape_cast %reduce_sum3A_93 : vector<16xf32> to vector<16x1xf32>
    %slice3A_95 = vector.extract_strided_slice %get3A_5 {offsets = [392, 0], sizes = [16, 512], strides = [1, 1]} : vector<578x512xf32> to vector<16x512xf32>
    %reduce_sum3A_96 = arith.constant dense<0.000000e+00> : vector<16xf32>
    %reduce_sum3A_97 = vector.multi_reduction <add>, %slice3A_95, %reduce_sum3A_96 [1] : vector<16x512xf32> to vector<16xf32>
    %broadcast_in_dim3A_98 = vector.shape_cast %reduce_sum3A_97 : vector<16xf32> to vector<16x1xf32>
    %slice3A_99 = vector.extract_strided_slice %get3A_5 {offsets = [409, 0], sizes = [16, 512], strides = [1, 1]} : vector<578x512xf32> to vector<16x512xf32>
    %reduce_sum3A_100 = arith.constant dense<0.000000e+00> : vector<16xf32>
    %reduce_sum3A_101 = vector.multi_reduction <add>, %slice3A_99, %reduce_sum3A_100 [1] : vector<16x512xf32> to vector<16xf32>
    %broadcast_in_dim3A_102 = vector.shape_cast %reduce_sum3A_101 : vector<16xf32> to vector<16x1xf32>
    %slice3A_103 = vector.extract_strided_slice %get3A_5 {offsets = [426, 0], sizes = [16, 512], strides = [1, 1]} : vector<578x512xf32> to vector<16x512xf32>
    %reduce_sum3A_104 = arith.constant dense<0.000000e+00> : vector<16xf32>
    %reduce_sum3A_105 = vector.multi_reduction <add>, %slice3A_103, %reduce_sum3A_104 [1] : vector<16x512xf32> to vector<16xf32>
    %broadcast_in_dim3A_106 = vector.shape_cast %reduce_sum3A_105 : vector<16xf32> to vector<16x1xf32>
    %slice3A_107 = vector.extract_strided_slice %get3A_5 {offsets = [443, 0], sizes = [16, 512], strides = [1, 1]} : vector<578x512xf32> to vector<16x512xf32>
    %reduce_sum3A_108 = arith.constant dense<0.000000e+00> : vector<16xf32>
    %reduce_sum3A_109 = vector.multi_reduction <add>, %slice3A_107, %reduce_sum3A_108 [1] : vector<16x512xf32> to vector<16xf32>
    %broadcast_in_dim3A_110 = vector.shape_cast %reduce_sum3A_109 : vector<16xf32> to vector<16x1xf32>
    %slice3A_111 = vector.extract_strided_slice %get3A_5 {offsets = [460, 0], sizes = [16, 512], strides = [1, 1]} : vector<578x512xf32> to vector<16x512xf32>
    %reduce_sum3A_112 = arith.constant dense<0.000000e+00> : vector<16xf32>
    %reduce_sum3A_113 = vector.multi_reduction <add>, %slice3A_111, %reduce_sum3A_112 [1] : vector<16x512xf32> to vector<16xf32>
    %broadcast_in_dim3A_114 = vector.shape_cast %reduce_sum3A_113 : vector<16xf32> to vector<16x1xf32>
    %slice3A_115 = vector.extract_strided_slice %get3A_5 {offsets = [477, 0], sizes = [16, 512], strides = [1, 1]} : vector<578x512xf32> to vector<16x512xf32>
    %reduce_sum3A_116 = arith.constant dense<0.000000e+00> : vector<16xf32>
    %reduce_sum3A_117 = vector.multi_reduction <add>, %slice3A_115, %reduce_sum3A_116 [1] : vector<16x512xf32> to vector<16xf32>
    %broadcast_in_dim3A_118 = vector.shape_cast %reduce_sum3A_117 : vector<16xf32> to vector<16x1xf32>
    %slice3A_119 = vector.extract_strided_slice %get3A_5 {offsets = [494, 0], sizes = [16, 512], strides = [1, 1]} : vector<578x512xf32> to vector<16x512xf32>
    %reduce_sum3A_120 = arith.constant dense<0.000000e+00> : vector<16xf32>
    %reduce_sum3A_121 = vector.multi_reduction <add>, %slice3A_119, %reduce_sum3A_120 [1] : vector<16x512xf32> to vector<16xf32>
    %broadcast_in_dim3A_122 = vector.shape_cast %reduce_sum3A_121 : vector<16xf32> to vector<16x1xf32>
    %slice3A_123 = vector.extract_strided_slice %get3A_5 {offsets = [511, 0], sizes = [16, 512], strides = [1, 1]} : vector<578x512xf32> to vector<16x512xf32>
    %reduce_sum3A_124 = arith.constant dense<0.000000e+00> : vector<16xf32>
    %reduce_sum3A_125 = vector.multi_reduction <add>, %slice3A_123, %reduce_sum3A_124 [1] : vector<16x512xf32> to vector<16xf32>
    %broadcast_in_dim3A_126 = vector.shape_cast %reduce_sum3A_125 : vector<16xf32> to vector<16x1xf32>
    %slice3A_127 = vector.extract_strided_slice %get3A_5 {offsets = [528, 0], sizes = [16, 512], strides = [1, 1]} : vector<578x512xf32> to vector<16x512xf32>
    %reduce_sum3A_128 = arith.constant dense<0.000000e+00> : vector<16xf32>
    %reduce_sum3A_129 = vector.multi_reduction <add>, %slice3A_127, %reduce_sum3A_128 [1] : vector<16x512xf32> to vector<16xf32>
    %broadcast_in_dim3A_130 = vector.shape_cast %reduce_sum3A_129 : vector<16xf32> to vector<16x1xf32>
    %slice3A_131 = vector.extract_strided_slice %get3A_5 {offsets = [545, 0], sizes = [16, 512], strides = [1, 1]} : vector<578x512xf32> to vector<16x512xf32>
    %reduce_sum3A_132 = arith.constant dense<0.000000e+00> : vector<16xf32>
    %reduce_sum3A_133 = vector.multi_reduction <add>, %slice3A_131, %reduce_sum3A_132 [1] : vector<16x512xf32> to vector<16xf32>
    %broadcast_in_dim3A_134 = vector.shape_cast %reduce_sum3A_133 : vector<16xf32> to vector<16x1xf32>
    %slice3A_135 = vector.extract_strided_slice %get3A_5 {offsets = [562, 0], sizes = [16, 512], strides = [1, 1]} : vector<578x512xf32> to vector<16x512xf32>
    %reduce_sum3A_136 = arith.constant dense<0.000000e+00> : vector<16xf32>
    %reduce_sum3A_137 = vector.multi_reduction <add>, %slice3A_135, %reduce_sum3A_136 [1] : vector<16x512xf32> to vector<16xf32>
    %broadcast_in_dim3A_138 = vector.shape_cast %reduce_sum3A_137 : vector<16xf32> to vector<16x1xf32>
    %concatenate3A = tpu.concatenate %broadcast_in_dim3A, %broadcast_in_dim3A_10, %broadcast_in_dim3A_14, %broadcast_in_dim3A_18, %broadcast_in_dim3A_22, %broadcast_in_dim3A_26, %broadcast_in_dim3A_30, %broadcast_in_dim3A_34, %broadcast_in_dim3A_38, %broadcast_in_dim3A_42, %broadcast_in_dim3A_46, %broadcast_in_dim3A_50, %broadcast_in_dim3A_54, %broadcast_in_dim3A_58, %broadcast_in_dim3A_62, %broadcast_in_dim3A_66, %broadcast_in_dim3A_70, %broadcast_in_dim3A_74, %broadcast_in_dim3A_78, %broadcast_in_dim3A_82, %broadcast_in_dim3A_86, %broadcast_in_dim3A_90, %broadcast_in_dim3A_94, %broadcast_in_dim3A_98, %broadcast_in_dim3A_102, %broadcast_in_dim3A_106, %broadcast_in_dim3A_110, %broadcast_in_dim3A_114, %broadcast_in_dim3A_118, %broadcast_in_dim3A_122, %broadcast_in_dim3A_126, %broadcast_in_dim3A_130, %broadcast_in_dim3A_134, %broadcast_in_dim3A_138 in 1 : vector<16x1xf32>, vector<16x1xf32>, vector<16x1xf32>, vector<16x1xf32>, vector<16x1xf32>, vector<16x1xf32>, vector<16x1xf32>, vector<16x1xf32>, vector<16x1xf32>, vector<16x1xf32>, vector<16x1xf32>, vector<16x1xf32>, vector<16x1xf32>, vector<16x1xf32>, vector<16x1xf32>, vector<16x1xf32>, vector<16x1xf32>, vector<16x1xf32>, vector<16x1xf32>, vector<16x1xf32>, vector<16x1xf32>, vector<16x1xf32>, vector<16x1xf32>, vector<16x1xf32>, vector<16x1xf32>, vector<16x1xf32>, vector<16x1xf32>, vector<16x1xf32>, vector<16x1xf32>, vector<16x1xf32>, vector<16x1xf32>, vector<16x1xf32>, vector<16x1xf32>, vector<16x1xf32> -> vector<16x34xf32>
    %get3A_139 = arith.constant 0 : index
    %get3A_140 = arith.constant 0 : index
    %get3A_141 = arith.constant 0 : index
    %get3A_142 = vector.load %arg2[%get3A_139, %get3A_140, %get3A_141] : memref<1x16x34xf32, #tpu.memory_space<vmem>>, vector<1x16x34xf32>
    %get3A_143 = vector.shape_cast %get3A_142 : vector<1x16x34xf32> to vector<16x34xf32>
    %add3A = arith.addf %concatenate3A, %get3A_143 : vector<16x34xf32>
    %slice3A_144 = vector.extract_strided_slice %add3A {offsets = [0, 0], sizes = [16, 32], strides = [1, 1]} : vector<16x34xf32> to vector<16x32xf32>
    %slice3A_145 = vector.extract_strided_slice %add3A {offsets = [0, 32], sizes = [16, 1], strides = [1, 1]} : vector<16x34xf32> to vector<16x1xf32>
    %slice3A_146 = vector.extract_strided_slice %add3A {offsets = [0, 33], sizes = [16, 1], strides = [1, 1]} : vector<16x34xf32> to vector<16x1xf32>
    %gt3A = arith.constant 0.000000e+00 : f32
    %gt3A_147 = vector.broadcast %gt3A : f32 to vector<16x1xf32>
    %gt3A_148 = arith.cmpf ogt, %slice3A_145, %gt3A_147 : vector<16x1xf32>
    %convert_element_type3A_149 = arith.extui %gt3A_148 : vector<16x1xi1> to vector<16x1xi32>
    %convert_element_type3A_150 = arith.sitofp %convert_element_type3A_149 : vector<16x1xi32> to vector<16x1xf32>
    %reduce_sum3A_151 = vector.shape_cast %convert_element_type3A_150 : vector<16x1xf32> to vector<1x16x1xf32>
    %reduce_sum3A_152 = arith.constant dense<0.000000e+00> : vector<1xf32>
    %reduce_sum3A_153 = vector.multi_reduction <add>, %reduce_sum3A_151, %reduce_sum3A_152 [1, 2] : vector<1x16x1xf32> to vector<1xf32>
    %reduce_sum3A_154 = vector.shape_cast %reduce_sum3A_153 : vector<1xf32> to vector<1x1x1xf32>
    %reduce_sum3A_155 = vector.extract %reduce_sum3A_154[0, 0, 0] : f32 from vector<1x1x1xf32>
    %max3A = arith.constant 1.000000e+00 : f32
    %max3A_156 = vector.broadcast %max3A : f32 to vector<16x1xf32>
    %max3A_157 = arith.maximumf %slice3A_145, %max3A_156 : vector<16x1xf32>
    %mul3A = arith.mulf %slice3A_144, %slice3A_144 : vector<16x32xf32>
    %reduce_sum3A_158 = arith.constant dense<0.000000e+00> : vector<16xf32>
    %reduce_sum3A_159 = vector.multi_reduction <add>, %mul3A, %reduce_sum3A_158 [1] : vector<16x32xf32> to vector<16xf32>
    %broadcast_in_dim3A_160 = vector.shape_cast %reduce_sum3A_159 : vector<16xf32> to vector<16x1xf32>
    %div3A = arith.divf %broadcast_in_dim3A_160, %max3A_157 : vector<16x1xf32>
    %sub3A = arith.subf %slice3A_146, %div3A : vector<16x1xf32>
    %mul3A_161 = arith.constant 3.200000e+01 : f32
    %mul3A_162 = vector.broadcast %mul3A_161 : f32 to vector<16x1xf32>
    %mul3A_163 = arith.mulf %mul3A_162, %max3A_157 : vector<16x1xf32>
    %div3A_164 = arith.divf %sub3A, %mul3A_163 : vector<16x1xf32>
    %jit3A = arith.constant 0.000000e+00 : f32
    %broadcast_in_dim3A_165 = vector.broadcast %jit3A : f32 to vector<16x1xf32>
    %select_n3A = arith.select %gt3A_148, %div3A_164, %broadcast_in_dim3A_165 : vector<16x1xi1>, vector<16x1xf32>
    %reduce_sum3A_166 = vector.shape_cast %select_n3A : vector<16x1xf32> to vector<1x16x1xf32>
    %reduce_sum3A_167 = arith.constant dense<0.000000e+00> : vector<1xf32>
    %reduce_sum3A_168 = vector.multi_reduction <add>, %reduce_sum3A_166, %reduce_sum3A_167 [1, 2] : vector<1x16x1xf32> to vector<1xf32>
    %reduce_sum3A_169 = vector.shape_cast %reduce_sum3A_168 : vector<1xf32> to vector<1x1x1xf32>
    %reduce_sum3A_170 = vector.extract %reduce_sum3A_169[0, 0, 0] : f32 from vector<1x1x1xf32>
    %reduce_sum3A_171 = arith.constant dense<0.000000e+00> : vector<16xf32>
    %reduce_sum3A_172 = vector.multi_reduction <add>, %slice3A_144, %reduce_sum3A_171 [1] : vector<16x32xf32> to vector<16xf32>
    %broadcast_in_dim3A_173 = vector.shape_cast %reduce_sum3A_172 : vector<16xf32> to vector<16x1xf32>
    %div3A_174 = arith.divf %broadcast_in_dim3A_173, %max3A_157 : vector<16x1xf32>
    %iota3A = tpu.iota {dimensions = array<i32: 1>} : vector<1x34xi32>
    %eq3A_175 = arith.constant 32 : i32
    %eq3A_176 = vector.broadcast %eq3A_175 : i32 to vector<1x34xi32>
    %eq3A_177 = arith.cmpi eq, %iota3A, %eq3A_176 : vector<1x34xi32>
    %convert_element_type3A_178 = arith.extui %eq3A_177 : vector<1x34xi1> to vector<1x34xi32>
    %convert_element_type3A_179 = arith.sitofp %convert_element_type3A_178 : vector<1x34xi32> to vector<1x34xf32>
    %dot_general3A = arith.constant dense<0.000000e+00> : vector<1x16xf32>
    %dot_general3A_180 = tpu.matmul %convert_element_type3A_179, %add3A, %dot_general3A {dimension_numbers = #tpu.dot_dimension_numbers<[1], [1], [0], [0], [0, 0, 1, 0], [], []>, transpose_lhs_hint = false} : vector<1x34xf32>, vector<16x34xf32>, vector<1x16xf32> -> vector<1x16xf32>
    %broadcast_in_dim3A_181 = arith.constant 1.000000e+00 : f32
    %broadcast_in_dim3A_182 = vector.broadcast %broadcast_in_dim3A_181 : f32 to vector<1x32xf32>
    %div3A_183 = vector.broadcast %max3A_157 : vector<16x1xf32> to vector<16x32xf32>
    %div3A_184 = arith.divf %slice3A_144, %div3A_183 : vector<16x32xf32>
    %dot_general3A_185 = arith.constant dense<0.000000e+00> : vector<1x16xf32>
    %dot_general3A_186 = tpu.matmul %broadcast_in_dim3A_182, %div3A_184, %dot_general3A_185 {dimension_numbers = #tpu.dot_dimension_numbers<[1], [1], [0], [0], [0, 0, 1, 0], [], []>, transpose_lhs_hint = false} : vector<1x32xf32>, vector<16x32xf32>, vector<1x16xf32> -> vector<1x16xf32>
    %gt3A_187 = arith.constant 0.000000e+00 : f32
    %gt3A_188 = vector.broadcast %gt3A_187 : f32 to vector<1x16xf32>
    %gt3A_189 = arith.cmpf ogt, %dot_general3A_180, %gt3A_188 : vector<1x16xf32>
    %convert_element_type3A_190 = arith.extui %gt3A_189 : vector<1x16xi1> to vector<1x16xi32>
    %convert_element_type3A_191 = arith.sitofp %convert_element_type3A_190 : vector<1x16xi32> to vector<1x16xf32>
    %sub3A_192 = vector.broadcast %dot_general3A_186 : vector<1x16xf32> to vector<16x16xf32>
    %sub3A_193 = vector.broadcast %div3A_174 : vector<16x1xf32> to vector<16x16xf32>
    %sub3A_194 = arith.subf %sub3A_192, %sub3A_193 : vector<16x16xf32>
    %mul3A_195 = vector.broadcast %convert_element_type3A_150 : vector<16x1xf32> to vector<16x16xf32>
    %mul3A_196 = vector.broadcast %convert_element_type3A_191 : vector<1x16xf32> to vector<16x16xf32>
    %mul3A_197 = arith.mulf %mul3A_195, %mul3A_196 : vector<16x16xf32>
    %mul3A_198 = arith.mulf %sub3A_194, %sub3A_194 : vector<16x16xf32>
    %neg3A = arith.constant 0.000000e+00 : f32
    %neg3A_199 = vector.broadcast %neg3A : f32 to vector<16x16xf32>
    %neg3A_200 = arith.subf %neg3A_199, %mul3A_198 : vector<16x16xf32>
    %exp3A = math.exp %neg3A_200 : vector<16x16xf32>
    %mul3A_201 = arith.mulf %mul3A_197, %exp3A : vector<16x16xf32>
    %reduce_sum3A_202 = vector.shape_cast %mul3A_201 : vector<16x16xf32> to vector<1x16x16xf32>
    %reduce_sum3A_203 = arith.constant dense<0.000000e+00> : vector<1xf32>
    %reduce_sum3A_204 = vector.multi_reduction <add>, %reduce_sum3A_202, %reduce_sum3A_203 [1, 2] : vector<1x16x16xf32> to vector<1xf32>
    %reduce_sum3A_205 = vector.shape_cast %reduce_sum3A_204 : vector<1xf32> to vector<1x1x1xf32>
    %reduce_sum3A_206 = vector.extract %reduce_sum3A_205[0, 0, 0] : f32 from vector<1x1x1xf32>
    %gt3A_207 = arith.constant 0.000000e+00 : f32
    %gt3A_208 = arith.cmpf ogt, %reduce_sum3A_155, %gt3A_207 : f32
    %add3A_209 = arith.constant 9.99999997E-7 : f32
    %add3A_210 = arith.addf %reduce_sum3A_155, %add3A_209 : f32
    %div3A_211 = arith.divf %reduce_sum3A_170, %add3A_210 : f32
    %jit3A_212 = arith.constant 0.000000e+00 : f32
    %select_n3A_213 = arith.select %gt3A_208, %div3A_211, %jit3A_212 : f32
    %gt3A_214 = arith.constant 1.000000e+00 : f32
    %gt3A_215 = arith.cmpf ogt, %reduce_sum3A_155, %gt3A_214 : f32
    %sub3A_216 = arith.constant 1.000000e+00 : f32
    %sub3A_217 = arith.subf %reduce_sum3A_155, %sub3A_216 : f32
    %mul3A_218 = arith.mulf %sub3A_217, %reduce_sum3A_155 : f32
    %add3A_219 = arith.constant 9.99999997E-7 : f32
    %add3A_220 = arith.addf %mul3A_218, %add3A_219 : f32
    %div3A_221 = arith.divf %reduce_sum3A_206, %add3A_220 : f32
    %jit3A_222 = arith.constant 0.000000e+00 : f32
    %select_n3A_223 = arith.select %gt3A_215, %div3A_221, %jit3A_222 : f32
    %get3A_224 = arith.constant 0 : index
    %get3A_225 = arith.constant 0 : index
    %get3A_226 = vector.load %arg3[%get3A_224, %get3A_225] : memref<1x1xf32, #tpu.memory_space<vmem>>, vector<1x1xf32>
    %mul3A_227 = arith.constant 1.000000e-01 : f32
    %mul3A_228 = arith.mulf %mul3A_227, %select_n3A_223 : f32
    %add3A_229 = arith.addf %select_n3A_213, %mul3A_228 : f32
    %reshape3A = vector.broadcast %add3A_229 : f32 to vector<1x1xf32>
    %add3A_230 = arith.addf %get3A_226, %reshape3A : vector<1x1xf32>
    %swap3A = arith.constant 0 : index
    %swap3A_231 = arith.constant 0 : index
    %swap3A_232 = vector.load %arg3[%swap3A, %swap3A_231] : memref<1x1xf32, #tpu.memory_space<vmem>>, vector<1x1xf32>
    tpu.vector_store %arg3[%swap3A, %swap3A_231], %add3A_230 {strides = array<i32>} : memref<1x1xf32, #tpu.memory_space<vmem>>, vector<1x1xf32>,
    return
  }
  func.func @transform_0(%arg0: i32) -> (i32, i32, i32) {
    %c0_i32 = arith.constant 0 : i32
    %c0_i32_0 = arith.constant 0 : i32
    %c0_i32_1 = arith.constant 0 : i32
    return %arg0, %c0_i32, %c0_i32_0 : i32, i32, i32
  }
  func.func @transform_1(%arg0: i32) -> (i32, i32, i32) {
    %c0_i32 = arith.constant 0 : i32
    %c0_i32_0 = arith.constant 0 : i32
    %c0_i32_1 = arith.constant 0 : i32
    return %arg0, %c0_i32, %c0_i32_0 : i32, i32, i32
  }
  func.func @transform_2(%arg0: i32) -> (i32, i32) {
    %c0_i32 = arith.constant 0 : i32
    %c0_i32_0 = arith.constant 0 : i32
    %c0_i32_1 = arith.constant 0 : i32
    return %c0_i32, %c0_i32_0 : i32, i32
  }
}

</mosaic_0001>

<sc_bundles>
// kernel: kernel.5.cloned.1.call-start
scs
__scs_entry_jumppad:
0x0: {  	(pc) =	sbr.rel $0x88, $3  }
0x1: {  	(tag) =	ssettag $0x0;
	lr =	simm.s32 $0x1  }
0x2: {  	[smem:$0x3F9E] =	sst lr;
	_ =	strace $0xD0000000  }
0x3: {  	_ = 	snop  }
0x4: {  	_ = 	snop  }
0x5: {  	_ = 	snop  }
0x6: {  	_ = 	snop  }
0x7: {  	_ = 	snop  }
__scs_overlays_trampoline_lowered:
0x8: {  	[smem:$0x3FAD] =	sst s0  }
0x9: {  	[smem:$0x3FAE] =	sst s1  }
0xa: {  	[smem:$0x3FAF] =	sst s2  }
0xb: {  	[smem:$0x3FB0] =	sst s3  }
0xc: {  	[smem:$0x3FB1] =	sst s4  }
0xd: {  	[smem:$0x3FB2] =	sst s5  }
0xe: {  	[smem:$0x3FB3] =	sst s6  }
0xf: {  	[smem:$0x3FB4] =	sst s7  }
0x10: {  	[smem:$0x3FB5] =	sst s8  }
0x11: {  	[smem:$0x3FB6] =	sst s9;
	s0 =	simm.s32 @!p0 $0x0  }
0x12: {  	s1 =	sld [smem:$0x3F9C];
	s0 =	simm.s32 @p0 $0x1  }
0x13: {  	[smem:$0x3FB7] =	sst s0;
	s0 =	simm.s32 @!p1 $0x0  }
0x14: {  	s2 =	sld [smem:$0x3F9B];
	s0 =	simm.s32 @p1 $0x1  }
0x15: {  	[smem:$0x3FB8] =	sst s0;
	s0 =	simm.s32 @!p2 $0x0  }
0x16: {  	s3 =	sld [smem:$0x3FDB];
	s0 =	simm.s32 @p2 $0x1  }
0x17: {  	s4 =	simm.s32 $0x1BF5;
	[smem:$0x3FBA] =	sst s0  }
0x18: {  	s0 =	sld [smem:$0x3F9D];
	_ =	swait.ge [sflag:s4], $0x0  }
0x19: {  	s7 =	sld [smem:$0x3F9E]  }
0x1a: {  	s8 =	sadd.s32 $0xFFFFE003, lr  }
0x1b: {  	s9 =	sadd.s32 $0xFFFFFEF7, lr;
	s5 =	simm.s32 $0xFFFFFFFF;
	p2 =	slt.u32 s8, $0xFFFFF086  }
0x1c: {  	p1 =	slt.u32 s9, $0xF7A;
	s5 =	simm.s32 @!p2 $0x0  }
0x1d: {  	s5 =	simm.s32 @p1 $0x1;
	p0 =	seq.s32 s7, s2  }
0x1e: {  	s7 =	smul.u32 @!p0 $0xF7A, s2;
	p2 =	seq.s32 @!p0 s5, $0x0  }
0x1f: {  	s9 =	smul.u32 $0xF7A, s1;
	s8 =	simm.s32 @!p0 $0x1BF5;
	p2 =	por !p2, p0  }
0x20: {  	[sflag:s8] =	ssyncset.s32 @!p0 $0xFFFFF086;
	s6 =	sadd.s32 @!p0 s3, s7;
	s7 =	simm.s32 @!p0 $0x108  }
0x21: {  	s3 =	sadd.s32 s3, s9;
	s6 =	sadd.s32 @!p0 $0x88, s6;
	s7 =	simm.s32 @p2 $0x1082  }
0x22: {  	[simem:s7], [sflag:s8] =	dma.local @!p0 [hbm:s6], $0xF7A  }
0x23: {  	s9 =	sor.u32 $0xD0000000, s2;
	s6 =	simm.s32 $0x108;
	_ =	swait.ge @!p0 [sflag:s8], $0x0  }
0x24: {  	s3 =	sadd.s32 $0x88, s3;
	s6 =	simm.s32 @!p1 $0x1082;
	[sflag:s4] =	ssyncset.s32 $0xFFFFF086  }
0x25: {  	[simem:s6], [sflag:s4] =	dma.local [hbm:s3], $0xF7A  }
0x26: {  	[smem:$0x3F9E] =	sst s1;
	(tag) =	ssettag s2;
	_ =	strace s9  }
0x27: {  	s1 =	sld [smem:$0x3FAE]  }
0x28: {  	s2 =	sld [smem:$0x3FAF]  }
0x29: {  	s4 =	sld [smem:$0x3FB1]  }
0x2a: {  	p0 =	seq.s32 s5, $0x0;
	s5 =	sld [smem:$0x3FB2]  }
0x2b: {  	s6 =	sld [smem:$0x3FB3]  }
0x2c: {  	s7 =	sld [smem:$0x3FB4]  }
0x2d: {  	s3 =	simm.s32 $0x108;
	s8 =	sld [smem:$0x3FB5]  }
0x2e: {  	s3 =	simm.s32 @!p0 $0x1082;
	s9 =	sld [smem:$0x3FB6]  }
0x2f: {  	lr =	sadd.s32 s0, s3;
	s0 =	sld [smem:$0x3FAD]  }
0x30: {  	s3 =	sld [smem:$0x3FB0]  }
0x31: {  	[smem:$0x3FB9] =	sst s10  }
0x32: {  	s10 =	sld [smem:$0x3FB7];
	_ =	sdelay $0x3  }
0x33: {  	p0 =	seq.s32 s10, $0x1;
	s10 =	sld [smem:$0x3FB9];
	_ =	sdelay $0x3  }
0x34: {  	[smem:$0x3FB9] =	sst s10  }
0x35: {  	s10 =	sld [smem:$0x3FB8];
	_ =	sdelay $0x3  }
0x36: {  	p1 =	seq.s32 s10, $0x1;
	s10 =	sld [smem:$0x3FB9];
	_ =	sdelay $0x3  }
0x37: {  	[smem:$0x3FB9] =	sst s10  }
0x38: {  	s10 =	sld [smem:$0x3FBA]  }
0x39: {  	_ = 	snop;
	(pc) =	sbr.ind lr, $3  }
0x3a: {  	_ = 	snop  }
0x3b: {  	_ = 	snop  }
0x3c: {  	p2 =	seq.s32 s10, $0x1;
	s10 =	sld [smem:$0x3FB9]  }
0x3d: {  	_ =	shalt  }
0x3e: {  	_ =	shalt  }
0x3f: {  	_ =	shalt  }
0x40: {  	_ =	shalt  }
0x41: {  	_ =	shalt  }
0x42: {  	_ =	shalt  }
0x43: {  	_ =	shalt  }
0x44: {  	_ =	shalt  }
0x45: {  	_ =	shalt  }
0x46: {  	_ =	shalt  }
0x47: {  	_ =	shalt  }
0x48: {  	_ =	shalt  }
0x49: {  	_ =	shalt  }
0x4a: {  	_ =	shalt  }
0x4b: {  	_ =	shalt  }
0x4c: {  	_ =	shalt  }
0x4d: {  	_ =	shalt  }
0x4e: {  	_ =	shalt  }
0x4f: {  	_ =	shalt  }
0x50: {  	_ =	shalt  }
0x51: {  	_ =	shalt  }
0x52: {  	_ =	shalt  }
0x53: {  	_ =	shalt  }
0x54: {  	_ =	shalt  }
0x55: {  	_ =	shalt  }
0x56: {  	_ =	shalt  }
0x57: {  	_ =	shalt  }
0x58: {  	_ =	shalt  }
0x59: {  	_ =	shalt  }
0x5a: {  	_ =	shalt  }
0x5b: {  	_ =	shalt  }
0x5c: {  	_ =	shalt  }
0x5d: {  	_ =	shalt  }
0x5e: {  	_ =	shalt  }
0x5f: {  	_ =	shalt  }
0x60: {  	_ =	shalt  }
0x61: {  	_ =	shalt  }
0x62: {  	_ =	shalt  }
0x63: {  	_ =	shalt  }
0x64: {  	_ =	shalt  }
0x65: {  	_ =	shalt  }
0x66: {  	_ =	shalt  }
0x67: {  	_ =	shalt  }
0x68: {  	_ =	shalt  }
0x69: {  	_ =	shalt  }
0x6a: {  	_ =	shalt  }
0x6b: {  	_ =	shalt  }
0x6c: {  	_ =	shalt  }
0x6d: {  	_ =	shalt  }
0x6e: {  	_ =	shalt  }
0x6f: {  	_ =	shalt  }
0x70: {  	_ =	shalt  }
0x71: {  	_ =	shalt  }
0x72: {  	_ =	shalt  }
0x73: {  	_ =	shalt  }
0x74: {  	_ =	shalt  }
0x75: {  	_ =	shalt  }
0x76: {  	_ =	shalt  }
0x77: {  	_ =	shalt  }
0x78: {  	_ =	shalt  }
0x79: {  	_ =	shalt  }
0x7a: {  	_ =	shalt  }
0x7b: {  	_ =	shalt  }
0x7c: {  	_ =	shalt  }
0x7d: {  	_ =	shalt  }
0x7e: {  	_ =	shalt  }
0x7f: {  	_ =	shalt  }
0x80: {  	_ =	shalt  }
0x81: {  	_ =	shalt  }
0x82: {  	_ =	shalt  }
0x83: {  	_ =	shalt  }
0x84: {  	_ =	shalt  }
0x85: {  	_ =	shalt  }
0x86: {  	_ =	shalt  }
0x87: {  	_ =	shalt  }
.Lfunc_end0:
.L_simem_size_0:
called_computation_lowered:
.L_overlay_start_0:
0x88: {  	s2 =	sld [smem:$0x3FD9]  }
0x89: {  	s3 =	sld [smem:$0x3FFE];
	_ =	sdelay $0x1  }
0x8a: {  	s1 =	srdreg.scid  }
0x8b: {  	s0 =	sand.u32 $0x1, s1  }
0x8c: {  	s16 =	sshll.u32 s0, $0xA;
	s2 =	sadd.s32 s3, s2  }
0x8d: {  	s2 =	sadd.s32 s2, s16  }
0x8e: {  	[smem:$0x3FC5] =	sst s2  }
0x8f: {  	_ = 	snop  }
0x90: {  	(tm) =	ssettm $0x1  }
0x91: {  	s17 =	sld [smem:$0x3FFB];
	_ =	sdelay $0x3  }
0x92: {  	_ =	strace s17  }
0x93: {  	s2 =	sld [smem:$0x3FFC];
	_ =	sdelay $0x3  }
0x94: {  	_ =	strace s2  }
0x95: {  	s2 =	sld [smem:$0x3FFD];
	_ =	sdelay $0x3  }
0x96: {  	_ =	strace s2  }
0x97: {  	_ =	strace $0x8FFFFFFF  }
0x98: {  	s18 =	sld [smem:$0x3FDB];
	_ =	sdelay $0x1  }
0x99: {  	s19 =	simm.s32 $_scs_section_size  }
0x9a: {  	s4 =	simm.s32 $_size__tile_overlayer_lowered;
	s5 =	simm.s32 $_tile_overlayer_lowered  }
0x9b: {  	s22 =	simm.s32 $0x1BFF;
	s21 =	sshll.u32 s5, $0x1;
	s2 =	sadd.s32 s19, s18  }
0x9c: {  	s6 =	simm.s32 $0x0;
	s20 =	sshll.u32 s4, $0x1;
	s4 =	sadd.s32 s21, s2  }
0x9d: {  	[timem:s6], [sflag:s22] =	dma.local [hbm:s4], s20  }
0x9e: {  	_ =	swait.ge [sflag:s22], s20  }
0x9f: {  	s3 =	ssub.s32 $0x0, s20;
	[sflag:s22] =	ssyncset.done $0x0  }
0xa0: {  	[sflag:s22] =	ssyncadd.s32 s3;
	_ =	sdelay $0x1  }
0xa1: {  	s23 =	simm.s32 $0x1B8B  }
0xa2: {  	_ =	swait.ge [sflag:s23], $0x1  }
0xa3: {  	[sflag:s23] =	ssyncset.done $0x0  }
0xa4: {  	s25 =	simm.s32 $0x1B8E;
	s24 =	sld [smem:$0x3FFE];
	[sflag:s23] =	ssyncadd.s32 $0xFFFFFFFF  }
0xa5: {  	s26 =	simm.s32 $execute0_lowered;
	[smem:$0x3FD2] =	sst s25  }
0xa6: {  	s4 =	sshll.u32 s26, $0x1;
	_ =	strace $0x80000046;
	[dreg:$0x1] =	wrdreg $0xFFFFFFFF  }
0xa7: {  	s28 =	simm.s32 $_size_execute0_lowered;
	s2 =	sadd.s32 s2, s4;
	[dreg:$0x0] =	wrdreg $0x0  }
0xa8: {  	s4 =	sshll.u32 s28, $0x1;
	[dreg:$0x2] =	wrdreg s2  }
0xa9: {  	[dreg:$0x3] =	wrdreg s4  }
0xaa: {  	[dreg:$0x4] =	wrdreg $0xC0  }
0xab: {  	_ =	task [dreg:s6], $0x5FFFF  }
0xac: {  	[dreg:$0x1] =	wrdreg $0xFFFFFFFF  }
0xad: {  	[dreg:$0x0] =	wrdreg $0x60  }
0xae: {  	[dreg:$0x2] =	wrdreg s24  }
0xaf: {  	[dreg:$0x3] =	wrdreg $0x9  }
0xb0: {  	_ =	task.clear_ibuf [dreg:s6], $0x4FFFF;
	_ =	strace $0x90000046  }
0xb1: {  	s29 =	simm.s32 $0x9;
	_ =	strace $0x80000048  }
0xb2: {  	_ =	swait.ge [sflag:s29], $0x1  }
0xb3: {  	[sflag:s29] =	ssyncadd.s32 $0xFFFFFFFF  }
0xb4: {  	_ =	strace $0x90000048  }
0xb5: {  	_ =	sfence  }
0xb6: {  	s30 =	sld [smem:$0x0];
	_ =	sdelay $0x2  }
0xb7: {  	s31 =	sshll.u32 s1, $0xD;
	s1 =	sshrl.u32 s1, $0x2  }
0xb8: {  	s3 =	sand.u32 $0x4000, s31;
	s1 =	sadd.s32 s1, s30  }
0xb9: {  	s0 =	sor.u32 s3, s0;
	s1 =	sshll.u32 s1, $0x11  }
0xba: {  	s0 =	sor.u32 s1, s0  }
0xbb: {  	s0 =	sadd.s32 $0x8F2B, s0  }
0xbc: {  	[sflag:s0] =	ssyncadd.remote.s32 $0x1  }
0xbd: {  	_ =	sfence.sel $0xFFFF  }
0xbe: {  	[dreg:$0x0] =	wrdreg $0xFFFFFFFF;
	(pc) =	sbr.abs _section_cstart, $3  }
0xbf: {  	[dreg:$0x1] =	wrdreg $0xFFFFFFFF  }
0xc0: {  	_ =	task.clear_ibuf [dreg:s6], $0x2FFFF;
	_ =	strace $0x9FFFFFFF  }
0xc1: {  	(tm) =	ssettm $0x7FFFFFFF  }
tec
execute0_lowered:
.L_overlay_start_1:
0x0: {  	(tag) =	ssettag $0x1  }
0x1: {  	s5 =	simm.s32 $0x0;
	v25 =	vlaneseq.u32  }
0x2: {  	[smem:$0x7FF] =	sst s5;
	v54 =	vor.u32 $0x110, v25  }
0x3: {  	s0 =	rddreg [dreg:$0x0];
	v16 =	vor.u32 $0x220, v25;
	_ =	strace $0x80000047;
	[tilespmem:$0x1FDF0] =	vst v54  }
0x4: {  	v17 =	vor.u32 $0x330, v25;
	[tilespmem:$0x1FE00] =	vst v16  }
0x5: {  	v18 =	vor.u32 $0x440, v25;
	[tilespmem:$0x1FE10] =	vst v17  }
0x6: {  	v19 =	vor.u32 $0x550, v25;
	[tilespmem:$0x1FE20] =	vst v18  }
0x7: {  	v11 =	vor.u32 $0x660, v25;
	[tilespmem:$0x1FE30] =	vst v19  }
0x8: {  	v13 =	vor.u32 $0x770, v25;
	[tilespmem:$0x1FE40] =	vst v11  }
0x9: {  	v21 =	vor.u32 $0x880, v25;
	[tilespmem:$0x1FE50] =	vst v13  }
0xa: {  	v22 =	vor.u32 $0x990, v25;
	[tilespmem:$0x1FE60] =	vst v21  }
0xb: {  	v23 =	vor.u32 $0xAA0, v25;
	[tilespmem:$0x1FE70] =	vst v22  }
0xc: {  	v15 =	vor.u32 $0xBB0, v25;
	[tilespmem:$0x1FE80] =	vst v23  }
0xd: {  	s1 =	srdreg.scid;
	s3 =	stileid.u32;
	v24 =	vor.u32 $0xCC0, v25;
	[tilespmem:$0x1FE90] =	vst v15  }
0xe: {  	s1 =	sand.u32 $0x1, s1;
	s2 =	sshll.u32 s3, $0x1;
	s3 =	sshrl.u32 s3, $0x2;
	v33 =	vor.u32 $0xDD0, v25;
	[tilespmem:$0x1FEA0] =	vst v24  }
0xf: {  	s6 =	sadd.s32 $0x24800, s0;
	s7 =	sadd.s32 $0x12800, s0;
	s16 =	sadd.s32 $0x800, s0;
	v12 =	vor.u32 $0xEE0, v25;
	[tilespmem:$0x1FEB0] =	vst v33  }
0x10: {  	v14 =	vor.u32 $0xFF0, v25;
	s2 =	sor.u32 s1, s2;
	s1 =	ssub.s32 $0x2, s1;
	[dreg:$0x3] =	wrdreg s6;
	[tilespmem:$0x1FEC0] =	vst v12  }
0x11: {  	v44 =	vor.u32 $0x1100, v25;
	[dreg:$0x4] =	wrdreg s7;
	[tilespmem:$0x1FED0] =	vst v14;
	s4 =	sshll.u32 s2, $0x7;
	s2 =	smul.u32 $0x900, s2  }
0x12: {  	v9 =	vor.u32 $0x1210, v25;
	s3 =	smul.u32 $0x48400, s3;
	[dreg:$0x5] =	wrdreg s16;
	[tilespmem:$0x1FEE0] =	vst v44;
	s17 =	sshrl.u32 s1, $0x1  }
0x13: {  	v27 =	vor.u32 $0x1320, v25;
	[tilespmem:$0x1FEF0] =	vst v9;
	s4 =	sand.u32 $0x380, s4;
	s1 =	ssub.s32 s1, s17;
	s2 =	sadd.s32 $0x12000, s2  }
0x14: {  	v28 =	vor.u32 $0x1430, v25;
	[tilespmem:$0x1FF00] =	vst v27;
	s3 =	sor.u32 s3, s4;
	s20 =	smax.u32 s1, $0x1;
	[dreg:$0x6] =	wrdreg s2  }
0x15: {  	v10 =	vor.u32 $0x1540, v25;
	[tilespmem:$0x1FF10] =	vst v28;
	s18 =	sadd.s32 s6, s2;
	s2 =	sshrl.u32 s2, $0x1;
	[dreg:$0xb] =	wrdreg s20  }
0x16: {  	v30 =	vor.u32 $0x1650, v25;
	[tilespmem:$0x1FF20] =	vst v10;
	s3 =	sshrl.u32 s3, $0x3;
	[dreg:$0x7] =	wrdreg s18;
	s19 =	sadd.s32 s7, s2  }
0x17: {  	v31 =	vor.u32 $0x1760, v25;
	[tilespmem:$0x1FF30] =	vst v30;
	s0 =	sadd.s32 s3, s0;
	s2 =	sadd.s32 s16, s2;
	[dreg:$0x8] =	wrdreg s19  }
0x18: {  	v32 =	vor.u32 $0x1870, v25;
	[tilespmem:$0x1FF40] =	vst v31;
	s0 =	sadd.s32 $0x264800, s0;
	[dreg:$0x9] =	wrdreg s2  }
0x19: {  	v20 =	vor.u32 $0x1980, v25;
	[tilespmem:$0x1FF50] =	vst v32;
	s21 =	sadd.s32 $0x40, s19;
	[dreg:$0xa] =	wrdreg s0  }
0x1a: {  	v29 =	vor.u32 $0x1A90, v25;
	[tilespmem:$0x1FF60] =	vst v20;
	s22 =	sadd.s32 $0x80, s19;
	[dreg:$0xc] =	wrdreg s21  }
0x1b: {  	v34 =	vor.u32 $0x1BA0, v25;
	[tilespmem:$0x1FF70] =	vst v29;
	s23 =	sadd.s32 $0xC0, s19;
	[dreg:$0xd] =	wrdreg s22  }
0x1c: {  	v26 =	vor.u32 $0x1CB0, v25;
	[tilespmem:$0x1FF80] =	vst v34;
	s24 =	sadd.s32 $0x100, s19;
	[dreg:$0xe] =	wrdreg s23  }
0x1d: {  	v35 =	vor.u32 $0x1DC0, v25;
	[tilespmem:$0x1FF90] =	vst v26;
	s25 =	sadd.s32 $0x140, s19;
	[dreg:$0xf] =	wrdreg s24  }
0x1e: {  	v36 =	vor.u32 $0x1ED0, v25;
	[tilespmem:$0x1FFA0] =	vst v35;
	s26 =	sadd.s32 $0x40, s2;
	[dreg:$0x10] =	wrdreg s25  }
0x1f: {  	v37 =	vor.u32 $0x1FE0, v25;
	[tilespmem:$0x1FFB0] =	vst v36;
	s28 =	sadd.s32 $0x80, s2;
	[dreg:$0x11] =	wrdreg s26  }
0x20: {  	v38 =	vor.u32 $0x20F0, v25;
	[tilespmem:$0x1FFC0] =	vst v37;
	s29 =	sadd.s32 $0xC0, s2;
	[dreg:$0x12] =	wrdreg s28  }
0x21: {  	v39 =	vor.u32 $0x2200, v25;
	[tilespmem:$0x1FFD0] =	vst v38;
	s30 =	sadd.s32 $0x100, s2;
	[dreg:$0x13] =	wrdreg s29  }
0x22: {  	v7 =	vor.u32 $0x2310, v25;
	[tilespmem:$0x1FFE0] =	vst v39;
	s31 =	sadd.s32 $0x140, s2;
	[dreg:$0x14] =	wrdreg s30  }
0x23: {  	v0 =	vimm.f32 $0.0e+00;
	[tilespmem:$0x1FFF0] =	vst v7;
	[dreg:$0x15] =	wrdreg s31;
	s26 =	simm.s32 $0xCC00  }
.LBB2_1:
0x24: {  	[dreg:$0x2] =	wrdreg s5;
	s0 =	simm.s32 $0xCC40  }
0x25: {  	[tilespmem:s0+$0xFFFFFFC0] =	vst v0  }
0x26: {  	[tilespmem:s0+$0x30] =	vst v0  }
0x27: {  	[tilespmem:s0+$0x20] =	vst v0  }
0x28: {  	[tilespmem:s0+$0x10] =	vst v0  }
0x29: {  	[tilespmem:s0+$0x0] =	vst v0  }
0x2a: {  	[tilespmem:s0+$0xFFFFFFF0] =	vst v0  }
0x2b: {  	s1 =	simm.s32 $0x0;
	[tilespmem:s0+$0xFFFFFFE0] =	vst v0  }
.LBB2_2:
0x2c: {  	s1 =	sadd.s32 $0x8, s1;
	[tilespmem:s0+$0xFFFFFFD0] =	vst v0;
	s0 =	sadd.s32 $0x80, s0  }
0x2d: {  	[tilespmem:s0+$0xFFFFFFC0] =	vst v0;
	p0 =	slt.u32 s1, $0x900  }
0x2e: {  	[tilespmem:s0+$0x30] =	vst v0  }
.Ltmp0:
0x2f: {  	[tilespmem:s0+$0x20] =	vst v0;
	(pc) =	sbr.rel @p0 .LBB2_2-.Ltmp0, $4  }
0x30: {  	[tilespmem:s0+$0x10] =	vst v0  }
0x31: {  	[tilespmem:s0+$0x0] =	vst v0  }
0x32: {  	[tilespmem:s0+$0xFFFFFFF0] =	vst v0  }
0x33: {  	[tilespmem:s0+$0xFFFFFFE0] =	vst v0  }
0x34: {  	[tilespmem:s0+$0xFFFFFFD0] =	vst v0;
	s3 =	simm.s32 $0x0  }
0x35: {  	s1 =	simm.s32 $0x1800;
	s2 =	simm.s32 $0x120000;
	s0 =	rddreg [dreg:$0x7]  }
0x36: {  	[tilespmem:s3], [sflag:$0x1] =	stream.strided.gather [hbm4b:s0+s1], $0x6000, s2, s1, $0x38;
	[tilespmem:$0x15C80] =	vst v63  }
0x37: {  	s7 =	simm.s32 $0xC000;
	s6 =	rddreg [dreg:$0x8]  }
0x38: {  	[tilespmem:s7], [sflag:$0x3] =	stream.linear.gather [hbm4b:s6+s3], $0x80, $0x38;
	[tilespmem:$0x15C80] =	vst v63  }
0x39: {  	s9 =	simm.s32 $0xC100;
	s8 =	rddreg [dreg:$0xc]  }
0x3a: {  	[tilespmem:s9], [sflag:$0x3] =	stream.linear.gather [hbm4b:s8+s3], $0x80, $0x38;
	[tilespmem:$0x15C80] =	vst v63  }
0x3b: {  	s11 =	simm.s32 $0xC200;
	s10 =	rddreg [dreg:$0xd]  }
0x3c: {  	[tilespmem:s11], [sflag:$0x3] =	stream.linear.gather [hbm4b:s10+s3], $0x80, $0x38;
	[tilespmem:$0x15C80] =	vst v63  }
0x3d: {  	s13 =	simm.s32 $0xC300;
	s12 =	rddreg [dreg:$0xe]  }
0x3e: {  	[tilespmem:s13], [sflag:$0x3] =	stream.linear.gather [hbm4b:s12+s3], $0x80, $0x38;
	[tilespmem:$0x15C80] =	vst v63  }
0x3f: {  	s15 =	simm.s32 $0xC400;
	s14 =	rddreg [dreg:$0xf]  }
0x40: {  	[tilespmem:s15], [sflag:$0x3] =	stream.linear.gather [hbm4b:s14+s3], $0x80, $0x38;
	[tilespmem:$0x15C80] =	vst v63  }
0x41: {  	s17 =	simm.s32 $0xC500;
	s16 =	rddreg [dreg:$0x10]  }
0x42: {  	[tilespmem:s17], [sflag:$0x3] =	stream.linear.gather [hbm4b:s16+s3], $0x80, $0x38;
	[tilespmem:$0x15C80] =	vst v63  }
0x43: {  	s19 =	simm.s32 $0xC600;
	s18 =	rddreg [dreg:$0x9]  }
0x44: {  	[tilespmem:s19], [sflag:$0x5] =	stream.linear.gather [hbm4b:s18+s3], $0x80, $0x38;
	[tilespmem:$0x15C80] =	vst v63  }
0x45: {  	s21 =	simm.s32 $0xC700;
	s20 =	rddreg [dreg:$0x11]  }
0x46: {  	[tilespmem:s21], [sflag:$0x5] =	stream.linear.gather [hbm4b:s20+s3], $0x80, $0x38;
	[tilespmem:$0x15C80] =	vst v63  }
0x47: {  	s23 =	simm.s32 $0xC800;
	s22 =	rddreg [dreg:$0x12]  }
0x48: {  	[tilespmem:s23], [sflag:$0x5] =	stream.linear.gather [hbm4b:s22+s3], $0x80, $0x38;
	[tilespmem:$0x15C80] =	vst v63  }
0x49: {  	s25 =	simm.s32 $0xC900;
	s24 =	rddreg [dreg:$0x13]  }
0x4a: {  	[tilespmem:s25], [sflag:$0x5] =	stream.linear.gather [hbm4b:s24+s3], $0x80, $0x38;
	[tilespmem:$0x15C80] =	vst v63  }
0x4b: {  	s29 =	simm.s32 $0xCA00;
	s28 =	rddreg [dreg:$0x14]  }
0x4c: {  	[tilespmem:s29], [sflag:$0x5] =	stream.linear.gather [hbm4b:s28+s3], $0x80, $0x38;
	[tilespmem:$0x15C80] =	vst v63  }
0x4d: {  	s31 =	simm.s32 $0xCB00;
	s30 =	rddreg [dreg:$0x15];
	s6 =	simm.s32 $0x0  }
0x4e: {  	[tilespmem:s31], [sflag:$0x5] =	stream.linear.gather [hbm4b:s30+s3], $0x80, $0x38;
	[tilespmem:$0x15C80] =	vst v63  }
.LBB2_4:
0x4f: {  	s0 =	sshllo.u32 s6, $0x1  }
0x50: {  	s1 =	sand.u32 $0xFF, s0  }
0x51: {  	s1 =	smul.u32 $0xAB, s1;
	_ =	sdelay $0x1  }
0x52: {  	s3 =	sshrl.u32 s1, $0x9  }
0x53: {  	s2 =	smul.u32 $0x3, s3;
	_ =	sdelay $0x1  }
0x54: {  	s0 =	ssub.s32 s0, s2  }
0x55: {  	s0 =	sand.u32 $0xFF, s0  }
0x56: {  	s0 =	smul.u32 $0x300, s0  }
0x57: {  	s23 =	rddreg [dreg:$0x6];
	s22 =	smul.u32 $0x90000, s3  }
0x58: {  	s0 =	sadd.s32 s23, s0  }
0x59: {  	s24 =	rddreg [dreg:$0x3];
	s2 =	sadd.s32 s22, s0  }
0x5a: {  	s25 =	simm.s32 $0x1800;
	s4 =	simm.s32 $0x120000;
	s2 =	sand.u32 $0xFFFFF00, s2  }
0x5b: {  	s5 =	simm.s32 $0x6000;
	s28 =	sshrl.u32 s1, $0xB;
	s2 =	sadd.s32 s24, s2  }
0x5c: {  	[tilespmem:s5], [sflag:$0x2] =	stream.strided.gather [hbm4b:s2+s25], $0x6000, s4, s25, $0x38;
	[tilespmem:$0x15C80] =	vst v63  }
0x5d: {  	s2 =	smul.u32 $0x90000, s28  }
0x5e: {  	s1 =	sshrl.u32 s1, $0x2;
	s0 =	sshll.u32 s0, $0x2  }
0x5f: {  	s1 =	sand.u32 $0x180, s1;
	s0 =	sadd.s32 s2, s0  }
0x60: {  	s0 =	sor.u32 s1, s0  }
0x61: {  	s29 =	rddreg [dreg:$0x4];
	s0 =	sshrl.u32 s0, $0x3  }
0x62: {  	s30 =	simm.s32 $0xC080;
	s31 =	simm.s32 $0x0;
	s1 =	sadd.s32 s29, s0  }
0x63: {  	[tilespmem:s30], [sflag:$0x4] =	stream.linear.gather [hbm4b:s1+s31], $0x80, $0x38;
	[tilespmem:$0x15C80] =	vst v63  }
0x64: {  	s7 =	simm.s32 $0xC180;
	s5 =	sadd.s32 $0x40, s1  }
0x65: {  	[tilespmem:s7], [sflag:$0x4] =	stream.linear.gather [hbm4b:s5+s31], $0x80, $0x38;
	[tilespmem:$0x15C80] =	vst v63  }
0x66: {  	s9 =	simm.s32 $0xC280;
	s8 =	sadd.s32 $0x80, s1  }
0x67: {  	[tilespmem:s9], [sflag:$0x4] =	stream.linear.gather [hbm4b:s8+s31], $0x80, $0x38;
	[tilespmem:$0x15C80] =	vst v63  }
0x68: {  	s11 =	simm.s32 $0xC380;
	s10 =	sadd.s32 $0xC0, s1  }
0x69: {  	[tilespmem:s11], [sflag:$0x4] =	stream.linear.gather [hbm4b:s10+s31], $0x80, $0x38;
	[tilespmem:$0x15C80] =	vst v63  }
0x6a: {  	s13 =	simm.s32 $0xC480;
	s12 =	sadd.s32 $0x100, s1  }
0x6b: {  	[tilespmem:s13], [sflag:$0x4] =	stream.linear.gather [hbm4b:s12+s31], $0x80, $0x38;
	[tilespmem:$0x15C80] =	vst v63  }
0x6c: {  	s14 =	simm.s32 $0xC580;
	s15 =	rddreg [dreg:$0x5];
	s1 =	sadd.s32 $0x140, s1  }
0x6d: {  	[tilespmem:s14], [sflag:$0x4] =	stream.linear.gather [hbm4b:s1+s31], $0x80, $0x38;
	[tilespmem:$0x15C80] =	vst v63  }
0x6e: {  	s16 =	simm.s32 $0xC680;
	s0 =	sadd.s32 s15, s0  }
0x6f: {  	[tilespmem:s16], [sflag:$0x6] =	stream.linear.gather [hbm4b:s0+s31], $0x80, $0x38;
	[tilespmem:$0x15C80] =	vst v63  }
0x70: {  	s18 =	simm.s32 $0xC780;
	s17 =	sadd.s32 $0x40, s0  }
0x71: {  	[tilespmem:s18], [sflag:$0x6] =	stream.linear.gather [hbm4b:s17+s31], $0x80, $0x38;
	[tilespmem:$0x15C80] =	vst v63  }
0x72: {  	s20 =	simm.s32 $0xC880;
	s19 =	sadd.s32 $0x80, s0  }
0x73: {  	[tilespmem:s20], [sflag:$0x6] =	stream.linear.gather [hbm4b:s19+s31], $0x80, $0x38;
	[tilespmem:$0x15C80] =	vst v63  }
0x74: {  	s22 =	simm.s32 $0xC980;
	s21 =	sadd.s32 $0xC0, s0  }
0x75: {  	[tilespmem:s22], [sflag:$0x6] =	stream.linear.gather [hbm4b:s21+s31], $0x80, $0x38;
	[tilespmem:$0x15C80] =	vst v63  }
0x76: {  	[dreg:$0x17] =	wrdreg s3;
	s24 =	simm.s32 $0xCA80;
	s23 =	sadd.s32 $0x100, s0  }
0x77: {  	[tilespmem:s24], [sflag:$0x6] =	stream.linear.gather [hbm4b:s23+s31], $0x80, $0x38;
	[tilespmem:$0x15C80] =	vst v63  }
0x78: {  	s25 =	simm.s32 $0xCB80;
	s28 =	simm.s32 $0x1;
	s0 =	sadd.s32 $0x140, s0  }
0x79: {  	[tilespmem:s25], [sflag:$0x6] =	stream.linear.gather [hbm4b:s0+s31], $0x80, $0x38;
	[tilespmem:$0x15C80] =	vst v63  }
0x7a: {  	_ =	swait.ge [sflag:s28], $0x6000  }
0x7b: {  	s29 =	sshll.u32 s6, $0x1;
	[sflag:s28] =	ssyncset.done $0x0  }
0x7c: {  	s30 =	simm.s32 $0x3;
	[dreg:$0x16] =	wrdreg s6;
	[sflag:s28] =	ssyncadd.s32 $0xFFFFA000  }
0x7d: {  	s0 =	smulhi.u32 $0x55555556, s29;
	_ =	swait.ge [sflag:s30], $0x300  }
0x7e: {  	s31 =	simm.s32 $0x5;
	[sflag:s30] =	ssyncset.done $0x0  }
0x7f: {  	s0 =	smul.u32 $0x2420, s0;
	[dreg:$0x19] =	wrdreg s29;
	[sflag:s30] =	ssyncadd.s32 $0xFFFFFD00  }
0x80: {  	_ =	swait.ge [sflag:s31], $0x300  }
0x81: {  	v0 =	vmov s0;
	[sflag:s31] =	ssyncset.done $0x0  }
0x82: {  	s2 =	simm.s32 $0xFFFFFFFC;
	s1 =	simm.s32 $0x0;
	[tilespmem:$0x1FDE0] =	vst v0;
	[sflag:s31] =	ssyncadd.s32 $0xFFFFFD00  }
.LBB2_5:
0x83: {  	s2 =	sadd.s32 $0x4, s2  }
0x84: {  	s0 =	sshll.u32 s2, $0x7  }
0x85: {  	s20 =	sand.u32 $0x40, s1;
	s23 =	sand.u32 $0x3FFFFC00, s0  }
0x86: {  	s0 =	sor.u32 s20, s23  }
0x87: {  	v55 =	vld [tilespmem:s0+$0x0]  }
0x88: {  	v54 =	vld [tilespmem:s0+$0x80]  }
0x89: {  	v53 =	vld [tilespmem:s0+$0x100]  }
0x8a: {  	s22 =	sadd.s32 $0x1900, s23;
	v51 =	vld [tilespmem:s0+$0x180]  }
0x8b: {  	s6 =	sadd.s32 $0x1980, s23;
	v47 =	vld [tilespmem:s0+$0x200];
	s30 =	sor.u32 s20, s22  }
0x8c: {  	s5 =	sadd.s32 $0x1A00, s23;
	s31 =	sor.u32 s20, s6;
	v10 =	vld [tilespmem:s30+$0x0]  }
0x8d: {  	[dreg:$0x1a] =	wrdreg s1;
	s19 =	sadd.s32 $0x1A80, s23;
	s1 =	sor.u32 s20, s5;
	v28 =	vld [tilespmem:s31+$0x0]  }
0x8e: {  	s3 =	sor.u32 s20, s19;
	v27 =	vld [tilespmem:s1+$0x0]  }
0x8f: {  	v30 =	vld [tilespmem:s3+$0x0]  }
0x90: {  	v42 =	vld [tilespmem:s0+$0x280]  }
0x91: {  	s21 =	sadd.s32 $0x1800, s23;
	v46 =	vld [tilespmem:s0+$0x300];
	[tilespmem:$0x1FA40] =	vst v10  }
0x92: {  	s8 =	sadd.s32 $0x1880, s23;
	v57 =	vld [tilespmem:s0+$0x380];
	s28 =	sor.u32 s20, s21;
	[tilespmem:$0x1FA50] =	vst v28  }
0x93: {  	s4 =	sadd.s32 $0x1B00, s23;
	s29 =	sor.u32 s20, s8;
	v34 =	vld [tilespmem:s28+$0x0];
	[tilespmem:$0x1FA60] =	vst v27  }
0x94: {  	s18 =	sadd.s32 $0x1B80, s23;
	s7 =	sor.u32 s20, s4;
	v44 =	vld [tilespmem:s29+$0x0];
	[tilespmem:$0x1FA70] =	vst v30  }
0x95: {  	s17 =	sadd.s32 $0x3000, s23;
	s9 =	sor.u32 s20, s18;
	v31 =	vld [tilespmem:s7+$0x0]  }
0x96: {  	s15 =	sadd.s32 $0x3080, s23;
	s10 =	sor.u32 s20, s17;
	v24 =	vld [tilespmem:s9+$0x0]  }
0x97: {  	s11 =	sor.u32 s20, s15;
	s3 =	sadd.s32 $0x3100, s23;
	v29 =	vld [tilespmem:s10+$0x0]  }
0x98: {  	s14 =	sadd.s32 $0x3180, s23;
	s12 =	sor.u32 s20, s3;
	v14 =	vld [tilespmem:s11+$0x0]  }
0x99: {  	s13 =	sor.u32 s20, s14;
	s0 =	sadd.s32 $0x4800, s23;
	v12 =	vld [tilespmem:s12+$0x0]  }
0x9a: {  	s28 =	sor.u32 s20, s0;
	v0 =	vmul.f32 v55, v55;
	v1 =	vmul.f32 v54, v54;
	s12 =	sadd.s32 $0x3200, s23;
	v15 =	vld [tilespmem:s13+$0x0]  }
0x9b: {  	v2 =	vmul.f32 v53, v53;
	v3 =	vmul.f32 v51, v51;
	s13 =	sadd.s32 $0x3280, s23;
	v37 =	vld [tilespmem:s28+$0x0];
	s16 =	sor.u32 s20, s12  }
0x9c: {  	v4 =	vmul.f32 v47, v47;
	v5 =	vmul.f32 v42, v42;
	s10 =	sadd.s32 $0x3300, s23;
	s24 =	sor.u32 s20, s13;
	v21 =	vld [tilespmem:s16+$0x0]  }
0x9d: {  	v6 =	vmul.f32 v46, v46;
	v7 =	vmul.f32 v57, v57;
	s11 =	sadd.s32 $0x3380, s23;
	s25 =	sor.u32 s20, s10;
	v20 =	vld [tilespmem:s24+$0x0]  }
0x9e: {  	v8 =	vmul.f32 v34, v34;
	v9 =	vmul.f32 v44, v44;
	s7 =	sadd.s32 $0x4880, s23;
	s1 =	sor.u32 s20, s11;
	v22 =	vld [tilespmem:s25+$0x0];
	[tilespmem:$0x1FA80] =	vst v31  }
0x9f: {  	v10 =	vmul.f32 v10, v10;
	v26 =	vmul.f32 v28, v28;
	s29 =	sor.u32 s20, s7;
	v23 =	vld [tilespmem:s1+$0x0];
	s16 =	sadd.s32 $0x4A80, s23;
	[tilespmem:$0x1FA90] =	vst v24  }
0xa0: {  	v45 =	vmul.f32 v27, v27;
	v30 =	vmul.f32 v30, v30;
	v0 =	vadd.f32 v1, v0;
	s24 =	sadd.s32 $0x4900, s23;
	v27 =	vld [tilespmem:s29+$0x0];
	s28 =	sor.u32 s20, s16;
	[tilespmem:$0x1FAA0] =	vst v14  }
0xa1: {  	v60 =	vadd.f32 v3, v2;
	s25 =	sadd.s32 $0x4980, s23;
	s30 =	sor.u32 s20, s24;
	v61 =	vld [tilespmem:s28+$0x0];
	[tilespmem:$0x1FAB0] =	vst v12;
	v31 =	vmul.f32 v31, v31;
	v32 =	vmul.f32 v24, v24  }
0xa2: {  	v63 =	vadd.f32 v5, v4;
	s1 =	sadd.s32 $0x4A00, s23;
	s9 =	sor.u32 s20, s25;
	[tilespmem:$0x1FAC0] =	vst v15;
	v24 =	vld [tilespmem:s30+$0x0];
	v33 =	vmul.f32 v29, v29;
	v35 =	vmul.f32 v14, v14  }
0xa3: {  	v0 =	vadd.f32 v60, v0;
	s31 =	sor.u32 s20, s1;
	[tilespmem:$0x1FB10] =	vst v37;
	v14 =	vld [tilespmem:s9+$0x0];
	v36 =	vmul.f32 v12, v12;
	v38 =	vmul.f32 v15, v15;
	s30 =	sadd.s32 $0x4B00, s23  }
0xa4: {  	v15 =	vld [tilespmem:s31+$0x0];
	s31 =	sadd.s32 $0x4B80, s23;
	v52 =	vmul.f32 v37, v37;
	v37 =	vadd.f32 v26, v10;
	s29 =	sor.u32 s20, s30;
	[tilespmem:$0x1FAD0] =	vst v21;
	v40 =	vmul.f32 v21, v21  }
0xa5: {  	s28 =	sor.u32 s20, s31;
	[tilespmem:$0x1FAE0] =	vst v20;
	v41 =	vmul.f32 v20, v20;
	v43 =	vmul.f32 v22, v22;
	v20 =	vld [tilespmem:s29+$0x0];
	v21 =	vadd.f32 v7, v6  }
0xa6: {  	[tilespmem:$0x1FB00] =	vst v23;
	v50 =	vmul.f32 v23, v23;
	v12 =	vld [tilespmem:s28+$0x0];
	v23 =	vadd.f32 v9, v8;
	v9 =	vadd.f32 v30, v45  }
0xa7: {  	v56 =	vmul.f32 v27, v27;
	v10 =	vadd.f32 v32, v31;
	v39 =	vadd.f32 v35, v33  }
0xa8: {  	v45 =	vadd.f32 v38, v36;
	v8 =	vmul.f32 v61, v61;
	v49 =	vadd.f32 v41, v40  }
0xa9: {  	v50 =	vadd.f32 v50, v43;
	v56 =	vadd.f32 v56, v52;
	v58 =	vmul.f32 v24, v24  }
0xaa: {  	[tilespmem:$0x1FAF0] =	vst v22;
	v59 =	vadd.f32 v21, v63;
	v62 =	vmul.f32 v14, v14;
	v22 =	vmul.f32 v15, v15  }
0xab: {  	s29 =	sshll.u32 s2, $0x5;
	v60 =	vadd.f32 v37, v23;
	v26 =	vmul.f32 v20, v20;
	v48 =	vmul.f32 v12, v12  }
0xac: {  	s29 =	sand.u32 $0xFFFFFF00, s29;
	v63 =	vadd.f32 v45, v39;
	v40 =	vld [tilespmem:$0x1FDE0];
	v2 =	vadd.f32 v62, v58  }
0xad: {  	s28 =	sor.u32 s20, s29;
	v52 =	vld [tilespmem:$0x1FDF0];
	v5 =	vadd.f32 v8, v22;
	v8 =	vadd.f32 v48, v26  }
0xae: {  	s9 =	sor.u32 $0x10, s20;
	v28 =	vld [tilespmem:s28+$0xC600];
	v21 =	vadd.f32 v50, v49;
	v62 =	vadd.f32 v10, v9  }
0xaf: {  	v50 =	vld [tilespmem:s28+$0xC000];
	s28 =	sor.u32 s29, s9;
	v2 =	vadd.f32 v2, v56;
	v5 =	vadd.f32 v8, v5  }
0xb0: {  	v0 =	vadd.f32 v59, v0;
	v4 =	vld [tilespmem:s28+$0xC600];
	v23 =	vadd.f32 v21, v63  }
0xb1: {  	v63 =	vld [tilespmem:s28+$0xC000];
	s28 =	sor.u32 s9, s23;
	v22 =	vadd.f32 v62, v60;
	v2 =	vadd.f32 v5, v2  }
0xb2: {  	v35 =	vld [tilespmem:s28+$0x0]  }
0xb3: {  	v37 =	vld [tilespmem:s28+$0x80];
	v0 =	vadd.f32 v22, v0;
	v62 =	vadd.f32 v2, v23  }
0xb4: {  	v36 =	vld [tilespmem:s28+$0x100]  }
0xb5: {  	v38 =	vld [tilespmem:s28+$0x180];
	v32 =	vadd.f32 v62, v0  }
0xb6: {  	v39 =	vld [tilespmem:s28+$0x200]  }
0xb7: {  	v41 =	vld [tilespmem:s28+$0x280];
	v0 =	vshra.s32 v32, $0x1;
	v1 =	vmul.f32 $5.000000000e-01, v32  }
0xb8: {  	[tilespmem:$0x1FB70] =	vst v63;
	v63 =	vld [tilespmem:s28+$0x300];
	v0 =	vsub.s32 $0x5F3759DF, v0  }
0xb9: {  	v23 =	vld [tilespmem:s28+$0x380];
	s28 =	sor.u32 s9, s21;
	v8 =	vmul.f32 v0, v1  }
0xba: {  	[tilespmem:$0x1FB80] =	vst v20;
	v20 =	vld [tilespmem:s28+$0x0];
	s28 =	sor.u32 s9, s8  }
0xbb: {  	v21 =	vld [tilespmem:s28+$0x0];
	s28 =	sor.u32 s9, s22;
	v8 =	vmul.f32 v0, v8  }
0xbc: {  	v22 =	vld [tilespmem:s28+$0x0];
	s28 =	sor.u32 s9, s6  }
0xbd: {  	v33 =	vld [tilespmem:s28+$0x0];
	s28 =	sor.u32 s9, s5;
	v8 =	vsub.f32 $1.500000000e+00, v8  }
0xbe: {  	v59 =	vld [tilespmem:s28+$0x0];
	s28 =	sor.u32 s9, s19  }
0xbf: {  	v49 =	vld [tilespmem:s28+$0x0];
	s28 =	sor.u32 s9, s4;
	v0 =	vmul.f32 v0, v8  }
0xc0: {  	v43 =	vld [tilespmem:s28+$0x0];
	s28 =	sor.u32 s9, s18  }
0xc1: {  	v60 =	vld [tilespmem:s28+$0x0];
	s28 =	sor.u32 s9, s17;
	v1 =	vmul.f32 v0, v1  }
0xc2: {  	v45 =	vld [tilespmem:s28+$0x0];
	s28 =	sor.u32 s9, s15  }
0xc3: {  	v56 =	vld [tilespmem:s28+$0x0];
	s28 =	sor.u32 s9, s3;
	v1 =	vmul.f32 v1, v0  }
0xc4: {  	v48 =	vld [tilespmem:s28+$0x0];
	s28 =	sor.u32 s9, s14  }
0xc5: {  	[tilespmem:$0x1FB50] =	vst v14;
	v14 =	vld [tilespmem:s28+$0x0];
	s28 =	sor.u32 s9, s12;
	v1 =	vsub.f32 $1.500000000e+00, v1  }
0xc6: {  	v9 =	vld [tilespmem:s28+$0x0];
	s28 =	sor.u32 s9, s13  }
0xc7: {  	[tilespmem:$0x1FB90] =	vst v12;
	v12 =	vld [tilespmem:s28+$0x0];
	s28 =	sor.u32 s9, s10;
	v1 =	vmul.f32 v1, v0  }
0xc8: {  	[tilespmem:$0x1FB60] =	vst v15;
	v15 =	vld [tilespmem:s28+$0x0];
	s28 =	sor.u32 s9, s11  }
0xc9: {  	vm0 =	veq.s32 v28, $0x0;
	v50 =	vshll.u32 v50, $0x4;
	v31 =	vld [tilespmem:s28+$0x0];
	s28 =	sor.u32 s9, s0;
	v0 =	vmul.f32 v1, v1  }
0xca: {  	v50 =	vnsel vm0, $0x0, v50;
	v8 =	vld [tilespmem:s28+$0x0];
	s28 =	sor.u32 s9, s7  }
0xcb: {  	v7 =	vld [tilespmem:s28+$0x0];
	v5 =	vmul.f32 $9.999999970e-07, v0;
	v0 =	vadd.s32 v40, v50  }
0xcc: {  	v50 =	vor.u32 v25, v0  }
0xcd: {  	[tilespmem:$0x1FB40] =	vst v4;
	v1 =	vsub.f32 v1, v5;
	v5 =	vadd.s32 v52, v0  }
0xce: {  	[tilespmem:$0x1FBE0] =	vst v9;
	s28 =	sor.u32 s9, s24;
	v62 =	vadd.s32 v16, v0  }
0xcf: {  	v3 =	vmul.f32 v20, v20;
	v6 =	vld [tilespmem:s28+$0x0];
	s28 =	sor.u32 s9, s25;
	[tilespmem:$0x1FC20] =	vst v8;
	v28 =	vadd.s32 v17, v0;
	v55 =	vmul.f32 v1, v55  }
0xd0: {  	v10 =	vld [tilespmem:s28+$0x0];
	[tilespmem:$0x1FC30] =	vst v7;
	v30 =	vadd.s32 v18, v0;
	v54 =	vmul.f32 v1, v54;
	v53 =	vmul.f32 v1, v53  }
0xd1: {  	v58 =	vmul.f32 v1, v47;
	v47 =	vmul.f32 v38, v38;
	[tilespmem:v50+s26+$0x0] =	vst.idx.add.f32.msk $0xffff, v55  }
0xd2: {  	v50 =	vadd.s32 v19, v0;
	[tilespmem:v5+s26+$0x0] =	vst.idx.add.f32.msk $0xffff, v54;
	v54 =	vmul.f32 v1, v51  }
0xd3: {  	v4 =	vmul.f32 v21, v21;
	[tilespmem:v62+s26+$0x0] =	vst.idx.add.f32.msk $0xffff, v53;
	v62 =	vmul.f32 v1, v42  }
0xd4: {  	v42 =	vmul.f32 v36, v36;
	[tilespmem:v28+s26+$0x0] =	vst.idx.add.f32.msk $0xffff, v54;
	v28 =	vmul.f32 v35, v35  }
0xd5: {  	s28 =	sor.u32 s9, s1;
	v54 =	vmul.f32 v22, v22;
	[tilespmem:v30+s26+$0x0] =	vst.idx.add.f32.msk $0xffff, v58;
	v30 =	vmul.f32 v37, v37  }
0xd6: {  	v52 =	vld [tilespmem:s28+$0x0];
	v25 =	vadd.f32 v47, v42;
	v47 =	vmovc v22;
	v22 =	vadd.f32 v4, v3;
	v3 =	vmul.f32 v9, v9  }
0xd7: {  	s28 =	sor.u32 s9, s16;
	v9 =	vmul.f32 v8, v8;
	v8 =	vmul.f32 v7, v7;
	[tilespmem:v50+s26+$0x0] =	vst.idx.add.f32.msk $0xffff, v62  }
0xd8: {  	[tilespmem:$0x1FC40] =	vst v6;
	v7 =	vmul.f32 v6, v6;
	v6 =	vmul.f32 v10, v10;
	v26 =	vadd.f32 v30, v28;
	v28 =	vld [tilespmem:s28+$0x0];
	s28 =	sor.u32 s9, s30  }
0xd9: {  	[tilespmem:$0x1FB20] =	vst v27;
	v2 =	vmul.f32 v23, v23;
	v62 =	vmul.f32 v63, v63;
	v30 =	vld [tilespmem:s28+$0x0];
	s28 =	sor.u32 s9, s31;
	s9 =	sor.u32 $0x20, s20  }
0xda: {  	[tilespmem:$0x1FBA0] =	vst v23;
	v8 =	vadd.f32 v8, v9;
	v6 =	vadd.f32 v6, v7;
	v27 =	vld [tilespmem:s28+$0x0];
	s28 =	sor.u32 s9, s23  }
0xdb: {  	[tilespmem:$0x1FBB0] =	vst v21;
	v53 =	vmul.f32 v59, v59;
	v23 =	vadd.f32 v2, v62;
	v2 =	vmul.f32 v49, v49;
	v21 =	vld [tilespmem:s28+$0x0]  }
0xdc: {  	v16 =	vmul.f32 v1, v57;
	v6 =	vadd.f32 v6, v8;
	v8 =	vmul.f32 v1, v44;
	v44 =	vld [tilespmem:$0x1FA50]  }
0xdd: {  	v4 =	vmul.f32 v45, v45;
	v42 =	vmovc v20;
	v55 =	vld [tilespmem:s28+$0x80];
	v20 =	vadd.f32 v2, v53;
	v2 =	vmul.f32 v56, v56  }
0xde: {  	[tilespmem:$0x1FB30] =	vst v24;
	v51 =	vmov v33;
	v50 =	vmul.f32 v39, v39;
	v62 =	vmul.f32 v33, v33;
	v53 =	vld [tilespmem:s28+$0x100]  }
0xdf: {  	v58 =	vmul.f32 v41, v41;
	[tilespmem:$0x1FC70] =	vst v28;
	v18 =	vadd.f32 v2, v4;
	v4 =	vmul.f32 v28, v28;
	v28 =	vld [tilespmem:$0x1FE60]  }
0xe0: {  	v33 =	vmul.f32 v43, v43;
	v57 =	vld [tilespmem:s28+$0x200];
	[tilespmem:$0x1FBC0] =	vst v21;
	v21 =	vadd.f32 v62, v54;
	v62 =	vmul.f32 v60, v60  }
0xe1: {  	[tilespmem:$0x1FC10] =	vst v31;
	v31 =	vmul.f32 v31, v31;
	v24 =	vadd.f32 v58, v50;
	v58 =	vld [tilespmem:s28+$0x280]  }
0xe2: {  	v5 =	vmul.f32 v15, v15;
	v50 =	vmovc v59;
	v59 =	vld [tilespmem:s28+$0x380];
	v19 =	vadd.f32 v62, v33;
	v33 =	vmul.f32 v48, v48  }
0xe3: {  	[tilespmem:$0x1FBD0] =	vst v14;
	v54 =	vld [tilespmem:s28+$0x180];
	v62 =	vmul.f32 v14, v14;
	v14 =	vmul.f32 v1, v46  }
0xe4: {  	[tilespmem:$0x1FC50] =	vst v10;
	v46 =	vld [tilespmem:s28+$0x300];
	v10 =	vadd.s32 v28, v0;
	v28 =	vmul.f32 v27, v27;
	v9 =	vadd.f32 v21, v22  }
0xe5: {  	[tilespmem:$0x1FBF0] =	vst v12;
	s28 =	sor.u32 s9, s21;
	v21 =	vld [tilespmem:$0x1FE80];
	v17 =	vadd.f32 v62, v33;
	v33 =	vmul.f32 v12, v12;
	v12 =	vadd.s32 v11, v0  }
0xe6: {  	v11 =	vadd.s32 v13, v0;
	v62 =	vld [tilespmem:s28+$0x0];
	s28 =	sor.u32 s9, s8;
	v13 =	vadd.f32 v31, v5;
	v31 =	vmul.f32 v30, v30  }
0xe7: {  	[tilespmem:$0x1FC00] =	vst v15;
	v5 =	vmul.f32 v52, v52;
	v15 =	vadd.f32 v33, v3;
	v33 =	vld [tilespmem:s28+$0x0]  }
0xe8: {  	s28 =	sor.u32 s9, s22;
	v2 =	vadd.f32 v28, v31;
	v28 =	vld [tilespmem:$0x1FE90]  }
0xe9: {  	[tilespmem:$0x1FC60] =	vst v52;
	v4 =	vadd.f32 v4, v5;
	v52 =	vld [tilespmem:s28+$0x0];
	s28 =	sor.u32 s9, s6  }
0xea: {  	v31 =	vld [tilespmem:s28+$0x0]  }
0xeb: {  	v2 =	vadd.f32 v2, v4;
	v4 =	vadd.s32 v21, v0;
	v21 =	vld [tilespmem:$0x1FEC0]  }
0xec: {  	s28 =	sor.u32 s9, s5;
	[tilespmem:v12+s26+$0x0] =	vst.idx.add.f32.msk $0xffff, v14  }
0xed: {  	v5 =	vadd.f32 v23, v24;
	v23 =	vld [tilespmem:s28+$0x0]  }
0xee: {  	[tilespmem:$0x1FC80] =	vst v30;
	v30 =	vmul.f32 v1, v34;
	v12 =	vld [tilespmem:$0x1FE70]  }
0xef: {  	[tilespmem:v11+s26+$0x0] =	vst.idx.add.f32.msk $0xffff, v16  }
0xf0: {  	s28 =	sor.u32 s9, s19;
	[tilespmem:v10+s26+$0x0] =	vst.idx.add.f32.msk $0xffff, v30  }
0xf1: {  	v30 =	vld [tilespmem:s28+$0x0]  }
0xf2: {  	v11 =	vadd.f32 v19, v20;
	v2 =	vadd.f32 v2, v6;
	s28 =	sor.u32 s9, s4;
	v6 =	vadd.s32 v28, v0;
	v28 =	vld [tilespmem:$0x1FED0]  }
0xf3: {  	[tilespmem:$0x1FC90] =	vst v27;
	v27 =	vld [tilespmem:s28+$0x0];
	v12 =	vadd.s32 v12, v0  }
0xf4: {  	v22 =	vadd.f32 v11, v9;
	v9 =	vld [tilespmem:$0x1FEA0]  }
0xf5: {  	v34 =	vadd.f32 v17, v18;
	v10 =	vadd.f32 v13, v15;
	s28 =	sor.u32 s9, s18;
	v11 =	vld [tilespmem:$0x1FF20]  }
0xf6: {  	v24 =	vld [tilespmem:s28+$0x0]  }
0xf7: {  	v7 =	vadd.f32 v10, v34;
	v34 =	vld [tilespmem:$0x1FEB0]  }
0xf8: {  	v3 =	vadd.f32 v25, v26;
	[tilespmem:v12+s26+$0x0] =	vst.idx.add.f32.msk $0xffff, v8  }
0xf9: {  	v8 =	vld [tilespmem:$0x1FA40]  }
0xfa: {  	v3 =	vadd.f32 v5, v3;
	s28 =	sor.u32 s9, s17;
	v10 =	vld [tilespmem:$0x1FAA0]  }
0xfb: {  	v25 =	vld [tilespmem:s28+$0x0]  }
0xfc: {  	v3 =	vadd.f32 v22, v3;
	s28 =	sor.u32 s9, s15;
	v22 =	vld [tilespmem:$0x1FA60]  }
0xfd: {  	v26 =	vld [tilespmem:s28+$0x0]  }
0xfe: {  	v2 =	vadd.f32 v2, v7;
	v7 =	vadd.s32 v21, v0;
	v21 =	vld [tilespmem:$0x1FA80];
	v8 =	vmul.f32 v1, v8  }
0xff: {  	v5 =	vadd.s32 v34, v0;
	v34 =	vld [tilespmem:$0x1FA70]  }
0x100: {  	v9 =	vadd.s32 v9, v0;
	[tilespmem:v4+s26+$0x0] =	vst.idx.add.f32.msk $0xffff, v8  }
0x101: {  	v4 =	vmul.f32 v1, v44;
	v44 =	vadd.f32 v2, v3;
	v2 =	vmul.f32 v1, v22;
	v22 =	vld [tilespmem:$0x1FEE0]  }
0x102: {  	v3 =	vadd.s32 v28, v0;
	v28 =	vld [tilespmem:$0x1FA90]  }
0x103: {  	[tilespmem:v6+s26+$0x0] =	vst.idx.add.f32.msk $0xffff, v4  }
0x104: {  	v4 =	vmul.f32 v1, v34;
	v34 =	vld [tilespmem:$0x1FF00]  }
0x105: {  	[tilespmem:v9+s26+$0x0] =	vst.idx.add.f32.msk $0xffff, v2  }
0x106: {  	v6 =	vmul.f32 v1, v21;
	v8 =	vshra.s32 v44, $0x1;
	[tilespmem:v5+s26+$0x0] =	vst.idx.add.f32.msk $0xffff, v4  }
0x107: {  	v5 =	vsub.s32 $0x5F3759DF, v8;
	v8 =	vld [tilespmem:$0x1FEF0]  }
0x108: {  	v9 =	vmul.f32 $5.000000000e-01, v44;
	[tilespmem:v7+s26+$0x0] =	vst.idx.add.f32.msk $0xffff, v6  }
0x109: {  	v2 =	vadd.s32 v22, v0;
	v4 =	vmul.f32 v1, v28;
	v22 =	vmul.f32 v1, v29;
	v29 =	vld [tilespmem:$0x1FF10]  }
0x10a: {  	v28 =	vld [tilespmem:$0x1FF40]  }
0x10b: {  	v21 =	vmul.f32 v5, v9;
	[tilespmem:v3+s26+$0x0] =	vst.idx.add.f32.msk $0xffff, v4  }
0x10c: {  	v6 =	vadd.s32 v34, v0;
	v34 =	vld [tilespmem:$0x1FAB0]  }
0x10d: {  	s28 =	sor.u32 s9, s3;
	v7 =	vmul.f32 v5, v21;
	v21 =	vld [tilespmem:$0x1FAC0]  }
0x10e: {  	v8 =	vadd.s32 v8, v0;
	v4 =	vadd.s32 v29, v0;
	v29 =	vld [tilespmem:s28+$0x0]  }
0x10f: {  	[tilespmem:v2+s26+$0x0] =	vst.idx.add.f32.msk $0xffff, v22  }
0x110: {  	v22 =	vld [tilespmem:$0x1FAD0]  }
0x111: {  	v10 =	vmul.f32 v1, v10;
	v2 =	vmul.f32 v1, v34;
	v34 =	vld [tilespmem:$0x1FF50]  }
0x112: {  	v3 =	vmul.f32 v1, v21;
	v21 =	vld [tilespmem:$0x1FF60]  }
0x113: {  	[tilespmem:v8+s26+$0x0] =	vst.idx.add.f32.msk $0xffff, v10  }
0x114: {  	v8 =	vld [tilespmem:$0x1FF30]  }
0x115: {  	v10 =	vld [tilespmem:$0x1FF70]  }
0x116: {  	v11 =	vadd.s32 v11, v0;
	s28 =	sor.u32 s9, s14;
	[tilespmem:v6+s26+$0x0] =	vst.idx.add.f32.msk $0xffff, v2  }
0x117: {  	v7 =	vsub.f32 $1.500000000e+00, v7;
	v6 =	vadd.s32 v28, v0;
	v28 =	vld [tilespmem:s28+$0x0]  }
0x118: {  	[tilespmem:v4+s26+$0x0] =	vst.idx.add.f32.msk $0xffff, v3  }
0x119: {  	v2 =	vmul.f32 v1, v22;
	v3 =	vmul.f32 v5, v7;
	v7 =	vld [tilespmem:$0x1FAE0]  }
0x11a: {  	v22 =	vld [tilespmem:$0x1FAF0]  }
0x11b: {  	[tilespmem:v11+s26+$0x0] =	vst.idx.add.f32.msk $0xffff, v2;
	v8 =	vadd.s32 v8, v0  }
0x11c: {  	v4 =	vadd.s32 v34, v0;
	v34 =	vld [tilespmem:$0x1FB00]  }
0x11d: {  	s28 =	sor.u32 s9, s12;
	v5 =	vadd.s32 v21, v0;
	v21 =	vld [tilespmem:$0x1FB10]  }
0x11e: {  	v11 =	vld [tilespmem:s28+$0x0];
	v2 =	vmul.f32 v1, v7  }
0x11f: {  	v7 =	vmul.f32 v1, v22;
	v22 =	vld [tilespmem:$0x1FB20]  }
0x120: {  	[tilespmem:v8+s26+$0x0] =	vst.idx.add.f32.msk $0xffff, v2  }
0x121: {  	v8 =	vld [tilespmem:$0x1FF80]  }
0x122: {  	v2 =	vmul.f32 v1, v34;
	v34 =	vld [tilespmem:$0x1FF90]  }
0x123: {  	[tilespmem:v6+s26+$0x0] =	vst.idx.add.f32.msk $0xffff, v7  }
0x124: {  	v6 =	vmul.f32 v1, v21;
	v21 =	vld [tilespmem:$0x1FB30]  }
0x125: {  	v9 =	vmul.f32 v3, v9;
	[tilespmem:v4+s26+$0x0] =	vst.idx.add.f32.msk $0xffff, v2  }
0x126: {  	v2 =	vmul.f32 v1, v22;
	v22 =	vld [tilespmem:$0x1FFA0]  }
0x127: {  	v10 =	vadd.s32 v10, v0;
	v7 =	vmul.f32 v9, v3;
	v9 =	vld [tilespmem:$0x1FFC0]  }
0x128: {  	[tilespmem:v5+s26+$0x0] =	vst.idx.add.f32.msk $0xffff, v6;
	v8 =	vadd.s32 v8, v0  }
0x129: {  	v4 =	vadd.s32 v34, v0;
	v34 =	vld [tilespmem:$0x1FFB0]  }
0x12a: {  	v5 =	vmul.f32 v1, v21;
	v21 =	vld [tilespmem:$0x1FB40]  }
0x12b: {  	v6 =	vsub.f32 $1.500000000e+00, v7;
	v7 =	vadd.s32 v22, v0;
	v22 =	vld [tilespmem:$0x1FB50]  }
0x12c: {  	[tilespmem:v10+s26+$0x0] =	vst.idx.add.f32.msk $0xffff, v2  }
0x12d: {  	[tilespmem:v8+s26+$0x0] =	vst.idx.add.f32.msk $0xffff, v5  }
0x12e: {  	v2 =	vadd.s32 v34, v0;
	v34 =	vld [tilespmem:$0x1FB60]  }
0x12f: {  	vm13 =	veq.s32 v21, $0x0;
	v21 =	vld [tilespmem:$0x1FB70]  }
0x130: {  	v8 =	vmul.f32 v1, v61;
	v61 =	vld [tilespmem:$0x1FFE0];
	v5 =	vmul.f32 v1, v22  }
0x131: {  	v22 =	vld [tilespmem:$0x1FFD0]  }
0x132: {  	[tilespmem:v4+s26+$0x0] =	vst.idx.add.f32.msk $0xffff, v5  }
0x133: {  	v3 =	vmul.f32 v6, v3;
	v6 =	vmul.f32 v1, v34;
	v34 =	vld [tilespmem:$0x1FB80]  }
0x134: {  	s28 =	sor.u32 s9, s13;
	v4 =	vshll.u32 v21, $0x4;
	v21 =	vld [tilespmem:$0x1FFF0]  }
0x135: {  	v18 =	vld [tilespmem:s28+$0x0];
	v9 =	vadd.s32 v9, v0  }
0x136: {  	[tilespmem:v7+s26+$0x0] =	vst.idx.add.f32.msk $0xffff, v6  }
0x137: {  	v10 =	vmul.f32 v3, v3;
	[tilespmem:v2+s26+$0x0] =	vst.idx.add.f32.msk $0xffff, v8  }
0x138: {  	v5 =	vadd.s32 v22, v0;
	v8 =	vld [tilespmem:$0x1FB90];
	v6 =	vmul.f32 v1, v34  }
0x139: {  	v7 =	vadd.s32 v61, v0;
	v22 =	vmul.f32 $9.999999970e-07, v10;
	v0 =	vadd.s32 v21, v0;
	v21 =	vld [tilespmem:$0x1FE00]  }
0x13a: {  	v4 =	vnsel vm13, $0x0, v4;
	[tilespmem:v9+s26+$0x0] =	vst.idx.add.f32.msk $0xffff, v6  }
0x13b: {  	s28 =	sor.u32 s9, s10;
	v61 =	vmov v40;
	v34 =	vadd.s32 v40, v4;
	v40 =	vsub.f32 v3, v22;
	v6 =	vld [tilespmem:$0x1FDF0]  }
0x13c: {  	v32 =	vmul.f32 v1, v32;
	v10 =	vlaneseq.u32;
	v9 =	vld [tilespmem:s28+$0x0]  }
0x13d: {  	v10 =	vor.u32 v10, v34;
	v17 =	vmul.f32 v40, v56;
	v56 =	vld [tilespmem:$0x1FED0];
	v8 =	vmul.f32 v1, v8  }
0x13e: {  	v1 =	vmul.f32 v32, v1;
	v32 =	vmul.f32 v40, v35;
	v35 =	vld [tilespmem:$0x1FE10]  }
0x13f: {  	v22 =	vimm.f32 $1.000000000e+00;
	[tilespmem:v5+s26+$0x0] =	vst.idx.add.f32.msk $0xffff, v8  }
0x140: {  	[tilespmem:v7+s26+$0x0] =	vst.idx.add.f32.msk $0xffff, v22  }
0x141: {  	v22 =	vld [tilespmem:$0x1FE20]  }
0x142: {  	[tilespmem:v10+s26+$0x0] =	vst.idx.add.f32.msk $0xffff, v32;
	v2 =	vadd.s32 v6, v34  }
0x143: {  	v3 =	vadd.s32 v21, v34;
	v21 =	vmul.f32 v40, v37;
	v32 =	vmul.f32 v40, v36;
	v37 =	vld [tilespmem:$0x1FE40]  }
0x144: {  	v36 =	vmul.f32 v40, v38;
	v38 =	vmul.f32 v40, v39;
	v39 =	vld [tilespmem:$0x1FE50]  }
0x145: {  	[tilespmem:v0+s26+$0x0] =	vst.idx.add.f32.msk $0xffff, v1  }
0x146: {  	v5 =	vadd.s32 v35, v34;
	v35 =	vld [tilespmem:$0x1FE30]  }
0x147: {  	[tilespmem:v2+s26+$0x0] =	vst.idx.add.f32.msk $0xffff, v21  }
0x148: {  	v21 =	vld [tilespmem:$0x1FE60]  }
0x149: {  	v1 =	vadd.s32 v22, v34;
	[tilespmem:v3+s26+$0x0] =	vst.idx.add.f32.msk $0xffff, v32  }
0x14a: {  	v32 =	vld [tilespmem:$0x1FE70]  }
0x14b: {  	v6 =	vadd.s32 v35, v34;
	v35 =	vld [tilespmem:$0x1FBA0]  }
0x14c: {  	[tilespmem:v5+s26+$0x0] =	vst.idx.add.f32.msk $0xffff, v36  }
0x14d: {  	v36 =	vld [tilespmem:$0x1FE80]  }
0x14e: {  	[tilespmem:v1+s26+$0x0] =	vst.idx.add.f32.msk $0xffff, v38  }
0x14f: {  	v2 =	vadd.s32 v37, v34;
	v38 =	vld [tilespmem:$0x1FE90]  }
0x150: {  	v41 =	vmul.f32 v40, v41;
	v4 =	vadd.s32 v39, v34;
	v39 =	vld [tilespmem:$0x1FBB0]  }
0x151: {  	[tilespmem:$0x1FCE0] =	vst v30;
	s28 =	sor.u32 s9, s11;
	v8 =	vmul.f32 v40, v48;
	v48 =	vmul.f32 v30, v30;
	v30 =	vld [tilespmem:$0x1FF10];
	v5 =	vadd.s32 v21, v34  }
0x152: {  	v10 =	vld [tilespmem:s28+$0x0];
	v22 =	vmul.f32 v40, v63;
	v3 =	vadd.s32 v32, v34  }
0x153: {  	[tilespmem:v6+s26+$0x0] =	vst.idx.add.f32.msk $0xffff, v41;
	v0 =	vmul.f32 v40, v35;
	v6 =	vadd.s32 v36, v34  }
0x154: {  	v37 =	vmul.f32 v40, v42;
	[tilespmem:v2+s26+$0x0] =	vst.idx.add.f32.msk $0xffff, v22;
	v2 =	vadd.s32 v38, v34  }
0x155: {  	[tilespmem:v4+s26+$0x0] =	vst.idx.add.f32.msk $0xffff, v0;
	v0 =	vmul.f32 v40, v39  }
0x156: {  	v41 =	vmul.f32 v40, v47;
	[tilespmem:v5+s26+$0x0] =	vst.idx.add.f32.msk $0xffff, v37  }
0x157: {  	v42 =	vmul.f32 v40, v51;
	[tilespmem:v3+s26+$0x0] =	vst.idx.add.f32.msk $0xffff, v0  }
0x158: {  	[tilespmem:v6+s26+$0x0] =	vst.idx.add.f32.msk $0xffff, v41  }
0x159: {  	[tilespmem:v2+s26+$0x0] =	vst.idx.add.f32.msk $0xffff, v42  }
0x15a: {  	v2 =	vmul.f32 v40, v43;
	v43 =	vld [tilespmem:$0x1FEA0]  }
0x15b: {  	v13 =	vadd.s32 v56, v34;
	v56 =	vld [tilespmem:$0x1FEF0]  }
0x15c: {  	v51 =	vld [tilespmem:$0x1FEC0]  }
0x15d: {  	s28 =	sor.u32 s9, s0;
	v1 =	vmul.f32 v40, v50;
	v50 =	vld [tilespmem:$0x1FEB0]  }
0x15e: {  	v32 =	vld [tilespmem:s28+$0x0]  }
0x15f: {  	v47 =	vmul.f32 v40, v60;
	s28 =	sor.u32 s9, s7;
	v60 =	vld [tilespmem:$0x1FEE0];
	v3 =	vadd.s32 v43, v34  }
0x160: {  	v63 =	vmul.f32 v57, v57;
	v35 =	vld [tilespmem:s28+$0x0];
	s28 =	sor.u32 s9, s24;
	v37 =	vmul.f32 v58, v58  }
0x161: {  	v36 =	vld [tilespmem:s28+$0x0]  }
0x162: {  	v6 =	vadd.s32 v50, v34;
	v21 =	vadd.f32 v37, v63;
	v37 =	vld [tilespmem:$0x1FBD0]  }
0x163: {  	v12 =	vadd.s32 v51, v34;
	v39 =	vmul.f32 v59, v59;
	v38 =	vmul.f32 v46, v46;
	v42 =	vld [tilespmem:$0x1FBC0]  }
0x164: {  	[tilespmem:v3+s26+$0x0] =	vst.idx.add.f32.msk $0xffff, v1  }
0x165: {  	v0 =	vmul.f32 v40, v49;
	v1 =	vadd.f32 v39, v38;
	v39 =	vld [tilespmem:$0x1FF00]  }
0x166: {  	v20 =	vadd.s32 v60, v34;
	v38 =	vld [tilespmem:$0x1FF20]  }
0x167: {  	[tilespmem:v6+s26+$0x0] =	vst.idx.add.f32.msk $0xffff, v0  }
0x168: {  	[tilespmem:v12+s26+$0x0] =	vst.idx.add.f32.msk $0xffff, v2  }
0x169: {  	s28 =	sor.u32 s9, s25;
	v49 =	vmul.f32 v40, v45;
	v63 =	vadd.s32 v56, v34;
	[tilespmem:v13+s26+$0x0] =	vst.idx.add.f32.msk $0xffff, v47  }
0x16a: {  	v16 =	vmul.f32 v53, v53;
	v13 =	vld [tilespmem:s28+$0x0]  }
0x16b: {  	v19 =	vmul.f32 v54, v54;
	v45 =	vmul.f32 v52, v52;
	s28 =	sor.u32 s9, s1;
	[tilespmem:v20+s26+$0x0] =	vst.idx.add.f32.msk $0xffff, v49  }
0x16c: {  	[tilespmem:$0x1FCB0] =	vst v52;
	v41 =	vmul.f32 v62, v62;
	v43 =	vmul.f32 v33, v33;
	v52 =	vld [tilespmem:s28+$0x0];
	s28 =	sor.u32 s9, s16  }
0x16d: {  	v19 =	vadd.f32 v19, v16;
	v16 =	vld [tilespmem:s28+$0x0]  }
0x16e: {  	v0 =	vadd.f32 v43, v41;
	[tilespmem:v63+s26+$0x0] =	vst.idx.add.f32.msk $0xffff, v17  }
0x16f: {  	v49 =	vmul.f32 v27, v27;
	v20 =	vmul.f32 v24, v24;
	s28 =	sor.u32 s9, s30;
	v41 =	vadd.s32 v39, v34;
	v39 =	vld [tilespmem:$0x1FF30]  }
0x170: {  	v12 =	vmul.f32 v31, v31;
	v60 =	vld [tilespmem:s28+$0x0];
	s28 =	sor.u32 s9, s31  }
0x171: {  	[tilespmem:$0x1FD50] =	vst v11;
	v51 =	vmul.f32 v11, v11;
	v5 =	vadd.f32 v20, v49;
	v20 =	vmul.f32 v18, v18;
	s9 =	sor.u32 s29, s9;
	v11 =	vld [tilespmem:s28+$0x0]  }
0x172: {  	[tilespmem:$0x1FDA0] =	vst v35;
	v43 =	vmul.f32 v32, v32;
	v2 =	vadd.f32 v12, v45;
	v45 =	vmul.f32 v35, v35;
	v35 =	vld [tilespmem:s9+$0xC600]  }
0x173: {  	[tilespmem:$0x1FCF0] =	vst v27;
	v6 =	vadd.f32 v20, v51;
	v20 =	vld [tilespmem:s9+$0xC000]  }
0x174: {  	[tilespmem:$0x1FD00] =	vst v24;
	v51 =	vadd.f32 v45, v43;
	v43 =	vld [tilespmem:$0x1FBE0]  }
0x175: {  	v15 =	vmul.f32 v55, v55;
	[tilespmem:$0x1FD10] =	vst v25;
	v14 =	vmul.f32 v42, v42;
	s9 =	sor.u32 $0x30, s20;
	v45 =	vld [tilespmem:$0x1FF50]  }
0x176: {  	v24 =	vmul.f32 v25, v25;
	v25 =	vmul.f32 v26, v26;
	s20 =	sor.u32 s9, s23;
	[tilespmem:v41+s26+$0x0] =	vst.idx.add.f32.msk $0xffff, v8  }
0x177: {  	[tilespmem:$0x1FD20] =	vst v26;
	v50 =	vmul.f32 v28, v28;
	v26 =	vadd.f32 v15, v14;
	v27 =	vmul.f32 v29, v29;
	v17 =	vld [tilespmem:s20+$0x0]  }
0x178: {  	[tilespmem:$0x1FD60] =	vst v18;
	v22 =	vadd.f32 v25, v24;
	v24 =	vmul.f32 v9, v9;
	v18 =	vld [tilespmem:s20+$0x80]  }
0x179: {  	v25 =	vmul.f32 v10, v10;
	v3 =	vadd.f32 v50, v27;
	v26 =	vadd.f32 v19, v26;
	v19 =	vld [tilespmem:s20+$0x100]  }
0x17a: {  	v1 =	vadd.f32 v1, v21;
	v21 =	vld [tilespmem:s20+$0x180]  }
0x17b: {  	v24 =	vadd.f32 v25, v24;
	v3 =	vadd.f32 v3, v22;
	v22 =	vld [tilespmem:s20+$0x200]  }
0x17c: {  	[tilespmem:$0x1FCD0] =	vst v23;
	v47 =	vmul.f32 v23, v23;
	v23 =	vld [tilespmem:s20+$0x280]  }
0x17d: {  	[tilespmem:$0x1FD30] =	vst v29;
	v29 =	vadd.f32 v24, v6;
	v24 =	vld [tilespmem:s20+$0x300]  }
0x17e: {  	v14 =	vld [tilespmem:s20+$0x380]  }
0x17f: {  	v4 =	vadd.f32 v48, v47;
	v27 =	vmul.f32 v36, v36;
	v47 =	vmul.f32 v13, v13;
	s8 =	sor.u32 s9, s8;
	v41 =	vld [tilespmem:$0x1FF40]  }
0x180: {  	v1 =	vadd.f32 v1, v26;
	v26 =	vld [tilespmem:s8+$0x0]  }
0x181: {  	s23 =	sor.u32 s9, s22;
	v27 =	vadd.f32 v47, v27;
	v47 =	vld [tilespmem:$0x1FBF0]  }
0x182: {  	[tilespmem:$0x1FDC0] =	vst v13;
	s6 =	sor.u32 s9, s6;
	v13 =	vld [tilespmem:s23+$0x0]  }
0x183: {  	s5 =	sor.u32 s9, s5;
	v12 =	vld [tilespmem:s6+$0x0]  }
0x184: {  	[tilespmem:$0x1FD80] =	vst v10;
	s4 =	sor.u32 s9, s4;
	v10 =	vld [tilespmem:s5+$0x0]  }
0x185: {  	[tilespmem:$0x1FD70] =	vst v9;
	v9 =	vld [tilespmem:s4+$0x0];
	s5 =	sor.u32 s9, s18  }
0x186: {  	s6 =	sor.u32 s9, s17;
	v8 =	vld [tilespmem:s5+$0x0]  }
0x187: {  	[tilespmem:$0x1FD40] =	vst v28;
	v48 =	vmul.f32 v52, v52;
	v49 =	vmul.f32 v16, v16;
	s8 =	sor.u32 s9, s15;
	v28 =	vld [tilespmem:s6+$0x0]  }
0x188: {  	v63 =	vadd.f32 v5, v4;
	v5 =	vadd.s32 v30, v34;
	v30 =	vld [tilespmem:s8+$0x0]  }
0x189: {  	v56 =	vadd.f32 v49, v48;
	v48 =	vld [tilespmem:$0x1FC00]  }
0x18a: {  	[tilespmem:$0x1FCC0] =	vst v31;
	v25 =	vmul.f32 v60, v60;
	v50 =	vmul.f32 v11, v11;
	v31 =	vadd.f32 v27, v51;
	v51 =	vld [tilespmem:$0x1FF60]  }
0x18b: {  	v4 =	vmul.f32 v40, v37;
	s28 =	sor.u32 s9, s19;
	v27 =	vadd.s32 v38, v34;
	v38 =	vld [tilespmem:$0x1FF70]  }
0x18c: {  	v0 =	vadd.f32 v2, v0;
	[tilespmem:$0x1FDD0] =	vst v11;
	v11 =	vld [tilespmem:s28+$0x0];
	v25 =	vadd.f32 v50, v25  }
0x18d: {  	[tilespmem:v5+s26+$0x0] =	vst.idx.add.f32.msk $0xffff, v4  }
0x18e: {  	[tilespmem:$0x1FD90] =	vst v32;
	v0 =	vadd.f32 v63, v0;
	v50 =	vld [tilespmem:$0x1FC10];
	v32 =	vadd.f32 v25, v56  }
0x18f: {  	[tilespmem:$0x1FCA0] =	vst v33;
	s21 =	sor.u32 s9, s21;
	v33 =	vadd.f32 v29, v3;
	v4 =	vmul.f32 v40, v43;
	v3 =	vadd.s32 v41, v34;
	v41 =	vld [tilespmem:$0x1FF80]  }
0x190: {  	[tilespmem:$0x1FDB0] =	vst v36;
	v25 =	vld [tilespmem:s21+$0x0];
	v36 =	vadd.f32 v32, v31  }
0x191: {  	v0 =	vadd.f32 v0, v1;
	v1 =	vadd.s32 v39, v34;
	[tilespmem:v27+s26+$0x0] =	vst.idx.add.f32.msk $0xffff, v4  }
0x192: {  	s3 =	sor.u32 s9, s3;
	v56 =	vadd.s32 v51, v34;
	v51 =	vld [tilespmem:$0x1FC40];
	v2 =	vadd.f32 v36, v33  }
0x193: {  	v31 =	vld [tilespmem:s3+$0x0]  }
0x194: {  	v5 =	vadd.s32 v45, v34;
	v36 =	vld [tilespmem:$0x1FC20];
	v33 =	vadd.f32 v2, v0;
	v0 =	vmul.f32 v40, v47  }
0x195: {  	v2 =	vmul.f32 v40, v48;
	v47 =	vld [tilespmem:$0x1FC30]  }
0x196: {  	[tilespmem:v1+s26+$0x0] =	vst.idx.add.f32.msk $0xffff, v0  }
0x197: {  	v49 =	vshra.s32 v33, $0x1;
	v0 =	vmul.f32 v40, v50;
	[tilespmem:v3+s26+$0x0] =	vst.idx.add.f32.msk $0xffff, v2  }
0x198: {  	v63 =	vsub.s32 $0x5F3759DF, v49;
	v49 =	vld [tilespmem:$0x1FF90]  }
0x199: {  	v37 =	vmul.f32 v40, v36;
	[tilespmem:v5+s26+$0x0] =	vst.idx.add.f32.msk $0xffff, v0  }
0x19a: {  	v5 =	vld [tilespmem:$0x1FFF0]  }
0x19b: {  	v39 =	vadd.s32 v38, v34;
	v27 =	vmul.f32 $5.000000000e-01, v33;
	[tilespmem:v56+s26+$0x0] =	vst.idx.add.f32.msk $0xffff, v37  }
0x19c: {  	v37 =	vld [tilespmem:$0x1FC60]  }
0x19d: {  	v43 =	vadd.s32 v41, v34;
	v32 =	vmul.f32 v63, v27;
	v48 =	vmul.f32 v40, v47;
	v47 =	vld [tilespmem:$0x1FC70]  }
0x19e: {  	v56 =	vmul.f32 v40, v51;
	v51 =	vld [tilespmem:$0x1FFD0]  }
0x19f: {  	v4 =	vmul.f32 v63, v32;
	v32 =	vld [tilespmem:$0x1FC50]  }
0x1a0: {  	[tilespmem:v39+s26+$0x0] =	vst.idx.add.f32.msk $0xffff, v48  }
0x1a1: {  	v39 =	vld [tilespmem:$0x1FFB0]  }
0x1a2: {  	v45 =	vsub.f32 $1.500000000e+00, v4;
	[tilespmem:v43+s26+$0x0] =	vst.idx.add.f32.msk $0xffff, v56  }
0x1a3: {  	v43 =	vld [tilespmem:$0x1FFC0]  }
0x1a4: {  	v29 =	vmul.f32 v63, v45;
	v63 =	vld [tilespmem:$0x1FFA0]  }
0x1a5: {  	v50 =	vadd.s32 v49, v34;
	v49 =	vld [tilespmem:$0x1FC80]  }
0x1a6: {  	s0 =	sor.u32 s9, s0;
	v48 =	vmul.f32 v40, v47;
	v47 =	vld [tilespmem:$0x1FC90]  }
0x1a7: {  	s14 =	sor.u32 s9, s14;
	v38 =	vmul.f32 v40, v37;
	v37 =	vld [tilespmem:s0+$0x0]  }
0x1a8: {  	s21 =	sor.u32 s9, s24;
	v36 =	vmul.f32 v40, v32;
	v32 =	vld [tilespmem:s14+$0x0]  }
0x1a9: {  	v27 =	vmul.f32 v29, v27;
	v41 =	vadd.s32 v39, v34;
	v39 =	vld [tilespmem:s21+$0x0];
	v4 =	vadd.s32 v63, v34  }
0x1aa: {  	v63 =	vld [tilespmem:$0x1FFE0]  }
0x1ab: {  	s19 =	sor.u32 s9, s11;
	[tilespmem:v50+s26+$0x0] =	vst.idx.add.f32.msk $0xffff, v36;
	v27 =	vmul.f32 v27, v29  }
0x1ac: {  	s28 =	sor.u32 s9, s31;
	v36 =	vld [tilespmem:s19+$0x0]  }
0x1ad: {  	v45 =	vadd.s32 v43, v34;
	v43 =	vld [tilespmem:s28+$0x0];
	v27 =	vsub.f32 $1.500000000e+00, v27  }
0x1ae: {  	s15 =	sor.u32 s9, s12;
	v6 =	vadd.s32 v5, v34;
	[tilespmem:v4+s26+$0x0] =	vst.idx.add.f32.msk $0xffff, v38  }
0x1af: {  	v27 =	vmul.f32 v27, v29;
	v38 =	vadd.s32 v51, v34;
	v4 =	vadd.s32 v63, v34;
	v34 =	vld [tilespmem:s15+$0x0]  }
0x1b0: {  	s23 =	sor.u32 s9, s1;
	v50 =	vmul.f32 v40, v49;
	[tilespmem:v41+s26+$0x0] =	vst.idx.add.f32.msk $0xffff, v48  }
0x1b1: {  	vm14 =	veq.s32 v35, $0x0;
	v20 =	vshll.u32 v20, $0x4;
	v56 =	vmul.f32 v27, v27;
	v41 =	vld [tilespmem:s23+$0x0]  }
0x1b2: {  	v7 =	vmul.f32 v40, v44;
	v20 =	vnsel vm14, $0x0, v20;
	v48 =	vmul.f32 v40, v47;
	[tilespmem:v45+s26+$0x0] =	vst.idx.add.f32.msk $0xffff, v50  }
0x1b3: {  	v49 =	vlaneseq.u32;
	v35 =	vmul.f32 $9.999999970e-07, v56;
	v50 =	vadd.s32 v61, v20;
	v56 =	vld [tilespmem:$0x1FDF0]  }
0x1b4: {  	v51 =	vor.u32 v49, v50;
	[tilespmem:v38+s26+$0x0] =	vst.idx.add.f32.msk $0xffff, v48  }
0x1b5: {  	v15 =	vmovc v61;
	v63 =	vimm.f32 $1.000000000e+00;
	v61 =	vmul.f32 v7, v40;
	v47 =	vsub.f32 v27, v35;
	v48 =	vld [tilespmem:$0x1FE10]  }
0x1b6: {  	[tilespmem:v4+s26+$0x0] =	vst.idx.add.f32.msk $0xffff, v63  }
0x1b7: {  	v4 =	vmul.f32 v47, v42;
	[tilespmem:v6+s26+$0x0] =	vst.idx.add.f32.msk $0xffff, v61  }
0x1b8: {  	v6 =	vld [tilespmem:$0x1FE00]  }
0x1b9: {  	v2 =	vmul.f32 v18, v18;
	v27 =	vadd.s32 v56, v50;
	[tilespmem:v51+s26+$0x0] =	vst.idx.add.f32.msk $0xffff, v4  }
0x1ba: {  	v3 =	vmul.f32 v19, v19;
	v5 =	vmul.f32 v47, v55;
	v51 =	vld [tilespmem:$0x1FE20]  }
0x1bb: {  	v54 =	vmul.f32 v47, v54;
	v55 =	vmul.f32 v47, v57;
	v63 =	vld [tilespmem:$0x1FE40]  }
0x1bc: {  	s17 =	sor.u32 s9, s13;
	v1 =	vmul.f32 v47, v46;
	v56 =	vld [tilespmem:$0x1FE30];
	v61 =	vmul.f32 v47, v58  }
0x1bd: {  	v20 =	vld [tilespmem:s17+$0x0];
	v58 =	vmul.f32 v10, v10;
	v4 =	vmul.f32 v21, v21;
	v7 =	vadd.s32 v6, v50  }
0x1be: {  	s18 =	sor.u32 s9, s10;
	v49 =	vadd.s32 v48, v50;
	[tilespmem:v27+s26+$0x0] =	vst.idx.add.f32.msk $0xffff, v5;
	v27 =	vmul.f32 v47, v53  }
0x1bf: {  	s22 =	sor.u32 s9, s25;
	s25 =	sor.u32 s9, s30;
	v35 =	vld [tilespmem:s18+$0x0];
	v5 =	vmul.f32 v22, v22;
	v6 =	vmul.f32 v23, v23;
	v53 =	vadd.s32 v51, v50  }
0x1c0: {  	v46 =	vld [tilespmem:s25+$0x0];
	v45 =	vadd.f32 v4, v3;
	v3 =	vmul.f32 v31, v31;
	v4 =	vmul.f32 v32, v32  }
0x1c1: {  	v0 =	vadd.s32 v63, v50;
	v57 =	vadd.s32 v56, v50;
	v29 =	vadd.f32 v6, v5;
	v6 =	vld [tilespmem:$0x1FE60]  }
0x1c2: {  	v63 =	vmul.f32 v9, v9;
	v56 =	vmul.f32 v13, v13;
	[tilespmem:v7+s26+$0x0] =	vst.idx.add.f32.msk $0xffff, v27  }
0x1c3: {  	v27 =	vmul.f32 v17, v17;
	v7 =	vmul.f32 v24, v24;
	[tilespmem:v49+s26+$0x0] =	vst.idx.add.f32.msk $0xffff, v54  }
0x1c4: {  	v54 =	vmul.f32 v25, v25;
	[tilespmem:v53+s26+$0x0] =	vst.idx.add.f32.msk $0xffff, v55;
	v53 =	vmul.f32 v14, v14  }
0x1c5: {  	v5 =	vld [tilespmem:$0x1FE50];
	v55 =	vmul.f32 v26, v26;
	v27 =	vadd.f32 v2, v27;
	v2 =	vmul.f32 v30, v30  }
0x1c6: {  	v6 =	vadd.s32 v6, v50;
	[tilespmem:v57+s26+$0x0] =	vst.idx.add.f32.msk $0xffff, v61;
	v57 =	vmul.f32 v12, v12  }
0x1c7: {  	v61 =	vmul.f32 v11, v11;
	[tilespmem:v0+s26+$0x0] =	vst.idx.add.f32.msk $0xffff, v1;
	v49 =	vadd.f32 v53, v7  }
0x1c8: {  	s24 =	sor.u32 s9, s16;
	v40 =	vld [tilespmem:s22+$0x0];
	v44 =	vadd.f32 v55, v54;
	v0 =	vmul.f32 v8, v8;
	v1 =	vmul.f32 v28, v28  }
0x1c9: {  	s20 =	sor.u32 s9, s7;
	v42 =	vld [tilespmem:s24+$0x0];
	v54 =	vmul.f32 v47, v59;
	v59 =	vmul.f32 v20, v20;
	v48 =	vadd.f32 v57, v56  }
0x1ca: {  	v38 =	vld [tilespmem:s20+$0x0];
	v51 =	vadd.f32 v61, v58;
	v61 =	vadd.s32 v5, v50;
	v55 =	vadd.f32 v0, v63  }
0x1cb: {  	v7 =	vld [tilespmem:$0x1FE70];
	v53 =	vadd.f32 v2, v1;
	v1 =	vmul.f32 v46, v46;
	v0 =	vmul.f32 v43, v43  }
0x1cc: {  	v57 =	vmul.f32 v47, v62;
	v62 =	vmul.f32 v35, v35;
	v51 =	vadd.f32 v55, v51;
	v55 =	vld [tilespmem:$0x1FE80]  }
0x1cd: {  	v63 =	vmul.f32 v36, v36;
	v0 =	vadd.f32 v0, v1;
	v1 =	vadd.f32 v45, v27;
	v45 =	vld [tilespmem:$0x1FEB0]  }
0x1ce: {  	v58 =	vmul.f32 v34, v34;
	v2 =	vmul.f32 v42, v42;
	v27 =	vadd.f32 v48, v44;
	v48 =	vld [tilespmem:$0x1FEC0]  }
0x1cf: {  	v62 =	vadd.f32 v63, v62;
	v63 =	vmul.f32 v41, v41;
	[tilespmem:v61+s26+$0x0] =	vst.idx.add.f32.msk $0xffff, v54  }
0x1d0: {  	v56 =	vadd.f32 v4, v3;
	v3 =	vmul.f32 v40, v40;
	v58 =	vadd.f32 v59, v58;
	v54 =	vld [tilespmem:$0x1FDF0]  }
0x1d1: {  	v59 =	vmul.f32 v39, v39;
	v2 =	vadd.f32 v2, v63;
	v63 =	vadd.f32 v49, v29;
	v49 =	vld [tilespmem:$0x1FCA0]  }
0x1d2: {  	v61 =	vld [tilespmem:$0x1FE90]  }
0x1d3: {  	v3 =	vadd.f32 v3, v59;
	v29 =	vld [tilespmem:$0x1FEA0]  }
0x1d4: {  	v59 =	vadd.f32 v62, v58;
	v62 =	vadd.f32 v51, v27;
	v51 =	vld [tilespmem:$0x1FCE0]  }
0x1d5: {  	v27 =	vld [tilespmem:$0x1FF10]  }
0x1d6: {  	[tilespmem:v6+s26+$0x0] =	vst.idx.add.f32.msk $0xffff, v57  }
0x1d7: {  	v1 =	vadd.f32 v63, v1;
	v63 =	vld [tilespmem:$0x1FCB0]  }
0x1d8: {  	v7 =	vadd.s32 v7, v50;
	v57 =	vadd.f32 v56, v53;
	v53 =	vld [tilespmem:$0x1FED0]  }
0x1d9: {  	v56 =	vld [tilespmem:$0x1FEE0];
	v44 =	vadd.s32 v55, v50  }
0x1da: {  	v5 =	vmul.f32 v37, v37;
	v4 =	vmul.f32 v38, v38;
	v55 =	vld [tilespmem:$0x1FCF0]  }
0x1db: {  	v1 =	vadd.f32 v62, v1;
	v62 =	vld [tilespmem:$0x1FD10];
	v6 =	vmul.f32 v47, v49  }
0x1dc: {  	v4 =	vadd.f32 v4, v5;
	v49 =	vld [tilespmem:$0x1FCD0];
	v5 =	vmul.f32 v47, v63  }
0x1dd: {  	[tilespmem:v7+s26+$0x0] =	vst.idx.add.f32.msk $0xffff, v6  }
0x1de: {  	[tilespmem:v44+s26+$0x0] =	vst.idx.add.f32.msk $0xffff, v5  }
0x1df: {  	v44 =	vld [tilespmem:$0x1FCC0]  }
0x1e0: {  	v3 =	vadd.f32 v3, v4;
	v0 =	vadd.f32 v0, v2;
	v2 =	vadd.s32 v61, v50;
	v61 =	vld [tilespmem:$0x1FF00]  }
0x1e1: {  	v6 =	vadd.f32 v59, v57;
	v57 =	vld [tilespmem:$0x1FEF0]  }
0x1e2: {  	v0 =	vadd.f32 v0, v3;
	v59 =	vld [tilespmem:$0x1FD00]  }
0x1e3: {  	v3 =	vadd.s32 v29, v50;
	v7 =	vadd.s32 v45, v50;
	v45 =	vld [tilespmem:$0x1FD30]  }
0x1e4: {  	v0 =	vadd.f32 v0, v6;
	v6 =	vadd.s32 v53, v50;
	v53 =	vld [tilespmem:$0x1FD50];
	v5 =	vmul.f32 v47, v44  }
0x1e5: {  	v44 =	vld [tilespmem:$0x1FF20]  }
0x1e6: {  	[tilespmem:v2+s26+$0x0] =	vst.idx.add.f32.msk $0xffff, v5  }
0x1e7: {  	v2 =	vmul.f32 v47, v49;
	v49 =	vld [tilespmem:$0x1FD40]  }
0x1e8: {  	v5 =	vmul.f32 v47, v51;
	v51 =	vadd.f32 v0, v1;
	v0 =	vmul.f32 v47, v55;
	v55 =	vld [tilespmem:$0x1FF30]  }
0x1e9: {  	v4 =	vadd.s32 v48, v50;
	[tilespmem:v3+s26+$0x0] =	vst.idx.add.f32.msk $0xffff, v2  }
0x1ea: {  	v2 =	vadd.s32 v57, v50;
	v57 =	vld [tilespmem:$0x1FF40]  }
0x1eb: {  	v58 =	vshra.s32 v51, $0x1;
	[tilespmem:v7+s26+$0x0] =	vst.idx.add.f32.msk $0xffff, v5  }
0x1ec: {  	v3 =	vsub.s32 $0x5F3759DF, v58;
	v58 =	vld [tilespmem:$0x1FF50]  }
0x1ed: {  	v7 =	vmul.f32 v47, v62;
	v62 =	vld [tilespmem:$0x1FD70]  }
0x1ee: {  	v1 =	vadd.s32 v56, v50;
	[tilespmem:v4+s26+$0x0] =	vst.idx.add.f32.msk $0xffff, v0  }
0x1ef: {  	v0 =	vmul.f32 v47, v59;
	v59 =	vld [tilespmem:$0x1FD60]  }
0x1f0: {  	v4 =	vadd.s32 v61, v50;
	v61 =	vld [tilespmem:$0x1FF60]  }
0x1f1: {  	v5 =	vmul.f32 $5.000000000e-01, v51;
	[tilespmem:v6+s26+$0x0] =	vst.idx.add.f32.msk $0xffff, v0  }
0x1f2: {  	v6 =	vld [tilespmem:$0x1FD20]  }
0x1f3: {  	s31 =	sor.u32 s29, s9;
	v63 =	vmul.f32 v3, v5;
	[tilespmem:v1+s26+$0x0] =	vst.idx.add.f32.msk $0xffff, v7  }
0x1f4: {  	v7 =	vld [tilespmem:s31+$0xC000]  }
0x1f5: {  	v48 =	vmul.f32 v3, v63;
	v63 =	vld [tilespmem:$0x1FF70]  }
0x1f6: {  	v1 =	vmul.f32 v47, v45;
	v45 =	vld [tilespmem:$0x1FF80]  }
0x1f7: {  	v29 =	vmul.f32 v47, v62;
	v62 =	vld [tilespmem:$0x1FFC0];
	v56 =	vsub.f32 $1.500000000e+00, v48  }
0x1f8: {  	v48 =	vld [tilespmem:$0x1FD90];
	v0 =	vmul.f32 v47, v6  }
0x1f9: {  	v3 =	vmul.f32 v3, v56;
	v56 =	vld [tilespmem:$0x1FFA0]  }
0x1fa: {  	v27 =	vadd.s32 v27, v50;
	[tilespmem:v2+s26+$0x0] =	vst.idx.add.f32.msk $0xffff, v0  }
0x1fb: {  	v0 =	vmul.f32 v47, v49;
	v49 =	vld [tilespmem:$0x1FDA0]  }
0x1fc: {  	v6 =	vadd.s32 v44, v50;
	v2 =	vadd.s32 v55, v50;
	v55 =	vld [tilespmem:$0x1FDB0]  }
0x1fd: {  	[tilespmem:v4+s26+$0x0] =	vst.idx.add.f32.msk $0xffff, v1  }
0x1fe: {  	v1 =	vmul.f32 v47, v53;
	v53 =	vld [tilespmem:$0x1FF90]  }
0x1ff: {  	[tilespmem:v27+s26+$0x0] =	vst.idx.add.f32.msk $0xffff, v0  }
0x200: {  	v4 =	vmul.f32 v47, v59;
	v27 =	vld [tilespmem:s31+$0xC600]  }
0x201: {  	v5 =	vmul.f32 v3, v5;
	[tilespmem:v6+s26+$0x0] =	vst.idx.add.f32.msk $0xffff, v1  }
0x202: {  	[tilespmem:v2+s26+$0x0] =	vst.idx.add.f32.msk $0xffff, v4  }
0x203: {  	v0 =	vadd.s32 v57, v50;
	v5 =	vmul.f32 v5, v3;
	v4 =	vld [tilespmem:$0x1FD80]  }
0x204: {  	v57 =	vld [tilespmem:$0x1FDC0]  }
0x205: {  	v1 =	vadd.s32 v58, v50;
	v58 =	vld [tilespmem:$0x1FFB0];
	v5 =	vsub.f32 $1.500000000e+00, v5  }
0x206: {  	v6 =	vadd.s32 v61, v50;
	v61 =	vmul.f32 v47, v16;
	v16 =	vld [tilespmem:$0x1FFD0]  }
0x207: {  	v3 =	vmul.f32 v5, v3;
	v5 =	vadd.s32 v62, v50;
	v62 =	vld [tilespmem:$0x1FE60]  }
0x208: {  	v44 =	vadd.s32 v63, v50;
	[tilespmem:v0+s26+$0x0] =	vst.idx.add.f32.msk $0xffff, v29;
	v2 =	vmul.f32 v47, v4  }
0x209: {  	v0 =	vmul.f32 v47, v48;
	v48 =	vld [tilespmem:$0x1FFE0]  }
0x20a: {  	v4 =	vadd.s32 v45, v50;
	[tilespmem:v1+s26+$0x0] =	vst.idx.add.f32.msk $0xffff, v2  }
0x20b: {  	v1 =	vmul.f32 v47, v49;
	v2 =	vadd.s32 v53, v50;
	v49 =	vld [tilespmem:$0x1FFF0]  }
0x20c: {  	[tilespmem:v6+s26+$0x0] =	vst.idx.add.f32.msk $0xffff, v0  }
0x20d: {  	v0 =	vmul.f32 v47, v55;
	v6 =	vadd.s32 v56, v50;
	[tilespmem:v44+s26+$0x0] =	vst.idx.add.f32.msk $0xffff, v1  }
0x20e: {  	v44 =	vld [tilespmem:$0x1FEE0];
	v1 =	vmul.f32 v47, v57  }
0x20f: {  	v63 =	vmul.f32 v3, v3;
	[tilespmem:v4+s26+$0x0] =	vst.idx.add.f32.msk $0xffff, v0  }
0x210: {  	v7 =	vshll.u32 v7, $0x4;
	v59 =	vmul.f32 v47, v52;
	[tilespmem:v2+s26+$0x0] =	vst.idx.add.f32.msk $0xffff, v1  }
0x211: {  	vm15 =	veq.s32 v27, $0x0;
	v29 =	vadd.s32 v58, v50;
	v1 =	vmul.f32 $9.999999970e-07, v63;
	v63 =	vld [tilespmem:$0x1FE40]  }
0x212: {  	v16 =	vadd.s32 v16, v50;
	v2 =	vnsel vm15, $0x0, v7;
	[tilespmem:v6+s26+$0x0] =	vst.idx.add.f32.msk $0xffff, v59  }
0x213: {  	v4 =	vadd.s32 v49, v50;
	v6 =	vadd.s32 v48, v50;
	v50 =	vmul.f32 v47, v33;
	v33 =	vld [tilespmem:$0x1FEB0]  }
0x214: {  	v2 =	vadd.s32 v15, v2;
	v15 =	vld [tilespmem:$0x1FDD0]  }
0x215: {  	v48 =	vld [tilespmem:$0x1FE50]  }
0x216: {  	v45 =	vmul.f32 v47, v60;
	[tilespmem:v29+s26+$0x0] =	vst.idx.add.f32.msk $0xffff, v61  }
0x217: {  	v29 =	vld [tilespmem:$0x1FF70]  }
0x218: {  	v0 =	vsub.f32 v3, v1;
	[tilespmem:v5+s26+$0x0] =	vst.idx.add.f32.msk $0xffff, v45  }
0x219: {  	v53 =	vmul.f32 v50, v47;
	v50 =	vld [tilespmem:$0x1FE80]  }
0x21a: {  	v56 =	vmul.f32 v0, v17;
	v17 =	vld [tilespmem:$0x1FE10]  }
0x21b: {  	v27 =	vlaneseq.u32;
	v58 =	vmul.f32 v0, v18;
	v18 =	vld [tilespmem:$0x1FE20]  }
0x21c: {  	v27 =	vor.u32 v27, v2;
	v60 =	vmul.f32 v0, v19;
	v19 =	vld [tilespmem:$0x1FE30];
	v15 =	vmul.f32 v47, v15  }
0x21d: {  	v45 =	vmul.f32 v0, v22;
	v22 =	vmul.f32 v0, v11;
	v11 =	vld [tilespmem:$0x1FE40]  }
0x21e: {  	v52 =	vadd.s32 v54, v2;
	[tilespmem:v16+s26+$0x0] =	vst.idx.add.f32.msk $0xffff, v15  }
0x21f: {  	v16 =	vld [tilespmem:$0x1FE00]  }
0x220: {  	v47 =	vld [tilespmem:$0x1FE70]  }
0x221: {  	[tilespmem:v27+s26+$0x0] =	vst.idx.add.f32.msk $0xffff, v56  }
0x222: {  	v27 =	vld [tilespmem:$0x1FF00]  }
0x223: {  	[tilespmem:v52+s26+$0x0] =	vst.idx.add.f32.msk $0xffff, v58  }
0x224: {  	v58 =	vmul.f32 v0, v26;
	v26 =	vld [tilespmem:$0x1FF90];
	v54 =	vadd.s32 v16, v2  }
0x225: {  	v55 =	vimm.f32 $1.000000000e+00;
	v52 =	vadd.s32 v62, v2;
	v62 =	vmul.f32 v0, v12;
	v12 =	vld [tilespmem:$0x1FEC0]  }
0x226: {  	[tilespmem:v6+s26+$0x0] =	vst.idx.add.f32.msk $0xffff, v55;
	v57 =	vadd.s32 v17, v2  }
0x227: {  	[tilespmem:v4+s26+$0x0] =	vst.idx.add.f32.msk $0xffff, v53  }
0x228: {  	v59 =	vadd.s32 v18, v2;
	v53 =	vmul.f32 v0, v24;
	v24 =	vld [tilespmem:$0x1FEA0]  }
0x229: {  	v61 =	vmul.f32 v0, v21;
	v15 =	vadd.s32 v19, v2;
	[tilespmem:v54+s26+$0x0] =	vst.idx.add.f32.msk $0xffff, v60  }
0x22a: {  	v60 =	vmul.f32 v0, v13;
	v13 =	vld [tilespmem:$0x1FE50]  }
0x22b: {  	v49 =	vmul.f32 v0, v23;
	[tilespmem:v57+s26+$0x0] =	vst.idx.add.f32.msk $0xffff, v61  }
0x22c: {  	v3 =	vadd.s32 v63, v2;
	v61 =	vadd.s32 v33, v2;
	v33 =	vmul.f32 v0, v9;
	v9 =	vld [tilespmem:$0x1FEF0]  }
0x22d: {  	v6 =	vadd.s32 v48, v2;
	[tilespmem:v59+s26+$0x0] =	vst.idx.add.f32.msk $0xffff, v45  }
0x22e: {  	[tilespmem:v15+s26+$0x0] =	vst.idx.add.f32.msk $0xffff, v49  }
0x22f: {  	v54 =	vadd.s32 v47, v2;
	v15 =	vld [tilespmem:$0x1FE90]  }
0x230: {  	v55 =	vmul.f32 v0, v14;
	v14 =	vadd.s32 v50, v2;
	v49 =	vld [tilespmem:$0x1FF10]  }
0x231: {  	v56 =	vmul.f32 v0, v25;
	[tilespmem:v3+s26+$0x0] =	vst.idx.add.f32.msk $0xffff, v53  }
0x232: {  	[tilespmem:v6+s26+$0x0] =	vst.idx.add.f32.msk $0xffff, v55  }
0x233: {  	[tilespmem:v52+s26+$0x0] =	vst.idx.add.f32.msk $0xffff, v56  }
0x234: {  	[tilespmem:v54+s26+$0x0] =	vst.idx.add.f32.msk $0xffff, v58  }
0x235: {  	[tilespmem:v14+s26+$0x0] =	vst.idx.add.f32.msk $0xffff, v60  }
0x236: {  	v57 =	vadd.s32 v15, v2;
	v14 =	vld [tilespmem:$0x1FED0]  }
0x237: {  	v53 =	vld [tilespmem:$0x1FF30]  }
0x238: {  	v59 =	vadd.s32 v24, v2;
	v55 =	vld [tilespmem:$0x1FF40]  }
0x239: {  	v52 =	vmul.f32 v0, v30;
	v30 =	vld [tilespmem:$0x1FFA0]  }
0x23a: {  	v63 =	vadd.s32 v12, v2;
	v58 =	vld [tilespmem:$0x1FF50]  }
0x23b: {  	v21 =	vmul.f32 v0, v10;
	v10 =	vadd.s32 v14, v2;
	[tilespmem:v57+s26+$0x0] =	vst.idx.add.f32.msk $0xffff, v62  }
0x23c: {  	v57 =	vmul.f32 v0, v32;
	v32 =	vld [tilespmem:$0x1FFB0]  }
0x23d: {  	[tilespmem:v59+s26+$0x0] =	vst.idx.add.f32.msk $0xffff, v21  }
0x23e: {  	v45 =	vmul.f32 v0, v8;
	[tilespmem:v61+s26+$0x0] =	vst.idx.add.f32.msk $0xffff, v22  }
0x23f: {  	v23 =	vadd.s32 v44, v2;
	[tilespmem:v63+s26+$0x0] =	vst.idx.add.f32.msk $0xffff, v33  }
0x240: {  	[tilespmem:v10+s26+$0x0] =	vst.idx.add.f32.msk $0xffff, v45  }
0x241: {  	v44 =	vadd.s32 v9, v2;
	v10 =	vld [tilespmem:$0x1FF20]  }
0x242: {  	v48 =	vmul.f32 v0, v28;
	v61 =	vld [tilespmem:$0x1FF80]  }
0x243: {  	v63 =	vmul.f32 v0, v20;
	v20 =	vld [tilespmem:$0x1FF60]  }
0x244: {  	v47 =	vadd.s32 v27, v2;
	[tilespmem:v23+s26+$0x0] =	vst.idx.add.f32.msk $0xffff, v48  }
0x245: {  	v50 =	vadd.s32 v49, v2;
	v48 =	vld [tilespmem:$0x1FFD0]  }
0x246: {  	[tilespmem:v44+s26+$0x0] =	vst.idx.add.f32.msk $0xffff, v52;
	v8 =	vadd.s32 v10, v2  }
0x247: {  	v54 =	vmul.f32 v0, v31;
	v56 =	vadd.s32 v53, v2;
	v44 =	vld [tilespmem:$0x1FFC0]  }
0x248: {  	v59 =	vadd.s32 v55, v2;
	v52 =	vld [tilespmem:$0x1FFE0]  }
0x249: {  	v60 =	vmul.f32 v0, v34;
	[tilespmem:v47+s26+$0x0] =	vst.idx.add.f32.msk $0xffff, v54  }
0x24a: {  	v62 =	vadd.s32 v58, v2;
	[tilespmem:v50+s26+$0x0] =	vst.idx.add.f32.msk $0xffff, v57  }
0x24b: {  	v28 =	vmul.f32 v0, v35;
	v23 =	vadd.s32 v20, v2;
	[tilespmem:v8+s26+$0x0] =	vst.idx.add.f32.msk $0xffff, v60  }
0x24c: {  	v8 =	vadd.s32 v29, v2;
	[tilespmem:v56+s26+$0x0] =	vst.idx.add.f32.msk $0xffff, v63  }
0x24d: {  	v31 =	vmul.f32 v0, v36;
	v33 =	vadd.s32 v61, v2;
	[tilespmem:v59+s26+$0x0] =	vst.idx.add.f32.msk $0xffff, v28  }
0x24e: {  	v34 =	vmul.f32 v0, v37;
	v45 =	vadd.s32 v26, v2;
	v59 =	vld [tilespmem:$0x1FFF0]  }
0x24f: {  	v49 =	vadd.s32 v30, v2;
	v47 =	vmul.f32 v0, v38;
	[tilespmem:v62+s26+$0x0] =	vst.idx.add.f32.msk $0xffff, v31  }
0x250: {  	v53 =	vadd.s32 v32, v2;
	v50 =	vmul.f32 v0, v39;
	[tilespmem:v23+s26+$0x0] =	vst.idx.add.f32.msk $0xffff, v34  }
0x251: {  	v54 =	vmul.f32 v0, v40;
	[tilespmem:v8+s26+$0x0] =	vst.idx.add.f32.msk $0xffff, v47;
	v8 =	vadd.s32 v44, v2  }
0x252: {  	v55 =	vmul.f32 v0, v41;
	v56 =	vadd.s32 v48, v2;
	[tilespmem:v33+s26+$0x0] =	vst.idx.add.f32.msk $0xffff, v50  }
0x253: {  	v57 =	vmul.f32 v0, v42;
	v58 =	vadd.s32 v52, v2;
	[tilespmem:v45+s26+$0x0] =	vst.idx.add.f32.msk $0xffff, v54  }
0x254: {  	p0 =	slt.u32 s2, $0x2C;
	v60 =	vmul.f32 v0, v46;
	v2 =	vadd.s32 v59, v2;
	[tilespmem:v49+s26+$0x0] =	vst.idx.add.f32.msk $0xffff, v55  }
.Ltmp1:
0x255: {  	v61 =	vmul.f32 v0, v51;
	v62 =	vmul.f32 v0, v43;
	[tilespmem:v53+s26+$0x0] =	vst.idx.add.f32.msk $0xffff, v57;
	(pc) =	sbr.rel @p0 .LBB2_5-.Ltmp1, $4  }
0x256: {  	[tilespmem:v8+s26+$0x0] =	vst.idx.add.f32.msk $0xffff, v60  }
0x257: {  	v63 =	vimm.f32 $1.000000000e+00;
	v0 =	vmul.f32 v61, v0;
	[tilespmem:v56+s26+$0x0] =	vst.idx.add.f32.msk $0xffff, v62  }
0x258: {  	s30 =	rddreg [dreg:$0x1a];
	[tilespmem:v58+s26+$0x0] =	vst.idx.add.f32.msk $0xffff, v63  }
0x259: {  	s1 =	sadd.s32 $0x40, s30;
	v25 =	vlaneseq.u32;
	[tilespmem:v2+s26+$0x0] =	vst.idx.add.f32.msk $0xffff, v0  }
0x25a: {  	s0 =	rddreg [dreg:$0x16]  }
0x25b: {  	p0 =	seq.s32 s0, $0x5;
	s0 =	rddreg [dreg:$0x19]  }
0x25c: {  	s0 =	sadd.s32 @!p0 $0x2, s0  }
0x25d: {  	s1 =	smulhi.u32 @!p0 $0x55555556, s0;
	_ =	sdelay $0x1  }
0x25e: {  	s2 =	smul.u32 @!p0 $0x3, s1;
	_ =	sdelay $0x1  }
0x25f: {  	s0 =	ssub.s32 @!p0 s0, s2  }
0x260: {  	s0 =	smul.u32 @!p0 $0x300, s0  }
0x261: {  	s3 =	rddreg [dreg:$0x6];
	s2 =	smul.u32 @!p0 $0x90000, s1  }
0x262: {  	s0 =	sadd.s32 @!p0 s3, s0  }
0x263: {  	s2 =	sadd.s32 @!p0 s2, s0  }
0x264: {  	s4 =	simm.s32 @!p0 $0x120000;
	s3 =	rddreg [dreg:$0x3];
	s2 =	sand.u32 @!p0 $0x1FFFFF00, s2  }
0x265: {  	s5 =	simm.s32 @!p0 $0x0;
	s2 =	sadd.s32 @!p0 s3, s2;
	s3 =	simm.s32 @!p0 $0x1800  }
0x266: {  	[tilespmem:s5], [sflag:$0x1] =	stream.strided.gather @!p0 [hbm4b:s2+s3], $0x6000, s4, s3, $0x38;
	[tilespmem:$0x15C80] =	vst v63  }
0x267: {  	s2 =	sshrl.u32 @!p0 s1, $0x2  }
0x268: {  	s2 =	smul.u32 @!p0 $0x90000, s2  }
0x269: {  	s0 =	sshll.u32 @!p0 s0, $0x2;
	s1 =	sshll.u32 @!p0 s1, $0x7  }
0x26a: {  	s1 =	sand.u32 @!p0 $0x180, s1;
	s0 =	sadd.s32 @!p0 s2, s0  }
0x26b: {  	s0 =	sor.u32 @!p0 s1, s0  }
0x26c: {  	s1 =	rddreg [dreg:$0x4];
	s0 =	sshrl.u32 @!p0 s0, $0x3  }
0x26d: {  	s2 =	simm.s32 @!p0 $0xC000;
	s1 =	sadd.s32 @!p0 s1, s0  }
0x26e: {  	[tilespmem:s2], [sflag:$0x3] =	stream.linear.gather @!p0 [hbm4b:s1+s5], $0x80, $0x38;
	[tilespmem:$0x15C80] =	vst v63  }
0x26f: {  	s3 =	simm.s32 @!p0 $0xC100;
	s2 =	sadd.s32 @!p0 $0x40, s1  }
0x270: {  	[tilespmem:s3], [sflag:$0x3] =	stream.linear.gather @!p0 [hbm4b:s2+s5], $0x80, $0x38;
	[tilespmem:$0x15C80] =	vst v63  }
0x271: {  	s2 =	sadd.s32 @!p0 $0x80, s1;
	s3 =	simm.s32 @!p0 $0xC200  }
0x272: {  	[tilespmem:s3], [sflag:$0x3] =	stream.linear.gather @!p0 [hbm4b:s2+s5], $0x80, $0x38;
	[tilespmem:$0x15C80] =	vst v63  }
0x273: {  	s2 =	sadd.s32 @!p0 $0xC0, s1;
	s3 =	simm.s32 @!p0 $0xC300  }
0x274: {  	[tilespmem:s3], [sflag:$0x3] =	stream.linear.gather @!p0 [hbm4b:s2+s5], $0x80, $0x38;
	[tilespmem:$0x15C80] =	vst v63  }
0x275: {  	s2 =	sadd.s32 @!p0 $0x100, s1;
	s3 =	simm.s32 @!p0 $0xC400  }
0x276: {  	[tilespmem:s3], [sflag:$0x3] =	stream.linear.gather @!p0 [hbm4b:s2+s5], $0x80, $0x38;
	[tilespmem:$0x15C80] =	vst v63  }
0x277: {  	s1 =	sadd.s32 @!p0 $0x140, s1;
	s2 =	simm.s32 @!p0 $0xC500  }
0x278: {  	[tilespmem:s2], [sflag:$0x3] =	stream.linear.gather @!p0 [hbm4b:s1+s5], $0x80, $0x38;
	[tilespmem:$0x15C80] =	vst v63  }
0x279: {  	s1 =	rddreg [dreg:$0x5]  }
0x27a: {  	s0 =	sadd.s32 @!p0 s1, s0;
	s1 =	simm.s32 @!p0 $0xC600  }
0x27b: {  	[tilespmem:s1], [sflag:$0x5] =	stream.linear.gather @!p0 [hbm4b:s0+s5], $0x80, $0x38;
	[tilespmem:$0x15C80] =	vst v63  }
0x27c: {  	s2 =	simm.s32 @!p0 $0xC700;
	s1 =	sadd.s32 @!p0 $0x40, s0  }
0x27d: {  	[tilespmem:s2], [sflag:$0x5] =	stream.linear.gather @!p0 [hbm4b:s1+s5], $0x80, $0x38;
	[tilespmem:$0x15C80] =	vst v63  }
0x27e: {  	s1 =	sadd.s32 @!p0 $0x80, s0;
	s2 =	simm.s32 @!p0 $0xC800  }
0x27f: {  	[tilespmem:s2], [sflag:$0x5] =	stream.linear.gather @!p0 [hbm4b:s1+s5], $0x80, $0x38;
	[tilespmem:$0x15C80] =	vst v63  }
0x280: {  	s1 =	sadd.s32 @!p0 $0xC0, s0;
	s2 =	simm.s32 @!p0 $0xC900  }
0x281: {  	[tilespmem:s2], [sflag:$0x5] =	stream.linear.gather @!p0 [hbm4b:s1+s5], $0x80, $0x38;
	[tilespmem:$0x15C80] =	vst v63  }
0x282: {  	s1 =	sadd.s32 @!p0 $0x100, s0;
	s2 =	simm.s32 @!p0 $0xCA00  }
0x283: {  	[tilespmem:s2], [sflag:$0x5] =	stream.linear.gather @!p0 [hbm4b:s1+s5], $0x80, $0x38;
	[tilespmem:$0x15C80] =	vst v63  }
0x284: {  	s28 =	simm.s32 $0x2;
	s0 =	sadd.s32 @!p0 $0x140, s0;
	s1 =	simm.s32 @!p0 $0xCB00  }
0x285: {  	[tilespmem:s1], [sflag:$0x5] =	stream.linear.gather @!p0 [hbm4b:s0+s5], $0x80, $0x38;
	[tilespmem:$0x15C80] =	vst v63  }
0x286: {  	_ =	swait.ge [sflag:s28], $0x6000  }
0x287: {  	[sflag:s28] =	ssyncset.done $0x0  }
0x288: {  	s29 =	simm.s32 $0x4;
	[sflag:s28] =	ssyncadd.s32 $0xFFFFA000  }
0x289: {  	_ =	swait.ge [sflag:s29], $0x300  }
0x28a: {  	[sflag:s29] =	ssyncset.done $0x0  }
0x28b: {  	s30 =	simm.s32 $0x6;
	[sflag:s29] =	ssyncadd.s32 $0xFFFFFD00  }
0x28c: {  	_ =	swait.ge [sflag:s30], $0x300  }
0x28d: {  	s31 =	rddreg [dreg:$0x17]  }
0x28e: {  	s0 =	smul.u32 $0x2420, s31;
	_ =	sdelay $0x1  }
0x28f: {  	[sflag:s30] =	ssyncset.done $0x0;
	v0 =	vmov s0  }
0x290: {  	s1 =	simm.s32 $0x0;
	[sflag:s30] =	ssyncadd.s32 $0xFFFFFD00;
	s0 =	simm.s32 $0xFFFFFFFC;
	[tilespmem:$0x1FA30] =	vst v0  }
.LBB2_7:
0x291: {  	s0 =	sadd.s32 $0x4, s0  }
0x292: {  	[dreg:$0x1b] =	wrdreg s0  }
0x293: {  	s0 =	rddreg [dreg:$0x1b]  }
0x294: {  	s0 =	sshll.u32 s0, $0x7  }
0x295: {  	s9 =	sand.u32 $0x3FFFFC00, s0  }
0x296: {  	s0 =	sand.u32 $0x40, s1;
	s24 =	sadd.s32 $0x6000, s9  }
0x297: {  	s23 =	sadd.s32 $0x6080, s9;
	s3 =	sor.u32 s0, s24  }
0x298: {  	s22 =	sadd.s32 $0x6100, s9;
	s4 =	sor.u32 s0, s23;
	v52 =	vld [tilespmem:s3+$0x0]  }
0x299: {  	s2 =	sadd.s32 $0x6200, s9;
	s5 =	sor.u32 s0, s22;
	v45 =	vld [tilespmem:s4+$0x0]  }
0x29a: {  	s13 =	sadd.s32 $0x6280, s9;
	s12 =	sor.u32 s0, s2;
	v46 =	vld [tilespmem:s5+$0x0]  }
0x29b: {  	s21 =	sadd.s32 $0x6300, s9;
	s14 =	sor.u32 s0, s13;
	v53 =	vld [tilespmem:s12+$0x0]  }
0x29c: {  	s20 =	sadd.s32 $0x6380, s9;
	s15 =	sor.u32 s0, s21;
	v58 =	vld [tilespmem:s14+$0x0]  }
0x29d: {  	s19 =	sadd.s32 $0x7800, s9;
	s7 =	sor.u32 s0, s20;
	v56 =	vld [tilespmem:s15+$0x0]  }
0x29e: {  	s17 =	sadd.s32 $0x7900, s9;
	s10 =	sor.u32 s0, s19;
	v57 =	vld [tilespmem:s7+$0x0]  }
0x29f: {  	[dreg:$0x18] =	wrdreg s1;
	s8 =	sadd.s32 $0x9000, s9;
	s16 =	sor.u32 s0, s17;
	v44 =	vld [tilespmem:s10+$0x0]  }
0x2a0: {  	[smem:$0x7FB] =	sst s13;
	s13 =	sadd.s32 $0x7A00, s9;
	s1 =	sor.u32 s0, s8;
	v59 =	vld [tilespmem:s16+$0x0]  }
0x2a1: {  	s3 =	sadd.s32 $0x6180, s9;
	s28 =	sor.u32 s0, s13;
	v14 =	vld [tilespmem:s1+$0x0]  }
0x2a2: {  	s15 =	sadd.s32 $0x7980, s9;
	s11 =	sor.u32 s0, s3;
	v28 =	vld [tilespmem:s28+$0x0]  }
0x2a3: {  	s14 =	sadd.s32 $0x7A80, s9;
	s25 =	sor.u32 s0, s15;
	v51 =	vld [tilespmem:s11+$0x0]  }
0x2a4: {  	s12 =	sadd.s32 $0x7B00, s9;
	s29 =	sor.u32 s0, s14;
	v23 =	vld [tilespmem:s25+$0x0]  }
0x2a5: {  	s10 =	sadd.s32 $0x7B80, s9;
	s30 =	sor.u32 s0, s12;
	v29 =	vld [tilespmem:s29+$0x0]  }
0x2a6: {  	s7 =	sadd.s32 $0x9080, s9;
	s31 =	sor.u32 s0, s10;
	v32 =	vld [tilespmem:s30+$0x0]  }
0x2a7: {  	s16 =	sadd.s32 $0x9100, s9;
	s4 =	sor.u32 s0, s7;
	v27 =	vld [tilespmem:s31+$0x0]  }
0x2a8: {  	s18 =	sadd.s32 $0x7880, s9;
	s5 =	sor.u32 s0, s16;
	v12 =	vld [tilespmem:s4+$0x0];
	[tilespmem:$0x1F720] =	vst v14  }
0x2a9: {  	s6 =	sadd.s32 $0x9180, s9;
	s11 =	sor.u32 s0, s18;
	v10 =	vld [tilespmem:s5+$0x0];
	[tilespmem:$0x1F6E0] =	vst v28  }
0x2aa: {  	s28 =	sadd.s32 $0x9200, s9;
	s25 =	sor.u32 s0, s6;
	v48 =	vld [tilespmem:s11+$0x0];
	[tilespmem:$0x1F6D0] =	vst v23  }
0x2ab: {  	s29 =	sadd.s32 $0x9280, s9;
	v20 =	vld [tilespmem:s25+$0x0];
	s25 =	sor.u32 s0, s28;
	[tilespmem:$0x1F6F0] =	vst v29  }
0x2ac: {  	[smem:$0x7F1] =	sst s6;
	s31 =	sadd.s32 $0x9300, s9;
	s30 =	sor.u32 s0, s29;
	v22 =	vld [tilespmem:s25+$0x0];
	[tilespmem:$0x1F700] =	vst v32  }
0x2ad: {  	s6 =	sadd.s32 $0xA800, s9;
	[dreg:$0x1d] =	wrdreg s29;
	s29 =	sor.u32 s0, s31;
	v21 =	vld [tilespmem:s30+$0x0];
	[tilespmem:$0x1F710] =	vst v27  }
0x2ae: {  	s11 =	sadd.s32 $0x9380, s9;
	s4 =	sor.u32 s0, s6;
	v24 =	vld [tilespmem:s29+$0x0];
	[tilespmem:$0x1F730] =	vst v12  }
0x2af: {  	s5 =	sadd.s32 $0xA880, s9;
	s1 =	sor.u32 s0, s11;
	v42 =	vld [tilespmem:s4+$0x0];
	v0 =	vmul.f32 v52, v52;
	v1 =	vmul.f32 v45, v45;
	[tilespmem:$0x1F740] =	vst v10  }
0x2b0: {  	s30 =	sor.u32 s0, s5;
	s4 =	sadd.s32 $0xA900, s9;
	v2 =	vmul.f32 v46, v46;
	v4 =	vmul.f32 v53, v53;
	v26 =	vld [tilespmem:s1+$0x0];
	[tilespmem:$0x1F750] =	vst v20  }
0x2b1: {  	[smem:$0x7F3] =	sst s28;
	s28 =	sadd.s32 $0xA980, s9;
	v5 =	vmul.f32 v58, v58;
	v6 =	vmul.f32 v56, v56;
	v63 =	vld [tilespmem:s30+$0x0];
	s25 =	sor.u32 s0, s4;
	[tilespmem:$0x1F760] =	vst v22  }
0x2b2: {  	[dreg:$0x1c] =	wrdreg s31;
	s31 =	sadd.s32 $0xAA00, s9;
	s29 =	sor.u32 s0, s28;
	v7 =	vmul.f32 v57, v57;
	v33 =	vmul.f32 v27, v27;
	v27 =	vld [tilespmem:s25+$0x0];
	[tilespmem:$0x1F770] =	vst v21  }
0x2b3: {  	v8 =	vmul.f32 v44, v44;
	s30 =	sor.u32 s0, s31;
	v35 =	vmul.f32 v12, v12;
	v12 =	vld [tilespmem:s29+$0x0];
	[tilespmem:$0x1F780] =	vst v24  }
0x2b4: {  	v15 =	vmul.f32 v59, v59;
	v34 =	vmul.f32 v14, v14;
	v14 =	vld [tilespmem:s30+$0x0];
	[tilespmem:$0x1F7A0] =	vst v42  }
0x2b5: {  	[smem:$0x7F4] =	sst s5;
	v30 =	vmul.f32 v28, v28;
	v3 =	vmul.f32 v51, v51;
	[tilespmem:$0x1F790] =	vst v26  }
0x2b6: {  	[smem:$0x7F6] =	sst s28;
	v23 =	vmul.f32 v23, v23;
	v31 =	vmul.f32 v29, v29;
	[tilespmem:$0x1F7B0] =	vst v63  }
0x2b7: {  	[smem:$0x7F7] =	sst s31;
	v32 =	vmul.f32 v32, v32;
	v36 =	vmul.f32 v10, v10;
	v0 =	vadd.f32 v1, v0;
	[tilespmem:$0x1F7C0] =	vst v27  }
0x2b8: {  	[smem:$0x7F5] =	sst s4;
	s31 =	sadd.s32 $0xAA80, s9;
	v47 =	vadd.f32 v5, v4;
	v9 =	vmul.f32 v48, v48;
	v37 =	vmul.f32 v20, v20;
	[tilespmem:$0x1F7E0] =	vst v12  }
0x2b9: {  	[smem:$0x7F2] =	sst s31;
	s30 =	sadd.s32 $0xAB00, s9;
	s25 =	sor.u32 s0, s31;
	v55 =	vadd.f32 v7, v6;
	v38 =	vmul.f32 v22, v22;
	v39 =	vmul.f32 v21, v21;
	[tilespmem:$0x1F7F0] =	vst v14  }
0x2ba: {  	s29 =	sadd.s32 $0xAB80, s9;
	s28 =	sor.u32 s0, s30;
	v40 =	vmul.f32 v24, v24;
	v1 =	vadd.f32 v3, v2;
	v62 =	vadd.f32 v23, v15;
	v29 =	vld [tilespmem:s25+$0x0]  }
0x2bb: {  	s31 =	sor.u32 s0, s29;
	v49 =	vmul.f32 v42, v42;
	v15 =	vadd.f32 v33, v32;
	v22 =	vadd.f32 v35, v34;
	v20 =	vld [tilespmem:s28+$0x0]  }
0x2bc: {  	v47 =	vadd.f32 v55, v47;
	v41 =	vmul.f32 v26, v26;
	v61 =	vadd.f32 v9, v8;
	v10 =	vld [tilespmem:s31+$0x0]  }
0x2bd: {  	v36 =	vadd.f32 v37, v36;
	v54 =	vmul.f32 v27, v27;
	v2 =	vmul.f32 v12, v12  }
0x2be: {  	v50 =	vmul.f32 v63, v63;
	v39 =	vadd.f32 v39, v38;
	v42 =	vadd.f32 v41, v40;
	s1 =	rddreg [dreg:$0x1b]  }
0x2bf: {  	v9 =	vadd.f32 v31, v30;
	v60 =	vmul.f32 v14, v14;
	v2 =	vadd.f32 v2, v54;
	s9 =	sshll.u32 s1, $0x5  }
0x2c0: {  	v54 =	vadd.f32 v36, v22;
	v55 =	vadd.f32 v42, v39;
	s25 =	sand.u32 $0xFFFFFF00, s9;
	v8 =	vmul.f32 v29, v29  }
0x2c1: {  	v43 =	vadd.f32 v50, v49;
	s9 =	sor.u32 $0x10, s0;
	s31 =	sor.u32 s0, s25;
	v63 =	vmul.f32 v20, v20;
	v37 =	vmul.f32 v10, v10  }
0x2c2: {  	v49 =	vadd.f32 v62, v61;
	[dreg:$0x1e] =	wrdreg s25;
	v61 =	vadd.f32 v55, v54;
	s25 =	sor.u32 s9, s25;
	v62 =	vld [tilespmem:s31+$0xC080]  }
0x2c3: {  	v54 =	vld [tilespmem:s25+$0xC080];
	v5 =	vadd.f32 v8, v60;
	v8 =	vadd.f32 v37, v63  }
0x2c4: {  	v0 =	vadd.f32 v1, v0;
	v50 =	vadd.f32 v15, v9;
	s1 =	sor.u32 s9, s23;
	v55 =	vld [tilespmem:s25+$0xC680]  }
0x2c5: {  	v2 =	vadd.f32 v2, v43;
	v36 =	vld [tilespmem:s1+$0x0];
	s25 =	sor.u32 s9, s22;
	v5 =	vadd.f32 v8, v5  }
0x2c6: {  	v0 =	vadd.f32 v47, v0;
	v30 =	vld [tilespmem:s25+$0x0]  }
0x2c7: {  	v60 =	vadd.f32 v50, v49;
	v63 =	vld [tilespmem:s31+$0xC680];
	s31 =	sor.u32 s9, s24;
	v2 =	vadd.f32 v5, v2  }
0x2c8: {  	v32 =	vld [tilespmem:s31+$0x0];
	s31 =	sor.u32 s9, s3  }
0x2c9: {  	[smem:$0x7F9] =	sst s3;
	s1 =	smov.u32 s3;
	s3 =	sor.u32 s9, s2;
	v0 =	vadd.f32 v60, v0;
	v34 =	vld [tilespmem:s31+$0x0];
	v49 =	vadd.f32 v2, v61  }
0x2ca: {  	v33 =	vld [tilespmem:s3+$0x0];
	s3 =	sld [smem:$0x7FB];
	s31 =	sor.u32 s9, s21  }
0x2cb: {  	[tilespmem:$0x1F800] =	vst v29;
	v37 =	vld [tilespmem:s31+$0x0];
	s31 =	sor.u32 s9, s19;
	v29 =	vadd.f32 v49, v0  }
0x2cc: {  	v31 =	vld [tilespmem:s31+$0x0];
	s31 =	sor.u32 s9, s17  }
0x2cd: {  	s25 =	sor.u32 s9, s3;
	v39 =	vld [tilespmem:s31+$0x0];
	v0 =	vshra.s32 v29, $0x1;
	v1 =	vmul.f32 $5.000000000e-01, v29  }
0x2ce: {  	s31 =	sor.u32 s9, s13;
	v35 =	vld [tilespmem:s25+$0x0];
	v0 =	vsub.s32 $0x5F3759DF, v0  }
0x2cf: {  	s25 =	sor.u32 s9, s20;
	v40 =	vld [tilespmem:s31+$0x0];
	v60 =	vmul.f32 v0, v1  }
0x2d0: {  	s31 =	sor.u32 s9, s12;
	v38 =	vld [tilespmem:s25+$0x0]  }
0x2d1: {  	[tilespmem:$0x1F810] =	vst v54;
	s25 =	sor.u32 s9, s18;
	v54 =	vld [tilespmem:s31+$0x0];
	v5 =	vmul.f32 v0, v60  }
0x2d2: {  	s31 =	sor.u32 s9, s8;
	v43 =	vld [tilespmem:s25+$0x0]  }
0x2d3: {  	s25 =	sor.u32 s9, s15;
	v28 =	vld [tilespmem:s31+$0x0];
	v15 =	vsub.f32 $1.500000000e+00, v5  }
0x2d4: {  	s31 =	sor.u32 s9, s16;
	v47 =	vld [tilespmem:s25+$0x0]  }
0x2d5: {  	s25 =	sor.u32 s9, s14;
	v0 =	vmul.f32 v0, v15;
	v15 =	vld [tilespmem:s31+$0x0];
	s31 =	sld [smem:$0x7F1]  }
0x2d6: {  	s28 =	sld [smem:$0x7F3];
	v42 =	vld [tilespmem:s25+$0x0];
	s25 =	sor.u32 s9, s10  }
0x2d7: {  	[tilespmem:$0x1F820] =	vst v20;
	v20 =	vld [tilespmem:s25+$0x0];
	s25 =	sor.u32 s9, s7;
	v1 =	vmul.f32 v0, v1  }
0x2d8: {  	v27 =	vld [tilespmem:s25+$0x0];
	s25 =	smov.u32 s16;
	s16 =	sor.u32 s9, s31  }
0x2d9: {  	v1 =	vmul.f32 v1, v0;
	v12 =	vld [tilespmem:s16+$0x0];
	s16 =	sor.u32 s9, s28  }
0x2da: {  	v50 =	vld [tilespmem:s16+$0x0];
	s16 =	rddreg [dreg:$0x1d]  }
0x2db: {  	v49 =	vld [tilespmem:$0x1FA30];
	v1 =	vsub.f32 $1.500000000e+00, v1;
	s28 =	sor.u32 s9, s16  }
0x2dc: {  	v9 =	vld [tilespmem:s28+$0x0];
	s28 =	rddreg [dreg:$0x1c]  }
0x2dd: {  	v61 =	vld [tilespmem:$0x1FDF0];
	v1 =	vmul.f32 v1, v0;
	s16 =	sor.u32 s9, s28  }
0x2de: {  	s28 =	sor.u32 s9, s11;
	v14 =	vld [tilespmem:s16+$0x0];
	s16 =	smov.u32 s11;
	s11 =	sor.u32 s9, s6  }
0x2df: {  	s5 =	sor.u32 s9, s5;
	v41 =	vshll.u32 v62, $0x4;
	vm0 =	veq.s32 v63, $0x0;
	v0 =	vmul.f32 v1, v1;
	v8 =	vld [tilespmem:s11+$0x0]  }
0x2e0: {  	v7 =	vld [tilespmem:s5+$0x0];
	v41 =	vnsel vm0, $0x0, v41;
	[tilespmem:$0x1F850] =	vst v28;
	v28 =	vmul.f32 v28, v28;
	v5 =	vmul.f32 v12, v12  }
0x2e1: {  	[tilespmem:$0x1F7D0] =	vst v55;
	v4 =	vmul.f32 v50, v50;
	v55 =	vmul.f32 $9.999999970e-07, v0;
	v0 =	vadd.s32 v49, v41  }
0x2e2: {  	v2 =	vmul.f32 v9, v9;
	v60 =	vor.u32 v25, v0;
	v61 =	vadd.s32 v61, v0  }
0x2e3: {  	[tilespmem:$0x1F880] =	vst v12;
	v62 =	vadd.s32 v16, v0;
	v21 =	vadd.s32 v17, v0;
	v1 =	vsub.f32 v1, v55  }
0x2e4: {  	[tilespmem:$0x1F890] =	vst v9;
	v22 =	vadd.s32 v18, v0;
	v41 =	vadd.s32 v19, v0;
	v9 =	vmul.f32 v8, v8  }
0x2e5: {  	v12 =	vadd.s32 v11, v0;
	[tilespmem:$0x1F8C0] =	vst v8;
	v8 =	vmul.f32 v7, v7;
	v63 =	vmul.f32 v1, v52  }
0x2e6: {  	[tilespmem:$0x1F830] =	vst v10;
	v10 =	vld [tilespmem:s28+$0x0];
	v11 =	vadd.s32 v13, v0;
	v45 =	vmul.f32 v1, v45;
	v23 =	vmul.f32 v1, v46  }
0x2e7: {  	v52 =	vmul.f32 v1, v51;
	v55 =	vmul.f32 v1, v53;
	[tilespmem:v60+s26+$0x0] =	vst.idx.add.f32.msk $0xffff, v63  }
0x2e8: {  	v58 =	vmul.f32 v1, v58;
	v46 =	vmul.f32 v43, v43;
	[tilespmem:v61+s26+$0x0] =	vst.idx.add.f32.msk $0xffff, v45  }
0x2e9: {  	s5 =	sld [smem:$0x7F7];
	v53 =	vmul.f32 v39, v39;
	v16 =	vmul.f32 v1, v57;
	[tilespmem:v62+s26+$0x0] =	vst.idx.add.f32.msk $0xffff, v23  }
0x2ea: {  	s28 =	sld [smem:$0x7F6];
	v63 =	vmul.f32 v34, v34;
	v62 =	vmul.f32 v30, v30;
	[tilespmem:v21+s26+$0x0] =	vst.idx.add.f32.msk $0xffff, v52  }
0x2eb: {  	s11 =	sor.u32 s9, s4;
	v21 =	vmul.f32 v33, v33;
	[tilespmem:v22+s26+$0x0] =	vst.idx.add.f32.msk $0xffff, v55;
	v22 =	vmul.f32 v35, v35  }
0x2ec: {  	v6 =	vld [tilespmem:s11+$0x0];
	s11 =	sor.u32 s9, s5;
	v60 =	vmul.f32 v32, v32;
	v25 =	vadd.f32 v63, v62;
	v63 =	vmul.f32 v47, v47  }
0x2ed: {  	s5 =	sld [smem:$0x7F2];
	s4 =	sor.u32 s9, s28;
	v61 =	vmul.f32 v36, v36;
	v45 =	vmul.f32 v31, v31;
	v52 =	vld [tilespmem:s11+$0x0];
	v24 =	vadd.f32 v22, v21  }
0x2ee: {  	v55 =	vld [tilespmem:s4+$0x0];
	v21 =	vadd.f32 v63, v53;
	v53 =	vmul.f32 v54, v54;
	v63 =	vmul.f32 v20, v20  }
0x2ef: {  	v23 =	vmul.f32 v37, v37;
	s11 =	sor.u32 s9, s30;
	[tilespmem:v41+s26+$0x0] =	vst.idx.add.f32.msk $0xffff, v58;
	v41 =	vmul.f32 v38, v38  }
0x2f0: {  	v26 =	vadd.f32 v61, v60;
	s4 =	sor.u32 s9, s5;
	v61 =	vld [tilespmem:s11+$0x0];
	v19 =	vadd.f32 v63, v53;
	v63 =	vmul.f32 v15, v15  }
0x2f1: {  	[tilespmem:$0x1F840] =	vst v20;
	v62 =	vmul.f32 v42, v42;
	v60 =	vld [tilespmem:s4+$0x0];
	v23 =	vadd.f32 v41, v23;
	v41 =	vmul.f32 v40, v40  }
0x2f2: {  	[tilespmem:$0x1F8A0] =	vst v14;
	s4 =	smov.u32 s30;
	s30 =	sor.u32 s9, s29;
	v17 =	vadd.f32 v5, v63;
	v5 =	vmul.f32 v14, v14;
	v14 =	vadd.f32 v2, v4;
	v2 =	vld [tilespmem:$0x1FE60]  }
0x2f3: {  	[tilespmem:$0x1F870] =	vst v15;
	v51 =	vld [tilespmem:s30+$0x0];
	v15 =	vmul.f32 v1, v56;
	v20 =	vadd.f32 v62, v41;
	v62 =	vmul.f32 v27, v27  }
0x2f4: {  	[tilespmem:$0x1F8D0] =	vst v7;
	v7 =	vmul.f32 v6, v6;
	v8 =	vadd.f32 v8, v9;
	v22 =	vadd.f32 v46, v45  }
0x2f5: {  	[tilespmem:v12+s26+$0x0] =	vst.idx.add.f32.msk $0xffff, v15;
	v18 =	vadd.f32 v62, v28;
	v28 =	vmul.f32 v10, v10  }
0x2f6: {  	v9 =	vadd.f32 v21, v22;
	v3 =	vmul.f32 v61, v61;
	v4 =	vmul.f32 v60, v60;
	v12 =	vld [tilespmem:$0x1FE70]  }
0x2f7: {  	[tilespmem:$0x1F8B0] =	vst v10;
	v13 =	vadd.f32 v28, v5;
	v5 =	vmul.f32 v52, v52;
	v10 =	vadd.s32 v2, v0  }
0x2f8: {  	[tilespmem:v11+s26+$0x0] =	vst.idx.add.f32.msk $0xffff, v16;
	v11 =	vadd.f32 v19, v20;
	v2 =	vmul.f32 v51, v51  }
0x2f9: {  	[tilespmem:$0x1F8E0] =	vst v6;
	v6 =	vmul.f32 v55, v55;
	v4 =	vadd.f32 v4, v5;
	v5 =	vadd.f32 v23, v24  }
0x2fa: {  	v44 =	vmul.f32 v1, v44;
	v2 =	vadd.f32 v2, v3;
	v3 =	vadd.f32 v25, v26  }
0x2fb: {  	v6 =	vadd.f32 v6, v7;
	v12 =	vadd.s32 v12, v0  }
0x2fc: {  	v3 =	vadd.f32 v5, v3;
	[tilespmem:v10+s26+$0x0] =	vst.idx.add.f32.msk $0xffff, v44;
	v44 =	vadd.f32 v11, v9  }
0x2fd: {  	v7 =	vadd.f32 v17, v18  }
0x2fe: {  	v6 =	vadd.f32 v6, v8;
	v3 =	vadd.f32 v44, v3;
	v44 =	vld [tilespmem:$0x1FEC0]  }
0x2ff: {  	v21 =	vld [tilespmem:$0x1FE80];
	v8 =	vmul.f32 v1, v48;
	v2 =	vadd.f32 v2, v4;
	v10 =	vadd.f32 v13, v14  }
0x300: {  	v48 =	vld [tilespmem:$0x1FE90]  }
0x301: {  	v2 =	vadd.f32 v2, v6;
	[tilespmem:v12+s26+$0x0] =	vst.idx.add.f32.msk $0xffff, v8;
	v7 =	vadd.f32 v10, v7  }
0x302: {  	v8 =	vmul.f32 v1, v59;
	v59 =	vld [tilespmem:$0x1FEB0]  }
0x303: {  	v2 =	vadd.f32 v2, v7;
	v7 =	vadd.s32 v44, v0;
	v44 =	vld [tilespmem:$0x1FED0]  }
0x304: {  	v4 =	vadd.s32 v21, v0;
	v21 =	vld [tilespmem:$0x1F6D0]  }
0x305: {  	v6 =	vadd.s32 v48, v0;
	v48 =	vld [tilespmem:$0x1F6E0]  }
0x306: {  	v9 =	vld [tilespmem:$0x1FEA0];
	_ =	sdelay $0x1  }
0x307: {  	v5 =	vadd.s32 v59, v0;
	v59 =	vadd.f32 v2, v3;
	v3 =	vadd.s32 v44, v0;
	v44 =	vld [tilespmem:$0x1F700]  }
0x308: {  	[tilespmem:v4+s26+$0x0] =	vst.idx.add.f32.msk $0xffff, v8  }
0x309: {  	v4 =	vmul.f32 v1, v21;
	v2 =	vmul.f32 v1, v48;
	v48 =	vld [tilespmem:$0x1F6F0]  }
0x30a: {  	v9 =	vadd.s32 v9, v0  }
0x30b: {  	[tilespmem:v6+s26+$0x0] =	vst.idx.add.f32.msk $0xffff, v4  }
0x30c: {  	v6 =	vmul.f32 v1, v44;
	v44 =	vld [tilespmem:$0x1F710]  }
0x30d: {  	v10 =	vld [tilespmem:$0x1F730]  }
0x30e: {  	v4 =	vmul.f32 v1, v48;
	v48 =	vld [tilespmem:$0x1FEE0]  }
0x30f: {  	[tilespmem:v9+s26+$0x0] =	vst.idx.add.f32.msk $0xffff, v2  }
0x310: {  	[tilespmem:v5+s26+$0x0] =	vst.idx.add.f32.msk $0xffff, v4  }
0x311: {  	v8 =	vshra.s32 v59, $0x1;
	v4 =	vmul.f32 v1, v44;
	v44 =	vld [tilespmem:$0x1F720]  }
0x312: {  	v5 =	vsub.s32 $0x5F3759DF, v8;
	v8 =	vld [tilespmem:$0x1FEF0]  }
0x313: {  	v2 =	vadd.s32 v48, v0;
	v48 =	vld [tilespmem:$0x1FF00]  }
0x314: {  	[tilespmem:v7+s26+$0x0] =	vst.idx.add.f32.msk $0xffff, v6  }
0x315: {  	[tilespmem:v3+s26+$0x0] =	vst.idx.add.f32.msk $0xffff, v4  }
0x316: {  	v3 =	vmul.f32 v1, v44;
	v44 =	vld [tilespmem:$0x1F740];
	_ =	sdelay $0x1  }
0x317: {  	v8 =	vadd.s32 v8, v0  }
0x318: {  	v6 =	vadd.s32 v48, v0  }
0x319: {  	[tilespmem:v2+s26+$0x0] =	vst.idx.add.f32.msk $0xffff, v3  }
0x31a: {  	v10 =	vmul.f32 v1, v10;
	v2 =	vmul.f32 v1, v44;
	v44 =	vld [tilespmem:$0x1F750]  }
0x31b: {  	v48 =	vld [tilespmem:$0x1FF10]  }
0x31c: {  	[tilespmem:v8+s26+$0x0] =	vst.idx.add.f32.msk $0xffff, v10  }
0x31d: {  	[tilespmem:v6+s26+$0x0] =	vst.idx.add.f32.msk $0xffff, v2  }
0x31e: {  	v6 =	vld [tilespmem:$0x1F760]  }
0x31f: {  	v3 =	vmul.f32 v1, v44;
	v44 =	vld [tilespmem:$0x1FF40];
	_ =	sdelay $0x3  }
0x320: {  	v4 =	vadd.s32 v48, v0  }
0x321: {  	v2 =	vmul.f32 v1, v6;
	v6 =	vadd.s32 v44, v0;
	v44 =	vld [tilespmem:$0x1FF50]  }
0x322: {  	v9 =	vmul.f32 $5.000000000e-01, v59;
	_ =	sdelay $0x1  }
0x323: {  	v11 =	vld [tilespmem:$0x1FF20];
	v7 =	vmul.f32 v5, v9  }
0x324: {  	[tilespmem:v4+s26+$0x0] =	vst.idx.add.f32.msk $0xffff, v3  }
0x325: {  	v7 =	vmul.f32 v5, v7;
	v4 =	vadd.s32 v44, v0;
	v44 =	vld [tilespmem:$0x1FF60];
	_ =	sdelay $0x1  }
0x326: {  	v7 =	vsub.f32 $1.500000000e+00, v7  }
0x327: {  	v8 =	vld [tilespmem:$0x1FF30]  }
0x328: {  	v11 =	vadd.s32 v11, v0;
	v3 =	vmul.f32 v5, v7;
	v7 =	vld [tilespmem:$0x1F770]  }
0x329: {  	v5 =	vadd.s32 v44, v0;
	v44 =	vld [tilespmem:$0x1F780];
	_ =	sdelay $0x3  }
0x32a: {  	v8 =	vadd.s32 v8, v0;
	[tilespmem:v11+s26+$0x0] =	vst.idx.add.f32.msk $0xffff, v2  }
0x32b: {  	v2 =	vmul.f32 v1, v7;
	v7 =	vmul.f32 v1, v44;
	v44 =	vld [tilespmem:$0x1F790];
	_ =	sdelay $0x3  }
0x32c: {  	[tilespmem:v8+s26+$0x0] =	vst.idx.add.f32.msk $0xffff, v2  }
0x32d: {  	v2 =	vmul.f32 v1, v44;
	v44 =	vld [tilespmem:$0x1F7A0];
	_ =	sdelay $0x1  }
0x32e: {  	[tilespmem:v6+s26+$0x0] =	vst.idx.add.f32.msk $0xffff, v7  }
0x32f: {  	[tilespmem:v4+s26+$0x0] =	vst.idx.add.f32.msk $0xffff, v2  }
0x330: {  	v4 =	vld [tilespmem:$0x1F7B0]  }
0x331: {  	v6 =	vmul.f32 v1, v44;
	v44 =	vld [tilespmem:$0x1FF90];
	_ =	sdelay $0x4  }
0x332: {  	v2 =	vmul.f32 v1, v4;
	v4 =	vadd.s32 v44, v0;
	v44 =	vld [tilespmem:$0x1F7C0];
	_ =	sdelay $0x2  }
0x333: {  	v10 =	vld [tilespmem:$0x1FF70]  }
0x334: {  	[tilespmem:v5+s26+$0x0] =	vst.idx.add.f32.msk $0xffff, v6  }
0x335: {  	v5 =	vmul.f32 v1, v44;
	v44 =	vld [tilespmem:$0x1FFA0]  }
0x336: {  	v9 =	vmul.f32 v3, v9;
	_ =	sdelay $0x1  }
0x337: {  	v7 =	vmul.f32 v9, v3  }
0x338: {  	v10 =	vadd.s32 v10, v0  }
0x339: {  	v6 =	vsub.f32 $1.500000000e+00, v7;
	v7 =	vadd.s32 v44, v0;
	v44 =	vld [tilespmem:$0x1FFB0];
	_ =	sdelay $0x2  }
0x33a: {  	v8 =	vld [tilespmem:$0x1FF80]  }
0x33b: {  	[tilespmem:v10+s26+$0x0] =	vst.idx.add.f32.msk $0xffff, v2  }
0x33c: {  	s9 =	sor.u32 $0x20, s0;
	v2 =	vadd.s32 v44, v0;
	v44 =	vld [tilespmem:$0x1F7D0]  }
0x33d: {  	s11 =	sor.u32 s9, s24  }
0x33e: {  	[smem:$0x7F8] =	sst s29;
	s29 =	sor.u32 s9, s23;
	v46 =	vld [tilespmem:s11+$0x0]  }
0x33f: {  	s1 =	sor.u32 s9, s1;
	v45 =	vld [tilespmem:s29+$0x0]  }
0x340: {  	v53 =	vld [tilespmem:s1+$0x0];
	v8 =	vadd.s32 v8, v0  }
0x341: {  	s11 =	sor.u32 s9, s2;
	vm13 =	veq.s32 v44, $0x0;
	v44 =	vld [tilespmem:$0x1F7E0]  }
0x342: {  	s29 =	sor.u32 s9, s3;
	v56 =	vld [tilespmem:s11+$0x0]  }
0x343: {  	s30 =	sor.u32 s9, s22;
	v57 =	vld [tilespmem:s29+$0x0]  }
0x344: {  	v41 =	vld [tilespmem:s30+$0x0]  }
0x345: {  	[tilespmem:v8+s26+$0x0] =	vst.idx.add.f32.msk $0xffff, v5  }
0x346: {  	s11 =	sor.u32 s9, s17;
	v5 =	vmul.f32 v1, v44;
	v44 =	vld [tilespmem:$0x1F7F0]  }
0x347: {  	[smem:$0x7FC] =	sst s17;
	[tilespmem:$0x1F860] =	vst v27;
	s17 =	sor.u32 s9, s13;
	v27 =	vld [tilespmem:s11+$0x0]  }
0x348: {  	s30 =	sor.u32 s9, s21;
	v22 =	vld [tilespmem:s17+$0x0]  }
0x349: {  	[smem:$0x7FA] =	sst s2;
	s2 =	sor.u32 s9, s19;
	v58 =	vld [tilespmem:s30+$0x0]  }
0x34a: {  	v63 =	vld [tilespmem:s2+$0x0]  }
0x34b: {  	s1 =	sor.u32 s9, s20;
	v3 =	vmul.f32 v6, v3;
	v6 =	vmul.f32 v1, v44;
	v44 =	vld [tilespmem:$0x1F810]  }
0x34c: {  	s30 =	sor.u32 s9, s12;
	v62 =	vld [tilespmem:s1+$0x0]  }
0x34d: {  	s3 =	sor.u32 s9, s18;
	v20 =	vld [tilespmem:s30+$0x0]  }
0x34e: {  	v28 =	vld [tilespmem:s3+$0x0]  }
0x34f: {  	[dreg:$0x1f] =	wrdreg s15;
	s15 =	sor.u32 s9, s15;
	s17 =	smov.u32 s12;
	[tilespmem:v4+s26+$0x0] =	vst.idx.add.f32.msk $0xffff, v5  }
0x350: {  	s12 =	smov.u32 s7;
	s3 =	sor.u32 s9, s7;
	s7 =	sld [smem:$0x7F3];
	v4 =	vshll.u32 v44, $0x4;
	v44 =	vld [tilespmem:$0x1FFD0]  }
0x351: {  	s29 =	sor.u32 s9, s14;
	s1 =	sor.u32 s9, s10;
	v23 =	vld [tilespmem:s15+$0x0]  }
0x352: {  	s15 =	smov.u32 s14;
	v24 =	vld [tilespmem:s29+$0x0];
	s14 =	smov.u32 s10;
	s10 =	sor.u32 s9, s31  }
0x353: {  	s11 =	sor.u32 s9, s7;
	v13 =	vld [tilespmem:s10+$0x0]  }
0x354: {  	v14 =	vld [tilespmem:s11+$0x0]  }
0x355: {  	v5 =	vadd.s32 v44, v0;
	v44 =	vld [tilespmem:$0x1F820]  }
0x356: {  	v8 =	vld [tilespmem:$0x1F800]  }
0x357: {  	v12 =	vld [tilespmem:s1+$0x0]  }
0x358: {  	v9 =	vld [tilespmem:$0x1FFC0]  }
0x359: {  	[tilespmem:v7+s26+$0x0] =	vst.idx.add.f32.msk $0xffff, v6  }
0x35a: {  	s2 =	sor.u32 s9, s8;
	v6 =	vmul.f32 v1, v44;
	v44 =	vld [tilespmem:$0x1FFE0]  }
0x35b: {  	v21 =	vld [tilespmem:s2+$0x0];
	v8 =	vmul.f32 v1, v8  }
0x35c: {  	v48 =	vld [tilespmem:s3+$0x0]  }
0x35d: {  	v9 =	vadd.s32 v9, v0;
	[tilespmem:v2+s26+$0x0] =	vst.idx.add.f32.msk $0xffff, v8  }
0x35e: {  	v8 =	vld [tilespmem:$0x1F830]  }
0x35f: {  	v4 =	vnsel vm13, $0x0, v4;
	v7 =	vadd.s32 v44, v0;
	v44 =	vld [tilespmem:$0x1FFF0]  }
0x360: {  	[smem:$0x7FD] =	sst s13;
	s13 =	smov.u32 s8;
	s8 =	sor.u32 s9, s25;
	v26 =	vadd.s32 v49, v4;
	v4 =	vmul.f32 v1, v29;
	v29 =	vld [tilespmem:$0x1FDF0]  }
0x361: {  	v11 =	vld [tilespmem:s8+$0x0];
	v10 =	vmul.f32 v3, v3  }
0x362: {  	[tilespmem:v9+s26+$0x0] =	vst.idx.add.f32.msk $0xffff, v6  }
0x363: {  	v2 =	vmul.f32 $9.999999970e-07, v10;
	v10 =	vlaneseq.u32;
	v8 =	vmul.f32 v1, v8;
	v6 =	vld [tilespmem:$0x1FE00]  }
0x364: {  	v10 =	vor.u32 v10, v26;
	v9 =	vld [tilespmem:$0x1FEA0];
	v0 =	vadd.s32 v44, v0  }
0x365: {  	[tilespmem:v5+s26+$0x0] =	vst.idx.add.f32.msk $0xffff, v8;
	v44 =	vmovc v49;
	v49 =	vsub.f32 v3, v2;
	v2 =	vadd.s32 v29, v26;
	v29 =	vimm.f32 $1.000000000e+00  }
0x366: {  	[tilespmem:v7+s26+$0x0] =	vst.idx.add.f32.msk $0xffff, v29  }
0x367: {  	v29 =	vld [tilespmem:$0x1FE20]  }
0x368: {  	v1 =	vmul.f32 v4, v1;
	v4 =	vmul.f32 v49, v32;
	v32 =	vld [tilespmem:$0x1FE10]  }
0x369: {  	v3 =	vadd.s32 v6, v26;
	v7 =	vld [tilespmem:$0x1FE40]  }
0x36a: {  	v36 =	vmul.f32 v49, v36;
	[tilespmem:v10+s26+$0x0] =	vst.idx.add.f32.msk $0xffff, v4  }
0x36b: {  	v10 =	vld [tilespmem:$0x1FEB0]  }
0x36c: {  	v30 =	vmul.f32 v49, v30;
	[tilespmem:v2+s26+$0x0] =	vst.idx.add.f32.msk $0xffff, v36  }
0x36d: {  	v5 =	vadd.s32 v32, v26;
	v32 =	vld [tilespmem:$0x1FE30]  }
0x36e: {  	[tilespmem:v3+s26+$0x0] =	vst.idx.add.f32.msk $0xffff, v30  }
0x36f: {  	v30 =	vld [tilespmem:$0x1FE50]  }
0x370: {  	[tilespmem:v0+s26+$0x0] =	vst.idx.add.f32.msk $0xffff, v1  }
0x371: {  	v1 =	vadd.s32 v29, v26;
	v29 =	vmul.f32 v49, v33;
	v33 =	vld [tilespmem:$0x1FE60]  }
0x372: {  	s30 =	rddreg [dreg:$0x1c];
	v36 =	vmul.f32 v49, v34;
	v34 =	vmul.f32 v49, v37;
	v37 =	vld [tilespmem:$0x1FE70];
	v6 =	vadd.s32 v32, v26  }
0x373: {  	s8 =	smov.u32 s31;
	s31 =	sor.u32 s9, s30;
	v2 =	vadd.s32 v7, v26;
	v16 =	vadd.s32 v10, v26;
	v10 =	vld [tilespmem:$0x1FEC0]  }
0x374: {  	v4 =	vadd.s32 v30, v26;
	v30 =	vld [tilespmem:s31+$0x0]  }
0x375: {  	[tilespmem:v5+s26+$0x0] =	vst.idx.add.f32.msk $0xffff, v36;
	v32 =	vmul.f32 v49, v35  }
0x376: {  	v5 =	vadd.s32 v33, v26;
	[tilespmem:v1+s26+$0x0] =	vst.idx.add.f32.msk $0xffff, v29  }
0x377: {  	v35 =	vmul.f32 v49, v38;
	[tilespmem:v6+s26+$0x0] =	vst.idx.add.f32.msk $0xffff, v32  }
0x378: {  	[tilespmem:v2+s26+$0x0] =	vst.idx.add.f32.msk $0xffff, v34  }
0x379: {  	v36 =	vmul.f32 v49, v31;
	[tilespmem:v4+s26+$0x0] =	vst.idx.add.f32.msk $0xffff, v35  }
0x37a: {  	s2 =	sor.u32 s9, s6;
	s31 =	smov.u32 s6;
	s6 =	sld [smem:$0x7F4];
	v35 =	vld [tilespmem:$0x1FE80]  }
0x37b: {  	[tilespmem:v5+s26+$0x0] =	vst.idx.add.f32.msk $0xffff, v36  }
0x37c: {  	s1 =	sor.u32 s9, s16;
	v0 =	vadd.s32 v37, v26;
	v36 =	vld [tilespmem:$0x1FE90]  }
0x37d: {  	s11 =	rddreg [dreg:$0x1d];
	v31 =	vld [tilespmem:s1+$0x0];
	s3 =	sor.u32 s9, s6  }
0x37e: {  	v15 =	vmul.f32 v45, v45;
	v8 =	vmul.f32 v46, v46;
	v34 =	vld [tilespmem:s3+$0x0];
	s3 =	sld [smem:$0x7F7]  }
0x37f: {  	v19 =	vmul.f32 v56, v56;
	s29 =	sor.u32 s9, s11;
	v38 =	vmul.f32 v49, v43;
	v33 =	vld [tilespmem:s2+$0x0];
	s2 =	sld [smem:$0x7F6]  }
0x380: {  	v8 =	vadd.f32 v15, v8;
	v15 =	vmul.f32 v21, v21;
	v29 =	vld [tilespmem:s29+$0x0];
	v3 =	vadd.s32 v35, v26  }
0x381: {  	v2 =	vmul.f32 v49, v39;
	[tilespmem:v0+s26+$0x0] =	vst.idx.add.f32.msk $0xffff, v38;
	s1 =	sor.u32 s9, s3;
	v6 =	vadd.s32 v36, v26  }
0x382: {  	v9 =	vadd.s32 v9, v26;
	s30 =	sor.u32 s9, s2;
	v39 =	vmul.f32 v58, v58;
	v5 =	vmul.f32 v49, v40;
	v25 =	vld [tilespmem:s1+$0x0]  }
0x383: {  	[tilespmem:$0x1F950] =	vst v12;
	v40 =	vmul.f32 v62, v62;
	v36 =	vmul.f32 v12, v12;
	v12 =	vld [tilespmem:s30+$0x0];
	s30 =	smov.u32 s5;
	s5 =	sor.u32 s9, s5  }
0x384: {  	[tilespmem:$0x1F960] =	vst v21;
	v4 =	vmul.f32 v49, v47;
	v38 =	vmul.f32 v57, v57;
	v21 =	vld [tilespmem:s5+$0x0]  }
0x385: {  	v1 =	vadd.f32 v40, v39;
	v39 =	vmul.f32 v13, v13;
	[tilespmem:v3+s26+$0x0] =	vst.idx.add.f32.msk $0xffff, v2  }
0x386: {  	s29 =	sld [smem:$0x7F5];
	v0 =	vadd.f32 v38, v19;
	v38 =	vmul.f32 v11, v11;
	[tilespmem:v6+s26+$0x0] =	vst.idx.add.f32.msk $0xffff, v4  }
0x387: {  	v37 =	vmul.f32 v49, v42;
	[tilespmem:v9+s26+$0x0] =	vst.idx.add.f32.msk $0xffff, v5  }
0x388: {  	[tilespmem:$0x1F8F0] =	vst v28;
	v42 =	vmul.f32 v28, v28;
	v5 =	vadd.f32 v39, v38;
	v39 =	vld [tilespmem:$0x1F850]  }
0x389: {  	v28 =	vmul.f32 v23, v23;
	s10 =	sor.u32 s9, s29;
	v32 =	vmul.f32 v24, v24;
	[tilespmem:v16+s26+$0x0] =	vst.idx.add.f32.msk $0xffff, v37  }
0x38a: {  	s0 =	sor.u32 $0x30, s0;
	[tilespmem:$0x1F900] =	vst v27;
	v47 =	vmul.f32 v27, v27;
	v9 =	vmul.f32 v22, v22;
	v16 =	vld [tilespmem:s10+$0x0];
	s10 =	sor.u32 s9, s4  }
0x38b: {  	[tilespmem:$0x1F970] =	vst v48;
	v35 =	vmul.f32 v20, v20;
	v37 =	vmul.f32 v48, v48;
	v48 =	vld [tilespmem:s10+$0x0];
	s10 =	sor.u32 s0, s24  }
0x38c: {  	[tilespmem:$0x1F940] =	vst v20;
	v40 =	vmul.f32 v29, v29;
	v6 =	vadd.f32 v32, v9;
	v9 =	vmul.f32 v14, v14;
	s24 =	sor.u32 s0, s23;
	v20 =	vld [tilespmem:s10+$0x0]  }
0x38d: {  	[tilespmem:$0x1F920] =	vst v22;
	s5 =	smov.u32 s4;
	v27 =	vadd.f32 v36, v35;
	v4 =	vadd.f32 v28, v47;
	s4 =	sld [smem:$0x7F8];
	v22 =	vld [tilespmem:s24+$0x0]  }
0x38e: {  	[tilespmem:$0x1F9C0] =	vst v30;
	v28 =	vadd.f32 v40, v9;
	v9 =	vmul.f32 v30, v30;
	v30 =	vadd.s32 v10, v26;
	v10 =	vld [tilespmem:$0x1FED0]  }
0x38f: {  	v40 =	vld [tilespmem:$0x1FEF0]  }
0x390: {  	s28 =	rddreg [dreg:$0x1e];
	s1 =	sor.u32 s9, s4;
	v27 =	vadd.f32 v27, v6;
	v6 =	vld [tilespmem:$0x1FFA0]  }
0x391: {  	v17 =	vmul.f32 v41, v41;
	[tilespmem:$0x1F980] =	vst v11;
	v43 =	vmovc v46;
	v46 =	vmov v41;
	v41 =	vmul.f32 v63, v63;
	s9 =	sor.u32 s9, s28;
	v11 =	vld [tilespmem:s1+$0x0]  }
0x392: {  	s10 =	sld [smem:$0x7F9];
	v32 =	vld [tilespmem:s9+$0xC080]  }
0x393: {  	[tilespmem:$0x1F9F0] =	vst v34;
	v3 =	vadd.f32 v42, v41;
	v41 =	vmul.f32 v31, v31;
	v47 =	vmul.f32 v34, v34;
	v34 =	vld [tilespmem:s9+$0xC680];
	s9 =	sor.u32 s0, s22  }
0x394: {  	[tilespmem:$0x1F910] =	vst v23;
	v23 =	vld [tilespmem:s9+$0x0]  }
0x395: {  	v2 =	vadd.f32 v37, v15;
	v37 =	vadd.f32 v41, v9;
	s1 =	sor.u32 s0, s10;
	v41 =	vld [tilespmem:$0x1FF00]  }
0x396: {  	[tilespmem:$0x1F930] =	vst v24;
	s9 =	sor.u32 s0, s20;
	v19 =	vld [tilespmem:s1+$0x0]  }
0x397: {  	[tilespmem:$0x1FA00] =	vst v16;
	v35 =	vmul.f32 v16, v16;
	s10 =	sor.u32 s0, s19;
	v16 =	vld [tilespmem:s9+$0x0]  }
0x398: {  	v18 =	vmul.f32 v53, v53;
	[tilespmem:$0x1F9A0] =	vst v14;
	s22 =	sld [smem:$0x7FA];
	s19 =	sor.u32 s0, s18;
	v15 =	vld [tilespmem:s10+$0x0]  }
0x399: {  	v7 =	vmul.f32 v49, v54;
	[tilespmem:$0x1F9D0] =	vst v31;
	v42 =	vmul.f32 v33, v33;
	v14 =	vld [tilespmem:s19+$0x0]  }
0x39a: {  	[tilespmem:$0x1F9E0] =	vst v33;
	v24 =	vadd.f32 v18, v17;
	v38 =	vmul.f32 v21, v21;
	v33 =	vadd.s32 v10, v26;
	v10 =	vld [tilespmem:$0x1F840]  }
0x39b: {  	v31 =	vadd.f32 v47, v42;
	v9 =	vmul.f32 v25, v25;
	s1 =	sor.u32 s0, s22;
	[tilespmem:v30+s26+$0x0] =	vst.idx.add.f32.msk $0xffff, v7  }
0x39c: {  	s23 =	sld [smem:$0x7FB];
	v2 =	vadd.f32 v5, v2;
	v42 =	vadd.f32 v37, v28;
	v18 =	vld [tilespmem:s1+$0x0]  }
0x39d: {  	v7 =	vadd.f32 v38, v9;
	v38 =	vadd.f32 v4, v3;
	v4 =	vadd.s32 v40, v26;
	v40 =	vld [tilespmem:$0x1F880]  }
0x39e: {  	v2 =	vadd.f32 v42, v2;
	v42 =	vld [tilespmem:$0x1FF20]  }
0x39f: {  	[tilespmem:$0x1F9B0] =	vst v29;
	s1 =	sor.u32 s0, s23;
	s23 =	sor.u32 s0, s15;
	v36 =	vmul.f32 v49, v10;
	v10 =	vld [tilespmem:$0x1FEE0]  }
0x3a0: {  	v29 =	vmul.f32 v48, v48;
	s15 =	sor.u32 s0, s7;
	[tilespmem:$0x1FA20] =	vst v11;
	v47 =	vmul.f32 v11, v11;
	v11 =	vld [tilespmem:s23+$0x0]  }
0x3a1: {  	v0 =	vadd.f32 v1, v0;
	vm14 =	veq.s32 v34, $0x0;
	v34 =	vld [tilespmem:s15+$0x0]  }
0x3a2: {  	v54 =	vmul.f32 v12, v12;
	s9 =	sor.u32 s0, s14;
	s14 =	sor.u32 s0, s8;
	v1 =	vadd.f32 v27, v38;
	v38 =	vld [tilespmem:$0x1F870];
	v47 =	vadd.f32 v47, v29  }
0x3a3: {  	s24 =	sor.u32 s0, s21;
	v29 =	vshll.u32 v32, $0x4;
	v32 =	vld [tilespmem:s14+$0x0]  }
0x3a4: {  	v35 =	vadd.f32 v54, v35;
	v7 =	vadd.f32 v47, v7;
	v47 =	vld [tilespmem:s24+$0x0];
	v54 =	vadd.s32 v10, v26  }
0x3a5: {  	v5 =	vadd.s32 v41, v26;
	v41 =	vmul.f32 v49, v40;
	v40 =	vld [tilespmem:$0x1F8A0]  }
0x3a6: {  	[tilespmem:v33+s26+$0x0] =	vst.idx.add.f32.msk $0xffff, v36  }
0x3a7: {  	s20 =	sld [smem:$0x7FC];
	v3 =	vmul.f32 v49, v39;
	v33 =	vadd.f32 v24, v8;
	v24 =	vld [tilespmem:s1+$0x0]  }
0x3a8: {  	v36 =	vld [tilespmem:$0x1FF10]  }
0x3a9: {  	s22 =	sld [smem:$0x7FD];
	[tilespmem:v54+s26+$0x0] =	vst.idx.add.f32.msk $0xffff, v3  }
0x3aa: {  	s21 =	rddreg [dreg:$0x1f];
	s1 =	sor.u32 s0, s20;
	v54 =	vadd.f32 v35, v31;
	v31 =	vld [tilespmem:$0x1F860]  }
0x3ab: {  	[tilespmem:$0x1F990] =	vst v13;
	v13 =	vld [tilespmem:s1+$0x0];
	s1 =	sor.u32 s0, s21  }
0x3ac: {  	[tilespmem:$0x1FA10] =	vst v12;
	v12 =	vld [tilespmem:s1+$0x0];
	s1 =	sor.u32 s0, s22  }
0x3ad: {  	v10 =	vld [tilespmem:s1+$0x0]  }
0x3ae: {  	v37 =	vadd.s32 v36, v26;
	v36 =	vld [tilespmem:$0x1FF40];
	v39 =	vadd.f32 v7, v54  }
0x3af: {  	v54 =	vadd.s32 v42, v26;
	v42 =	vld [tilespmem:$0x1F8B0];
	v35 =	vmul.f32 v49, v31  }
0x3b0: {  	v2 =	vadd.f32 v39, v2;
	v39 =	vld [tilespmem:$0x1F890]  }
0x3b1: {  	v27 =	vmul.f32 v49, v38;
	[tilespmem:v4+s26+$0x0] =	vst.idx.add.f32.msk $0xffff, v35  }
0x3b2: {  	v35 =	vld [tilespmem:$0x1FF30]  }
0x3b3: {  	[tilespmem:v5+s26+$0x0] =	vst.idx.add.f32.msk $0xffff, v27  }
0x3b4: {  	v0 =	vadd.f32 v0, v33;
	[tilespmem:v37+s26+$0x0] =	vst.idx.add.f32.msk $0xffff, v41  }
0x3b5: {  	v37 =	vld [tilespmem:$0x1FF50]  }
0x3b6: {  	v0 =	vadd.f32 v1, v0;
	v27 =	vmul.f32 v49, v50;
	v50 =	vld [tilespmem:$0x1FF60]  }
0x3b7: {  	v5 =	vld [tilespmem:$0x1F8E0];
	v1 =	vadd.s32 v35, v26  }
0x3b8: {  	v33 =	vadd.f32 v2, v0;
	v0 =	vmul.f32 v49, v39;
	v39 =	vld [tilespmem:$0x1FF80]  }
0x3b9: {  	v3 =	vadd.s32 v36, v26;
	[tilespmem:v54+s26+$0x0] =	vst.idx.add.f32.msk $0xffff, v27  }
0x3ba: {  	v35 =	vld [tilespmem:$0x1F8C0];
	v38 =	vadd.s32 v37, v26  }
0x3bb: {  	v37 =	vld [tilespmem:$0x1FF70]  }
0x3bc: {  	v30 =	vmul.f32 $5.000000000e-01, v33;
	v41 =	vmul.f32 v49, v40;
	[tilespmem:v1+s26+$0x0] =	vst.idx.add.f32.msk $0xffff, v0  }
0x3bd: {  	v27 =	vshra.s32 v33, $0x1;
	v54 =	vadd.s32 v50, v26;
	v0 =	vmul.f32 v49, v42;
	v42 =	vld [tilespmem:$0x1F8D0]  }
0x3be: {  	v27 =	vsub.s32 $0x5F3759DF, v27;
	[tilespmem:v3+s26+$0x0] =	vst.idx.add.f32.msk $0xffff, v41  }
0x3bf: {  	s24 =	sor.u32 s0, s17;
	v7 =	vmul.f32 v27, v30;
	[tilespmem:v38+s26+$0x0] =	vst.idx.add.f32.msk $0xffff, v0  }
0x3c0: {  	v36 =	vmul.f32 v49, v35;
	v28 =	vadd.s32 v37, v26;
	v37 =	vld [tilespmem:s24+$0x0]  }
0x3c1: {  	v38 =	vmul.f32 v27, v7;
	v7 =	vadd.s32 v6, v26;
	v6 =	vld [tilespmem:$0x1FFD0]  }
0x3c2: {  	[tilespmem:v54+s26+$0x0] =	vst.idx.add.f32.msk $0xffff, v36  }
0x3c3: {  	s19 =	sor.u32 s0, s16;
	v54 =	vld [tilespmem:$0x1FF90]  }
0x3c4: {  	s17 =	sor.u32 s0, s11;
	v40 =	vadd.s32 v39, v26;
	v36 =	vld [tilespmem:s19+$0x0];
	v50 =	vmul.f32 v49, v42  }
0x3c5: {  	v41 =	vsub.f32 $1.500000000e+00, v38;
	v38 =	vnsel vm14, $0x0, v29;
	v29 =	vld [tilespmem:s17+$0x0]  }
0x3c6: {  	[tilespmem:v28+s26+$0x0] =	vst.idx.add.f32.msk $0xffff, v50  }
0x3c7: {  	s10 =	sor.u32 s0, s13;
	v35 =	vmul.f32 v27, v41;
	v27 =	vmul.f32 v49, v5;
	v50 =	vld [tilespmem:$0x1FFB0]  }
0x3c8: {  	v28 =	vld [tilespmem:s10+$0x0]  }
0x3c9: {  	v4 =	vadd.s32 v54, v26;
	[tilespmem:v40+s26+$0x0] =	vst.idx.add.f32.msk $0xffff, v27  }
0x3ca: {  	v54 =	vld [tilespmem:$0x1FFC0]  }
0x3cb: {  	s12 =	sor.u32 s0, s12;
	v39 =	vmul.f32 v35, v30;
	v27 =	vld [tilespmem:s9+$0x0]  }
0x3cc: {  	v40 =	vmul.f32 v49, v55;
	v30 =	vld [tilespmem:s12+$0x0]  }
0x3cd: {  	v41 =	vmul.f32 v39, v35;
	v39 =	vld [tilespmem:$0x1FFE0]  }
0x3ce: {  	[tilespmem:v4+s26+$0x0] =	vst.idx.add.f32.msk $0xffff, v40  }
0x3cf: {  	s23 =	sor.u32 s0, s2;
	v42 =	vmul.f32 v49, v52;
	v52 =	vadd.s32 v50, v26;
	v55 =	vadd.s32 v54, v26;
	v54 =	vld [tilespmem:$0x1FE30]  }
0x3d0: {  	v31 =	vsub.f32 $1.500000000e+00, v41;
	v40 =	vld [tilespmem:s23+$0x0]  }
0x3d1: {  	s13 =	sor.u32 s0, s25;
	[tilespmem:v7+s26+$0x0] =	vst.idx.add.f32.msk $0xffff, v42  }
0x3d2: {  	v4 =	vmul.f32 v49, v60;
	v35 =	vmul.f32 v31, v35;
	v31 =	vld [tilespmem:s13+$0x0]  }
0x3d3: {  	v5 =	vmul.f32 v49, v61;
	v42 =	vld [tilespmem:$0x1FFF0]  }
0x3d4: {  	[tilespmem:v52+s26+$0x0] =	vst.idx.add.f32.msk $0xffff, v4  }
0x3d5: {  	v41 =	vadd.s32 v6, v26;
	[tilespmem:v55+s26+$0x0] =	vst.idx.add.f32.msk $0xffff, v5  }
0x3d6: {  	v59 =	vmul.f32 v49, v59;
	s21 =	sor.u32 s0, s6;
	v61 =	vlaneseq.u32;
	v7 =	vmul.f32 v35, v35;
	v5 =	vld [tilespmem:$0x1FDF0]  }
0x3d7: {  	v60 =	vmul.f32 v49, v51;
	v39 =	vadd.s32 v39, v26;
	v52 =	vadd.s32 v44, v38;
	v38 =	vld [tilespmem:s21+$0x0]  }
0x3d8: {  	v50 =	vmul.f32 $9.999999970e-07, v7;
	v7 =	vmul.f32 v59, v49;
	v49 =	vld [tilespmem:$0x1FE00];
	v26 =	vadd.s32 v42, v26  }
0x3d9: {  	v4 =	vor.u32 v61, v52;
	v61 =	vld [tilespmem:$0x1FE10]  }
0x3da: {  	v2 =	vmul.f32 v19, v19;
	[tilespmem:v41+s26+$0x0] =	vst.idx.add.f32.msk $0xffff, v60;
	v50 =	vsub.f32 v35, v50  }
0x3db: {  	v1 =	vmul.f32 v23, v23;
	v41 =	vimm.f32 $1.000000000e+00;
	v6 =	vadd.s32 v5, v52;
	v5 =	vld [tilespmem:$0x1FE20]  }
0x3dc: {  	v17 =	vmov v44;
	v3 =	vmul.f32 v18, v18;
	[tilespmem:v39+s26+$0x0] =	vst.idx.add.f32.msk $0xffff, v41;
	v44 =	vmul.f32 v50, v43  }
0x3dd: {  	[tilespmem:v26+s26+$0x0] =	vst.idx.add.f32.msk $0xffff, v7;
	v26 =	vmul.f32 v50, v45;
	v7 =	vmul.f32 v50, v53  }
0x3de: {  	v51 =	vadd.s32 v49, v52;
	v53 =	vmul.f32 v50, v56;
	v56 =	vmul.f32 v50, v57;
	v57 =	vld [tilespmem:$0x1FE40]  }
0x3df: {  	s18 =	rddreg [dreg:$0x1c];
	v0 =	vmul.f32 v22, v22;
	[tilespmem:v4+s26+$0x0] =	vst.idx.add.f32.msk $0xffff, v44;
	v4 =	vadd.s32 v61, v52  }
0x3e0: {  	s1 =	sor.u32 s0, s18;
	v55 =	vadd.s32 v54, v52;
	[tilespmem:v6+s26+$0x0] =	vst.idx.add.f32.msk $0xffff, v26;
	v6 =	vadd.s32 v5, v52  }
0x3e1: {  	s22 =	sor.u32 s0, s29;
	v54 =	vadd.f32 v2, v1;
	v1 =	vmul.f32 v27, v27;
	v35 =	vld [tilespmem:s1+$0x0];
	v26 =	vmul.f32 v50, v46  }
0x3e2: {  	v39 =	vld [tilespmem:s22+$0x0];
	v60 =	vmul.f32 v50, v58;
	v58 =	vmul.f32 v13, v13  }
0x3e3: {  	v61 =	vmul.f32 v20, v20;
	v59 =	vadd.s32 v57, v52;
	[tilespmem:v51+s26+$0x0] =	vst.idx.add.f32.msk $0xffff, v26  }
0x3e4: {  	v5 =	vmul.f32 v47, v47;
	v57 =	vmul.f32 v14, v14;
	[tilespmem:v4+s26+$0x0] =	vst.idx.add.f32.msk $0xffff, v7  }
0x3e5: {  	v4 =	vmul.f32 v24, v24;
	[tilespmem:v6+s26+$0x0] =	vst.idx.add.f32.msk $0xffff, v53;
	v6 =	vmul.f32 v16, v16  }
0x3e6: {  	v7 =	vmul.f32 v15, v15;
	v53 =	vadd.f32 v0, v61;
	[tilespmem:v55+s26+$0x0] =	vst.idx.add.f32.msk $0xffff, v56  }
0x3e7: {  	v42 =	vadd.f32 v4, v3;
	v61 =	vmul.f32 v11, v11;
	v43 =	vadd.f32 v6, v5;
	v6 =	vld [tilespmem:$0x1FE50]  }
0x3e8: {  	s24 =	sor.u32 s0, s3;
	v0 =	vmul.f32 v37, v37;
	[tilespmem:v59+s26+$0x0] =	vst.idx.add.f32.msk $0xffff, v60;
	v59 =	vmul.f32 v12, v12  }
0x3e9: {  	s29 =	sor.u32 s0, s5;
	v41 =	vld [tilespmem:s24+$0x0];
	v4 =	vmul.f32 v31, v31;
	v55 =	vadd.f32 v57, v7;
	v60 =	vmul.f32 v10, v10  }
0x3ea: {  	v49 =	vld [tilespmem:s29+$0x0];
	v57 =	vmul.f32 v50, v62;
	v62 =	vmul.f32 v29, v29;
	v51 =	vadd.f32 v59, v58  }
0x3eb: {  	s25 =	sor.u32 s0, s30;
	v7 =	vld [tilespmem:$0x1FE60];
	v5 =	vmul.f32 v32, v32;
	v44 =	vadd.f32 v61, v60;
	v58 =	vadd.f32 v1, v0  }
0x3ec: {  	s30 =	sor.u32 s0, s4;
	v45 =	vld [tilespmem:s25+$0x0];
	v60 =	vmul.f32 v50, v63;
	v61 =	vmul.f32 v34, v34;
	v63 =	vadd.s32 v6, v52  }
0x3ed: {  	s20 =	sor.u32 s0, s31;
	v46 =	vld [tilespmem:s30+$0x0];
	v59 =	vadd.f32 v5, v4;
	v1 =	vmul.f32 v35, v35;
	v0 =	vmul.f32 v36, v36  }
0x3ee: {  	v26 =	vld [tilespmem:s20+$0x0];
	v4 =	vmul.f32 v40, v40;
	v61 =	vadd.f32 v62, v61;
	v62 =	vmul.f32 v39, v39  }
0x3ef: {  	v9 =	vadd.f32 v0, v1;
	v0 =	vld [tilespmem:$0x1FE70]  }
0x3f0: {  	v7 =	vadd.s32 v7, v52;
	v4 =	vadd.f32 v4, v62;
	v62 =	vld [tilespmem:$0x1F8F0]  }
0x3f1: {  	[tilespmem:v63+s26+$0x0] =	vst.idx.add.f32.msk $0xffff, v57  }
0x3f2: {  	v63 =	vadd.f32 v51, v55;
	v51 =	vadd.f32 v58, v44;
	v44 =	vld [tilespmem:$0x1FEE0]  }
0x3f3: {  	v2 =	vmul.f32 v28, v28;
	v55 =	vld [tilespmem:$0x1FE80]  }
0x3f4: {  	v1 =	vmul.f32 v49, v49;
	v8 =	vadd.s32 v0, v52;
	v0 =	vmul.f32 v46, v46;
	v58 =	vld [tilespmem:$0x1FE90]  }
0x3f5: {  	v5 =	vmul.f32 v38, v38;
	v6 =	vmul.f32 v26, v26;
	[tilespmem:v7+s26+$0x0] =	vst.idx.add.f32.msk $0xffff, v60  }
0x3f6: {  	v3 =	vmul.f32 v30, v30;
	v0 =	vadd.f32 v0, v1;
	v1 =	vadd.f32 v54, v53;
	v54 =	vld [tilespmem:$0x1FDF0]  }
0x3f7: {  	v5 =	vadd.f32 v5, v6;
	v6 =	vmul.f32 v50, v62;
	v62 =	vld [tilespmem:$0x1F910]  }
0x3f8: {  	v56 =	vadd.f32 v3, v2;
	v60 =	vadd.f32 v43, v42;
	v42 =	vld [tilespmem:$0x1FEC0]  }
0x3f9: {  	v53 =	vld [tilespmem:$0x1FED0]  }
0x3fa: {  	v57 =	vadd.f32 v59, v56;
	v59 =	vadd.f32 v51, v63;
	v63 =	vld [tilespmem:$0x1FEB0]  }
0x3fb: {  	v51 =	vld [tilespmem:$0x1F930]  }
0x3fc: {  	v1 =	vadd.f32 v60, v1;
	v60 =	vld [tilespmem:$0x1F900]  }
0x3fd: {  	[tilespmem:v8+s26+$0x0] =	vst.idx.add.f32.msk $0xffff, v6  }
0x3fe: {  	v8 =	vadd.f32 v9, v61;
	v61 =	vld [tilespmem:$0x1FEA0]  }
0x3ff: {  	v3 =	vmul.f32 v41, v41;
	v2 =	vmul.f32 v45, v45;
	v43 =	vadd.s32 v55, v52;
	v55 =	vld [tilespmem:$0x1F940]  }
0x400: {  	v1 =	vadd.f32 v59, v1;
	v59 =	vld [tilespmem:$0x1F950]  }
0x401: {  	v2 =	vadd.f32 v2, v3;
	v6 =	vadd.f32 v8, v57;
	v57 =	vld [tilespmem:$0x1FEF0]  }
0x402: {  	v4 =	vadd.f32 v4, v5;
	v8 =	vld [tilespmem:$0x1FF10]  }
0x403: {  	v0 =	vadd.f32 v0, v2;
	v7 =	vadd.s32 v63, v52;
	v63 =	vld [tilespmem:$0x1FF20];
	v5 =	vmul.f32 v50, v60  }
0x404: {  	v60 =	vld [tilespmem:$0x1FF00]  }
0x405: {  	v2 =	vadd.s32 v58, v52;
	v0 =	vadd.f32 v0, v4;
	[tilespmem:v43+s26+$0x0] =	vst.idx.add.f32.msk $0xffff, v5  }
0x406: {  	v43 =	vld [tilespmem:$0x1F920]  }
0x407: {  	v0 =	vadd.f32 v0, v6;
	v6 =	vadd.s32 v53, v52;
	v53 =	vld [tilespmem:$0x1F9A0]  }
0x408: {  	v4 =	vadd.s32 v61, v52;
	v61 =	vld [tilespmem:$0x1F960];
	v5 =	vmul.f32 v50, v62  }
0x409: {  	v62 =	vld [tilespmem:$0x1F970]  }
0x40a: {  	[tilespmem:v2+s26+$0x0] =	vst.idx.add.f32.msk $0xffff, v5;
	v5 =	vmul.f32 v50, v51  }
0x40b: {  	v51 =	vadd.f32 v0, v1;
	v0 =	vmul.f32 v50, v55;
	v55 =	vld [tilespmem:$0x1FF30];
	v2 =	vmul.f32 v50, v43  }
0x40c: {  	v43 =	vld [tilespmem:$0x1F990]  }
0x40d: {  	v3 =	vadd.s32 v42, v52;
	[tilespmem:v4+s26+$0x0] =	vst.idx.add.f32.msk $0xffff, v2  }
0x40e: {  	v58 =	vshra.s32 v51, $0x1;
	v2 =	vadd.s32 v57, v52;
	v57 =	vld [tilespmem:$0x1FF40]  }
0x40f: {  	v4 =	vsub.s32 $0x5F3759DF, v58;
	v58 =	vld [tilespmem:$0x1FF50]  }
0x410: {  	[tilespmem:v7+s26+$0x0] =	vst.idx.add.f32.msk $0xffff, v5  }
0x411: {  	v7 =	vmul.f32 v50, v61;
	v61 =	vld [tilespmem:$0x1FF70]  }
0x412: {  	[tilespmem:v3+s26+$0x0] =	vst.idx.add.f32.msk $0xffff, v0  }
0x413: {  	v56 =	vadd.s32 v44, v52;
	v0 =	vmul.f32 v50, v59;
	v59 =	vld [tilespmem:$0x1F9B0]  }
0x414: {  	v3 =	vadd.s32 v60, v52;
	v60 =	vld [tilespmem:$0x1FF60]  }
0x415: {  	[tilespmem:v6+s26+$0x0] =	vst.idx.add.f32.msk $0xffff, v0  }
0x416: {  	v5 =	vmul.f32 $5.000000000e-01, v51;
	v0 =	vmul.f32 v50, v62;
	v62 =	vld [tilespmem:$0x1F9D0]  }
0x417: {  	v6 =	vadd.s32 v63, v52;
	v63 =	vld [tilespmem:$0x1FF80]  }
0x418: {  	v9 =	vmul.f32 v4, v5;
	[tilespmem:v56+s26+$0x0] =	vst.idx.add.f32.msk $0xffff, v7  }
0x419: {  	v7 =	vld [tilespmem:$0x1F980]  }
0x41a: {  	v42 =	vmul.f32 v4, v9;
	v9 =	vld [tilespmem:$0x1F9C0]  }
0x41b: {  	[tilespmem:v2+s26+$0x0] =	vst.idx.add.f32.msk $0xffff, v0  }
0x41c: {  	v0 =	vmul.f32 v50, v43;
	v43 =	vld [tilespmem:$0x1F9E0]  }
0x41d: {  	v8 =	vadd.s32 v8, v52;
	v2 =	vadd.s32 v55, v52;
	v55 =	vld [tilespmem:$0x1FF90]  }
0x41e: {  	s0 =	sor.u32 s0, s28;
	v56 =	vsub.f32 $1.500000000e+00, v42;
	v42 =	vadd.s32 v61, v52;
	v61 =	vld [tilespmem:$0x1FFC0];
	v1 =	vmul.f32 v50, v7  }
0x41f: {  	v7 =	vld [tilespmem:s0+$0xC080]  }
0x420: {  	[tilespmem:v3+s26+$0x0] =	vst.idx.add.f32.msk $0xffff, v1  }
0x421: {  	v1 =	vmul.f32 v50, v53;
	v53 =	vld [tilespmem:$0x1F9F0]  }
0x422: {  	v3 =	vmul.f32 v4, v56;
	v56 =	vld [tilespmem:$0x1FA00]  }
0x423: {  	[tilespmem:v8+s26+$0x0] =	vst.idx.add.f32.msk $0xffff, v0  }
0x424: {  	v8 =	vld [tilespmem:s0+$0xC680]  }
0x425: {  	v0 =	vadd.s32 v57, v52;
	v57 =	vld [tilespmem:$0x1FFA0]  }
0x426: {  	v4 =	vmul.f32 v50, v59;
	[tilespmem:v6+s26+$0x0] =	vst.idx.add.f32.msk $0xffff, v1  }
0x427: {  	v1 =	vadd.s32 v58, v52;
	v58 =	vld [tilespmem:$0x1FA10]  }
0x428: {  	v9 =	vmul.f32 v50, v9;
	[tilespmem:v2+s26+$0x0] =	vst.idx.add.f32.msk $0xffff, v4  }
0x429: {  	v2 =	vmul.f32 v50, v62;
	v62 =	vld [tilespmem:$0x1FFD0]  }
0x42a: {  	v6 =	vadd.s32 v60, v52;
	[tilespmem:v0+s26+$0x0] =	vst.idx.add.f32.msk $0xffff, v9  }
0x42b: {  	v5 =	vmul.f32 v3, v5;
	v9 =	vld [tilespmem:$0x1FFB0]  }
0x42c: {  	v0 =	vmul.f32 v50, v43;
	v43 =	vld [tilespmem:$0x1FFE0]  }
0x42d: {  	v5 =	vmul.f32 v5, v3;
	vm15 =	veq.s32 v8, $0x0;
	v8 =	vld [tilespmem:$0x1FA20]  }
0x42e: {  	[tilespmem:v1+s26+$0x0] =	vst.idx.add.f32.msk $0xffff, v2  }
0x42f: {  	v5 =	vsub.f32 $1.500000000e+00, v5;
	[tilespmem:v6+s26+$0x0] =	vst.idx.add.f32.msk $0xffff, v0  }
0x430: {  	v4 =	vadd.s32 v63, v52;
	v1 =	vmul.f32 v50, v53;
	v0 =	vmul.f32 v50, v56;
	v56 =	vld [tilespmem:$0x1FE00]  }
0x431: {  	v2 =	vadd.s32 v55, v52;
	v3 =	vmul.f32 v5, v3;
	v5 =	vadd.s32 v61, v52;
	v61 =	vld [tilespmem:$0x1FE70]  }
0x432: {  	v60 =	vmul.f32 v50, v21;
	v6 =	vadd.s32 v57, v52;
	v21 =	vadd.s32 v62, v52;
	v62 =	vld [tilespmem:$0x1FE20]  }
0x433: {  	[tilespmem:v42+s26+$0x0] =	vst.idx.add.f32.msk $0xffff, v1  }
0x434: {  	v1 =	vmul.f32 v50, v58;
	v42 =	vmul.f32 v50, v48;
	v48 =	vld [tilespmem:$0x1FFF0]  }
0x435: {  	v59 =	vmul.f32 v50, v25;
	[tilespmem:v4+s26+$0x0] =	vst.idx.add.f32.msk $0xffff, v0  }
0x436: {  	[tilespmem:v2+s26+$0x0] =	vst.idx.add.f32.msk $0xffff, v1  }
0x437: {  	v7 =	vshll.u32 v7, $0x4;
	v63 =	vmul.f32 v3, v3;
	[tilespmem:v6+s26+$0x0] =	vst.idx.add.f32.msk $0xffff, v59  }
0x438: {  	v9 =	vadd.s32 v9, v52;
	v2 =	vnsel vm15, $0x0, v7;
	v59 =	vld [tilespmem:$0x1FE10]  }
0x439: {  	v1 =	vmul.f32 $9.999999970e-07, v63;
	v2 =	vadd.s32 v17, v2;
	v17 =	vld [tilespmem:$0x1FE10]  }
0x43a: {  	v6 =	vadd.s32 v43, v52;
	v4 =	vadd.s32 v48, v52;
	v52 =	vmul.f32 v50, v33;
	v33 =	vld [tilespmem:$0x1FEB0]  }
0x43b: {  	v53 =	vadd.s32 v54, v2;
	v54 =	vld [tilespmem:$0x1FE60]  }
0x43c: {  	v0 =	vsub.f32 v3, v1;
	v48 =	vld [tilespmem:$0x1FE40]  }
0x43d: {  	[tilespmem:v9+s26+$0x0] =	vst.idx.add.f32.msk $0xffff, v60  }
0x43e: {  	v58 =	vmul.f32 v0, v20;
	v20 =	vld [tilespmem:$0x1FF60]  }
0x43f: {  	v8 =	vmul.f32 v50, v8;
	v43 =	vmul.f32 v0, v19;
	v19 =	vld [tilespmem:$0x1FE30]  }
0x440: {  	v55 =	vmul.f32 v52, v50;
	v50 =	vmul.f32 v0, v18;
	v18 =	vld [tilespmem:$0x1FE20]  }
0x441: {  	v52 =	vld [tilespmem:$0x1FE50]  }
0x442: {  	v63 =	vmul.f32 v0, v23;
	v23 =	vmul.f32 v0, v10;
	v10 =	vld [tilespmem:$0x1FF20]  }
0x443: {  	[tilespmem:v5+s26+$0x0] =	vst.idx.add.f32.msk $0xffff, v42  }
0x444: {  	v42 =	vld [tilespmem:$0x1FE80]  }
0x445: {  	[tilespmem:v21+s26+$0x0] =	vst.idx.add.f32.msk $0xffff, v8  }
0x446: {  	v8 =	vld [tilespmem:$0x1FE30]  }
0x447: {  	v25 =	vlaneseq.u32;
	v57 =	vimm.f32 $1.000000000e+00;
	v21 =	vmul.f32 v0, v12;
	v12 =	vld [tilespmem:$0x1FEC0]  }
0x448: {  	v9 =	vor.u32 v25, v2;
	[tilespmem:v6+s26+$0x0] =	vst.idx.add.f32.msk $0xffff, v57  }
0x449: {  	v57 =	vmul.f32 v0, v16;
	v16 =	vld [tilespmem:$0x1FE00]  }
0x44a: {  	[tilespmem:v4+s26+$0x0] =	vst.idx.add.f32.msk $0xffff, v55  }
0x44b: {  	v4 =	vadd.s32 v62, v2;
	v62 =	vmul.f32 v0, v13;
	v13 =	vld [tilespmem:$0x1FE50]  }
0x44c: {  	v55 =	vmul.f32 v0, v47;
	v47 =	vmul.f32 v0, v27;
	v27 =	vld [tilespmem:$0x1FF00]  }
0x44d: {  	[tilespmem:v9+s26+$0x0] =	vst.idx.add.f32.msk $0xffff, v58  }
0x44e: {  	v9 =	vld [tilespmem:$0x1FEF0]  }
0x44f: {  	v60 =	vmul.f32 v0, v22;
	v5 =	vadd.s32 v56, v2;
	v58 =	vmul.f32 v0, v15;
	v15 =	vld [tilespmem:$0x1FE90]  }
0x450: {  	v6 =	vadd.s32 v52, v2;
	v52 =	vld [tilespmem:$0x1FF10]  }
0x451: {  	v7 =	vadd.s32 v59, v2;
	[tilespmem:v53+s26+$0x0] =	vst.idx.add.f32.msk $0xffff, v60  }
0x452: {  	v53 =	vmul.f32 v0, v24;
	v24 =	vld [tilespmem:$0x1FEA0]  }
0x453: {  	v60 =	vmul.f32 v0, v14;
	v14 =	vld [tilespmem:$0x1FED0]  }
0x454: {  	v8 =	vadd.s32 v8, v2;
	[tilespmem:v5+s26+$0x0] =	vst.idx.add.f32.msk $0xffff, v63  }
0x455: {  	v63 =	vadd.s32 v33, v2;
	v33 =	vmul.f32 v0, v11;
	v11 =	vld [tilespmem:$0x1FE40]  }
0x456: {  	v3 =	vadd.s32 v48, v2;
	[tilespmem:v7+s26+$0x0] =	vst.idx.add.f32.msk $0xffff, v43  }
0x457: {  	v43 =	vmul.f32 v0, v37;
	v37 =	vld [tilespmem:$0x1FFC0]  }
0x458: {  	[tilespmem:v4+s26+$0x0] =	vst.idx.add.f32.msk $0xffff, v50  }
0x459: {  	[tilespmem:v8+s26+$0x0] =	vst.idx.add.f32.msk $0xffff, v53  }
0x45a: {  	v54 =	vadd.s32 v54, v2;
	v53 =	vadd.s32 v52, v2;
	v52 =	vld [tilespmem:$0x1FFE0]  }
0x45b: {  	v56 =	vadd.s32 v61, v2;
	[tilespmem:v3+s26+$0x0] =	vst.idx.add.f32.msk $0xffff, v55  }
0x45c: {  	v55 =	vld [tilespmem:$0x1FF30]  }
0x45d: {  	[tilespmem:v6+s26+$0x0] =	vst.idx.add.f32.msk $0xffff, v57  }
0x45e: {  	v8 =	vadd.s32 v42, v2;
	v57 =	vld [tilespmem:$0x1FF40]  }
0x45f: {  	v59 =	vadd.s32 v15, v2;
	[tilespmem:v54+s26+$0x0] =	vst.idx.add.f32.msk $0xffff, v58  }
0x460: {  	v61 =	vadd.s32 v24, v2;
	[tilespmem:v56+s26+$0x0] =	vst.idx.add.f32.msk $0xffff, v60  }
0x461: {  	v60 =	vld [tilespmem:$0x1FF50]  }
0x462: {  	v56 =	vmul.f32 v0, v31;
	v31 =	vld [tilespmem:$0x1FFA0]  }
0x463: {  	[tilespmem:v8+s26+$0x0] =	vst.idx.add.f32.msk $0xffff, v62  }
0x464: {  	[tilespmem:v59+s26+$0x0] =	vst.idx.add.f32.msk $0xffff, v21  }
0x465: {  	v22 =	vadd.s32 v12, v2;
	[tilespmem:v61+s26+$0x0] =	vst.idx.add.f32.msk $0xffff, v23  }
0x466: {  	v8 =	vadd.s32 v14, v2;
	v23 =	vld [tilespmem:$0x1FF70]  }
0x467: {  	[tilespmem:v63+s26+$0x0] =	vst.idx.add.f32.msk $0xffff, v33  }
0x468: {  	v42 =	vadd.s32 v44, v2;
	v63 =	vld [tilespmem:$0x1FF80]  }
0x469: {  	v33 =	vld [tilespmem:$0x1FFB0]  }
0x46a: {  	v44 =	vadd.s32 v9, v2;
	[tilespmem:v22+s26+$0x0] =	vst.idx.add.f32.msk $0xffff, v43  }
0x46b: {  	v48 =	vadd.s32 v27, v2;
	v50 =	vmul.f32 v0, v28;
	[tilespmem:v8+s26+$0x0] =	vst.idx.add.f32.msk $0xffff, v47  }
0x46c: {  	v47 =	vld [tilespmem:$0x1FFD0]  }
0x46d: {  	v54 =	vmul.f32 v0, v30;
	[tilespmem:v42+s26+$0x0] =	vst.idx.add.f32.msk $0xffff, v50  }
0x46e: {  	v8 =	vadd.s32 v10, v2;
	v42 =	vmul.f32 v0, v26;
	v26 =	vld [tilespmem:$0x1FF90]  }
0x46f: {  	v58 =	vadd.s32 v55, v2;
	v59 =	vmul.f32 v0, v32;
	[tilespmem:v44+s26+$0x0] =	vst.idx.add.f32.msk $0xffff, v54  }
0x470: {  	v61 =	vadd.s32 v57, v2;
	[tilespmem:v48+s26+$0x0] =	vst.idx.add.f32.msk $0xffff, v56  }
0x471: {  	v62 =	vmul.f32 v0, v34;
	v21 =	vadd.s32 v60, v2;
	[tilespmem:v53+s26+$0x0] =	vst.idx.add.f32.msk $0xffff, v59  }
0x472: {  	v28 =	vadd.s32 v20, v2;
	v22 =	vmul.f32 v0, v29;
	v59 =	vld [tilespmem:$0x1FFF0]  }
0x473: {  	v30 =	vmul.f32 v0, v35;
	[tilespmem:v8+s26+$0x0] =	vst.idx.add.f32.msk $0xffff, v62;
	v8 =	vadd.s32 v23, v2  }
0x474: {  	v32 =	vmul.f32 v0, v36;
	v34 =	vadd.s32 v63, v2;
	[tilespmem:v58+s26+$0x0] =	vst.idx.add.f32.msk $0xffff, v22  }
0x475: {  	v43 =	vadd.s32 v26, v2;
	[tilespmem:v61+s26+$0x0] =	vst.idx.add.f32.msk $0xffff, v30  }
0x476: {  	v44 =	vmul.f32 v0, v38;
	v48 =	vadd.s32 v31, v2;
	[tilespmem:v21+s26+$0x0] =	vst.idx.add.f32.msk $0xffff, v32  }
0x477: {  	v50 =	vmul.f32 v0, v39;
	v53 =	vadd.s32 v33, v2;
	[tilespmem:v28+s26+$0x0] =	vst.idx.add.f32.msk $0xffff, v42  }
0x478: {  	v54 =	vmul.f32 v0, v40;
	[tilespmem:v8+s26+$0x0] =	vst.idx.add.f32.msk $0xffff, v44;
	v8 =	vadd.s32 v37, v2  }
0x479: {  	v55 =	vmul.f32 v0, v41;
	v56 =	vadd.s32 v47, v2;
	[tilespmem:v34+s26+$0x0] =	vst.idx.add.f32.msk $0xffff, v50  }
0x47a: {  	s0 =	rddreg [dreg:$0x1b];
	v57 =	vmul.f32 v0, v45;
	v58 =	vadd.s32 v52, v2;
	[tilespmem:v43+s26+$0x0] =	vst.idx.add.f32.msk $0xffff, v54  }
0x47b: {  	p0 =	slt.u32 s0, $0x2C;
	v60 =	vmul.f32 v0, v49;
	v2 =	vadd.s32 v59, v2;
	[tilespmem:v48+s26+$0x0] =	vst.idx.add.f32.msk $0xffff, v55  }
.Ltmp2:
0x47c: {  	v62 =	vmul.f32 v0, v46;
	v61 =	vmul.f32 v0, v51;
	[tilespmem:v53+s26+$0x0] =	vst.idx.add.f32.msk $0xffff, v57;
	(pc) =	sbr.rel @p0 .LBB2_7-.Ltmp2, $4  }
0x47d: {  	[tilespmem:v8+s26+$0x0] =	vst.idx.add.f32.msk $0xffff, v60  }
0x47e: {  	v63 =	vimm.f32 $1.000000000e+00;
	v0 =	vmul.f32 v61, v0;
	[tilespmem:v56+s26+$0x0] =	vst.idx.add.f32.msk $0xffff, v62  }
0x47f: {  	s31 =	rddreg [dreg:$0x18];
	[tilespmem:v58+s26+$0x0] =	vst.idx.add.f32.msk $0xffff, v63  }
0x480: {  	s1 =	sadd.s32 $0x40, s31;
	[tilespmem:v2+s26+$0x0] =	vst.idx.add.f32.msk $0xffff, v0  }
0x481: {  	s6 =	rddreg [dreg:$0x16]  }
0x482: {  	s6 =	sadd.s32 $0x1, s6  }
0x483: {  	p0 =	sne.s32 s6, $0x6  }
.Ltmp3:
0x484: {  	_ = 	snop;
	(pc) =	sbr.rel @p0 .LBB2_4-.Ltmp3, $1  }
0x485: {  	_ =	sdelay $0x3  }
0x486: {  	s0 =	rddreg [dreg:$0xa]  }
0x487: {  	s1 =	simm.s32 $0x80;
	s2 =	simm.s32 $0x400;
	s30 =	simm.s32 $0x7  }
0x488: {  	[hbm4b:s0+s1] =	stream.strided.scatter [tilespmem:s26], [sflag:$0x7], $0x9080, s2, s1, $0x38;
	[tilespmem:$0x15C80] =	vst v63  }
0x489: {  	_ =	swait.ge [sflag:s30], $0x9080  }
0x48a: {  	s5 =	rddreg [dreg:$0x2]  }
0x48b: {  	s31 =	rddreg [dreg:$0xb];
	s5 =	sadd.s32 $0x1, s5  }
0x48c: {  	p0 =	sne.s32 s5, s31  }
.Ltmp4:
0x48d: {  	_ = 	snop;
	(pc) =	sbr.rel @p0 .LBB2_1-.Ltmp4, $3  }
0x48e: {  	_ =	sdelay $0x1  }
0x48f: {  	[sflag:s30] =	ssyncset.done $0x0  }
0x490: {  	v0 =	vimm.f32 $0.0e+00;
	[sflag:s30] =	ssyncadd.s32 $0xFFFF6F80  }
0x491: {  	_ =	sfence.sel $0x180000  }
0x492: {  	[bflag:$0x0] =	sbarrier.arrive $0xFFFF  }
0x493: {  	_ =	strace $0x90000047  }
0x494: {  	s0 =	stileid.u32;
	[bflag:$0x2] =	sbarrier.arrive $0xFFFF  }
0x495: {  	p0 =	sne.s32 s0, $0x0;
	s0 =	rddreg [dreg:$0x1]  }
0x496: {  	s0 =	sadd.s32 @!p0 $0x100000, s0  }
0x497: {  	[sflag:s0] =	ssyncadd.tile.s32 @!p0 $0x1;
	_ =	shalt  }
.Lfunc_end2:
_tile_overlayer_lowered:
.L_overlay_start_2:
0x498: {  	(tag) =	ssettag $0x2  }
0x499: {  	s0 =	rddreg [dreg:$0x0];
	s2 =	stileid.u32  }
0x49a: {  	s1 =	rddreg [dreg:$0x1];
	p0 =	sne.s32 s2, $0x0  }
0x49b: {  	s3 =	rddreg [dreg:$0x2];
	[bflag:$0x3] =	sbarrier.arrive $0xFFFF;
	s2 =	simm.s32 @!p0 $0x1C07  }
0x49c: {  	[timem:s3], [sflag:s2] =	dma.local @!p0 [hbm:s0], s1  }
0x49d: {  	s0 =	simm.s32 @!p0 $0x7  }
0x49e: {  	_ =	swait.ge @!p0 [sflag:s0], s1  }
0x49f: {  	s1 =	ssub.s32 @!p0 $0x0, s1;
	[sflag:s0] =	ssyncset.done @!p0 $0x0  }
0x4a0: {  	[sflag:s0] =	ssyncadd.s32 @!p0 s1  }
0x4a1: {  	[bflag:$0x3] =	sbarrier.arrive $0xFFFF  }
0x4a2: {  	_ =	shalt  }

</sc_bundles>
